<compile_context>
chip_gen: v7x
topology: tpu7x:2x2x1
jax: 0.10.2.dev20260603
libtpu: 0.0.44.dev20260713+nightly
codegen_flags: <defaults>
</compile_context>

<pallas_src>
import dataclasses
import functools

import jax
import jax.numpy as jnp
from jax import lax
from jax.experimental import pallas as pl
from jax.experimental.pallas import tpu as pltpu
from jax.experimental.pallas import tpu_sc as plsc

_N = 10000
_E = 320000
_F = 128
_HID = 128
_HH = _HID // 2
_NC = 2
_NS = 16
_NW = _NC * _NS
_EW = _E // _NW
_CH = 80
_NQ = _EW // _CH
_EP = _E // _NS
_NQP = _EP // _CH
_NP = 2
_NH = 2560
_NPAD = _NP * _NC * _NH
_TRASH = _NH
_AROWS = _NH + 8
_RPT = _NH // _NS
_RC = 16
_NRC = _RPT // _RC

_sc_mesh = plsc.VectorSubcoreMesh(
    core_axis_name="c", subcore_axis_name="s", num_cores=_NC, num_subcores=_NS)

_f32 = jnp.float32
_i32 = jnp.int32

_sc_params = pltpu.CompilerParams()
if "needs_layout_passes" in pltpu.CompilerParams.__dataclass_fields__:
    _sc_params = dataclasses.replace(_sc_params, needs_layout_passes=False)


def _tc1_body(x_ref, wg_ref, att2_ref, we_ref, ae_ref, xw_ref, a2_ref, c_ref):
    xw = jnp.dot(x_ref[...], wg_ref[...], preferred_element_type=_f32)
    xw_ref[...] = xw
    a2_ref[...] = jnp.dot(xw, att2_ref[...], preferred_element_type=_f32)
    c_ref[...] = jnp.full((1, 128), jnp.sum(we_ref[...] * ae_ref[...]), _f32)


def _tc1(x, W_gat, att2, we, ae):
    blk = 2000
    return pl.pallas_call(
        _tc1_body,
        grid=(_N // blk,),
        in_specs=[
            pl.BlockSpec((blk, _F), lambda i: (i, 0)),
            pl.BlockSpec((_F, _HID), lambda i: (0, 0)),
            pl.BlockSpec((_HID, 2), lambda i: (0, 0)),
            pl.BlockSpec((1, _HID), lambda i: (0, 0)),
            pl.BlockSpec((1, _HID), lambda i: (0, 0)),
        ],
        out_specs=[
            pl.BlockSpec((blk, _HID), lambda i: (i, 0)),
            pl.BlockSpec((blk, 2), lambda i: (i, 0)),
            pl.BlockSpec((1, 128), lambda i: (0, 0)),
        ],
        out_shape=[
            jax.ShapeDtypeStruct((_N, _HID), _f32),
            jax.ShapeDtypeStruct((_N, 2), _f32),
            jax.ShapeDtypeStruct((1, 128), _f32),
        ],
    )(x, W_gat, att2, we, ae)


@functools.partial(
    pl.kernel,
    out_type=(
        jax.ShapeDtypeStruct((_E,), _f32),
        jax.ShapeDtypeStruct((_NC * _N,), _f32),
    ),
    mesh=_sc_mesh,
    compiler_params=_sc_params,
    scratch_types=[
        pltpu.VMEM((_N,), _f32),
        pltpu.VMEM((_N,), _f32),
        pltpu.VMEM((_NQ, _CH), _i32),
        pltpu.VMEM((_NQ, _CH), _i32),
        pltpu.VMEM((_EW,), _f32),
        pltpu.VMEM((_EW,), _f32),
        pltpu.VMEM((16,), _f32),
        pltpu.VMEM((640,), _f32),
        pltpu.VMEM_SHARED((_N,), _f32),
    ],
)
def _sc2(src_hbm, dst_hbm, ew_hbm, asrc_hbm, adst_hbm, c_hbm,
         ex_hbm, dpart_hbm,
         asrc_l, adst_l, src_l, dst_l, ew_l, ex_l, c_l, zbuf, denom_sp):
    cid = lax.axis_index("c")
    sid = lax.axis_index("s")
    wid = cid * _NS + sid
    base = wid * _EW

    pltpu.sync_copy(asrc_hbm, asrc_l)
    pltpu.sync_copy(adst_hbm, adst_l)
    pltpu.sync_copy(src_hbm.at[wid], src_l)
    pltpu.sync_copy(dst_hbm.at[wid], dst_l)
    pltpu.sync_copy(ew_hbm.at[pl.ds(base, _EW)], ew_l)
    pltpu.sync_copy(c_hbm, c_l)

    @pl.loop(0, 40)
    def _zero(i):
        zbuf[pl.ds(i * 16, 16)] = jnp.zeros((16,), _f32)

    pltpu.sync_copy(zbuf, denom_sp.at[pl.ds(sid * 624, 640)])
    plsc.subcore_barrier()

    cvec = c_l[...]

    @pl.loop(0, _NQ)
    def _chunk(q):
        @pl.loop(0, _CH // 16)
        def _grp(j):
            p = q * _CH + j * 16
            s16 = src_l[q, pl.ds(j * 16, 16)]
            d16 = dst_l[q, pl.ds(j * 16, 16)]
            al = (plsc.load_gather(asrc_l, [s16])
                  + plsc.load_gather(adst_l, [d16])
                  + ew_l[pl.ds(p, 16)] * cvec)
            al = jnp.maximum(al, 0.2 * al)
            ex_l[pl.ds(p, 16)] = jnp.exp(al)

        pltpu.sync_copy(ex_l.at[pl.ds(q * _CH, _CH)],
                        denom_sp.at[dst_l.at[q]], add=True)

    plsc.subcore_barrier()
    pltpu.sync_copy(ex_l, ex_hbm.at[pl.ds(base, _EW)])
    pltpu.sync_copy(denom_sp.at[pl.ds(sid * 624, 640)], zbuf)
    pltpu.sync_copy(zbuf, dpart_hbm.at[pl.ds(cid * _N + sid * 624, 640)])


def _tc3_body(dp_ref, rd_ref, dinv_ref, sg_ref):
    d = dp_ref[0:1, :] + dp_ref[1:2, :]
    rd = 1.0 / (d + 1e-16)
    rd_ref[...] = rd
    deg = d * rd
    dinv = jnp.where(deg > 0, lax.rsqrt(deg), 0.0)
    dinv_ref[...] = dinv
    sg_ref[...] = dinv * rd


def _tc3(dpart):
    return pl.pallas_call(
        _tc3_body,
        out_shape=[
            jax.ShapeDtypeStruct((1, _N), _f32),
            jax.ShapeDtypeStruct((1, _N), _f32),
            jax.ShapeDtypeStruct((1, _N), _f32),
        ],
    )(dpart)


def _make_rowpass(with_scalars):
    out_type = [jax.ShapeDtypeStruct((_NPAD, _HID), _f32)]
    scratch = [
        pltpu.VMEM((_NQP, _CH), _i32),
        pltpu.VMEM((_NQP, _CH), _i32),
        pltpu.VMEM((1, _CH), _i32),
        pltpu.VMEM((1, _CH), _i32),
        pltpu.VMEM((_CH,), _f32),
        pltpu.VMEM((_CH,), _f32),
        pltpu.VMEM((_NPAD,), _f32),
        pltpu.VMEM((_CH, _HID), _f32),
        pltpu.VMEM((_CH, _HID), _f32),
        pltpu.VMEM((_RC, _HID), _f32),
        pltpu.VMEM_SHARED((_AROWS, _HID), _f32),
        pltpu.SemaphoreType.DMA,
        pltpu.SemaphoreType.DMA,
        pltpu.SemaphoreType.DMA,
        pltpu.SemaphoreType.DMA,
    ]
    if with_scalars:
        out_type += [
            jax.ShapeDtypeStruct((_E,), _f32),
            jax.ShapeDtypeStruct((_E,), _f32),
        ]
        scratch += [
            pltpu.VMEM((_N,), _f32),
            pltpu.VMEM((400,), _f32),
            pltpu.VMEM((400,), _f32),
            pltpu.VMEM((400,), _f32),
        ]

    def body(*refs):
        if with_scalars:
            (src_hbm, dst_hbm, es_hbm, mat_hbm, rscale_hbm, dinv_hbm,
             part_hbm, attn_hbm, w_hbm,
             src_l, dst_l, dstp_a, dstp_b, es_a, es_b, rs_l, rows_a, rows_b,
             obuf, acc_sp, sem0, sem1, ssem0, ssem1,
             dinv_l, exb_s, attn_s, w_s) = refs
        else:
            (src_hbm, dst_hbm, es_hbm, mat_hbm, rscale_hbm,
             part_hbm,
             src_l, dst_l, dstp_a, dstp_b, es_a, es_b, rs_l, rows_a, rows_b,
             obuf, acc_sp, sem0, sem1, ssem0, ssem1) = refs
        slots = ((rows_a, es_a, dstp_a, sem0, ssem0),
                 (rows_b, es_b, dstp_b, sem1, ssem1))

        def _chunk_copies(q, b):
            rows, es, _, sem, _ = slots[b]
            return (
                pltpu.make_async_copy(mat_hbm.at[src_l.at[q]], rows, sem),
                pltpu.make_async_copy(
                    es_hbm.at[pl.ds(ebase + q * _CH, _CH)], es, sem),
            )

        def _scatter_wait(b):
            rows, _, dstp, _, ssem = slots[b]
            pltpu.make_async_copy(rows, acc_sp.at[dstp.at[0]], ssem).wait()
        cid = lax.axis_index("c")
        sid = lax.axis_index("s")
        ebase = sid * _EP

        pltpu.sync_copy(src_hbm.at[sid], src_l)
        pltpu.sync_copy(dst_hbm.at[sid], dst_l)
        pltpu.sync_copy(rscale_hbm, rs_l)
        if with_scalars:
            pltpu.sync_copy(dinv_hbm, dinv_l)

        if with_scalars:
            @pl.loop(0, _NQP // 5)
            def _esc(t):
                pltpu.sync_copy(es_hbm.at[pl.ds(ebase + t * 400, 400)], exb_s)

                @pl.loop(0, 5)
                def _c(c):
                    q = t * 5 + c

                    @pl.loop(0, _CH // 16)
                    def _g(j):
                        d16 = dst_l[q, pl.ds(j * 16, 16)]
                        s16 = src_l[q, pl.ds(j * 16, 16)]
                        o = c * _CH + j * 16
                        ex16 = exb_s[pl.ds(o, 16)]
                        attn_s[pl.ds(o, 16)] = (
                            ex16 * plsc.load_gather(rs_l, [d16]))
                        w_s[pl.ds(o, 16)] = (
                            ex16 * plsc.load_gather(dinv_l, [s16]))

                @pl.when(cid == 0)
                def _wout():
                    pltpu.sync_copy(
                        attn_s, attn_hbm.at[pl.ds(ebase + t * 400, 400)])
                    pltpu.sync_copy(
                        w_s, w_hbm.at[pl.ds(ebase + t * 400, 400)])

        rbase0 = sid * _RPT

        for p in range(_NP):
            k = p * _NC + cid
            gbase = k * _NH

            @pl.loop(0, _RC)
            def _zr(i):
                @pl.loop(0, _HID // 16)
                def _zc(j):
                    obuf[i, pl.ds(j * 16, 16)] = jnp.zeros((16,), _f32)

            @pl.loop(0, _NRC)
            def _zero(i):
                pltpu.sync_copy(obuf, acc_sp.at[pl.ds(rbase0 + i * _RC, _RC)])

            @pl.when(sid == 0)
            def _zt():
                pltpu.sync_copy(obuf.at[pl.ds(0, 8)],
                                acc_sp.at[pl.ds(_TRASH, 8)])

            for d in _chunk_copies(0, 0):
                d.start()

            plsc.subcore_barrier()

            @pl.loop(0, _NQP // 2)
            def _g2(g):
                for b in range(2):
                    q = g * 2 + b
                    rows, es, dstp, _, ssem = slots[b]

                    @pl.when(q + 1 < _NQP)
                    def _nxt():
                        @pl.when(q >= 1)
                        def _drain():
                            _scatter_wait(1 - b)

                        for d in _chunk_copies(q + 1, 1 - b):
                            d.start()

                    for d in _chunk_copies(q, b):
                        d.wait()

                    @pl.loop(0, _CH // 16)
                    def _g(j):
                        dd = dst_l[q, pl.ds(j * 16, 16)] - gbase
                        ok = (dd >= 0) & (dd < _NH)
                        dstp[0, pl.ds(j * 16, 16)] = jnp.where(ok, dd, _TRASH)

                    @pl.loop(0, _CH)
                    def _scale(e):
                        sp = plsc.load_gather(es, [jnp.full((16,), e, _i32)])
                        for j in range(_HID // 16):
                            rows[e, pl.ds(j * 16, 16)] = (
                                rows[e, pl.ds(j * 16, 16)] * sp)

                    pltpu.async_copy(rows, acc_sp.at[dstp.at[0]], ssem,
                                     add=True)

            _scatter_wait(0)
            _scatter_wait(1)

            plsc.subcore_barrier()

            @pl.loop(0, _NRC)
            def _out(i):
                rbase = rbase0 + i * _RC
                pltpu.sync_copy(acc_sp.at[pl.ds(rbase, _RC)], obuf)

                @pl.loop(0, _RC)
                def _rs(r):
                    sp = plsc.load_gather(
                        rs_l, [jnp.full((16,), gbase + rbase + r, _i32)])
                    for j in range(_HID // 16):
                        obuf[r, pl.ds(j * 16, 16)] = (
                            obuf[r, pl.ds(j * 16, 16)] * sp)

                pltpu.sync_copy(obuf, part_hbm.at[pl.ds(gbase + rbase, _RC)])

            if p + 1 < _NP:
                plsc.subcore_barrier()

    return pl.kernel(
        body,
        out_type=tuple(out_type) if with_scalars else out_type[0],
        mesh=_sc_mesh,
        compiler_params=_sc_params,
        scratch_types=scratch,
    )


_rowpass_gat = _make_rowpass(True)
_rowpass_gcn = _make_rowpass(False)


def _tcmm_body(p_ref, b_ref, w_ref, bo_ref, o_ref):
    h = jnp.maximum(p_ref[...] + b_ref[...], 0.0)
    o_ref[...] = (jnp.dot(h, w_ref[...], preferred_element_type=_f32)
                  + bo_ref[...])


def _tcmm(p, b, w, bo):
    blk = 2000
    nout = w.shape[1]
    return pl.pallas_call(
        _tcmm_body,
        grid=(_N // blk,),
        in_specs=[
            pl.BlockSpec((blk, _HID), lambda i: (i, 0)),
            pl.BlockSpec((1, _HID), lambda i: (0, 0)),
            pl.BlockSpec((_HID, nout), lambda i: (0, 0)),
            pl.BlockSpec((1, nout), lambda i: (0, 0)),
        ],
        out_specs=pl.BlockSpec((blk, nout), lambda i: (i, 0)),
        out_shape=jax.ShapeDtypeStruct((_N, nout), _f32),
    )(p, b, w, bo)


def kernel(x, edge_index, edge_weight, W_gat, att_src, att_dst, W_edge,
           att_edge, b_gat, W_gcn, b_gcn, W_out, b_out):
    x = x.astype(_f32)
    edge_weight = edge_weight.astype(_f32)

    src32 = edge_index[0].reshape(_NW, _NQ, _CH)
    dst32 = edge_index[1].reshape(_NW, _NQ, _CH)
    src16 = edge_index[0].reshape(_NS, _NQP, _CH)
    dst16 = edge_index[1].reshape(_NS, _NQP, _CH)
    ew = edge_weight.reshape(_E)
    att2 = jnp.concatenate([att_src, att_dst], axis=0).T

    xw, a2, cvec = _tc1(x, W_gat, att2, W_edge, att_edge)
    a_src = a2[:, 0]
    a_dst = a2[:, 1]
    c16 = cvec[0, :16]

    ex, dpart = _sc2(src32, dst32, ew, a_src, a_dst, c16)

    rd2, dinv2, sg2 = _tc3(dpart.reshape(_NC, _N))
    rd = rd2[0]
    dinv = dinv2[0]
    sgcn = sg2[0]

    rd_pad = jnp.pad(rd, (0, _NPAD - _N))
    hpre, attn, w = _rowpass_gat(src16, dst16, ex, xw, rd_pad, dinv)

    hw = _tcmm(hpre[:_N], b_gat.reshape(1, _HID), W_gcn,
               jnp.zeros((1, _HID), _f32))

    sgcn_pad = jnp.pad(sgcn, (0, _NPAD - _N))
    h2pre = _rowpass_gcn(src16, dst16, w, hw, sgcn_pad)

    out = _tcmm(h2pre[:_N], b_gcn.reshape(1, _HID), W_out,
                b_out.reshape(1, -1))

    return (out, attn.reshape(_E, 1))

# --- scband reference (transcript-rebuilt; emitter-appended) ---
"""Pipeline reference for scband-gnn-46205258170875 (READ-ONLY COPY).

The authoritative reference and input builder live on the scoring server;
editing this copy changes nothing except your own understanding.
"""

import jax, jax.numpy as jnp
import numpy as np

N = 10000
E = 320000
F_IN = 128
HEADS = 1
HID = 128
OUT = 2


def setup_inputs(seed: int = 0) -> dict:
    key = jax.random.key(seed)
    ks = jax.random.split(key, 12)
    s = 0.05
    x = jax.random.normal(ks[0], (N, F_IN), dtype=jnp.float32)
    edge_index = jax.random.randint(ks[1], (2, E), 0, N, dtype=jnp.int32)
    edge_weight = jax.random.uniform(ks[2], (E, 1), dtype=jnp.float32)
    W_gat = jax.random.normal(ks[3], (F_IN, HEADS * HID), dtype=jnp.float32) * s
    att_src = jax.random.normal(ks[4], (HEADS, HID), dtype=jnp.float32) * s
    att_dst = jax.random.normal(ks[5], (HEADS, HID), dtype=jnp.float32) * s
    W_edge = jax.random.normal(ks[6], (1, HEADS * HID), dtype=jnp.float32) * s
    att_edge = jax.random.normal(ks[7], (HEADS, HID), dtype=jnp.float32) * s
    b_gat = jnp.zeros((HEADS * HID,), dtype=jnp.float32)
    W_gcn = jax.random.normal(ks[8], (HEADS * HID, HID), dtype=jnp.float32) * s
    b_gcn = jnp.zeros((HID,), dtype=jnp.float32)
    W_out = jax.random.normal(ks[9], (HID, OUT), dtype=jnp.float32) * s
    b_out = jnp.zeros((OUT,), dtype=jnp.float32)
    return {
        "x": x,
        "edge_index": edge_index,
        "edge_weight": edge_weight,
        "W_gat": W_gat,
        "att_src": att_src,
        "att_dst": att_dst,
        "W_edge": W_edge,
        "att_edge": att_edge,
        "b_gat": b_gat,
        "W_gcn": W_gcn,
        "b_gcn": b_gcn,
        "W_out": W_out,
        "b_out": b_out,
    }


def reference(x, edge_index, edge_weight, W_gat, att_src, att_dst, W_edge, att_edge, b_gat, W_gcn, b_gcn, W_out, b_out):
    n = x.shape[0]
    src = edge_index[0]
    dst = edge_index[1]
    x = x.astype(jnp.float32)
    edge_weight = edge_weight.astype(jnp.float32)

    # ---- GATConv(in_node_dim, hidden_dim, edge_dim=1, heads, add_self_loops=False) ----
    xW = (x @ W_gat).reshape(n, HEADS, HID)
    a_src = jnp.sum(xW * att_src[None, :, :], axis=-1)  # [N, H]
    a_dst = jnp.sum(xW * att_dst[None, :, :], axis=-1)  # [N, H]
    eW = (edge_weight @ W_edge).reshape(-1, HEADS, HID)
    a_edge = jnp.sum(eW * att_edge[None, :, :], axis=-1)  # [E, H]
    alpha = a_src[src] + a_dst[dst] + a_edge  # gather
    alpha = jax.nn.leaky_relu(alpha, negative_slope=0.2)
    # softmax over edges grouped by destination node
    amax = jax.ops.segment_max(alpha, dst, num_segments=n)
    amax = jnp.where(jnp.isfinite(amax), amax, 0.0)
    ex = jnp.exp(alpha - amax[dst])
    denom = jax.ops.segment_sum(ex, dst, num_segments=n)
    attn = ex / (denom[dst] + 1e-16)  # [E, H]
    h = jax.ops.segment_sum(xW[src] * attn[:, :, None], dst, num_segments=n)
    h = h.reshape(n, HEADS * HID) + b_gat
    h = jax.nn.relu(h)

    # ---- GCNConv(hidden_dim*heads, hidden_dim, add_self_loops=False) with edge_weight = attention ----
    ew2 = attn[:, 0]  # heads == 1
    deg = jax.ops.segment_sum(ew2, dst, num_segments=n)
    dinv = jnp.where(deg > 0, deg ** -0.5, 0.0)
    norm = dinv[src] * ew2 * dinv[dst]
    hW = h @ W_gcn
    h2 = jax.ops.segment_sum(hW[src] * norm[:, None], dst, num_segments=n) + b_gcn
    h2 = jax.nn.relu(h2)

    out = h2 @ W_out + b_out
    return (out, attn)

if __name__ == "__main__":
    import jax
    _d = setup_inputs()
    print(jax.jit(kernel)(*tuple(_d.values())))

</pallas_src>

<mosaic_0001>
#map = affine_map<(d0, d1) -> (0, 0, 0)>
#map1 = affine_map<(d0, d1) -> (0)>
module attributes {stable_mosaic.version = 14 : i64} {
  func.func @_sc2(%arg0: i32, %arg1: i32, %arg2: memref<32x125x80xi32, #tpu.memory_space<hbm>>, %arg3: memref<32x125x80xi32, #tpu.memory_space<hbm>>, %arg4: memref<320000xf32, #tpu.memory_space<hbm>>, %arg5: memref<10000xf32, #tpu.memory_space<hbm>>, %arg6: memref<10000xf32, #tpu.memory_space<hbm>>, %arg7: memref<16xf32, #tpu.memory_space<hbm>>, %arg8: memref<320000xf32, #tpu.memory_space<hbm>>, %arg9: memref<20000xf32, #tpu.memory_space<hbm>>, %arg10: memref<10000xf32, #tpu.memory_space<vmem>>, %arg11: memref<10000xf32, #tpu.memory_space<vmem>>, %arg12: memref<125x80xi32, #tpu.memory_space<vmem>>, %arg13: memref<125x80xi32, #tpu.memory_space<vmem>>, %arg14: memref<10000xf32, #tpu.memory_space<vmem>>, %arg15: memref<10000xf32, #tpu.memory_space<vmem>>, %arg16: memref<16xf32, #tpu.memory_space<vmem>>, %arg17: memref<640xf32, #tpu.memory_space<vmem>>, %arg18: memref<10000xf32, #tpu.memory_space<vmem_shared>>) attributes {dimension_semantics = [#tpu.dimension_semantics<core_parallel>, #tpu.dimension_semantics<subcore_parallel>], iteration_bounds = array<i64: 2, 16>, scalar_prefetch = 0 : i64, scratch_operands = 9 : i64, tpu.core_type = #tpu.core_type<sc_vector_subcore>, window_params = [{transform_indices = #map}, {transform_indices = #map}, {transform_indices = #map1}, {transform_indices = #map1}, {transform_indices = #map1}, {transform_indices = #map1}, {transform_indices = #map1}, {transform_indices = #map1}]} {
    %mul3A = arith.constant 16 : i32
    %mul3A_0 = arith.muli %arg0, %mul3A : i32
    %add3A = arith.addi %mul3A_0, %arg1 : i32
    %mul3A_1 = arith.constant 10000 : i32
    %mul3A_2 = arith.muli %add3A, %mul3A_1 : i32
    "tpu.region"() ({
      %run_scoped3A = tpu.sem_alloc : memref<!tpu.dma_semaphore, #tpu.memory_space<semaphore_mem>>
      tpu.enqueue_dma source(%arg5 : memref<10000xf32, #tpu.memory_space<hbm>>) target(%arg10 : memref<10000xf32, #tpu.memory_space<vmem>>) target_semaphore(%run_scoped3A : memref<!tpu.dma_semaphore, #tpu.memory_space<semaphore_mem>>)
      tpu.wait_dma2 semaphore(%run_scoped3A : memref<!tpu.dma_semaphore, #tpu.memory_space<semaphore_mem>>) src(%arg5 : memref<10000xf32, #tpu.memory_space<hbm>>) dst(%arg10 : memref<10000xf32, #tpu.memory_space<vmem>>)
      tpu.yield
    }) : () -> ()
    "tpu.region"() ({
      %run_scoped3A = tpu.sem_alloc : memref<!tpu.dma_semaphore, #tpu.memory_space<semaphore_mem>>
      tpu.enqueue_dma source(%arg6 : memref<10000xf32, #tpu.memory_space<hbm>>) target(%arg11 : memref<10000xf32, #tpu.memory_space<vmem>>) target_semaphore(%run_scoped3A : memref<!tpu.dma_semaphore, #tpu.memory_space<semaphore_mem>>)
      tpu.wait_dma2 semaphore(%run_scoped3A : memref<!tpu.dma_semaphore, #tpu.memory_space<semaphore_mem>>) src(%arg6 : memref<10000xf32, #tpu.memory_space<hbm>>) dst(%arg11 : memref<10000xf32, #tpu.memory_space<vmem>>)
      tpu.yield
    }) : () -> ()
    "tpu.region"() ({
      %run_scoped3A = tpu.sem_alloc : memref<!tpu.dma_semaphore, #tpu.memory_space<semaphore_mem>>
      %dma_start3A = arith.constant 0 : i32
      %dma_start3A_23 = arith.constant 0 : i32
      %dma_start3A_24 = tpu.memref_slice %arg2[%add3A, %dma_start3A, %dma_start3A_23] : memref<32x125x80xi32, #tpu.memory_space<hbm>> -> memref<1x125x80xi32, #tpu.memory_space<hbm>>
      %dma_start3A_25 = tpu.memref_squeeze %dma_start3A_24 : memref<1x125x80xi32, #tpu.memory_space<hbm>> -> memref<125x80xi32, #tpu.memory_space<hbm>>
      %dma_start3A_26 = arith.constant 0 : i32
      %dma_start3A_27 = arith.constant 0 : i32
      %dma_start3A_28 = tpu.memref_slice %arg2[%add3A, %dma_start3A_26, %dma_start3A_27] : memref<32x125x80xi32, #tpu.memory_space<hbm>> -> memref<1x125x80xi32, #tpu.memory_space<hbm>>
      %dma_start3A_29 = tpu.memref_squeeze %dma_start3A_28 : memref<1x125x80xi32, #tpu.memory_space<hbm>> -> memref<125x80xi32, #tpu.memory_space<hbm>>
      tpu.enqueue_dma source(%dma_start3A_29 : memref<125x80xi32, #tpu.memory_space<hbm>>) target(%arg12 : memref<125x80xi32, #tpu.memory_space<vmem>>) target_semaphore(%run_scoped3A : memref<!tpu.dma_semaphore, #tpu.memory_space<semaphore_mem>>)
      %dma_wait3A = arith.constant 0 : i32
      %dma_wait3A_30 = arith.constant 0 : i32
      %dma_wait3A_31 = tpu.memref_slice %arg2[%add3A, %dma_wait3A, %dma_wait3A_30] : memref<32x125x80xi32, #tpu.memory_space<hbm>> -> memref<1x125x80xi32, #tpu.memory_space<hbm>>
      %dma_wait3A_32 = tpu.memref_squeeze %dma_wait3A_31 : memref<1x125x80xi32, #tpu.memory_space<hbm>> -> memref<125x80xi32, #tpu.memory_space<hbm>>
      %dma_wait3A_33 = arith.constant 0 : i32
      %dma_wait3A_34 = arith.constant 0 : i32
      %dma_wait3A_35 = tpu.memref_slice %arg2[%add3A, %dma_wait3A_33, %dma_wait3A_34] : memref<32x125x80xi32, #tpu.memory_space<hbm>> -> memref<1x125x80xi32, #tpu.memory_space<hbm>>
      %dma_wait3A_36 = tpu.memref_squeeze %dma_wait3A_35 : memref<1x125x80xi32, #tpu.memory_space<hbm>> -> memref<125x80xi32, #tpu.memory_space<hbm>>
      tpu.wait_dma2 semaphore(%run_scoped3A : memref<!tpu.dma_semaphore, #tpu.memory_space<semaphore_mem>>) src(%dma_wait3A_36 : memref<125x80xi32, #tpu.memory_space<hbm>>) dst(%arg12 : memref<125x80xi32, #tpu.memory_space<vmem>>)
      tpu.yield
    }) : () -> ()
    "tpu.region"() ({
      %run_scoped3A = tpu.sem_alloc : memref<!tpu.dma_semaphore, #tpu.memory_space<semaphore_mem>>
      %dma_start3A = arith.constant 0 : i32
      %dma_start3A_23 = arith.constant 0 : i32
      %dma_start3A_24 = tpu.memref_slice %arg3[%add3A, %dma_start3A, %dma_start3A_23] : memref<32x125x80xi32, #tpu.memory_space<hbm>> -> memref<1x125x80xi32, #tpu.memory_space<hbm>>
      %dma_start3A_25 = tpu.memref_squeeze %dma_start3A_24 : memref<1x125x80xi32, #tpu.memory_space<hbm>> -> memref<125x80xi32, #tpu.memory_space<hbm>>
      %dma_start3A_26 = arith.constant 0 : i32
      %dma_start3A_27 = arith.constant 0 : i32
      %dma_start3A_28 = tpu.memref_slice %arg3[%add3A, %dma_start3A_26, %dma_start3A_27] : memref<32x125x80xi32, #tpu.memory_space<hbm>> -> memref<1x125x80xi32, #tpu.memory_space<hbm>>
      %dma_start3A_29 = tpu.memref_squeeze %dma_start3A_28 : memref<1x125x80xi32, #tpu.memory_space<hbm>> -> memref<125x80xi32, #tpu.memory_space<hbm>>
      tpu.enqueue_dma source(%dma_start3A_29 : memref<125x80xi32, #tpu.memory_space<hbm>>) target(%arg13 : memref<125x80xi32, #tpu.memory_space<vmem>>) target_semaphore(%run_scoped3A : memref<!tpu.dma_semaphore, #tpu.memory_space<semaphore_mem>>)
      %dma_wait3A = arith.constant 0 : i32
      %dma_wait3A_30 = arith.constant 0 : i32
      %dma_wait3A_31 = tpu.memref_slice %arg3[%add3A, %dma_wait3A, %dma_wait3A_30] : memref<32x125x80xi32, #tpu.memory_space<hbm>> -> memref<1x125x80xi32, #tpu.memory_space<hbm>>
      %dma_wait3A_32 = tpu.memref_squeeze %dma_wait3A_31 : memref<1x125x80xi32, #tpu.memory_space<hbm>> -> memref<125x80xi32, #tpu.memory_space<hbm>>
      %dma_wait3A_33 = arith.constant 0 : i32
      %dma_wait3A_34 = arith.constant 0 : i32
      %dma_wait3A_35 = tpu.memref_slice %arg3[%add3A, %dma_wait3A_33, %dma_wait3A_34] : memref<32x125x80xi32, #tpu.memory_space<hbm>> -> memref<1x125x80xi32, #tpu.memory_space<hbm>>
      %dma_wait3A_36 = tpu.memref_squeeze %dma_wait3A_35 : memref<1x125x80xi32, #tpu.memory_space<hbm>> -> memref<125x80xi32, #tpu.memory_space<hbm>>
      tpu.wait_dma2 semaphore(%run_scoped3A : memref<!tpu.dma_semaphore, #tpu.memory_space<semaphore_mem>>) src(%dma_wait3A_36 : memref<125x80xi32, #tpu.memory_space<hbm>>) dst(%arg13 : memref<125x80xi32, #tpu.memory_space<vmem>>)
      tpu.yield
    }) : () -> ()
    "tpu.region"() ({
      %run_scoped3A = tpu.sem_alloc : memref<!tpu.dma_semaphore, #tpu.memory_space<semaphore_mem>>
      %dma_start3A = tpu.memref_slice %arg4[%mul3A_2] : memref<320000xf32, #tpu.memory_space<hbm>> -> memref<10000xf32, #tpu.memory_space<hbm>>
      %dma_start3A_23 = tpu.memref_slice %arg4[%mul3A_2] : memref<320000xf32, #tpu.memory_space<hbm>> -> memref<10000xf32, #tpu.memory_space<hbm>>
      tpu.enqueue_dma source(%dma_start3A_23 : memref<10000xf32, #tpu.memory_space<hbm>>) target(%arg14 : memref<10000xf32, #tpu.memory_space<vmem>>) target_semaphore(%run_scoped3A : memref<!tpu.dma_semaphore, #tpu.memory_space<semaphore_mem>>)
      %dma_wait3A = tpu.memref_slice %arg4[%mul3A_2] : memref<320000xf32, #tpu.memory_space<hbm>> -> memref<10000xf32, #tpu.memory_space<hbm>>
      %dma_wait3A_24 = tpu.memref_slice %arg4[%mul3A_2] : memref<320000xf32, #tpu.memory_space<hbm>> -> memref<10000xf32, #tpu.memory_space<hbm>>
      tpu.wait_dma2 semaphore(%run_scoped3A : memref<!tpu.dma_semaphore, #tpu.memory_space<semaphore_mem>>) src(%dma_wait3A_24 : memref<10000xf32, #tpu.memory_space<hbm>>) dst(%arg14 : memref<10000xf32, #tpu.memory_space<vmem>>)
      tpu.yield
    }) : () -> ()
    "tpu.region"() ({
      %run_scoped3A = tpu.sem_alloc : memref<!tpu.dma_semaphore, #tpu.memory_space<semaphore_mem>>
      tpu.enqueue_dma source(%arg7 : memref<16xf32, #tpu.memory_space<hbm>>) target(%arg16 : memref<16xf32, #tpu.memory_space<vmem>>) target_semaphore(%run_scoped3A : memref<!tpu.dma_semaphore, #tpu.memory_space<semaphore_mem>>)
      tpu.wait_dma2 semaphore(%run_scoped3A : memref<!tpu.dma_semaphore, #tpu.memory_space<semaphore_mem>>) src(%arg7 : memref<16xf32, #tpu.memory_space<hbm>>) dst(%arg16 : memref<16xf32, #tpu.memory_space<vmem>>)
      tpu.yield
    }) : () -> ()
    %scan3A = arith.constant 0 : i32
    %scan3A_3 = arith.constant 40 : i32
    %scan3A_4 = arith.addi %scan3A, %scan3A_3 : i32
    %scan3A_5 = arith.constant 1 : i32
    scf.for %scan3A_23 = %scan3A to %scan3A_4 step %scan3A_5  : i32 {
      %mul3A_24 = arith.constant 1 : i32
      %mul3A_25 = arith.muli %scan3A_23, %mul3A_24 : i32
      %add3A_26 = arith.constant 0 : i32
      %add3A_27 = arith.addi %add3A_26, %mul3A_25 : i32
      %broadcast_in_dim3A = arith.constant 0.000000e+00 : f32
      %broadcast_in_dim3A_28 = vector.broadcast %broadcast_in_dim3A : f32 to vector<16xf32>
      %mul3A_29 = arith.constant 16 : i32
      %mul3A_30 = arith.muli %add3A_27, %mul3A_29 : i32
      %swap3A = arith.index_cast %mul3A_30 : i32 to index
      %swap3A_31 = tpu.vector_load %arg17[%swap3A] {strides = array<i32>} : memref<640xf32, #tpu.memory_space<vmem>>, vector<16xf32>,
      tpu.vector_store %arg17[%swap3A], %broadcast_in_dim3A_28 {strides = array<i32>} : memref<640xf32, #tpu.memory_space<vmem>>, vector<16xf32>,
    }
    %scan3A_6 = arith.constant 40 : i32
    %mul3A_7 = arith.constant 624 : i32
    %mul3A_8 = arith.muli %arg1, %mul3A_7 : i32
    "tpu.region"() ({
      %run_scoped3A = tpu.sem_alloc : memref<!tpu.dma_semaphore, #tpu.memory_space<semaphore_mem>>
      %dma_start3A = tpu.memref_slice %arg18[%mul3A_8] : memref<10000xf32, #tpu.memory_space<vmem_shared>> -> memref<640xf32, #tpu.memory_space<vmem_shared>>
      %dma_start3A_23 = tpu.memref_slice %arg18[%mul3A_8] : memref<10000xf32, #tpu.memory_space<vmem_shared>> -> memref<640xf32, #tpu.memory_space<vmem_shared>>
      tpu.enqueue_dma source(%arg17 : memref<640xf32, #tpu.memory_space<vmem>>) target(%dma_start3A_23 : memref<640xf32, #tpu.memory_space<vmem_shared>>) target_semaphore(%run_scoped3A : memref<!tpu.dma_semaphore, #tpu.memory_space<semaphore_mem>>)
      %dma_wait3A = tpu.memref_slice %arg18[%mul3A_8] : memref<10000xf32, #tpu.memory_space<vmem_shared>> -> memref<640xf32, #tpu.memory_space<vmem_shared>>
      %dma_wait3A_24 = tpu.memref_slice %arg18[%mul3A_8] : memref<10000xf32, #tpu.memory_space<vmem_shared>> -> memref<640xf32, #tpu.memory_space<vmem_shared>>
      tpu.wait_dma2 semaphore(%run_scoped3A : memref<!tpu.dma_semaphore, #tpu.memory_space<semaphore_mem>>) src(%arg17 : memref<640xf32, #tpu.memory_space<vmem>>) dst(%dma_wait3A_24 : memref<640xf32, #tpu.memory_space<vmem_shared>>)
      tpu.yield
    }) : () -> ()
    %barrier3A = arith.constant 0 : index
    tpu.barrier barrier_id(%barrier3A)
    %get3A = arith.constant 0 : index
    %get3A_9 = tpu.vector_load %arg16[%get3A] {strides = array<i32>} : memref<16xf32, #tpu.memory_space<vmem>>, vector<16xf32>,
    %scan3A_10 = arith.constant 0 : i32
    %scan3A_11 = arith.constant 125 : i32
    %scan3A_12 = arith.addi %scan3A_10, %scan3A_11 : i32
    %scan3A_13 = arith.constant 1 : i32
    scf.for %scan3A_23 = %scan3A_10 to %scan3A_12 step %scan3A_13  : i32 {
      %mul3A_24 = arith.constant 1 : i32
      %mul3A_25 = arith.muli %scan3A_23, %mul3A_24 : i32
      %add3A_26 = arith.constant 0 : i32
      %add3A_27 = arith.addi %add3A_26, %mul3A_25 : i32
      %scan3A_28 = arith.constant 0 : i32
      %scan3A_29 = arith.constant 5 : i32
      %scan3A_30 = arith.addi %scan3A_28, %scan3A_29 : i32
      %scan3A_31 = arith.constant 1 : i32
      scf.for %scan3A_35 = %scan3A_28 to %scan3A_30 step %scan3A_31  : i32 {
        %mul3A_36 = arith.constant 1 : i32
        %mul3A_37 = arith.muli %scan3A_35, %mul3A_36 : i32
        %add3A_38 = arith.constant 0 : i32
        %add3A_39 = arith.addi %add3A_38, %mul3A_37 : i32
        %mul3A_40 = arith.constant 80 : i32
        %mul3A_41 = arith.muli %add3A_27, %mul3A_40 : i32
        %mul3A_42 = arith.constant 16 : i32
        %mul3A_43 = arith.muli %add3A_39, %mul3A_42 : i32
        %add3A_44 = arith.addi %mul3A_41, %mul3A_43 : i32
        %mul3A_45 = arith.constant 16 : i32
        %mul3A_46 = arith.muli %add3A_39, %mul3A_45 : i32
        %get3A_47 = arith.index_cast %add3A_27 : i32 to index
        %get3A_48 = arith.index_cast %mul3A_46 : i32 to index
        %get3A_49 = tpu.vector_load %arg12[%get3A_47, %get3A_48] {strides = array<i32>} : memref<125x80xi32, #tpu.memory_space<vmem>>, vector<16xi32>,
        %mul3A_50 = arith.constant 16 : i32
        %mul3A_51 = arith.muli %add3A_39, %mul3A_50 : i32
        %get3A_52 = arith.index_cast %add3A_27 : i32 to index
        %get3A_53 = arith.index_cast %mul3A_51 : i32 to index
        %get3A_54 = tpu.vector_load %arg13[%get3A_52, %get3A_53] {strides = array<i32>} : memref<125x80xi32, #tpu.memory_space<vmem>>, vector<16xi32>,
        %gather3A = tpu.vector_load_idx %arg10[%get3A_49] : memref<10000xf32, #tpu.memory_space<vmem>>[vector<16xi32>], vector<16xf32>,
        %gather3A_55 = tpu.vector_load_idx %arg11[%get3A_54] : memref<10000xf32, #tpu.memory_space<vmem>>[vector<16xi32>], vector<16xf32>,
        %add3A_56 = arith.addf %gather3A, %gather3A_55 : vector<16xf32>
        %get3A_57 = arith.index_cast %add3A_44 : i32 to index
        %get3A_58 = tpu.vector_load %arg14[%get3A_57] {strides = array<i32>} : memref<10000xf32, #tpu.memory_space<vmem>>, vector<16xf32>,
        %mul3A_59 = arith.mulf %get3A_58, %get3A_9 : vector<16xf32>
        %add3A_60 = arith.addf %add3A_56, %mul3A_59 : vector<16xf32>
        %mul3A_61 = arith.constant 2.000000e-01 : f32
        %mul3A_62 = vector.broadcast %mul3A_61 : f32 to vector<16xf32>
        %mul3A_63 = arith.mulf %mul3A_62, %add3A_60 : vector<16xf32>
        %max3A = arith.maximumf %add3A_60, %mul3A_63 : vector<16xf32>
        %exp3A = math.exp %max3A : vector<16xf32>
        %swap3A = arith.index_cast %add3A_44 : i32 to index
        %swap3A_64 = tpu.vector_load %arg15[%swap3A] {strides = array<i32>} : memref<10000xf32, #tpu.memory_space<vmem>>, vector<16xf32>,
        tpu.vector_store %arg15[%swap3A], %exp3A {strides = array<i32>} : memref<10000xf32, #tpu.memory_space<vmem>>, vector<16xf32>,
      }
      %scan3A_32 = arith.constant 5 : i32
      %mul3A_33 = arith.constant 80 : i32
      %mul3A_34 = arith.muli %add3A_27, %mul3A_33 : i32
      "tpu.region"() ({
        %run_scoped3A = tpu.sem_alloc : memref<!tpu.dma_semaphore, #tpu.memory_space<semaphore_mem>>
        %dma_start3A = tpu.memref_slice %arg15[%mul3A_34] : memref<10000xf32, #tpu.memory_space<vmem>> -> memref<80xf32, #tpu.memory_space<vmem>>
        %dma_start3A_35 = arith.constant 0 : i32
        %dma_start3A_36 = tpu.memref_slice %arg13[%add3A_27, %dma_start3A_35] : memref<125x80xi32, #tpu.memory_space<vmem>> -> memref<1x80xi32, #tpu.memory_space<vmem>>
        %dma_start3A_37 = tpu.memref_squeeze %dma_start3A_36 : memref<1x80xi32, #tpu.memory_space<vmem>> -> memref<80xi32, #tpu.memory_space<vmem>>
        %dma_start3A_38 = arith.constant 0 : i32
        %dma_start3A_39 = tpu.memref_slice %arg18[%dma_start3A_38] : memref<10000xf32, #tpu.memory_space<vmem_shared>> -> memref<10000xf32, #tpu.memory_space<vmem_shared>>
        tpu.enqueue_indirect_dma source(%dma_start3A : memref<80xf32, #tpu.memory_space<vmem>>) target(%dma_start3A_39 : memref<10000xf32, #tpu.memory_space<vmem_shared>>) offsets(%dma_start3A_37 : memref<80xi32, #tpu.memory_space<vmem>>) semaphore(%run_scoped3A : memref<!tpu.dma_semaphore, #tpu.memory_space<semaphore_mem>>) {add = true}
        %dma_wait3A = tpu.memref_slice %arg15[%mul3A_34] : memref<10000xf32, #tpu.memory_space<vmem>> -> memref<80xf32, #tpu.memory_space<vmem>>
        %dma_wait3A_40 = arith.constant 0 : i32
        %dma_wait3A_41 = tpu.memref_slice %arg13[%add3A_27, %dma_wait3A_40] : memref<125x80xi32, #tpu.memory_space<vmem>> -> memref<1x80xi32, #tpu.memory_space<vmem>>
        %dma_wait3A_42 = tpu.memref_squeeze %dma_wait3A_41 : memref<1x80xi32, #tpu.memory_space<vmem>> -> memref<80xi32, #tpu.memory_space<vmem>>
        %dma_wait3A_43 = arith.constant 0 : i32
        %dma_wait3A_44 = tpu.memref_slice %arg18[%dma_wait3A_43] : memref<10000xf32, #tpu.memory_space<vmem_shared>> -> memref<10000xf32, #tpu.memory_space<vmem_shared>>
        tpu.wait_indirect_dma semaphore(%run_scoped3A : memref<!tpu.dma_semaphore, #tpu.memory_space<semaphore_mem>>) src(%dma_wait3A : memref<80xf32, #tpu.memory_space<vmem>>) dst(%dma_wait3A_44 : memref<10000xf32, #tpu.memory_space<vmem_shared>>)
        tpu.yield
      }) : () -> ()
    }
    %scan3A_14 = arith.constant 125 : i32
    %barrier3A_15 = arith.constant 0 : index
    tpu.barrier barrier_id(%barrier3A_15)
    "tpu.region"() ({
      %run_scoped3A = tpu.sem_alloc : memref<!tpu.dma_semaphore, #tpu.memory_space<semaphore_mem>>
      %dma_start3A = tpu.memref_slice %arg8[%mul3A_2] : memref<320000xf32, #tpu.memory_space<hbm>> -> memref<10000xf32, #tpu.memory_space<hbm>>
      %dma_start3A_23 = tpu.memref_slice %arg8[%mul3A_2] : memref<320000xf32, #tpu.memory_space<hbm>> -> memref<10000xf32, #tpu.memory_space<hbm>>
      tpu.enqueue_dma source(%arg15 : memref<10000xf32, #tpu.memory_space<vmem>>) target(%dma_start3A_23 : memref<10000xf32, #tpu.memory_space<hbm>>) target_semaphore(%run_scoped3A : memref<!tpu.dma_semaphore, #tpu.memory_space<semaphore_mem>>)
      %dma_wait3A = tpu.memref_slice %arg8[%mul3A_2] : memref<320000xf32, #tpu.memory_space<hbm>> -> memref<10000xf32, #tpu.memory_space<hbm>>
      %dma_wait3A_24 = tpu.memref_slice %arg8[%mul3A_2] : memref<320000xf32, #tpu.memory_space<hbm>> -> memref<10000xf32, #tpu.memory_space<hbm>>
      tpu.wait_dma2 semaphore(%run_scoped3A : memref<!tpu.dma_semaphore, #tpu.memory_space<semaphore_mem>>) src(%arg15 : memref<10000xf32, #tpu.memory_space<vmem>>) dst(%dma_wait3A_24 : memref<10000xf32, #tpu.memory_space<hbm>>)
      tpu.yield
    }) : () -> ()
    %mul3A_16 = arith.constant 624 : i32
    %mul3A_17 = arith.muli %arg1, %mul3A_16 : i32
    "tpu.region"() ({
      %run_scoped3A = tpu.sem_alloc : memref<!tpu.dma_semaphore, #tpu.memory_space<semaphore_mem>>
      %dma_start3A = tpu.memref_slice %arg18[%mul3A_17] : memref<10000xf32, #tpu.memory_space<vmem_shared>> -> memref<640xf32, #tpu.memory_space<vmem_shared>>
      %dma_start3A_23 = tpu.memref_slice %arg18[%mul3A_17] : memref<10000xf32, #tpu.memory_space<vmem_shared>> -> memref<640xf32, #tpu.memory_space<vmem_shared>>
      tpu.enqueue_dma source(%dma_start3A_23 : memref<640xf32, #tpu.memory_space<vmem_shared>>) target(%arg17 : memref<640xf32, #tpu.memory_space<vmem>>) target_semaphore(%run_scoped3A : memref<!tpu.dma_semaphore, #tpu.memory_space<semaphore_mem>>)
      %dma_wait3A = tpu.memref_slice %arg18[%mul3A_17] : memref<10000xf32, #tpu.memory_space<vmem_shared>> -> memref<640xf32, #tpu.memory_space<vmem_shared>>
      %dma_wait3A_24 = tpu.memref_slice %arg18[%mul3A_17] : memref<10000xf32, #tpu.memory_space<vmem_shared>> -> memref<640xf32, #tpu.memory_space<vmem_shared>>
      tpu.wait_dma2 semaphore(%run_scoped3A : memref<!tpu.dma_semaphore, #tpu.memory_space<semaphore_mem>>) src(%dma_wait3A_24 : memref<640xf32, #tpu.memory_space<vmem_shared>>) dst(%arg17 : memref<640xf32, #tpu.memory_space<vmem>>)
      tpu.yield
    }) : () -> ()
    %mul3A_18 = arith.constant 10000 : i32
    %mul3A_19 = arith.muli %arg0, %mul3A_18 : i32
    %mul3A_20 = arith.constant 624 : i32
    %mul3A_21 = arith.muli %arg1, %mul3A_20 : i32
    %add3A_22 = arith.addi %mul3A_19, %mul3A_21 : i32
    "tpu.region"() ({
      %run_scoped3A = tpu.sem_alloc : memref<!tpu.dma_semaphore, #tpu.memory_space<semaphore_mem>>
      %dma_start3A = tpu.memref_slice %arg9[%add3A_22] : memref<20000xf32, #tpu.memory_space<hbm>> -> memref<640xf32, #tpu.memory_space<hbm>>
      %dma_start3A_23 = tpu.memref_slice %arg9[%add3A_22] : memref<20000xf32, #tpu.memory_space<hbm>> -> memref<640xf32, #tpu.memory_space<hbm>>
      tpu.enqueue_dma source(%arg17 : memref<640xf32, #tpu.memory_space<vmem>>) target(%dma_start3A_23 : memref<640xf32, #tpu.memory_space<hbm>>) target_semaphore(%run_scoped3A : memref<!tpu.dma_semaphore, #tpu.memory_space<semaphore_mem>>)
      %dma_wait3A = tpu.memref_slice %arg9[%add3A_22] : memref<20000xf32, #tpu.memory_space<hbm>> -> memref<640xf32, #tpu.memory_space<hbm>>
      %dma_wait3A_24 = tpu.memref_slice %arg9[%add3A_22] : memref<20000xf32, #tpu.memory_space<hbm>> -> memref<640xf32, #tpu.memory_space<hbm>>
      tpu.wait_dma2 semaphore(%run_scoped3A : memref<!tpu.dma_semaphore, #tpu.memory_space<semaphore_mem>>) src(%arg17 : memref<640xf32, #tpu.memory_space<vmem>>) dst(%dma_wait3A_24 : memref<640xf32, #tpu.memory_space<hbm>>)
      tpu.yield
    }) : () -> ()
    return
  }
}

#map = affine_map<(d0, d1) -> (0, 0, 0)>
#map1 = affine_map<(d0, d1) -> (0)>
#map2 = affine_map<(d0, d1) -> (0, 0)>
module attributes {stable_mosaic.version = 14 : i64} {
  func.func @body(%arg0: i32, %arg1: i32, %arg2: memref<16x250x80xi32, #tpu.memory_space<hbm>>, %arg3: memref<16x250x80xi32, #tpu.memory_space<hbm>>, %arg4: memref<320000xf32, #tpu.memory_space<hbm>>, %arg5: memref<10000x128xf32, #tpu.memory_space<hbm>>, %arg6: memref<10240xf32, #tpu.memory_space<hbm>>, %arg7: memref<10000xf32, #tpu.memory_space<hbm>>, %arg8: memref<10240x128xf32, #tpu.memory_space<hbm>>, %arg9: memref<320000xf32, #tpu.memory_space<hbm>>, %arg10: memref<320000xf32, #tpu.memory_space<hbm>>, %arg11: memref<250x80xi32, #tpu.memory_space<vmem>>, %arg12: memref<250x80xi32, #tpu.memory_space<vmem>>, %arg13: memref<1x80xi32, #tpu.memory_space<vmem>>, %arg14: memref<1x80xi32, #tpu.memory_space<vmem>>, %arg15: memref<80xf32, #tpu.memory_space<vmem>>, %arg16: memref<80xf32, #tpu.memory_space<vmem>>, %arg17: memref<10240xf32, #tpu.memory_space<vmem>>, %arg18: memref<80x128xf32, #tpu.memory_space<vmem>>, %arg19: memref<80x128xf32, #tpu.memory_space<vmem>>, %arg20: memref<16x128xf32, #tpu.memory_space<vmem>>, %arg21: memref<2568x128xf32, #tpu.memory_space<vmem_shared>>, %arg22: memref<!tpu.dma_semaphore, #tpu.memory_space<semaphore_mem>>, %arg23: memref<!tpu.dma_semaphore, #tpu.memory_space<semaphore_mem>>, %arg24: memref<!tpu.dma_semaphore, #tpu.memory_space<semaphore_mem>>, %arg25: memref<!tpu.dma_semaphore, #tpu.memory_space<semaphore_mem>>, %arg26: memref<10000xf32, #tpu.memory_space<vmem>>, %arg27: memref<400xf32, #tpu.memory_space<vmem>>, %arg28: memref<400xf32, #tpu.memory_space<vmem>>, %arg29: memref<400xf32, #tpu.memory_space<vmem>>) attributes {dimension_semantics = [#tpu.dimension_semantics<core_parallel>, #tpu.dimension_semantics<subcore_parallel>], iteration_bounds = array<i64: 2, 16>, scalar_prefetch = 0 : i64, scratch_operands = 19 : i64, tpu.core_type = #tpu.core_type<sc_vector_subcore>, window_params = [{transform_indices = #map}, {transform_indices = #map}, {transform_indices = #map1}, {transform_indices = #map2}, {transform_indices = #map1}, {transform_indices = #map1}, {transform_indices = #map2}, {transform_indices = #map1}, {transform_indices = #map1}]} {
    %mul3A = arith.constant 20000 : i32
    %mul3A_0 = arith.muli %arg1, %mul3A : i32
    "tpu.region"() ({
      %run_scoped3A = tpu.sem_alloc : memref<!tpu.dma_semaphore, #tpu.memory_space<semaphore_mem>>
      %dma_start3A_113 = arith.constant 0 : i32
      %dma_start3A_114 = arith.constant 0 : i32
      %dma_start3A_115 = tpu.memref_slice %arg2[%arg1, %dma_start3A_113, %dma_start3A_114] : memref<16x250x80xi32, #tpu.memory_space<hbm>> -> memref<1x250x80xi32, #tpu.memory_space<hbm>>
      %dma_start3A_116 = tpu.memref_squeeze %dma_start3A_115 : memref<1x250x80xi32, #tpu.memory_space<hbm>> -> memref<250x80xi32, #tpu.memory_space<hbm>>
      %dma_start3A_117 = arith.constant 0 : i32
      %dma_start3A_118 = arith.constant 0 : i32
      %dma_start3A_119 = tpu.memref_slice %arg2[%arg1, %dma_start3A_117, %dma_start3A_118] : memref<16x250x80xi32, #tpu.memory_space<hbm>> -> memref<1x250x80xi32, #tpu.memory_space<hbm>>
      %dma_start3A_120 = tpu.memref_squeeze %dma_start3A_119 : memref<1x250x80xi32, #tpu.memory_space<hbm>> -> memref<250x80xi32, #tpu.memory_space<hbm>>
      tpu.enqueue_dma source(%dma_start3A_120 : memref<250x80xi32, #tpu.memory_space<hbm>>) target(%arg11 : memref<250x80xi32, #tpu.memory_space<vmem>>) target_semaphore(%run_scoped3A : memref<!tpu.dma_semaphore, #tpu.memory_space<semaphore_mem>>)
      %dma_wait3A_121 = arith.constant 0 : i32
      %dma_wait3A_122 = arith.constant 0 : i32
      %dma_wait3A_123 = tpu.memref_slice %arg2[%arg1, %dma_wait3A_121, %dma_wait3A_122] : memref<16x250x80xi32, #tpu.memory_space<hbm>> -> memref<1x250x80xi32, #tpu.memory_space<hbm>>
      %dma_wait3A_124 = tpu.memref_squeeze %dma_wait3A_123 : memref<1x250x80xi32, #tpu.memory_space<hbm>> -> memref<250x80xi32, #tpu.memory_space<hbm>>
      %dma_wait3A_125 = arith.constant 0 : i32
      %dma_wait3A_126 = arith.constant 0 : i32
      %dma_wait3A_127 = tpu.memref_slice %arg2[%arg1, %dma_wait3A_125, %dma_wait3A_126] : memref<16x250x80xi32, #tpu.memory_space<hbm>> -> memref<1x250x80xi32, #tpu.memory_space<hbm>>
      %dma_wait3A_128 = tpu.memref_squeeze %dma_wait3A_127 : memref<1x250x80xi32, #tpu.memory_space<hbm>> -> memref<250x80xi32, #tpu.memory_space<hbm>>
      tpu.wait_dma2 semaphore(%run_scoped3A : memref<!tpu.dma_semaphore, #tpu.memory_space<semaphore_mem>>) src(%dma_wait3A_128 : memref<250x80xi32, #tpu.memory_space<hbm>>) dst(%arg11 : memref<250x80xi32, #tpu.memory_space<vmem>>)
      tpu.yield
    }) : () -> ()
    "tpu.region"() ({
      %run_scoped3A = tpu.sem_alloc : memref<!tpu.dma_semaphore, #tpu.memory_space<semaphore_mem>>
      %dma_start3A_113 = arith.constant 0 : i32
      %dma_start3A_114 = arith.constant 0 : i32
      %dma_start3A_115 = tpu.memref_slice %arg3[%arg1, %dma_start3A_113, %dma_start3A_114] : memref<16x250x80xi32, #tpu.memory_space<hbm>> -> memref<1x250x80xi32, #tpu.memory_space<hbm>>
      %dma_start3A_116 = tpu.memref_squeeze %dma_start3A_115 : memref<1x250x80xi32, #tpu.memory_space<hbm>> -> memref<250x80xi32, #tpu.memory_space<hbm>>
      %dma_start3A_117 = arith.constant 0 : i32
      %dma_start3A_118 = arith.constant 0 : i32
      %dma_start3A_119 = tpu.memref_slice %arg3[%arg1, %dma_start3A_117, %dma_start3A_118] : memref<16x250x80xi32, #tpu.memory_space<hbm>> -> memref<1x250x80xi32, #tpu.memory_space<hbm>>
      %dma_start3A_120 = tpu.memref_squeeze %dma_start3A_119 : memref<1x250x80xi32, #tpu.memory_space<hbm>> -> memref<250x80xi32, #tpu.memory_space<hbm>>
      tpu.enqueue_dma source(%dma_start3A_120 : memref<250x80xi32, #tpu.memory_space<hbm>>) target(%arg12 : memref<250x80xi32, #tpu.memory_space<vmem>>) target_semaphore(%run_scoped3A : memref<!tpu.dma_semaphore, #tpu.memory_space<semaphore_mem>>)
      %dma_wait3A_121 = arith.constant 0 : i32
      %dma_wait3A_122 = arith.constant 0 : i32
      %dma_wait3A_123 = tpu.memref_slice %arg3[%arg1, %dma_wait3A_121, %dma_wait3A_122] : memref<16x250x80xi32, #tpu.memory_space<hbm>> -> memref<1x250x80xi32, #tpu.memory_space<hbm>>
      %dma_wait3A_124 = tpu.memref_squeeze %dma_wait3A_123 : memref<1x250x80xi32, #tpu.memory_space<hbm>> -> memref<250x80xi32, #tpu.memory_space<hbm>>
      %dma_wait3A_125 = arith.constant 0 : i32
      %dma_wait3A_126 = arith.constant 0 : i32
      %dma_wait3A_127 = tpu.memref_slice %arg3[%arg1, %dma_wait3A_125, %dma_wait3A_126] : memref<16x250x80xi32, #tpu.memory_space<hbm>> -> memref<1x250x80xi32, #tpu.memory_space<hbm>>
      %dma_wait3A_128 = tpu.memref_squeeze %dma_wait3A_127 : memref<1x250x80xi32, #tpu.memory_space<hbm>> -> memref<250x80xi32, #tpu.memory_space<hbm>>
      tpu.wait_dma2 semaphore(%run_scoped3A : memref<!tpu.dma_semaphore, #tpu.memory_space<semaphore_mem>>) src(%dma_wait3A_128 : memref<250x80xi32, #tpu.memory_space<hbm>>) dst(%arg12 : memref<250x80xi32, #tpu.memory_space<vmem>>)
      tpu.yield
    }) : () -> ()
    "tpu.region"() ({
      %run_scoped3A = tpu.sem_alloc : memref<!tpu.dma_semaphore, #tpu.memory_space<semaphore_mem>>
      tpu.enqueue_dma source(%arg6 : memref<10240xf32, #tpu.memory_space<hbm>>) target(%arg17 : memref<10240xf32, #tpu.memory_space<vmem>>) target_semaphore(%run_scoped3A : memref<!tpu.dma_semaphore, #tpu.memory_space<semaphore_mem>>)
      tpu.wait_dma2 semaphore(%run_scoped3A : memref<!tpu.dma_semaphore, #tpu.memory_space<semaphore_mem>>) src(%arg6 : memref<10240xf32, #tpu.memory_space<hbm>>) dst(%arg17 : memref<10240xf32, #tpu.memory_space<vmem>>)
      tpu.yield
    }) : () -> ()
    "tpu.region"() ({
      %run_scoped3A = tpu.sem_alloc : memref<!tpu.dma_semaphore, #tpu.memory_space<semaphore_mem>>
      tpu.enqueue_dma source(%arg7 : memref<10000xf32, #tpu.memory_space<hbm>>) target(%arg26 : memref<10000xf32, #tpu.memory_space<vmem>>) target_semaphore(%run_scoped3A : memref<!tpu.dma_semaphore, #tpu.memory_space<semaphore_mem>>)
      tpu.wait_dma2 semaphore(%run_scoped3A : memref<!tpu.dma_semaphore, #tpu.memory_space<semaphore_mem>>) src(%arg7 : memref<10000xf32, #tpu.memory_space<hbm>>) dst(%arg26 : memref<10000xf32, #tpu.memory_space<vmem>>)
      tpu.yield
    }) : () -> ()
    %scan3A = arith.constant 0 : i32
    %scan3A_1 = arith.constant 50 : i32
    %scan3A_2 = arith.addi %scan3A, %scan3A_1 : i32
    %scan3A_3 = arith.constant 1 : i32
    scf.for %scan3A_113 = %scan3A to %scan3A_2 step %scan3A_3  : i32 {
      %mul3A_114 = arith.constant 1 : i32
      %mul3A_115 = arith.muli %scan3A_113, %mul3A_114 : i32
      %add3A_116 = arith.constant 0 : i32
      %add3A_117 = arith.addi %add3A_116, %mul3A_115 : i32
      %mul3A_118 = arith.constant 400 : i32
      %mul3A_119 = arith.muli %add3A_117, %mul3A_118 : i32
      %add3A_120 = arith.addi %mul3A_0, %mul3A_119 : i32
      "tpu.region"() ({
        %run_scoped3A = tpu.sem_alloc : memref<!tpu.dma_semaphore, #tpu.memory_space<semaphore_mem>>
        %dma_start3A_131 = tpu.memref_slice %arg4[%add3A_120] : memref<320000xf32, #tpu.memory_space<hbm>> -> memref<400xf32, #tpu.memory_space<hbm>>
        %dma_start3A_132 = tpu.memref_slice %arg4[%add3A_120] : memref<320000xf32, #tpu.memory_space<hbm>> -> memref<400xf32, #tpu.memory_space<hbm>>
        tpu.enqueue_dma source(%dma_start3A_132 : memref<400xf32, #tpu.memory_space<hbm>>) target(%arg27 : memref<400xf32, #tpu.memory_space<vmem>>) target_semaphore(%run_scoped3A : memref<!tpu.dma_semaphore, #tpu.memory_space<semaphore_mem>>)
        %dma_wait3A_133 = tpu.memref_slice %arg4[%add3A_120] : memref<320000xf32, #tpu.memory_space<hbm>> -> memref<400xf32, #tpu.memory_space<hbm>>
        %dma_wait3A_134 = tpu.memref_slice %arg4[%add3A_120] : memref<320000xf32, #tpu.memory_space<hbm>> -> memref<400xf32, #tpu.memory_space<hbm>>
        tpu.wait_dma2 semaphore(%run_scoped3A : memref<!tpu.dma_semaphore, #tpu.memory_space<semaphore_mem>>) src(%dma_wait3A_134 : memref<400xf32, #tpu.memory_space<hbm>>) dst(%arg27 : memref<400xf32, #tpu.memory_space<vmem>>)
        tpu.yield
      }) : () -> ()
      %scan3A_121 = arith.constant 0 : i32
      %scan3A_122 = arith.constant 5 : i32
      %scan3A_123 = arith.addi %scan3A_121, %scan3A_122 : i32
      %scan3A_124 = arith.constant 1 : i32
      scf.for %scan3A_131 = %scan3A_121 to %scan3A_123 step %scan3A_124  : i32 {
        %mul3A_132 = arith.constant 1 : i32
        %mul3A_133 = arith.muli %scan3A_131, %mul3A_132 : i32
        %add3A_134 = arith.constant 0 : i32
        %add3A_135 = arith.addi %add3A_134, %mul3A_133 : i32
        %mul3A_136 = arith.constant 5 : i32
        %mul3A_137 = arith.muli %add3A_117, %mul3A_136 : i32
        %add3A_138 = arith.addi %mul3A_137, %add3A_135 : i32
        %scan3A_139 = arith.constant 0 : i32
        %scan3A_140 = arith.constant 5 : i32
        %scan3A_141 = arith.addi %scan3A_139, %scan3A_140 : i32
        %scan3A_142 = arith.constant 1 : i32
        scf.for %scan3A_144 = %scan3A_139 to %scan3A_141 step %scan3A_142  : i32 {
          %mul3A_145 = arith.constant 1 : i32
          %mul3A_146 = arith.muli %scan3A_144, %mul3A_145 : i32
          %add3A_147 = arith.constant 0 : i32
          %add3A_148 = arith.addi %add3A_147, %mul3A_146 : i32
          %mul3A_149 = arith.constant 16 : i32
          %mul3A_150 = arith.muli %add3A_148, %mul3A_149 : i32
          %get3A = arith.index_cast %add3A_138 : i32 to index
          %get3A_151 = arith.index_cast %mul3A_150 : i32 to index
          %get3A_152 = tpu.vector_load %arg12[%get3A, %get3A_151] {strides = array<i32>} : memref<250x80xi32, #tpu.memory_space<vmem>>, vector<16xi32>,
          %mul3A_153 = arith.constant 16 : i32
          %mul3A_154 = arith.muli %add3A_148, %mul3A_153 : i32
          %get3A_155 = arith.index_cast %add3A_138 : i32 to index
          %get3A_156 = arith.index_cast %mul3A_154 : i32 to index
          %get3A_157 = tpu.vector_load %arg11[%get3A_155, %get3A_156] {strides = array<i32>} : memref<250x80xi32, #tpu.memory_space<vmem>>, vector<16xi32>,
          %mul3A_158 = arith.constant 80 : i32
          %mul3A_159 = arith.muli %add3A_135, %mul3A_158 : i32
          %mul3A_160 = arith.constant 16 : i32
          %mul3A_161 = arith.muli %add3A_148, %mul3A_160 : i32
          %add3A_162 = arith.addi %mul3A_159, %mul3A_161 : i32
          %get3A_163 = arith.index_cast %add3A_162 : i32 to index
          %get3A_164 = tpu.vector_load %arg27[%get3A_163] {strides = array<i32>} : memref<400xf32, #tpu.memory_space<vmem>>, vector<16xf32>,
          %gather3A = tpu.vector_load_idx %arg17[%get3A_152] : memref<10240xf32, #tpu.memory_space<vmem>>[vector<16xi32>], vector<16xf32>,
          %mul3A_165 = arith.mulf %get3A_164, %gather3A : vector<16xf32>
          %swap3A = arith.index_cast %add3A_162 : i32 to index
          %swap3A_166 = tpu.vector_load %arg28[%swap3A] {strides = array<i32>} : memref<400xf32, #tpu.memory_space<vmem>>, vector<16xf32>,
          tpu.vector_store %arg28[%swap3A], %mul3A_165 {strides = array<i32>} : memref<400xf32, #tpu.memory_space<vmem>>, vector<16xf32>,
          %gather3A_167 = tpu.vector_load_idx %arg26[%get3A_157] : memref<10000xf32, #tpu.memory_space<vmem>>[vector<16xi32>], vector<16xf32>,
          %mul3A_168 = arith.mulf %get3A_164, %gather3A_167 : vector<16xf32>
          %swap3A_169 = arith.index_cast %add3A_162 : i32 to index
          %swap3A_170 = tpu.vector_load %arg29[%swap3A_169] {strides = array<i32>} : memref<400xf32, #tpu.memory_space<vmem>>, vector<16xf32>,
          tpu.vector_store %arg29[%swap3A_169], %mul3A_168 {strides = array<i32>} : memref<400xf32, #tpu.memory_space<vmem>>, vector<16xf32>,
        }
        %scan3A_143 = arith.constant 5 : i32
      }
      %scan3A_125 = arith.constant 5 : i32
      %eq3A_126 = arith.constant 0 : i32
      %eq3A_127 = arith.cmpi eq, %arg0, %eq3A_126 : i32
      %convert_element_type3A_128 = arith.extui %eq3A_127 : i1 to i32
      %cond3A_129 = arith.constant 0 : i32
      %cond3A_130 = arith.cmpi ne, %convert_element_type3A_128, %cond3A_129 : i32
      scf.if %cond3A_130 {
        %mul3A_131 = arith.constant 400 : i32
        %mul3A_132 = arith.muli %add3A_117, %mul3A_131 : i32
        %add3A_133 = arith.addi %mul3A_0, %mul3A_132 : i32
        "tpu.region"() ({
          %run_scoped3A = tpu.sem_alloc : memref<!tpu.dma_semaphore, #tpu.memory_space<semaphore_mem>>
          %dma_start3A_137 = tpu.memref_slice %arg9[%add3A_133] : memref<320000xf32, #tpu.memory_space<hbm>> -> memref<400xf32, #tpu.memory_space<hbm>>
          %dma_start3A_138 = tpu.memref_slice %arg9[%add3A_133] : memref<320000xf32, #tpu.memory_space<hbm>> -> memref<400xf32, #tpu.memory_space<hbm>>
          tpu.enqueue_dma source(%arg28 : memref<400xf32, #tpu.memory_space<vmem>>) target(%dma_start3A_138 : memref<400xf32, #tpu.memory_space<hbm>>) target_semaphore(%run_scoped3A : memref<!tpu.dma_semaphore, #tpu.memory_space<semaphore_mem>>)
          %dma_wait3A_139 = tpu.memref_slice %arg9[%add3A_133] : memref<320000xf32, #tpu.memory_space<hbm>> -> memref<400xf32, #tpu.memory_space<hbm>>
          %dma_wait3A_140 = tpu.memref_slice %arg9[%add3A_133] : memref<320000xf32, #tpu.memory_space<hbm>> -> memref<400xf32, #tpu.memory_space<hbm>>
          tpu.wait_dma2 semaphore(%run_scoped3A : memref<!tpu.dma_semaphore, #tpu.memory_space<semaphore_mem>>) src(%arg28 : memref<400xf32, #tpu.memory_space<vmem>>) dst(%dma_wait3A_140 : memref<400xf32, #tpu.memory_space<hbm>>)
          tpu.yield
        }) : () -> ()
        %mul3A_134 = arith.constant 400 : i32
        %mul3A_135 = arith.muli %add3A_117, %mul3A_134 : i32
        %add3A_136 = arith.addi %mul3A_0, %mul3A_135 : i32
        "tpu.region"() ({
          %run_scoped3A = tpu.sem_alloc : memref<!tpu.dma_semaphore, #tpu.memory_space<semaphore_mem>>
          %dma_start3A_137 = tpu.memref_slice %arg10[%add3A_136] : memref<320000xf32, #tpu.memory_space<hbm>> -> memref<400xf32, #tpu.memory_space<hbm>>
          %dma_start3A_138 = tpu.memref_slice %arg10[%add3A_136] : memref<320000xf32, #tpu.memory_space<hbm>> -> memref<400xf32, #tpu.memory_space<hbm>>
          tpu.enqueue_dma source(%arg29 : memref<400xf32, #tpu.memory_space<vmem>>) target(%dma_start3A_138 : memref<400xf32, #tpu.memory_space<hbm>>) target_semaphore(%run_scoped3A : memref<!tpu.dma_semaphore, #tpu.memory_space<semaphore_mem>>)
          %dma_wait3A_139 = tpu.memref_slice %arg10[%add3A_136] : memref<320000xf32, #tpu.memory_space<hbm>> -> memref<400xf32, #tpu.memory_space<hbm>>
          %dma_wait3A_140 = tpu.memref_slice %arg10[%add3A_136] : memref<320000xf32, #tpu.memory_space<hbm>> -> memref<400xf32, #tpu.memory_space<hbm>>
          tpu.wait_dma2 semaphore(%run_scoped3A : memref<!tpu.dma_semaphore, #tpu.memory_space<semaphore_mem>>) src(%arg29 : memref<400xf32, #tpu.memory_space<vmem>>) dst(%dma_wait3A_140 : memref<400xf32, #tpu.memory_space<hbm>>)
          tpu.yield
        }) : () -> ()
      } else {
      }
    }
    %scan3A_4 = arith.constant 50 : i32
    %mul3A_5 = arith.constant 160 : i32
    %mul3A_6 = arith.muli %arg1, %mul3A_5 : i32
    %add3A = arith.constant 0 : i32
    %add3A_7 = arith.addi %add3A, %arg0 : i32
    %mul3A_8 = arith.constant 2560 : i32
    %mul3A_9 = arith.muli %add3A_7, %mul3A_8 : i32
    %scan3A_10 = arith.constant 0 : i32
    %scan3A_11 = arith.constant 16 : i32
    %scan3A_12 = arith.addi %scan3A_10, %scan3A_11 : i32
    %scan3A_13 = arith.constant 1 : i32
    scf.for %scan3A_113 = %scan3A_10 to %scan3A_12 step %scan3A_13  : i32 {
      %mul3A_114 = arith.constant 1 : i32
      %mul3A_115 = arith.muli %scan3A_113, %mul3A_114 : i32
      %add3A_116 = arith.constant 0 : i32
      %add3A_117 = arith.addi %add3A_116, %mul3A_115 : i32
      %scan3A_118 = arith.constant 0 : i32
      %scan3A_119 = arith.constant 8 : i32
      %scan3A_120 = arith.addi %scan3A_118, %scan3A_119 : i32
      %scan3A_121 = arith.constant 1 : i32
      scf.for %scan3A_123 = %scan3A_118 to %scan3A_120 step %scan3A_121  : i32 {
        %mul3A_124 = arith.constant 1 : i32
        %mul3A_125 = arith.muli %scan3A_123, %mul3A_124 : i32
        %add3A_126 = arith.constant 0 : i32
        %add3A_127 = arith.addi %add3A_126, %mul3A_125 : i32
        %broadcast_in_dim3A = arith.constant 0.000000e+00 : f32
        %broadcast_in_dim3A_128 = vector.broadcast %broadcast_in_dim3A : f32 to vector<16xf32>
        %mul3A_129 = arith.constant 16 : i32
        %mul3A_130 = arith.muli %add3A_127, %mul3A_129 : i32
        %swap3A = arith.index_cast %add3A_117 : i32 to index
        %swap3A_131 = arith.index_cast %mul3A_130 : i32 to index
        %swap3A_132 = tpu.vector_load %arg20[%swap3A, %swap3A_131] {strides = array<i32>} : memref<16x128xf32, #tpu.memory_space<vmem>>, vector<16xf32>,
        tpu.vector_store %arg20[%swap3A, %swap3A_131], %broadcast_in_dim3A_128 {strides = array<i32>} : memref<16x128xf32, #tpu.memory_space<vmem>>, vector<16xf32>,
      }
      %scan3A_122 = arith.constant 8 : i32
    }
    %scan3A_14 = arith.constant 16 : i32
    %scan3A_15 = arith.constant 0 : i32
    %scan3A_16 = arith.constant 10 : i32
    %scan3A_17 = arith.addi %scan3A_15, %scan3A_16 : i32
    %scan3A_18 = arith.constant 1 : i32
    scf.for %scan3A_113 = %scan3A_15 to %scan3A_17 step %scan3A_18  : i32 {
      %mul3A_114 = arith.constant 1 : i32
      %mul3A_115 = arith.muli %scan3A_113, %mul3A_114 : i32
      %add3A_116 = arith.constant 0 : i32
      %add3A_117 = arith.addi %add3A_116, %mul3A_115 : i32
      %mul3A_118 = arith.constant 16 : i32
      %mul3A_119 = arith.muli %add3A_117, %mul3A_118 : i32
      %add3A_120 = arith.addi %mul3A_6, %mul3A_119 : i32
      "tpu.region"() ({
        %run_scoped3A = tpu.sem_alloc : memref<!tpu.dma_semaphore, #tpu.memory_space<semaphore_mem>>
        %dma_start3A_121 = arith.constant 0 : i32
        %dma_start3A_122 = tpu.memref_slice %arg21[%add3A_120, %dma_start3A_121] : memref<2568x128xf32, #tpu.memory_space<vmem_shared>> -> memref<16x128xf32, #tpu.memory_space<vmem_shared>>
        %dma_start3A_123 = arith.constant 0 : i32
        %dma_start3A_124 = tpu.memref_slice %arg21[%add3A_120, %dma_start3A_123] : memref<2568x128xf32, #tpu.memory_space<vmem_shared>> -> memref<16x128xf32, #tpu.memory_space<vmem_shared>>
        tpu.enqueue_dma source(%arg20 : memref<16x128xf32, #tpu.memory_space<vmem>>) target(%dma_start3A_124 : memref<16x128xf32, #tpu.memory_space<vmem_shared>>) target_semaphore(%run_scoped3A : memref<!tpu.dma_semaphore, #tpu.memory_space<semaphore_mem>>)
        %dma_wait3A_125 = arith.constant 0 : i32
        %dma_wait3A_126 = tpu.memref_slice %arg21[%add3A_120, %dma_wait3A_125] : memref<2568x128xf32, #tpu.memory_space<vmem_shared>> -> memref<16x128xf32, #tpu.memory_space<vmem_shared>>
        %dma_wait3A_127 = arith.constant 0 : i32
        %dma_wait3A_128 = tpu.memref_slice %arg21[%add3A_120, %dma_wait3A_127] : memref<2568x128xf32, #tpu.memory_space<vmem_shared>> -> memref<16x128xf32, #tpu.memory_space<vmem_shared>>
        tpu.wait_dma2 semaphore(%run_scoped3A : memref<!tpu.dma_semaphore, #tpu.memory_space<semaphore_mem>>) src(%arg20 : memref<16x128xf32, #tpu.memory_space<vmem>>) dst(%dma_wait3A_128 : memref<16x128xf32, #tpu.memory_space<vmem_shared>>)
        tpu.yield
      }) : () -> ()
    }
    %scan3A_19 = arith.constant 10 : i32
    %eq3A = arith.constant 0 : i32
    %eq3A_20 = arith.cmpi eq, %arg1, %eq3A : i32
    %convert_element_type3A = arith.extui %eq3A_20 : i1 to i32
    %cond3A = arith.constant 0 : i32
    %cond3A_21 = arith.cmpi ne, %convert_element_type3A, %cond3A : i32
    scf.if %cond3A_21 {
      "tpu.region"() ({
        %run_scoped3A = tpu.sem_alloc : memref<!tpu.dma_semaphore, #tpu.memory_space<semaphore_mem>>
        %dma_start3A_113 = arith.constant 0 : i32
        %dma_start3A_114 = arith.constant 0 : i32
        %dma_start3A_115 = tpu.memref_slice %arg20[%dma_start3A_113, %dma_start3A_114] : memref<16x128xf32, #tpu.memory_space<vmem>> -> memref<8x128xf32, #tpu.memory_space<vmem>>
        %dma_start3A_116 = arith.constant 2560 : i32
        %dma_start3A_117 = arith.constant 0 : i32
        %dma_start3A_118 = tpu.memref_slice %arg21[%dma_start3A_116, %dma_start3A_117] : memref<2568x128xf32, #tpu.memory_space<vmem_shared>> -> memref<8x128xf32, #tpu.memory_space<vmem_shared>>
        %dma_start3A_119 = arith.constant 2560 : i32
        %dma_start3A_120 = arith.constant 0 : i32
        %dma_start3A_121 = tpu.memref_slice %arg21[%dma_start3A_119, %dma_start3A_120] : memref<2568x128xf32, #tpu.memory_space<vmem_shared>> -> memref<8x128xf32, #tpu.memory_space<vmem_shared>>
        %dma_start3A_122 = arith.constant 0 : i32
        %dma_start3A_123 = arith.constant 0 : i32
        %dma_start3A_124 = tpu.memref_slice %arg20[%dma_start3A_122, %dma_start3A_123] : memref<16x128xf32, #tpu.memory_space<vmem>> -> memref<8x128xf32, #tpu.memory_space<vmem>>
        tpu.enqueue_dma source(%dma_start3A_124 : memref<8x128xf32, #tpu.memory_space<vmem>>) target(%dma_start3A_121 : memref<8x128xf32, #tpu.memory_space<vmem_shared>>) target_semaphore(%run_scoped3A : memref<!tpu.dma_semaphore, #tpu.memory_space<semaphore_mem>>)
        %dma_wait3A_125 = arith.constant 0 : i32
        %dma_wait3A_126 = arith.constant 0 : i32
        %dma_wait3A_127 = tpu.memref_slice %arg20[%dma_wait3A_125, %dma_wait3A_126] : memref<16x128xf32, #tpu.memory_space<vmem>> -> memref<8x128xf32, #tpu.memory_space<vmem>>
        %dma_wait3A_128 = arith.constant 2560 : i32
        %dma_wait3A_129 = arith.constant 0 : i32
        %dma_wait3A_130 = tpu.memref_slice %arg21[%dma_wait3A_128, %dma_wait3A_129] : memref<2568x128xf32, #tpu.memory_space<vmem_shared>> -> memref<8x128xf32, #tpu.memory_space<vmem_shared>>
        %dma_wait3A_131 = arith.constant 2560 : i32
        %dma_wait3A_132 = arith.constant 0 : i32
        %dma_wait3A_133 = tpu.memref_slice %arg21[%dma_wait3A_131, %dma_wait3A_132] : memref<2568x128xf32, #tpu.memory_space<vmem_shared>> -> memref<8x128xf32, #tpu.memory_space<vmem_shared>>
        %dma_wait3A_134 = arith.constant 0 : i32
        %dma_wait3A_135 = arith.constant 0 : i32
        %dma_wait3A_136 = tpu.memref_slice %arg20[%dma_wait3A_134, %dma_wait3A_135] : memref<16x128xf32, #tpu.memory_space<vmem>> -> memref<8x128xf32, #tpu.memory_space<vmem>>
        tpu.wait_dma2 semaphore(%run_scoped3A : memref<!tpu.dma_semaphore, #tpu.memory_space<semaphore_mem>>) src(%dma_wait3A_136 : memref<8x128xf32, #tpu.memory_space<vmem>>) dst(%dma_wait3A_133 : memref<8x128xf32, #tpu.memory_space<vmem_shared>>)
        tpu.yield
      }) : () -> ()
    } else {
    }
    %add3A_22 = arith.constant 0 : i32
    %add3A_23 = arith.addi %mul3A_0, %add3A_22 : i32
    %dma_start3A = arith.constant 0 : i32
    %dma_start3A_24 = arith.constant 0 : i32
    %dma_start3A_25 = tpu.memref_slice %arg11[%dma_start3A, %dma_start3A_24] : memref<250x80xi32, #tpu.memory_space<vmem>> -> memref<1x80xi32, #tpu.memory_space<vmem>>
    %dma_start3A_26 = tpu.memref_squeeze %dma_start3A_25 : memref<1x80xi32, #tpu.memory_space<vmem>> -> memref<80xi32, #tpu.memory_space<vmem>>
    %dma_start3A_27 = arith.constant 0 : i32
    %dma_start3A_28 = arith.constant 0 : i32
    %dma_start3A_29 = tpu.memref_slice %arg5[%dma_start3A_27, %dma_start3A_28] : memref<10000x128xf32, #tpu.memory_space<hbm>> -> memref<10000x128xf32, #tpu.memory_space<hbm>>
    tpu.enqueue_indirect_dma source(%dma_start3A_29 : memref<10000x128xf32, #tpu.memory_space<hbm>>) target(%arg18 : memref<80x128xf32, #tpu.memory_space<vmem>>) offsets(%dma_start3A_26 : memref<80xi32, #tpu.memory_space<vmem>>) semaphore(%arg22 : memref<!tpu.dma_semaphore, #tpu.memory_space<semaphore_mem>>)
    %dma_start3A_30 = tpu.memref_slice %arg4[%add3A_23] : memref<320000xf32, #tpu.memory_space<hbm>> -> memref<80xf32, #tpu.memory_space<hbm>>
    %dma_start3A_31 = tpu.memref_slice %arg4[%add3A_23] : memref<320000xf32, #tpu.memory_space<hbm>> -> memref<80xf32, #tpu.memory_space<hbm>>
    tpu.enqueue_dma source(%dma_start3A_31 : memref<80xf32, #tpu.memory_space<hbm>>) target(%arg15 : memref<80xf32, #tpu.memory_space<vmem>>) target_semaphore(%arg22 : memref<!tpu.dma_semaphore, #tpu.memory_space<semaphore_mem>>)
    %barrier3A = arith.constant 0 : index
    tpu.barrier barrier_id(%barrier3A)
    %scan3A_32 = arith.constant 0 : i32
    %scan3A_33 = arith.constant 125 : i32
    %scan3A_34 = arith.addi %scan3A_32, %scan3A_33 : i32
    %scan3A_35 = arith.constant 1 : i32
    scf.for %scan3A_113 = %scan3A_32 to %scan3A_34 step %scan3A_35  : i32 {
      %mul3A_114 = arith.constant 1 : i32
      %mul3A_115 = arith.muli %scan3A_113, %mul3A_114 : i32
      %add3A_116 = arith.constant 0 : i32
      %add3A_117 = arith.addi %add3A_116, %mul3A_115 : i32
      %mul3A_118 = arith.constant 2 : i32
      %mul3A_119 = arith.muli %add3A_117, %mul3A_118 : i32
      %add3A_120 = arith.constant 0 : i32
      %add3A_121 = arith.addi %mul3A_119, %add3A_120 : i32
      %add3A_122 = arith.constant 1 : i32
      %add3A_123 = arith.addi %add3A_121, %add3A_122 : i32
      %lt3A = arith.constant 250 : i32
      %lt3A_124 = arith.cmpi slt, %add3A_123, %lt3A : i32
      %convert_element_type3A_125 = arith.extui %lt3A_124 : i1 to i32
      %cond3A_126 = arith.constant 0 : i32
      %cond3A_127 = arith.cmpi ne, %convert_element_type3A_125, %cond3A_126 : i32
      scf.if %cond3A_127 {
        %ge3A = arith.constant 1 : i32
        %ge3A_195 = arith.cmpi sge, %add3A_121, %ge3A : i32
        %convert_element_type3A_196 = arith.extui %ge3A_195 : i1 to i32
        %cond3A_197 = arith.constant 0 : i32
        %cond3A_198 = arith.cmpi ne, %convert_element_type3A_196, %cond3A_197 : i32
        scf.if %cond3A_198 {
          %dma_wait3A_212 = arith.constant 0 : i32
          %dma_wait3A_213 = arith.constant 0 : i32
          %dma_wait3A_214 = tpu.memref_slice %arg14[%dma_wait3A_212, %dma_wait3A_213] : memref<1x80xi32, #tpu.memory_space<vmem>> -> memref<1x80xi32, #tpu.memory_space<vmem>>
          %dma_wait3A_215 = tpu.memref_squeeze %dma_wait3A_214 : memref<1x80xi32, #tpu.memory_space<vmem>> -> memref<80xi32, #tpu.memory_space<vmem>>
          %dma_wait3A_216 = arith.constant 0 : i32
          %dma_wait3A_217 = arith.constant 0 : i32
          %dma_wait3A_218 = tpu.memref_slice %arg21[%dma_wait3A_216, %dma_wait3A_217] : memref<2568x128xf32, #tpu.memory_space<vmem_shared>> -> memref<2568x128xf32, #tpu.memory_space<vmem_shared>>
          tpu.wait_indirect_dma semaphore(%arg25 : memref<!tpu.dma_semaphore, #tpu.memory_space<semaphore_mem>>) src(%arg19 : memref<80x128xf32, #tpu.memory_space<vmem>>) dst(%dma_wait3A_218 : memref<2568x128xf32, #tpu.memory_space<vmem_shared>>)
        } else {
        }
        %add3A_199 = arith.constant 1 : i32
        %add3A_200 = arith.addi %add3A_121, %add3A_199 : i32
        %mul3A_201 = arith.constant 80 : i32
        %mul3A_202 = arith.muli %add3A_200, %mul3A_201 : i32
        %add3A_203 = arith.addi %mul3A_0, %mul3A_202 : i32
        %dma_start3A_204 = arith.constant 0 : i32
        %dma_start3A_205 = tpu.memref_slice %arg11[%add3A_200, %dma_start3A_204] : memref<250x80xi32, #tpu.memory_space<vmem>> -> memref<1x80xi32, #tpu.memory_space<vmem>>
        %dma_start3A_206 = tpu.memref_squeeze %dma_start3A_205 : memref<1x80xi32, #tpu.memory_space<vmem>> -> memref<80xi32, #tpu.memory_space<vmem>>
        %dma_start3A_207 = arith.constant 0 : i32
        %dma_start3A_208 = arith.constant 0 : i32
        %dma_start3A_209 = tpu.memref_slice %arg5[%dma_start3A_207, %dma_start3A_208] : memref<10000x128xf32, #tpu.memory_space<hbm>> -> memref<10000x128xf32, #tpu.memory_space<hbm>>
        tpu.enqueue_indirect_dma source(%dma_start3A_209 : memref<10000x128xf32, #tpu.memory_space<hbm>>) target(%arg19 : memref<80x128xf32, #tpu.memory_space<vmem>>) offsets(%dma_start3A_206 : memref<80xi32, #tpu.memory_space<vmem>>) semaphore(%arg23 : memref<!tpu.dma_semaphore, #tpu.memory_space<semaphore_mem>>)
        %dma_start3A_210 = tpu.memref_slice %arg4[%add3A_203] : memref<320000xf32, #tpu.memory_space<hbm>> -> memref<80xf32, #tpu.memory_space<hbm>>
        %dma_start3A_211 = tpu.memref_slice %arg4[%add3A_203] : memref<320000xf32, #tpu.memory_space<hbm>> -> memref<80xf32, #tpu.memory_space<hbm>>
        tpu.enqueue_dma source(%dma_start3A_211 : memref<80xf32, #tpu.memory_space<hbm>>) target(%arg16 : memref<80xf32, #tpu.memory_space<vmem>>) target_semaphore(%arg23 : memref<!tpu.dma_semaphore, #tpu.memory_space<semaphore_mem>>)
      } else {
      }
      %mul3A_128 = arith.constant 80 : i32
      %mul3A_129 = arith.muli %add3A_121, %mul3A_128 : i32
      %add3A_130 = arith.addi %mul3A_0, %mul3A_129 : i32
      %dma_wait3A_131 = arith.constant 0 : i32
      %dma_wait3A_132 = tpu.memref_slice %arg11[%add3A_121, %dma_wait3A_131] : memref<250x80xi32, #tpu.memory_space<vmem>> -> memref<1x80xi32, #tpu.memory_space<vmem>>
      %dma_wait3A_133 = tpu.memref_squeeze %dma_wait3A_132 : memref<1x80xi32, #tpu.memory_space<vmem>> -> memref<80xi32, #tpu.memory_space<vmem>>
      %dma_wait3A_134 = arith.constant 0 : i32
      %dma_wait3A_135 = arith.constant 0 : i32
      %dma_wait3A_136 = tpu.memref_slice %arg5[%dma_wait3A_134, %dma_wait3A_135] : memref<10000x128xf32, #tpu.memory_space<hbm>> -> memref<10000x128xf32, #tpu.memory_space<hbm>>
      tpu.wait_indirect_dma semaphore(%arg22 : memref<!tpu.dma_semaphore, #tpu.memory_space<semaphore_mem>>) src(%dma_wait3A_136 : memref<10000x128xf32, #tpu.memory_space<hbm>>) dst(%arg18 : memref<80x128xf32, #tpu.memory_space<vmem>>)
      %dma_wait3A_137 = tpu.memref_slice %arg4[%add3A_130] : memref<320000xf32, #tpu.memory_space<hbm>> -> memref<80xf32, #tpu.memory_space<hbm>>
      %dma_wait3A_138 = tpu.memref_slice %arg4[%add3A_130] : memref<320000xf32, #tpu.memory_space<hbm>> -> memref<80xf32, #tpu.memory_space<hbm>>
      tpu.wait_dma2 semaphore(%arg22 : memref<!tpu.dma_semaphore, #tpu.memory_space<semaphore_mem>>) src(%dma_wait3A_138 : memref<80xf32, #tpu.memory_space<hbm>>) dst(%arg15 : memref<80xf32, #tpu.memory_space<vmem>>)
      %scan3A_139 = arith.constant 0 : i32
      %scan3A_140 = arith.constant 5 : i32
      %scan3A_141 = arith.addi %scan3A_139, %scan3A_140 : i32
      %scan3A_142 = arith.constant 1 : i32
      scf.for %scan3A_195 = %scan3A_139 to %scan3A_141 step %scan3A_142  : i32 {
        %mul3A_196 = arith.constant 1 : i32
        %mul3A_197 = arith.muli %scan3A_195, %mul3A_196 : i32
        %add3A_198 = arith.constant 0 : i32
        %add3A_199 = arith.addi %add3A_198, %mul3A_197 : i32
        %mul3A_200 = arith.constant 16 : i32
        %mul3A_201 = arith.muli %add3A_199, %mul3A_200 : i32
        %get3A = arith.index_cast %add3A_121 : i32 to index
        %get3A_202 = arith.index_cast %mul3A_201 : i32 to index
        %get3A_203 = tpu.vector_load %arg12[%get3A, %get3A_202] {strides = array<i32>} : memref<250x80xi32, #tpu.memory_space<vmem>>, vector<16xi32>,
        %sub3A = vector.broadcast %mul3A_9 : i32 to vector<16xi32>
        %sub3A_204 = arith.subi %get3A_203, %sub3A : vector<16xi32>
        %ge3A = arith.constant 0 : i32
        %ge3A_205 = vector.broadcast %ge3A : i32 to vector<16xi32>
        %ge3A_206 = arith.cmpi sge, %sub3A_204, %ge3A_205 : vector<16xi32>
        %lt3A_207 = arith.constant 2560 : i32
        %lt3A_208 = vector.broadcast %lt3A_207 : i32 to vector<16xi32>
        %lt3A_209 = arith.cmpi slt, %sub3A_204, %lt3A_208 : vector<16xi32>
        %and3A = arith.andi %ge3A_206, %lt3A_209 : vector<16xi1>
        %jit3A = arith.constant 2560 : i32
        %broadcast_in_dim3A = vector.broadcast %jit3A : i32 to vector<16xi32>
        %select_n3A = arith.select %and3A, %sub3A_204, %broadcast_in_dim3A : vector<16xi1>, vector<16xi32>
        %mul3A_210 = arith.constant 16 : i32
        %mul3A_211 = arith.muli %add3A_199, %mul3A_210 : i32
        %swap3A = arith.constant 0 : i32
        %swap3A_212 = arith.index_cast %swap3A : i32 to index
        %swap3A_213 = arith.index_cast %mul3A_211 : i32 to index
        %swap3A_214 = tpu.vector_load %arg13[%swap3A_212, %swap3A_213] {strides = array<i32>} : memref<1x80xi32, #tpu.memory_space<vmem>>, vector<16xi32>,
        tpu.vector_store %arg13[%swap3A_212, %swap3A_213], %select_n3A {strides = array<i32>} : memref<1x80xi32, #tpu.memory_space<vmem>>, vector<16xi32>,
      }
      %scan3A_143 = arith.constant 5 : i32
      %scan3A_144 = arith.constant 0 : i32
      %scan3A_145 = arith.constant 80 : i32
      %scan3A_146 = arith.addi %scan3A_144, %scan3A_145 : i32
      %scan3A_147 = arith.constant 1 : i32
      scf.for %scan3A_195 = %scan3A_144 to %scan3A_146 step %scan3A_147  : i32 {
        %mul3A_196 = arith.constant 1 : i32
        %mul3A_197 = arith.muli %scan3A_195, %mul3A_196 : i32
        %add3A_198 = arith.constant 0 : i32
        %add3A_199 = arith.addi %add3A_198, %mul3A_197 : i32
        %broadcast_in_dim3A = vector.broadcast %add3A_199 : i32 to vector<16xi32>
        %gather3A = tpu.vector_load_idx %arg15[%broadcast_in_dim3A] : memref<80xf32, #tpu.memory_space<vmem>>[vector<16xi32>], vector<16xf32>,
        %get3A = arith.index_cast %add3A_199 : i32 to index
        %get3A_200 = arith.constant 0 : index
        %get3A_201 = tpu.vector_load %arg18[%get3A, %get3A_200] {strides = array<i32>} : memref<80x128xf32, #tpu.memory_space<vmem>>, vector<16xf32>,
        %mul3A_202 = arith.mulf %get3A_201, %gather3A : vector<16xf32>
        %swap3A = arith.index_cast %add3A_199 : i32 to index
        %swap3A_203 = arith.constant 0 : index
        %swap3A_204 = tpu.vector_load %arg18[%swap3A, %swap3A_203] {strides = array<i32>} : memref<80x128xf32, #tpu.memory_space<vmem>>, vector<16xf32>,
        tpu.vector_store %arg18[%swap3A, %swap3A_203], %mul3A_202 {strides = array<i32>} : memref<80x128xf32, #tpu.memory_space<vmem>>, vector<16xf32>,
        %get3A_205 = arith.index_cast %add3A_199 : i32 to index
        %get3A_206 = arith.constant 16 : index
        %get3A_207 = tpu.vector_load %arg18[%get3A_205, %get3A_206] {strides = array<i32>} : memref<80x128xf32, #tpu.memory_space<vmem>>, vector<16xf32>,
        %mul3A_208 = arith.mulf %get3A_207, %gather3A : vector<16xf32>
        %swap3A_209 = arith.index_cast %add3A_199 : i32 to index
        %swap3A_210 = arith.constant 16 : index
        %swap3A_211 = tpu.vector_load %arg18[%swap3A_209, %swap3A_210] {strides = array<i32>} : memref<80x128xf32, #tpu.memory_space<vmem>>, vector<16xf32>,
        tpu.vector_store %arg18[%swap3A_209, %swap3A_210], %mul3A_208 {strides = array<i32>} : memref<80x128xf32, #tpu.memory_space<vmem>>, vector<16xf32>,
        %get3A_212 = arith.index_cast %add3A_199 : i32 to index
        %get3A_213 = arith.constant 32 : index
        %get3A_214 = tpu.vector_load %arg18[%get3A_212, %get3A_213] {strides = array<i32>} : memref<80x128xf32, #tpu.memory_space<vmem>>, vector<16xf32>,
        %mul3A_215 = arith.mulf %get3A_214, %gather3A : vector<16xf32>
        %swap3A_216 = arith.index_cast %add3A_199 : i32 to index
        %swap3A_217 = arith.constant 32 : index
        %swap3A_218 = tpu.vector_load %arg18[%swap3A_216, %swap3A_217] {strides = array<i32>} : memref<80x128xf32, #tpu.memory_space<vmem>>, vector<16xf32>,
        tpu.vector_store %arg18[%swap3A_216, %swap3A_217], %mul3A_215 {strides = array<i32>} : memref<80x128xf32, #tpu.memory_space<vmem>>, vector<16xf32>,
        %get3A_219 = arith.index_cast %add3A_199 : i32 to index
        %get3A_220 = arith.constant 48 : index
        %get3A_221 = tpu.vector_load %arg18[%get3A_219, %get3A_220] {strides = array<i32>} : memref<80x128xf32, #tpu.memory_space<vmem>>, vector<16xf32>,
        %mul3A_222 = arith.mulf %get3A_221, %gather3A : vector<16xf32>
        %swap3A_223 = arith.index_cast %add3A_199 : i32 to index
        %swap3A_224 = arith.constant 48 : index
        %swap3A_225 = tpu.vector_load %arg18[%swap3A_223, %swap3A_224] {strides = array<i32>} : memref<80x128xf32, #tpu.memory_space<vmem>>, vector<16xf32>,
        tpu.vector_store %arg18[%swap3A_223, %swap3A_224], %mul3A_222 {strides = array<i32>} : memref<80x128xf32, #tpu.memory_space<vmem>>, vector<16xf32>,
        %get3A_226 = arith.index_cast %add3A_199 : i32 to index
        %get3A_227 = arith.constant 64 : index
        %get3A_228 = tpu.vector_load %arg18[%get3A_226, %get3A_227] {strides = array<i32>} : memref<80x128xf32, #tpu.memory_space<vmem>>, vector<16xf32>,
        %mul3A_229 = arith.mulf %get3A_228, %gather3A : vector<16xf32>
        %swap3A_230 = arith.index_cast %add3A_199 : i32 to index
        %swap3A_231 = arith.constant 64 : index
        %swap3A_232 = tpu.vector_load %arg18[%swap3A_230, %swap3A_231] {strides = array<i32>} : memref<80x128xf32, #tpu.memory_space<vmem>>, vector<16xf32>,
        tpu.vector_store %arg18[%swap3A_230, %swap3A_231], %mul3A_229 {strides = array<i32>} : memref<80x128xf32, #tpu.memory_space<vmem>>, vector<16xf32>,
        %get3A_233 = arith.index_cast %add3A_199 : i32 to index
        %get3A_234 = arith.constant 80 : index
        %get3A_235 = tpu.vector_load %arg18[%get3A_233, %get3A_234] {strides = array<i32>} : memref<80x128xf32, #tpu.memory_space<vmem>>, vector<16xf32>,
        %mul3A_236 = arith.mulf %get3A_235, %gather3A : vector<16xf32>
        %swap3A_237 = arith.index_cast %add3A_199 : i32 to index
        %swap3A_238 = arith.constant 80 : index
        %swap3A_239 = tpu.vector_load %arg18[%swap3A_237, %swap3A_238] {strides = array<i32>} : memref<80x128xf32, #tpu.memory_space<vmem>>, vector<16xf32>,
        tpu.vector_store %arg18[%swap3A_237, %swap3A_238], %mul3A_236 {strides = array<i32>} : memref<80x128xf32, #tpu.memory_space<vmem>>, vector<16xf32>,
        %get3A_240 = arith.index_cast %add3A_199 : i32 to index
        %get3A_241 = arith.constant 96 : index
        %get3A_242 = tpu.vector_load %arg18[%get3A_240, %get3A_241] {strides = array<i32>} : memref<80x128xf32, #tpu.memory_space<vmem>>, vector<16xf32>,
        %mul3A_243 = arith.mulf %get3A_242, %gather3A : vector<16xf32>
        %swap3A_244 = arith.index_cast %add3A_199 : i32 to index
        %swap3A_245 = arith.constant 96 : index
        %swap3A_246 = tpu.vector_load %arg18[%swap3A_244, %swap3A_245] {strides = array<i32>} : memref<80x128xf32, #tpu.memory_space<vmem>>, vector<16xf32>,
        tpu.vector_store %arg18[%swap3A_244, %swap3A_245], %mul3A_243 {strides = array<i32>} : memref<80x128xf32, #tpu.memory_space<vmem>>, vector<16xf32>,
        %get3A_247 = arith.index_cast %add3A_199 : i32 to index
        %get3A_248 = arith.constant 112 : index
        %get3A_249 = tpu.vector_load %arg18[%get3A_247, %get3A_248] {strides = array<i32>} : memref<80x128xf32, #tpu.memory_space<vmem>>, vector<16xf32>,
        %mul3A_250 = arith.mulf %get3A_249, %gather3A : vector<16xf32>
        %swap3A_251 = arith.index_cast %add3A_199 : i32 to index
        %swap3A_252 = arith.constant 112 : index
        %swap3A_253 = tpu.vector_load %arg18[%swap3A_251, %swap3A_252] {strides = array<i32>} : memref<80x128xf32, #tpu.memory_space<vmem>>, vector<16xf32>,
        tpu.vector_store %arg18[%swap3A_251, %swap3A_252], %mul3A_250 {strides = array<i32>} : memref<80x128xf32, #tpu.memory_space<vmem>>, vector<16xf32>,
      }
      %scan3A_148 = arith.constant 80 : i32
      %dma_start3A_149 = arith.constant 0 : i32
      %dma_start3A_150 = arith.constant 0 : i32
      %dma_start3A_151 = tpu.memref_slice %arg13[%dma_start3A_149, %dma_start3A_150] : memref<1x80xi32, #tpu.memory_space<vmem>> -> memref<1x80xi32, #tpu.memory_space<vmem>>
      %dma_start3A_152 = tpu.memref_squeeze %dma_start3A_151 : memref<1x80xi32, #tpu.memory_space<vmem>> -> memref<80xi32, #tpu.memory_space<vmem>>
      %dma_start3A_153 = arith.constant 0 : i32
      %dma_start3A_154 = arith.constant 0 : i32
      %dma_start3A_155 = tpu.memref_slice %arg21[%dma_start3A_153, %dma_start3A_154] : memref<2568x128xf32, #tpu.memory_space<vmem_shared>> -> memref<2568x128xf32, #tpu.memory_space<vmem_shared>>
      tpu.enqueue_indirect_dma source(%arg18 : memref<80x128xf32, #tpu.memory_space<vmem>>) target(%dma_start3A_155 : memref<2568x128xf32, #tpu.memory_space<vmem_shared>>) offsets(%dma_start3A_152 : memref<80xi32, #tpu.memory_space<vmem>>) semaphore(%arg24 : memref<!tpu.dma_semaphore, #tpu.memory_space<semaphore_mem>>) {add = true}
      %mul3A_156 = arith.constant 2 : i32
      %mul3A_157 = arith.muli %add3A_117, %mul3A_156 : i32
      %add3A_158 = arith.constant 1 : i32
      %add3A_159 = arith.addi %mul3A_157, %add3A_158 : i32
      %add3A_160 = arith.constant 1 : i32
      %add3A_161 = arith.addi %add3A_159, %add3A_160 : i32
      %lt3A_162 = arith.constant 250 : i32
      %lt3A_163 = arith.cmpi slt, %add3A_161, %lt3A_162 : i32
      %convert_element_type3A_164 = arith.extui %lt3A_163 : i1 to i32
      %cond3A_165 = arith.constant 0 : i32
      %cond3A_166 = arith.cmpi ne, %convert_element_type3A_164, %cond3A_165 : i32
      scf.if %cond3A_166 {
        %ge3A = arith.constant 1 : i32
        %ge3A_195 = arith.cmpi sge, %add3A_159, %ge3A : i32
        %convert_element_type3A_196 = arith.extui %ge3A_195 : i1 to i32
        %cond3A_197 = arith.constant 0 : i32
        %cond3A_198 = arith.cmpi ne, %convert_element_type3A_196, %cond3A_197 : i32
        scf.if %cond3A_198 {
          %dma_wait3A_212 = arith.constant 0 : i32
          %dma_wait3A_213 = arith.constant 0 : i32
          %dma_wait3A_214 = tpu.memref_slice %arg13[%dma_wait3A_212, %dma_wait3A_213] : memref<1x80xi32, #tpu.memory_space<vmem>> -> memref<1x80xi32, #tpu.memory_space<vmem>>
          %dma_wait3A_215 = tpu.memref_squeeze %dma_wait3A_214 : memref<1x80xi32, #tpu.memory_space<vmem>> -> memref<80xi32, #tpu.memory_space<vmem>>
          %dma_wait3A_216 = arith.constant 0 : i32
          %dma_wait3A_217 = arith.constant 0 : i32
          %dma_wait3A_218 = tpu.memref_slice %arg21[%dma_wait3A_216, %dma_wait3A_217] : memref<2568x128xf32, #tpu.memory_space<vmem_shared>> -> memref<2568x128xf32, #tpu.memory_space<vmem_shared>>
          tpu.wait_indirect_dma semaphore(%arg24 : memref<!tpu.dma_semaphore, #tpu.memory_space<semaphore_mem>>) src(%arg18 : memref<80x128xf32, #tpu.memory_space<vmem>>) dst(%dma_wait3A_218 : memref<2568x128xf32, #tpu.memory_space<vmem_shared>>)
        } else {
        }
        %add3A_199 = arith.constant 1 : i32
        %add3A_200 = arith.addi %add3A_159, %add3A_199 : i32
        %mul3A_201 = arith.constant 80 : i32
        %mul3A_202 = arith.muli %add3A_200, %mul3A_201 : i32
        %add3A_203 = arith.addi %mul3A_0, %mul3A_202 : i32
        %dma_start3A_204 = arith.constant 0 : i32
        %dma_start3A_205 = tpu.memref_slice %arg11[%add3A_200, %dma_start3A_204] : memref<250x80xi32, #tpu.memory_space<vmem>> -> memref<1x80xi32, #tpu.memory_space<vmem>>
        %dma_start3A_206 = tpu.memref_squeeze %dma_start3A_205 : memref<1x80xi32, #tpu.memory_space<vmem>> -> memref<80xi32, #tpu.memory_space<vmem>>
        %dma_start3A_207 = arith.constant 0 : i32
        %dma_start3A_208 = arith.constant 0 : i32
        %dma_start3A_209 = tpu.memref_slice %arg5[%dma_start3A_207, %dma_start3A_208] : memref<10000x128xf32, #tpu.memory_space<hbm>> -> memref<10000x128xf32, #tpu.memory_space<hbm>>
        tpu.enqueue_indirect_dma source(%dma_start3A_209 : memref<10000x128xf32, #tpu.memory_space<hbm>>) target(%arg18 : memref<80x128xf32, #tpu.memory_space<vmem>>) offsets(%dma_start3A_206 : memref<80xi32, #tpu.memory_space<vmem>>) semaphore(%arg22 : memref<!tpu.dma_semaphore, #tpu.memory_space<semaphore_mem>>)
        %dma_start3A_210 = tpu.memref_slice %arg4[%add3A_203] : memref<320000xf32, #tpu.memory_space<hbm>> -> memref<80xf32, #tpu.memory_space<hbm>>
        %dma_start3A_211 = tpu.memref_slice %arg4[%add3A_203] : memref<320000xf32, #tpu.memory_space<hbm>> -> memref<80xf32, #tpu.memory_space<hbm>>
        tpu.enqueue_dma source(%dma_start3A_211 : memref<80xf32, #tpu.memory_space<hbm>>) target(%arg15 : memref<80xf32, #tpu.memory_space<vmem>>) target_semaphore(%arg22 : memref<!tpu.dma_semaphore, #tpu.memory_space<semaphore_mem>>)
      } else {
      }
      %mul3A_167 = arith.constant 80 : i32
      %mul3A_168 = arith.muli %add3A_159, %mul3A_167 : i32
      %add3A_169 = arith.addi %mul3A_0, %mul3A_168 : i32
      %dma_wait3A_170 = arith.constant 0 : i32
      %dma_wait3A_171 = tpu.memref_slice %arg11[%add3A_159, %dma_wait3A_170] : memref<250x80xi32, #tpu.memory_space<vmem>> -> memref<1x80xi32, #tpu.memory_space<vmem>>
      %dma_wait3A_172 = tpu.memref_squeeze %dma_wait3A_171 : memref<1x80xi32, #tpu.memory_space<vmem>> -> memref<80xi32, #tpu.memory_space<vmem>>
      %dma_wait3A_173 = arith.constant 0 : i32
      %dma_wait3A_174 = arith.constant 0 : i32
      %dma_wait3A_175 = tpu.memref_slice %arg5[%dma_wait3A_173, %dma_wait3A_174] : memref<10000x128xf32, #tpu.memory_space<hbm>> -> memref<10000x128xf32, #tpu.memory_space<hbm>>
      tpu.wait_indirect_dma semaphore(%arg23 : memref<!tpu.dma_semaphore, #tpu.memory_space<semaphore_mem>>) src(%dma_wait3A_175 : memref<10000x128xf32, #tpu.memory_space<hbm>>) dst(%arg19 : memref<80x128xf32, #tpu.memory_space<vmem>>)
      %dma_wait3A_176 = tpu.memref_slice %arg4[%add3A_169] : memref<320000xf32, #tpu.memory_space<hbm>> -> memref<80xf32, #tpu.memory_space<hbm>>
      %dma_wait3A_177 = tpu.memref_slice %arg4[%add3A_169] : memref<320000xf32, #tpu.memory_space<hbm>> -> memref<80xf32, #tpu.memory_space<hbm>>
      tpu.wait_dma2 semaphore(%arg23 : memref<!tpu.dma_semaphore, #tpu.memory_space<semaphore_mem>>) src(%dma_wait3A_177 : memref<80xf32, #tpu.memory_space<hbm>>) dst(%arg16 : memref<80xf32, #tpu.memory_space<vmem>>)
      %scan3A_178 = arith.constant 0 : i32
      %scan3A_179 = arith.constant 5 : i32
      %scan3A_180 = arith.addi %scan3A_178, %scan3A_179 : i32
      %scan3A_181 = arith.constant 1 : i32
      scf.for %scan3A_195 = %scan3A_178 to %scan3A_180 step %scan3A_181  : i32 {
        %mul3A_196 = arith.constant 1 : i32
        %mul3A_197 = arith.muli %scan3A_195, %mul3A_196 : i32
        %add3A_198 = arith.constant 0 : i32
        %add3A_199 = arith.addi %add3A_198, %mul3A_197 : i32
        %mul3A_200 = arith.constant 16 : i32
        %mul3A_201 = arith.muli %add3A_199, %mul3A_200 : i32
        %get3A = arith.index_cast %add3A_159 : i32 to index
        %get3A_202 = arith.index_cast %mul3A_201 : i32 to index
        %get3A_203 = tpu.vector_load %arg12[%get3A, %get3A_202] {strides = array<i32>} : memref<250x80xi32, #tpu.memory_space<vmem>>, vector<16xi32>,
        %sub3A = vector.broadcast %mul3A_9 : i32 to vector<16xi32>
        %sub3A_204 = arith.subi %get3A_203, %sub3A : vector<16xi32>
        %ge3A = arith.constant 0 : i32
        %ge3A_205 = vector.broadcast %ge3A : i32 to vector<16xi32>
        %ge3A_206 = arith.cmpi sge, %sub3A_204, %ge3A_205 : vector<16xi32>
        %lt3A_207 = arith.constant 2560 : i32
        %lt3A_208 = vector.broadcast %lt3A_207 : i32 to vector<16xi32>
        %lt3A_209 = arith.cmpi slt, %sub3A_204, %lt3A_208 : vector<16xi32>
        %and3A = arith.andi %ge3A_206, %lt3A_209 : vector<16xi1>
        %jit3A = arith.constant 2560 : i32
        %broadcast_in_dim3A = vector.broadcast %jit3A : i32 to vector<16xi32>
        %select_n3A = arith.select %and3A, %sub3A_204, %broadcast_in_dim3A : vector<16xi1>, vector<16xi32>
        %mul3A_210 = arith.constant 16 : i32
        %mul3A_211 = arith.muli %add3A_199, %mul3A_210 : i32
        %swap3A = arith.constant 0 : i32
        %swap3A_212 = arith.index_cast %swap3A : i32 to index
        %swap3A_213 = arith.index_cast %mul3A_211 : i32 to index
        %swap3A_214 = tpu.vector_load %arg14[%swap3A_212, %swap3A_213] {strides = array<i32>} : memref<1x80xi32, #tpu.memory_space<vmem>>, vector<16xi32>,
        tpu.vector_store %arg14[%swap3A_212, %swap3A_213], %select_n3A {strides = array<i32>} : memref<1x80xi32, #tpu.memory_space<vmem>>, vector<16xi32>,
      }
      %scan3A_182 = arith.constant 5 : i32
      %scan3A_183 = arith.constant 0 : i32
      %scan3A_184 = arith.constant 80 : i32
      %scan3A_185 = arith.addi %scan3A_183, %scan3A_184 : i32
      %scan3A_186 = arith.constant 1 : i32
      scf.for %scan3A_195 = %scan3A_183 to %scan3A_185 step %scan3A_186  : i32 {
        %mul3A_196 = arith.constant 1 : i32
        %mul3A_197 = arith.muli %scan3A_195, %mul3A_196 : i32
        %add3A_198 = arith.constant 0 : i32
        %add3A_199 = arith.addi %add3A_198, %mul3A_197 : i32
        %broadcast_in_dim3A = vector.broadcast %add3A_199 : i32 to vector<16xi32>
        %gather3A = tpu.vector_load_idx %arg16[%broadcast_in_dim3A] : memref<80xf32, #tpu.memory_space<vmem>>[vector<16xi32>], vector<16xf32>,
        %get3A = arith.index_cast %add3A_199 : i32 to index
        %get3A_200 = arith.constant 0 : index
        %get3A_201 = tpu.vector_load %arg19[%get3A, %get3A_200] {strides = array<i32>} : memref<80x128xf32, #tpu.memory_space<vmem>>, vector<16xf32>,
        %mul3A_202 = arith.mulf %get3A_201, %gather3A : vector<16xf32>
        %swap3A = arith.index_cast %add3A_199 : i32 to index
        %swap3A_203 = arith.constant 0 : index
        %swap3A_204 = tpu.vector_load %arg19[%swap3A, %swap3A_203] {strides = array<i32>} : memref<80x128xf32, #tpu.memory_space<vmem>>, vector<16xf32>,
        tpu.vector_store %arg19[%swap3A, %swap3A_203], %mul3A_202 {strides = array<i32>} : memref<80x128xf32, #tpu.memory_space<vmem>>, vector<16xf32>,
        %get3A_205 = arith.index_cast %add3A_199 : i32 to index
        %get3A_206 = arith.constant 16 : index
        %get3A_207 = tpu.vector_load %arg19[%get3A_205, %get3A_206] {strides = array<i32>} : memref<80x128xf32, #tpu.memory_space<vmem>>, vector<16xf32>,
        %mul3A_208 = arith.mulf %get3A_207, %gather3A : vector<16xf32>
        %swap3A_209 = arith.index_cast %add3A_199 : i32 to index
        %swap3A_210 = arith.constant 16 : index
        %swap3A_211 = tpu.vector_load %arg19[%swap3A_209, %swap3A_210] {strides = array<i32>} : memref<80x128xf32, #tpu.memory_space<vmem>>, vector<16xf32>,
        tpu.vector_store %arg19[%swap3A_209, %swap3A_210], %mul3A_208 {strides = array<i32>} : memref<80x128xf32, #tpu.memory_space<vmem>>, vector<16xf32>,
        %get3A_212 = arith.index_cast %add3A_199 : i32 to index
        %get3A_213 = arith.constant 32 : index
        %get3A_214 = tpu.vector_load %arg19[%get3A_212, %get3A_213] {strides = array<i32>} : memref<80x128xf32, #tpu.memory_space<vmem>>, vector<16xf32>,
        %mul3A_215 = arith.mulf %get3A_214, %gather3A : vector<16xf32>
        %swap3A_216 = arith.index_cast %add3A_199 : i32 to index
        %swap3A_217 = arith.constant 32 : index
        %swap3A_218 = tpu.vector_load %arg19[%swap3A_216, %swap3A_217] {strides = array<i32>} : memref<80x128xf32, #tpu.memory_space<vmem>>, vector<16xf32>,
        tpu.vector_store %arg19[%swap3A_216, %swap3A_217], %mul3A_215 {strides = array<i32>} : memref<80x128xf32, #tpu.memory_space<vmem>>, vector<16xf32>,
        %get3A_219 = arith.index_cast %add3A_199 : i32 to index
        %get3A_220 = arith.constant 48 : index
        %get3A_221 = tpu.vector_load %arg19[%get3A_219, %get3A_220] {strides = array<i32>} : memref<80x128xf32, #tpu.memory_space<vmem>>, vector<16xf32>,
        %mul3A_222 = arith.mulf %get3A_221, %gather3A : vector<16xf32>
        %swap3A_223 = arith.index_cast %add3A_199 : i32 to index
        %swap3A_224 = arith.constant 48 : index
        %swap3A_225 = tpu.vector_load %arg19[%swap3A_223, %swap3A_224] {strides = array<i32>} : memref<80x128xf32, #tpu.memory_space<vmem>>, vector<16xf32>,
        tpu.vector_store %arg19[%swap3A_223, %swap3A_224], %mul3A_222 {strides = array<i32>} : memref<80x128xf32, #tpu.memory_space<vmem>>, vector<16xf32>,
        %get3A_226 = arith.index_cast %add3A_199 : i32 to index
        %get3A_227 = arith.constant 64 : index
        %get3A_228 = tpu.vector_load %arg19[%get3A_226, %get3A_227] {strides = array<i32>} : memref<80x128xf32, #tpu.memory_space<vmem>>, vector<16xf32>,
        %mul3A_229 = arith.mulf %get3A_228, %gather3A : vector<16xf32>
        %swap3A_230 = arith.index_cast %add3A_199 : i32 to index
        %swap3A_231 = arith.constant 64 : index
        %swap3A_232 = tpu.vector_load %arg19[%swap3A_230, %swap3A_231] {strides = array<i32>} : memref<80x128xf32, #tpu.memory_space<vmem>>, vector<16xf32>,
        tpu.vector_store %arg19[%swap3A_230, %swap3A_231], %mul3A_229 {strides = array<i32>} : memref<80x128xf32, #tpu.memory_space<vmem>>, vector<16xf32>,
        %get3A_233 = arith.index_cast %add3A_199 : i32 to index
        %get3A_234 = arith.constant 80 : index
        %get3A_235 = tpu.vector_load %arg19[%get3A_233, %get3A_234] {strides = array<i32>} : memref<80x128xf32, #tpu.memory_space<vmem>>, vector<16xf32>,
        %mul3A_236 = arith.mulf %get3A_235, %gather3A : vector<16xf32>
        %swap3A_237 = arith.index_cast %add3A_199 : i32 to index
        %swap3A_238 = arith.constant 80 : index
        %swap3A_239 = tpu.vector_load %arg19[%swap3A_237, %swap3A_238] {strides = array<i32>} : memref<80x128xf32, #tpu.memory_space<vmem>>, vector<16xf32>,
        tpu.vector_store %arg19[%swap3A_237, %swap3A_238], %mul3A_236 {strides = array<i32>} : memref<80x128xf32, #tpu.memory_space<vmem>>, vector<16xf32>,
        %get3A_240 = arith.index_cast %add3A_199 : i32 to index
        %get3A_241 = arith.constant 96 : index
        %get3A_242 = tpu.vector_load %arg19[%get3A_240, %get3A_241] {strides = array<i32>} : memref<80x128xf32, #tpu.memory_space<vmem>>, vector<16xf32>,
        %mul3A_243 = arith.mulf %get3A_242, %gather3A : vector<16xf32>
        %swap3A_244 = arith.index_cast %add3A_199 : i32 to index
        %swap3A_245 = arith.constant 96 : index
        %swap3A_246 = tpu.vector_load %arg19[%swap3A_244, %swap3A_245] {strides = array<i32>} : memref<80x128xf32, #tpu.memory_space<vmem>>, vector<16xf32>,
        tpu.vector_store %arg19[%swap3A_244, %swap3A_245], %mul3A_243 {strides = array<i32>} : memref<80x128xf32, #tpu.memory_space<vmem>>, vector<16xf32>,
        %get3A_247 = arith.index_cast %add3A_199 : i32 to index
        %get3A_248 = arith.constant 112 : index
        %get3A_249 = tpu.vector_load %arg19[%get3A_247, %get3A_248] {strides = array<i32>} : memref<80x128xf32, #tpu.memory_space<vmem>>, vector<16xf32>,
        %mul3A_250 = arith.mulf %get3A_249, %gather3A : vector<16xf32>
        %swap3A_251 = arith.index_cast %add3A_199 : i32 to index
        %swap3A_252 = arith.constant 112 : index
        %swap3A_253 = tpu.vector_load %arg19[%swap3A_251, %swap3A_252] {strides = array<i32>} : memref<80x128xf32, #tpu.memory_space<vmem>>, vector<16xf32>,
        tpu.vector_store %arg19[%swap3A_251, %swap3A_252], %mul3A_250 {strides = array<i32>} : memref<80x128xf32, #tpu.memory_space<vmem>>, vector<16xf32>,
      }
      %scan3A_187 = arith.constant 80 : i32
      %dma_start3A_188 = arith.constant 0 : i32
      %dma_start3A_189 = arith.constant 0 : i32
      %dma_start3A_190 = tpu.memref_slice %arg14[%dma_start3A_188, %dma_start3A_189] : memref<1x80xi32, #tpu.memory_space<vmem>> -> memref<1x80xi32, #tpu.memory_space<vmem>>
      %dma_start3A_191 = tpu.memref_squeeze %dma_start3A_190 : memref<1x80xi32, #tpu.memory_space<vmem>> -> memref<80xi32, #tpu.memory_space<vmem>>
      %dma_start3A_192 = arith.constant 0 : i32
      %dma_start3A_193 = arith.constant 0 : i32
      %dma_start3A_194 = tpu.memref_slice %arg21[%dma_start3A_192, %dma_start3A_193] : memref<2568x128xf32, #tpu.memory_space<vmem_shared>> -> memref<2568x128xf32, #tpu.memory_space<vmem_shared>>
      tpu.enqueue_indirect_dma source(%arg19 : memref<80x128xf32, #tpu.memory_space<vmem>>) target(%dma_start3A_194 : memref<2568x128xf32, #tpu.memory_space<vmem_shared>>) offsets(%dma_start3A_191 : memref<80xi32, #tpu.memory_space<vmem>>) semaphore(%arg25 : memref<!tpu.dma_semaphore, #tpu.memory_space<semaphore_mem>>) {add = true}
    }
    %scan3A_36 = arith.constant 125 : i32
    %dma_wait3A = arith.constant 0 : i32
    %dma_wait3A_37 = arith.constant 0 : i32
    %dma_wait3A_38 = tpu.memref_slice %arg13[%dma_wait3A, %dma_wait3A_37] : memref<1x80xi32, #tpu.memory_space<vmem>> -> memref<1x80xi32, #tpu.memory_space<vmem>>
    %dma_wait3A_39 = tpu.memref_squeeze %dma_wait3A_38 : memref<1x80xi32, #tpu.memory_space<vmem>> -> memref<80xi32, #tpu.memory_space<vmem>>
    %dma_wait3A_40 = arith.constant 0 : i32
    %dma_wait3A_41 = arith.constant 0 : i32
    %dma_wait3A_42 = tpu.memref_slice %arg21[%dma_wait3A_40, %dma_wait3A_41] : memref<2568x128xf32, #tpu.memory_space<vmem_shared>> -> memref<2568x128xf32, #tpu.memory_space<vmem_shared>>
    tpu.wait_indirect_dma semaphore(%arg24 : memref<!tpu.dma_semaphore, #tpu.memory_space<semaphore_mem>>) src(%arg18 : memref<80x128xf32, #tpu.memory_space<vmem>>) dst(%dma_wait3A_42 : memref<2568x128xf32, #tpu.memory_space<vmem_shared>>)
    %dma_wait3A_43 = arith.constant 0 : i32
    %dma_wait3A_44 = arith.constant 0 : i32
    %dma_wait3A_45 = tpu.memref_slice %arg14[%dma_wait3A_43, %dma_wait3A_44] : memref<1x80xi32, #tpu.memory_space<vmem>> -> memref<1x80xi32, #tpu.memory_space<vmem>>
    %dma_wait3A_46 = tpu.memref_squeeze %dma_wait3A_45 : memref<1x80xi32, #tpu.memory_space<vmem>> -> memref<80xi32, #tpu.memory_space<vmem>>
    %dma_wait3A_47 = arith.constant 0 : i32
    %dma_wait3A_48 = arith.constant 0 : i32
    %dma_wait3A_49 = tpu.memref_slice %arg21[%dma_wait3A_47, %dma_wait3A_48] : memref<2568x128xf32, #tpu.memory_space<vmem_shared>> -> memref<2568x128xf32, #tpu.memory_space<vmem_shared>>
    tpu.wait_indirect_dma semaphore(%arg25 : memref<!tpu.dma_semaphore, #tpu.memory_space<semaphore_mem>>) src(%arg19 : memref<80x128xf32, #tpu.memory_space<vmem>>) dst(%dma_wait3A_49 : memref<2568x128xf32, #tpu.memory_space<vmem_shared>>)
    %barrier3A_50 = arith.constant 0 : index
    tpu.barrier barrier_id(%barrier3A_50)
    %scan3A_51 = arith.constant 0 : i32
    %scan3A_52 = arith.constant 10 : i32
    %scan3A_53 = arith.addi %scan3A_51, %scan3A_52 : i32
    %scan3A_54 = arith.constant 1 : i32
    scf.for %scan3A_113 = %scan3A_51 to %scan3A_53 step %scan3A_54  : i32 {
      %mul3A_114 = arith.constant 1 : i32
      %mul3A_115 = arith.muli %scan3A_113, %mul3A_114 : i32
      %add3A_116 = arith.constant 0 : i32
      %add3A_117 = arith.addi %add3A_116, %mul3A_115 : i32
      %mul3A_118 = arith.constant 16 : i32
      %mul3A_119 = arith.muli %add3A_117, %mul3A_118 : i32
      %add3A_120 = arith.addi %mul3A_6, %mul3A_119 : i32
      "tpu.region"() ({
        %run_scoped3A = tpu.sem_alloc : memref<!tpu.dma_semaphore, #tpu.memory_space<semaphore_mem>>
        %dma_start3A_127 = arith.constant 0 : i32
        %dma_start3A_128 = tpu.memref_slice %arg21[%add3A_120, %dma_start3A_127] : memref<2568x128xf32, #tpu.memory_space<vmem_shared>> -> memref<16x128xf32, #tpu.memory_space<vmem_shared>>
        %dma_start3A_129 = arith.constant 0 : i32
        %dma_start3A_130 = tpu.memref_slice %arg21[%add3A_120, %dma_start3A_129] : memref<2568x128xf32, #tpu.memory_space<vmem_shared>> -> memref<16x128xf32, #tpu.memory_space<vmem_shared>>
        tpu.enqueue_dma source(%dma_start3A_130 : memref<16x128xf32, #tpu.memory_space<vmem_shared>>) target(%arg20 : memref<16x128xf32, #tpu.memory_space<vmem>>) target_semaphore(%run_scoped3A : memref<!tpu.dma_semaphore, #tpu.memory_space<semaphore_mem>>)
        %dma_wait3A_131 = arith.constant 0 : i32
        %dma_wait3A_132 = tpu.memref_slice %arg21[%add3A_120, %dma_wait3A_131] : memref<2568x128xf32, #tpu.memory_space<vmem_shared>> -> memref<16x128xf32, #tpu.memory_space<vmem_shared>>
        %dma_wait3A_133 = arith.constant 0 : i32
        %dma_wait3A_134 = tpu.memref_slice %arg21[%add3A_120, %dma_wait3A_133] : memref<2568x128xf32, #tpu.memory_space<vmem_shared>> -> memref<16x128xf32, #tpu.memory_space<vmem_shared>>
        tpu.wait_dma2 semaphore(%run_scoped3A : memref<!tpu.dma_semaphore, #tpu.memory_space<semaphore_mem>>) src(%dma_wait3A_134 : memref<16x128xf32, #tpu.memory_space<vmem_shared>>) dst(%arg20 : memref<16x128xf32, #tpu.memory_space<vmem>>)
        tpu.yield
      }) : () -> ()
      %scan3A_121 = arith.constant 0 : i32
      %scan3A_122 = arith.constant 16 : i32
      %scan3A_123 = arith.addi %scan3A_121, %scan3A_122 : i32
      %scan3A_124 = arith.constant 1 : i32
      scf.for %scan3A_127 = %scan3A_121 to %scan3A_123 step %scan3A_124  : i32 {
        %mul3A_128 = arith.constant 1 : i32
        %mul3A_129 = arith.muli %scan3A_127, %mul3A_128 : i32
        %add3A_130 = arith.constant 0 : i32
        %add3A_131 = arith.addi %add3A_130, %mul3A_129 : i32
        %add3A_132 = arith.addi %mul3A_9, %add3A_120 : i32
        %add3A_133 = arith.addi %add3A_132, %add3A_131 : i32
        %broadcast_in_dim3A = vector.broadcast %add3A_133 : i32 to vector<16xi32>
        %gather3A = tpu.vector_load_idx %arg17[%broadcast_in_dim3A] : memref<10240xf32, #tpu.memory_space<vmem>>[vector<16xi32>], vector<16xf32>,
        %get3A = arith.index_cast %add3A_131 : i32 to index
        %get3A_134 = arith.constant 0 : index
        %get3A_135 = tpu.vector_load %arg20[%get3A, %get3A_134] {strides = array<i32>} : memref<16x128xf32, #tpu.memory_space<vmem>>, vector<16xf32>,
        %mul3A_136 = arith.mulf %get3A_135, %gather3A : vector<16xf32>
        %swap3A = arith.index_cast %add3A_131 : i32 to index
        %swap3A_137 = arith.constant 0 : index
        %swap3A_138 = tpu.vector_load %arg20[%swap3A, %swap3A_137] {strides = array<i32>} : memref<16x128xf32, #tpu.memory_space<vmem>>, vector<16xf32>,
        tpu.vector_store %arg20[%swap3A, %swap3A_137], %mul3A_136 {strides = array<i32>} : memref<16x128xf32, #tpu.memory_space<vmem>>, vector<16xf32>,
        %get3A_139 = arith.index_cast %add3A_131 : i32 to index
        %get3A_140 = arith.constant 16 : index
        %get3A_141 = tpu.vector_load %arg20[%get3A_139, %get3A_140] {strides = array<i32>} : memref<16x128xf32, #tpu.memory_space<vmem>>, vector<16xf32>,
        %mul3A_142 = arith.mulf %get3A_141, %gather3A : vector<16xf32>
        %swap3A_143 = arith.index_cast %add3A_131 : i32 to index
        %swap3A_144 = arith.constant 16 : index
        %swap3A_145 = tpu.vector_load %arg20[%swap3A_143, %swap3A_144] {strides = array<i32>} : memref<16x128xf32, #tpu.memory_space<vmem>>, vector<16xf32>,
        tpu.vector_store %arg20[%swap3A_143, %swap3A_144], %mul3A_142 {strides = array<i32>} : memref<16x128xf32, #tpu.memory_space<vmem>>, vector<16xf32>,
        %get3A_146 = arith.index_cast %add3A_131 : i32 to index
        %get3A_147 = arith.constant 32 : index
        %get3A_148 = tpu.vector_load %arg20[%get3A_146, %get3A_147] {strides = array<i32>} : memref<16x128xf32, #tpu.memory_space<vmem>>, vector<16xf32>,
        %mul3A_149 = arith.mulf %get3A_148, %gather3A : vector<16xf32>
        %swap3A_150 = arith.index_cast %add3A_131 : i32 to index
        %swap3A_151 = arith.constant 32 : index
        %swap3A_152 = tpu.vector_load %arg20[%swap3A_150, %swap3A_151] {strides = array<i32>} : memref<16x128xf32, #tpu.memory_space<vmem>>, vector<16xf32>,
        tpu.vector_store %arg20[%swap3A_150, %swap3A_151], %mul3A_149 {strides = array<i32>} : memref<16x128xf32, #tpu.memory_space<vmem>>, vector<16xf32>,
        %get3A_153 = arith.index_cast %add3A_131 : i32 to index
        %get3A_154 = arith.constant 48 : index
        %get3A_155 = tpu.vector_load %arg20[%get3A_153, %get3A_154] {strides = array<i32>} : memref<16x128xf32, #tpu.memory_space<vmem>>, vector<16xf32>,
        %mul3A_156 = arith.mulf %get3A_155, %gather3A : vector<16xf32>
        %swap3A_157 = arith.index_cast %add3A_131 : i32 to index
        %swap3A_158 = arith.constant 48 : index
        %swap3A_159 = tpu.vector_load %arg20[%swap3A_157, %swap3A_158] {strides = array<i32>} : memref<16x128xf32, #tpu.memory_space<vmem>>, vector<16xf32>,
        tpu.vector_store %arg20[%swap3A_157, %swap3A_158], %mul3A_156 {strides = array<i32>} : memref<16x128xf32, #tpu.memory_space<vmem>>, vector<16xf32>,
        %get3A_160 = arith.index_cast %add3A_131 : i32 to index
        %get3A_161 = arith.constant 64 : index
        %get3A_162 = tpu.vector_load %arg20[%get3A_160, %get3A_161] {strides = array<i32>} : memref<16x128xf32, #tpu.memory_space<vmem>>, vector<16xf32>,
        %mul3A_163 = arith.mulf %get3A_162, %gather3A : vector<16xf32>
        %swap3A_164 = arith.index_cast %add3A_131 : i32 to index
        %swap3A_165 = arith.constant 64 : index
        %swap3A_166 = tpu.vector_load %arg20[%swap3A_164, %swap3A_165] {strides = array<i32>} : memref<16x128xf32, #tpu.memory_space<vmem>>, vector<16xf32>,
        tpu.vector_store %arg20[%swap3A_164, %swap3A_165], %mul3A_163 {strides = array<i32>} : memref<16x128xf32, #tpu.memory_space<vmem>>, vector<16xf32>,
        %get3A_167 = arith.index_cast %add3A_131 : i32 to index
        %get3A_168 = arith.constant 80 : index
        %get3A_169 = tpu.vector_load %arg20[%get3A_167, %get3A_168] {strides = array<i32>} : memref<16x128xf32, #tpu.memory_space<vmem>>, vector<16xf32>,
        %mul3A_170 = arith.mulf %get3A_169, %gather3A : vector<16xf32>
        %swap3A_171 = arith.index_cast %add3A_131 : i32 to index
        %swap3A_172 = arith.constant 80 : index
        %swap3A_173 = tpu.vector_load %arg20[%swap3A_171, %swap3A_172] {strides = array<i32>} : memref<16x128xf32, #tpu.memory_space<vmem>>, vector<16xf32>,
        tpu.vector_store %arg20[%swap3A_171, %swap3A_172], %mul3A_170 {strides = array<i32>} : memref<16x128xf32, #tpu.memory_space<vmem>>, vector<16xf32>,
        %get3A_174 = arith.index_cast %add3A_131 : i32 to index
        %get3A_175 = arith.constant 96 : index
        %get3A_176 = tpu.vector_load %arg20[%get3A_174, %get3A_175] {strides = array<i32>} : memref<16x128xf32, #tpu.memory_space<vmem>>, vector<16xf32>,
        %mul3A_177 = arith.mulf %get3A_176, %gather3A : vector<16xf32>
        %swap3A_178 = arith.index_cast %add3A_131 : i32 to index
        %swap3A_179 = arith.constant 96 : index
        %swap3A_180 = tpu.vector_load %arg20[%swap3A_178, %swap3A_179] {strides = array<i32>} : memref<16x128xf32, #tpu.memory_space<vmem>>, vector<16xf32>,
        tpu.vector_store %arg20[%swap3A_178, %swap3A_179], %mul3A_177 {strides = array<i32>} : memref<16x128xf32, #tpu.memory_space<vmem>>, vector<16xf32>,
        %get3A_181 = arith.index_cast %add3A_131 : i32 to index
        %get3A_182 = arith.constant 112 : index
        %get3A_183 = tpu.vector_load %arg20[%get3A_181, %get3A_182] {strides = array<i32>} : memref<16x128xf32, #tpu.memory_space<vmem>>, vector<16xf32>,
        %mul3A_184 = arith.mulf %get3A_183, %gather3A : vector<16xf32>
        %swap3A_185 = arith.index_cast %add3A_131 : i32 to index
        %swap3A_186 = arith.constant 112 : index
        %swap3A_187 = tpu.vector_load %arg20[%swap3A_185, %swap3A_186] {strides = array<i32>} : memref<16x128xf32, #tpu.memory_space<vmem>>, vector<16xf32>,
        tpu.vector_store %arg20[%swap3A_185, %swap3A_186], %mul3A_184 {strides = array<i32>} : memref<16x128xf32, #tpu.memory_space<vmem>>, vector<16xf32>,
      }
      %scan3A_125 = arith.constant 16 : i32
      %add3A_126 = arith.addi %mul3A_9, %add3A_120 : i32
      "tpu.region"() ({
        %run_scoped3A = tpu.sem_alloc : memref<!tpu.dma_semaphore, #tpu.memory_space<semaphore_mem>>
        %dma_start3A_127 = arith.constant 0 : i32
        %dma_start3A_128 = tpu.memref_slice %arg8[%add3A_126, %dma_start3A_127] : memref<10240x128xf32, #tpu.memory_space<hbm>> -> memref<16x128xf32, #tpu.memory_space<hbm>>
        %dma_start3A_129 = arith.constant 0 : i32
        %dma_start3A_130 = tpu.memref_slice %arg8[%add3A_126, %dma_start3A_129] : memref<10240x128xf32, #tpu.memory_space<hbm>> -> memref<16x128xf32, #tpu.memory_space<hbm>>
        tpu.enqueue_dma source(%arg20 : memref<16x128xf32, #tpu.memory_space<vmem>>) target(%dma_start3A_130 : memref<16x128xf32, #tpu.memory_space<hbm>>) target_semaphore(%run_scoped3A : memref<!tpu.dma_semaphore, #tpu.memory_space<semaphore_mem>>)
        %dma_wait3A_131 = arith.constant 0 : i32
        %dma_wait3A_132 = tpu.memref_slice %arg8[%add3A_126, %dma_wait3A_131] : memref<10240x128xf32, #tpu.memory_space<hbm>> -> memref<16x128xf32, #tpu.memory_space<hbm>>
        %dma_wait3A_133 = arith.constant 0 : i32
        %dma_wait3A_134 = tpu.memref_slice %arg8[%add3A_126, %dma_wait3A_133] : memref<10240x128xf32, #tpu.memory_space<hbm>> -> memref<16x128xf32, #tpu.memory_space<hbm>>
        tpu.wait_dma2 semaphore(%run_scoped3A : memref<!tpu.dma_semaphore, #tpu.memory_space<semaphore_mem>>) src(%arg20 : memref<16x128xf32, #tpu.memory_space<vmem>>) dst(%dma_wait3A_134 : memref<16x128xf32, #tpu.memory_space<hbm>>)
        tpu.yield
      }) : () -> ()
    }
    %scan3A_55 = arith.constant 10 : i32
    %barrier3A_56 = arith.constant 0 : index
    tpu.barrier barrier_id(%barrier3A_56)
    %add3A_57 = arith.constant 2 : i32
    %add3A_58 = arith.addi %add3A_57, %arg0 : i32
    %mul3A_59 = arith.constant 2560 : i32
    %mul3A_60 = arith.muli %add3A_58, %mul3A_59 : i32
    %scan3A_61 = arith.constant 0 : i32
    %scan3A_62 = arith.constant 16 : i32
    %scan3A_63 = arith.addi %scan3A_61, %scan3A_62 : i32
    %scan3A_64 = arith.constant 1 : i32
    scf.for %scan3A_113 = %scan3A_61 to %scan3A_63 step %scan3A_64  : i32 {
      %mul3A_114 = arith.constant 1 : i32
      %mul3A_115 = arith.muli %scan3A_113, %mul3A_114 : i32
      %add3A_116 = arith.constant 0 : i32
      %add3A_117 = arith.addi %add3A_116, %mul3A_115 : i32
      %scan3A_118 = arith.constant 0 : i32
      %scan3A_119 = arith.constant 8 : i32
      %scan3A_120 = arith.addi %scan3A_118, %scan3A_119 : i32
      %scan3A_121 = arith.constant 1 : i32
      scf.for %scan3A_123 = %scan3A_118 to %scan3A_120 step %scan3A_121  : i32 {
        %mul3A_124 = arith.constant 1 : i32
        %mul3A_125 = arith.muli %scan3A_123, %mul3A_124 : i32
        %add3A_126 = arith.constant 0 : i32
        %add3A_127 = arith.addi %add3A_126, %mul3A_125 : i32
        %broadcast_in_dim3A = arith.constant 0.000000e+00 : f32
        %broadcast_in_dim3A_128 = vector.broadcast %broadcast_in_dim3A : f32 to vector<16xf32>
        %mul3A_129 = arith.constant 16 : i32
        %mul3A_130 = arith.muli %add3A_127, %mul3A_129 : i32
        %swap3A = arith.index_cast %add3A_117 : i32 to index
        %swap3A_131 = arith.index_cast %mul3A_130 : i32 to index
        %swap3A_132 = tpu.vector_load %arg20[%swap3A, %swap3A_131] {strides = array<i32>} : memref<16x128xf32, #tpu.memory_space<vmem>>, vector<16xf32>,
        tpu.vector_store %arg20[%swap3A, %swap3A_131], %broadcast_in_dim3A_128 {strides = array<i32>} : memref<16x128xf32, #tpu.memory_space<vmem>>, vector<16xf32>,
      }
      %scan3A_122 = arith.constant 8 : i32
    }
    %scan3A_65 = arith.constant 16 : i32
    %scan3A_66 = arith.constant 0 : i32
    %scan3A_67 = arith.constant 10 : i32
    %scan3A_68 = arith.addi %scan3A_66, %scan3A_67 : i32
    %scan3A_69 = arith.constant 1 : i32
    scf.for %scan3A_113 = %scan3A_66 to %scan3A_68 step %scan3A_69  : i32 {
      %mul3A_114 = arith.constant 1 : i32
      %mul3A_115 = arith.muli %scan3A_113, %mul3A_114 : i32
      %add3A_116 = arith.constant 0 : i32
      %add3A_117 = arith.addi %add3A_116, %mul3A_115 : i32
      %mul3A_118 = arith.constant 16 : i32
      %mul3A_119 = arith.muli %add3A_117, %mul3A_118 : i32
      %add3A_120 = arith.addi %mul3A_6, %mul3A_119 : i32
      "tpu.region"() ({
        %run_scoped3A = tpu.sem_alloc : memref<!tpu.dma_semaphore, #tpu.memory_space<semaphore_mem>>
        %dma_start3A_121 = arith.constant 0 : i32
        %dma_start3A_122 = tpu.memref_slice %arg21[%add3A_120, %dma_start3A_121] : memref<2568x128xf32, #tpu.memory_space<vmem_shared>> -> memref<16x128xf32, #tpu.memory_space<vmem_shared>>
        %dma_start3A_123 = arith.constant 0 : i32
        %dma_start3A_124 = tpu.memref_slice %arg21[%add3A_120, %dma_start3A_123] : memref<2568x128xf32, #tpu.memory_space<vmem_shared>> -> memref<16x128xf32, #tpu.memory_space<vmem_shared>>
        tpu.enqueue_dma source(%arg20 : memref<16x128xf32, #tpu.memory_space<vmem>>) target(%dma_start3A_124 : memref<16x128xf32, #tpu.memory_space<vmem_shared>>) target_semaphore(%run_scoped3A : memref<!tpu.dma_semaphore, #tpu.memory_space<semaphore_mem>>)
        %dma_wait3A_125 = arith.constant 0 : i32
        %dma_wait3A_126 = tpu.memref_slice %arg21[%add3A_120, %dma_wait3A_125] : memref<2568x128xf32, #tpu.memory_space<vmem_shared>> -> memref<16x128xf32, #tpu.memory_space<vmem_shared>>
        %dma_wait3A_127 = arith.constant 0 : i32
        %dma_wait3A_128 = tpu.memref_slice %arg21[%add3A_120, %dma_wait3A_127] : memref<2568x128xf32, #tpu.memory_space<vmem_shared>> -> memref<16x128xf32, #tpu.memory_space<vmem_shared>>
        tpu.wait_dma2 semaphore(%run_scoped3A : memref<!tpu.dma_semaphore, #tpu.memory_space<semaphore_mem>>) src(%arg20 : memref<16x128xf32, #tpu.memory_space<vmem>>) dst(%dma_wait3A_128 : memref<16x128xf32, #tpu.memory_space<vmem_shared>>)
        tpu.yield
      }) : () -> ()
    }
    %scan3A_70 = arith.constant 10 : i32
    %eq3A_71 = arith.constant 0 : i32
    %eq3A_72 = arith.cmpi eq, %arg1, %eq3A_71 : i32
    %convert_element_type3A_73 = arith.extui %eq3A_72 : i1 to i32
    %cond3A_74 = arith.constant 0 : i32
    %cond3A_75 = arith.cmpi ne, %convert_element_type3A_73, %cond3A_74 : i32
    scf.if %cond3A_75 {
      "tpu.region"() ({
        %run_scoped3A = tpu.sem_alloc : memref<!tpu.dma_semaphore, #tpu.memory_space<semaphore_mem>>
        %dma_start3A_113 = arith.constant 0 : i32
        %dma_start3A_114 = arith.constant 0 : i32
        %dma_start3A_115 = tpu.memref_slice %arg20[%dma_start3A_113, %dma_start3A_114] : memref<16x128xf32, #tpu.memory_space<vmem>> -> memref<8x128xf32, #tpu.memory_space<vmem>>
        %dma_start3A_116 = arith.constant 2560 : i32
        %dma_start3A_117 = arith.constant 0 : i32
        %dma_start3A_118 = tpu.memref_slice %arg21[%dma_start3A_116, %dma_start3A_117] : memref<2568x128xf32, #tpu.memory_space<vmem_shared>> -> memref<8x128xf32, #tpu.memory_space<vmem_shared>>
        %dma_start3A_119 = arith.constant 2560 : i32
        %dma_start3A_120 = arith.constant 0 : i32
        %dma_start3A_121 = tpu.memref_slice %arg21[%dma_start3A_119, %dma_start3A_120] : memref<2568x128xf32, #tpu.memory_space<vmem_shared>> -> memref<8x128xf32, #tpu.memory_space<vmem_shared>>
        %dma_start3A_122 = arith.constant 0 : i32
        %dma_start3A_123 = arith.constant 0 : i32
        %dma_start3A_124 = tpu.memref_slice %arg20[%dma_start3A_122, %dma_start3A_123] : memref<16x128xf32, #tpu.memory_space<vmem>> -> memref<8x128xf32, #tpu.memory_space<vmem>>
        tpu.enqueue_dma source(%dma_start3A_124 : memref<8x128xf32, #tpu.memory_space<vmem>>) target(%dma_start3A_121 : memref<8x128xf32, #tpu.memory_space<vmem_shared>>) target_semaphore(%run_scoped3A : memref<!tpu.dma_semaphore, #tpu.memory_space<semaphore_mem>>)
        %dma_wait3A_125 = arith.constant 0 : i32
        %dma_wait3A_126 = arith.constant 0 : i32
        %dma_wait3A_127 = tpu.memref_slice %arg20[%dma_wait3A_125, %dma_wait3A_126] : memref<16x128xf32, #tpu.memory_space<vmem>> -> memref<8x128xf32, #tpu.memory_space<vmem>>
        %dma_wait3A_128 = arith.constant 2560 : i32
        %dma_wait3A_129 = arith.constant 0 : i32
        %dma_wait3A_130 = tpu.memref_slice %arg21[%dma_wait3A_128, %dma_wait3A_129] : memref<2568x128xf32, #tpu.memory_space<vmem_shared>> -> memref<8x128xf32, #tpu.memory_space<vmem_shared>>
        %dma_wait3A_131 = arith.constant 2560 : i32
        %dma_wait3A_132 = arith.constant 0 : i32
        %dma_wait3A_133 = tpu.memref_slice %arg21[%dma_wait3A_131, %dma_wait3A_132] : memref<2568x128xf32, #tpu.memory_space<vmem_shared>> -> memref<8x128xf32, #tpu.memory_space<vmem_shared>>
        %dma_wait3A_134 = arith.constant 0 : i32
        %dma_wait3A_135 = arith.constant 0 : i32
        %dma_wait3A_136 = tpu.memref_slice %arg20[%dma_wait3A_134, %dma_wait3A_135] : memref<16x128xf32, #tpu.memory_space<vmem>> -> memref<8x128xf32, #tpu.memory_space<vmem>>
        tpu.wait_dma2 semaphore(%run_scoped3A : memref<!tpu.dma_semaphore, #tpu.memory_space<semaphore_mem>>) src(%dma_wait3A_136 : memref<8x128xf32, #tpu.memory_space<vmem>>) dst(%dma_wait3A_133 : memref<8x128xf32, #tpu.memory_space<vmem_shared>>)
        tpu.yield
      }) : () -> ()
    } else {
    }
    %add3A_76 = arith.constant 0 : i32
    %add3A_77 = arith.addi %mul3A_0, %add3A_76 : i32
    %dma_start3A_78 = arith.constant 0 : i32
    %dma_start3A_79 = arith.constant 0 : i32
    %dma_start3A_80 = tpu.memref_slice %arg11[%dma_start3A_78, %dma_start3A_79] : memref<250x80xi32, #tpu.memory_space<vmem>> -> memref<1x80xi32, #tpu.memory_space<vmem>>
    %dma_start3A_81 = tpu.memref_squeeze %dma_start3A_80 : memref<1x80xi32, #tpu.memory_space<vmem>> -> memref<80xi32, #tpu.memory_space<vmem>>
    %dma_start3A_82 = arith.constant 0 : i32
    %dma_start3A_83 = arith.constant 0 : i32
    %dma_start3A_84 = tpu.memref_slice %arg5[%dma_start3A_82, %dma_start3A_83] : memref<10000x128xf32, #tpu.memory_space<hbm>> -> memref<10000x128xf32, #tpu.memory_space<hbm>>
    tpu.enqueue_indirect_dma source(%dma_start3A_84 : memref<10000x128xf32, #tpu.memory_space<hbm>>) target(%arg18 : memref<80x128xf32, #tpu.memory_space<vmem>>) offsets(%dma_start3A_81 : memref<80xi32, #tpu.memory_space<vmem>>) semaphore(%arg22 : memref<!tpu.dma_semaphore, #tpu.memory_space<semaphore_mem>>)
    %dma_start3A_85 = tpu.memref_slice %arg4[%add3A_77] : memref<320000xf32, #tpu.memory_space<hbm>> -> memref<80xf32, #tpu.memory_space<hbm>>
    %dma_start3A_86 = tpu.memref_slice %arg4[%add3A_77] : memref<320000xf32, #tpu.memory_space<hbm>> -> memref<80xf32, #tpu.memory_space<hbm>>
    tpu.enqueue_dma source(%dma_start3A_86 : memref<80xf32, #tpu.memory_space<hbm>>) target(%arg15 : memref<80xf32, #tpu.memory_space<vmem>>) target_semaphore(%arg22 : memref<!tpu.dma_semaphore, #tpu.memory_space<semaphore_mem>>)
    %barrier3A_87 = arith.constant 0 : index
    tpu.barrier barrier_id(%barrier3A_87)
    %scan3A_88 = arith.constant 0 : i32
    %scan3A_89 = arith.constant 125 : i32
    %scan3A_90 = arith.addi %scan3A_88, %scan3A_89 : i32
    %scan3A_91 = arith.constant 1 : i32
    scf.for %scan3A_113 = %scan3A_88 to %scan3A_90 step %scan3A_91  : i32 {
      %mul3A_114 = arith.constant 1 : i32
      %mul3A_115 = arith.muli %scan3A_113, %mul3A_114 : i32
      %add3A_116 = arith.constant 0 : i32
      %add3A_117 = arith.addi %add3A_116, %mul3A_115 : i32
      %mul3A_118 = arith.constant 2 : i32
      %mul3A_119 = arith.muli %add3A_117, %mul3A_118 : i32
      %add3A_120 = arith.constant 0 : i32
      %add3A_121 = arith.addi %mul3A_119, %add3A_120 : i32
      %add3A_122 = arith.constant 1 : i32
      %add3A_123 = arith.addi %add3A_121, %add3A_122 : i32
      %lt3A = arith.constant 250 : i32
      %lt3A_124 = arith.cmpi slt, %add3A_123, %lt3A : i32
      %convert_element_type3A_125 = arith.extui %lt3A_124 : i1 to i32
      %cond3A_126 = arith.constant 0 : i32
      %cond3A_127 = arith.cmpi ne, %convert_element_type3A_125, %cond3A_126 : i32
      scf.if %cond3A_127 {
        %ge3A = arith.constant 1 : i32
        %ge3A_195 = arith.cmpi sge, %add3A_121, %ge3A : i32
        %convert_element_type3A_196 = arith.extui %ge3A_195 : i1 to i32
        %cond3A_197 = arith.constant 0 : i32
        %cond3A_198 = arith.cmpi ne, %convert_element_type3A_196, %cond3A_197 : i32
        scf.if %cond3A_198 {
          %dma_wait3A_212 = arith.constant 0 : i32
          %dma_wait3A_213 = arith.constant 0 : i32
          %dma_wait3A_214 = tpu.memref_slice %arg14[%dma_wait3A_212, %dma_wait3A_213] : memref<1x80xi32, #tpu.memory_space<vmem>> -> memref<1x80xi32, #tpu.memory_space<vmem>>
          %dma_wait3A_215 = tpu.memref_squeeze %dma_wait3A_214 : memref<1x80xi32, #tpu.memory_space<vmem>> -> memref<80xi32, #tpu.memory_space<vmem>>
          %dma_wait3A_216 = arith.constant 0 : i32
          %dma_wait3A_217 = arith.constant 0 : i32
          %dma_wait3A_218 = tpu.memref_slice %arg21[%dma_wait3A_216, %dma_wait3A_217] : memref<2568x128xf32, #tpu.memory_space<vmem_shared>> -> memref<2568x128xf32, #tpu.memory_space<vmem_shared>>
          tpu.wait_indirect_dma semaphore(%arg25 : memref<!tpu.dma_semaphore, #tpu.memory_space<semaphore_mem>>) src(%arg19 : memref<80x128xf32, #tpu.memory_space<vmem>>) dst(%dma_wait3A_218 : memref<2568x128xf32, #tpu.memory_space<vmem_shared>>)
        } else {
        }
        %add3A_199 = arith.constant 1 : i32
        %add3A_200 = arith.addi %add3A_121, %add3A_199 : i32
        %mul3A_201 = arith.constant 80 : i32
        %mul3A_202 = arith.muli %add3A_200, %mul3A_201 : i32
        %add3A_203 = arith.addi %mul3A_0, %mul3A_202 : i32
        %dma_start3A_204 = arith.constant 0 : i32
        %dma_start3A_205 = tpu.memref_slice %arg11[%add3A_200, %dma_start3A_204] : memref<250x80xi32, #tpu.memory_space<vmem>> -> memref<1x80xi32, #tpu.memory_space<vmem>>
        %dma_start3A_206 = tpu.memref_squeeze %dma_start3A_205 : memref<1x80xi32, #tpu.memory_space<vmem>> -> memref<80xi32, #tpu.memory_space<vmem>>
        %dma_start3A_207 = arith.constant 0 : i32
        %dma_start3A_208 = arith.constant 0 : i32
        %dma_start3A_209 = tpu.memref_slice %arg5[%dma_start3A_207, %dma_start3A_208] : memref<10000x128xf32, #tpu.memory_space<hbm>> -> memref<10000x128xf32, #tpu.memory_space<hbm>>
        tpu.enqueue_indirect_dma source(%dma_start3A_209 : memref<10000x128xf32, #tpu.memory_space<hbm>>) target(%arg19 : memref<80x128xf32, #tpu.memory_space<vmem>>) offsets(%dma_start3A_206 : memref<80xi32, #tpu.memory_space<vmem>>) semaphore(%arg23 : memref<!tpu.dma_semaphore, #tpu.memory_space<semaphore_mem>>)
        %dma_start3A_210 = tpu.memref_slice %arg4[%add3A_203] : memref<320000xf32, #tpu.memory_space<hbm>> -> memref<80xf32, #tpu.memory_space<hbm>>
        %dma_start3A_211 = tpu.memref_slice %arg4[%add3A_203] : memref<320000xf32, #tpu.memory_space<hbm>> -> memref<80xf32, #tpu.memory_space<hbm>>
        tpu.enqueue_dma source(%dma_start3A_211 : memref<80xf32, #tpu.memory_space<hbm>>) target(%arg16 : memref<80xf32, #tpu.memory_space<vmem>>) target_semaphore(%arg23 : memref<!tpu.dma_semaphore, #tpu.memory_space<semaphore_mem>>)
      } else {
      }
      %mul3A_128 = arith.constant 80 : i32
      %mul3A_129 = arith.muli %add3A_121, %mul3A_128 : i32
      %add3A_130 = arith.addi %mul3A_0, %mul3A_129 : i32
      %dma_wait3A_131 = arith.constant 0 : i32
      %dma_wait3A_132 = tpu.memref_slice %arg11[%add3A_121, %dma_wait3A_131] : memref<250x80xi32, #tpu.memory_space<vmem>> -> memref<1x80xi32, #tpu.memory_space<vmem>>
      %dma_wait3A_133 = tpu.memref_squeeze %dma_wait3A_132 : memref<1x80xi32, #tpu.memory_space<vmem>> -> memref<80xi32, #tpu.memory_space<vmem>>
      %dma_wait3A_134 = arith.constant 0 : i32
      %dma_wait3A_135 = arith.constant 0 : i32
      %dma_wait3A_136 = tpu.memref_slice %arg5[%dma_wait3A_134, %dma_wait3A_135] : memref<10000x128xf32, #tpu.memory_space<hbm>> -> memref<10000x128xf32, #tpu.memory_space<hbm>>
      tpu.wait_indirect_dma semaphore(%arg22 : memref<!tpu.dma_semaphore, #tpu.memory_space<semaphore_mem>>) src(%dma_wait3A_136 : memref<10000x128xf32, #tpu.memory_space<hbm>>) dst(%arg18 : memref<80x128xf32, #tpu.memory_space<vmem>>)
      %dma_wait3A_137 = tpu.memref_slice %arg4[%add3A_130] : memref<320000xf32, #tpu.memory_space<hbm>> -> memref<80xf32, #tpu.memory_space<hbm>>
      %dma_wait3A_138 = tpu.memref_slice %arg4[%add3A_130] : memref<320000xf32, #tpu.memory_space<hbm>> -> memref<80xf32, #tpu.memory_space<hbm>>
      tpu.wait_dma2 semaphore(%arg22 : memref<!tpu.dma_semaphore, #tpu.memory_space<semaphore_mem>>) src(%dma_wait3A_138 : memref<80xf32, #tpu.memory_space<hbm>>) dst(%arg15 : memref<80xf32, #tpu.memory_space<vmem>>)
      %scan3A_139 = arith.constant 0 : i32
      %scan3A_140 = arith.constant 5 : i32
      %scan3A_141 = arith.addi %scan3A_139, %scan3A_140 : i32
      %scan3A_142 = arith.constant 1 : i32
      scf.for %scan3A_195 = %scan3A_139 to %scan3A_141 step %scan3A_142  : i32 {
        %mul3A_196 = arith.constant 1 : i32
        %mul3A_197 = arith.muli %scan3A_195, %mul3A_196 : i32
        %add3A_198 = arith.constant 0 : i32
        %add3A_199 = arith.addi %add3A_198, %mul3A_197 : i32
        %mul3A_200 = arith.constant 16 : i32
        %mul3A_201 = arith.muli %add3A_199, %mul3A_200 : i32
        %get3A = arith.index_cast %add3A_121 : i32 to index
        %get3A_202 = arith.index_cast %mul3A_201 : i32 to index
        %get3A_203 = tpu.vector_load %arg12[%get3A, %get3A_202] {strides = array<i32>} : memref<250x80xi32, #tpu.memory_space<vmem>>, vector<16xi32>,
        %sub3A = vector.broadcast %mul3A_60 : i32 to vector<16xi32>
        %sub3A_204 = arith.subi %get3A_203, %sub3A : vector<16xi32>
        %ge3A = arith.constant 0 : i32
        %ge3A_205 = vector.broadcast %ge3A : i32 to vector<16xi32>
        %ge3A_206 = arith.cmpi sge, %sub3A_204, %ge3A_205 : vector<16xi32>
        %lt3A_207 = arith.constant 2560 : i32
        %lt3A_208 = vector.broadcast %lt3A_207 : i32 to vector<16xi32>
        %lt3A_209 = arith.cmpi slt, %sub3A_204, %lt3A_208 : vector<16xi32>
        %and3A = arith.andi %ge3A_206, %lt3A_209 : vector<16xi1>
        %jit3A = arith.constant 2560 : i32
        %broadcast_in_dim3A = vector.broadcast %jit3A : i32 to vector<16xi32>
        %select_n3A = arith.select %and3A, %sub3A_204, %broadcast_in_dim3A : vector<16xi1>, vector<16xi32>
        %mul3A_210 = arith.constant 16 : i32
        %mul3A_211 = arith.muli %add3A_199, %mul3A_210 : i32
        %swap3A = arith.constant 0 : i32
        %swap3A_212 = arith.index_cast %swap3A : i32 to index
        %swap3A_213 = arith.index_cast %mul3A_211 : i32 to index
        %swap3A_214 = tpu.vector_load %arg13[%swap3A_212, %swap3A_213] {strides = array<i32>} : memref<1x80xi32, #tpu.memory_space<vmem>>, vector<16xi32>,
        tpu.vector_store %arg13[%swap3A_212, %swap3A_213], %select_n3A {strides = array<i32>} : memref<1x80xi32, #tpu.memory_space<vmem>>, vector<16xi32>,
      }
      %scan3A_143 = arith.constant 5 : i32
      %scan3A_144 = arith.constant 0 : i32
      %scan3A_145 = arith.constant 80 : i32
      %scan3A_146 = arith.addi %scan3A_144, %scan3A_145 : i32
      %scan3A_147 = arith.constant 1 : i32
      scf.for %scan3A_195 = %scan3A_144 to %scan3A_146 step %scan3A_147  : i32 {
        %mul3A_196 = arith.constant 1 : i32
        %mul3A_197 = arith.muli %scan3A_195, %mul3A_196 : i32
        %add3A_198 = arith.constant 0 : i32
        %add3A_199 = arith.addi %add3A_198, %mul3A_197 : i32
        %broadcast_in_dim3A = vector.broadcast %add3A_199 : i32 to vector<16xi32>
        %gather3A = tpu.vector_load_idx %arg15[%broadcast_in_dim3A] : memref<80xf32, #tpu.memory_space<vmem>>[vector<16xi32>], vector<16xf32>,
        %get3A = arith.index_cast %add3A_199 : i32 to index
        %get3A_200 = arith.constant 0 : index
        %get3A_201 = tpu.vector_load %arg18[%get3A, %get3A_200] {strides = array<i32>} : memref<80x128xf32, #tpu.memory_space<vmem>>, vector<16xf32>,
        %mul3A_202 = arith.mulf %get3A_201, %gather3A : vector<16xf32>
        %swap3A = arith.index_cast %add3A_199 : i32 to index
        %swap3A_203 = arith.constant 0 : index
        %swap3A_204 = tpu.vector_load %arg18[%swap3A, %swap3A_203] {strides = array<i32>} : memref<80x128xf32, #tpu.memory_space<vmem>>, vector<16xf32>,
        tpu.vector_store %arg18[%swap3A, %swap3A_203], %mul3A_202 {strides = array<i32>} : memref<80x128xf32, #tpu.memory_space<vmem>>, vector<16xf32>,
        %get3A_205 = arith.index_cast %add3A_199 : i32 to index
        %get3A_206 = arith.constant 16 : index
        %get3A_207 = tpu.vector_load %arg18[%get3A_205, %get3A_206] {strides = array<i32>} : memref<80x128xf32, #tpu.memory_space<vmem>>, vector<16xf32>,
        %mul3A_208 = arith.mulf %get3A_207, %gather3A : vector<16xf32>
        %swap3A_209 = arith.index_cast %add3A_199 : i32 to index
        %swap3A_210 = arith.constant 16 : index
        %swap3A_211 = tpu.vector_load %arg18[%swap3A_209, %swap3A_210] {strides = array<i32>} : memref<80x128xf32, #tpu.memory_space<vmem>>, vector<16xf32>,
        tpu.vector_store %arg18[%swap3A_209, %swap3A_210], %mul3A_208 {strides = array<i32>} : memref<80x128xf32, #tpu.memory_space<vmem>>, vector<16xf32>,
        %get3A_212 = arith.index_cast %add3A_199 : i32 to index
        %get3A_213 = arith.constant 32 : index
        %get3A_214 = tpu.vector_load %arg18[%get3A_212, %get3A_213] {strides = array<i32>} : memref<80x128xf32, #tpu.memory_space<vmem>>, vector<16xf32>,
        %mul3A_215 = arith.mulf %get3A_214, %gather3A : vector<16xf32>
        %swap3A_216 = arith.index_cast %add3A_199 : i32 to index
        %swap3A_217 = arith.constant 32 : index
        %swap3A_218 = tpu.vector_load %arg18[%swap3A_216, %swap3A_217] {strides = array<i32>} : memref<80x128xf32, #tpu.memory_space<vmem>>, vector<16xf32>,
        tpu.vector_store %arg18[%swap3A_216, %swap3A_217], %mul3A_215 {strides = array<i32>} : memref<80x128xf32, #tpu.memory_space<vmem>>, vector<16xf32>,
        %get3A_219 = arith.index_cast %add3A_199 : i32 to index
        %get3A_220 = arith.constant 48 : index
        %get3A_221 = tpu.vector_load %arg18[%get3A_219, %get3A_220] {strides = array<i32>} : memref<80x128xf32, #tpu.memory_space<vmem>>, vector<16xf32>,
        %mul3A_222 = arith.mulf %get3A_221, %gather3A : vector<16xf32>
        %swap3A_223 = arith.index_cast %add3A_199 : i32 to index
        %swap3A_224 = arith.constant 48 : index
        %swap3A_225 = tpu.vector_load %arg18[%swap3A_223, %swap3A_224] {strides = array<i32>} : memref<80x128xf32, #tpu.memory_space<vmem>>, vector<16xf32>,
        tpu.vector_store %arg18[%swap3A_223, %swap3A_224], %mul3A_222 {strides = array<i32>} : memref<80x128xf32, #tpu.memory_space<vmem>>, vector<16xf32>,
        %get3A_226 = arith.index_cast %add3A_199 : i32 to index
        %get3A_227 = arith.constant 64 : index
        %get3A_228 = tpu.vector_load %arg18[%get3A_226, %get3A_227] {strides = array<i32>} : memref<80x128xf32, #tpu.memory_space<vmem>>, vector<16xf32>,
        %mul3A_229 = arith.mulf %get3A_228, %gather3A : vector<16xf32>
        %swap3A_230 = arith.index_cast %add3A_199 : i32 to index
        %swap3A_231 = arith.constant 64 : index
        %swap3A_232 = tpu.vector_load %arg18[%swap3A_230, %swap3A_231] {strides = array<i32>} : memref<80x128xf32, #tpu.memory_space<vmem>>, vector<16xf32>,
        tpu.vector_store %arg18[%swap3A_230, %swap3A_231], %mul3A_229 {strides = array<i32>} : memref<80x128xf32, #tpu.memory_space<vmem>>, vector<16xf32>,
        %get3A_233 = arith.index_cast %add3A_199 : i32 to index
        %get3A_234 = arith.constant 80 : index
        %get3A_235 = tpu.vector_load %arg18[%get3A_233, %get3A_234] {strides = array<i32>} : memref<80x128xf32, #tpu.memory_space<vmem>>, vector<16xf32>,
        %mul3A_236 = arith.mulf %get3A_235, %gather3A : vector<16xf32>
        %swap3A_237 = arith.index_cast %add3A_199 : i32 to index
        %swap3A_238 = arith.constant 80 : index
        %swap3A_239 = tpu.vector_load %arg18[%swap3A_237, %swap3A_238] {strides = array<i32>} : memref<80x128xf32, #tpu.memory_space<vmem>>, vector<16xf32>,
        tpu.vector_store %arg18[%swap3A_237, %swap3A_238], %mul3A_236 {strides = array<i32>} : memref<80x128xf32, #tpu.memory_space<vmem>>, vector<16xf32>,
        %get3A_240 = arith.index_cast %add3A_199 : i32 to index
        %get3A_241 = arith.constant 96 : index
        %get3A_242 = tpu.vector_load %arg18[%get3A_240, %get3A_241] {strides = array<i32>} : memref<80x128xf32, #tpu.memory_space<vmem>>, vector<16xf32>,
        %mul3A_243 = arith.mulf %get3A_242, %gather3A : vector<16xf32>
        %swap3A_244 = arith.index_cast %add3A_199 : i32 to index
        %swap3A_245 = arith.constant 96 : index
        %swap3A_246 = tpu.vector_load %arg18[%swap3A_244, %swap3A_245] {strides = array<i32>} : memref<80x128xf32, #tpu.memory_space<vmem>>, vector<16xf32>,
        tpu.vector_store %arg18[%swap3A_244, %swap3A_245], %mul3A_243 {strides = array<i32>} : memref<80x128xf32, #tpu.memory_space<vmem>>, vector<16xf32>,
        %get3A_247 = arith.index_cast %add3A_199 : i32 to index
        %get3A_248 = arith.constant 112 : index
        %get3A_249 = tpu.vector_load %arg18[%get3A_247, %get3A_248] {strides = array<i32>} : memref<80x128xf32, #tpu.memory_space<vmem>>, vector<16xf32>,
        %mul3A_250 = arith.mulf %get3A_249, %gather3A : vector<16xf32>
        %swap3A_251 = arith.index_cast %add3A_199 : i32 to index
        %swap3A_252 = arith.constant 112 : index
        %swap3A_253 = tpu.vector_load %arg18[%swap3A_251, %swap3A_252] {strides = array<i32>} : memref<80x128xf32, #tpu.memory_space<vmem>>, vector<16xf32>,
        tpu.vector_store %arg18[%swap3A_251, %swap3A_252], %mul3A_250 {strides = array<i32>} : memref<80x128xf32, #tpu.memory_space<vmem>>, vector<16xf32>,
      }
      %scan3A_148 = arith.constant 80 : i32
      %dma_start3A_149 = arith.constant 0 : i32
      %dma_start3A_150 = arith.constant 0 : i32
      %dma_start3A_151 = tpu.memref_slice %arg13[%dma_start3A_149, %dma_start3A_150] : memref<1x80xi32, #tpu.memory_space<vmem>> -> memref<1x80xi32, #tpu.memory_space<vmem>>
      %dma_start3A_152 = tpu.memref_squeeze %dma_start3A_151 : memref<1x80xi32, #tpu.memory_space<vmem>> -> memref<80xi32, #tpu.memory_space<vmem>>
      %dma_start3A_153 = arith.constant 0 : i32
      %dma_start3A_154 = arith.constant 0 : i32
      %dma_start3A_155 = tpu.memref_slice %arg21[%dma_start3A_153, %dma_start3A_154] : memref<2568x128xf32, #tpu.memory_space<vmem_shared>> -> memref<2568x128xf32, #tpu.memory_space<vmem_shared>>
      tpu.enqueue_indirect_dma source(%arg18 : memref<80x128xf32, #tpu.memory_space<vmem>>) target(%dma_start3A_155 : memref<2568x128xf32, #tpu.memory_space<vmem_shared>>) offsets(%dma_start3A_152 : memref<80xi32, #tpu.memory_space<vmem>>) semaphore(%arg24 : memref<!tpu.dma_semaphore, #tpu.memory_space<semaphore_mem>>) {add = true}
      %mul3A_156 = arith.constant 2 : i32
      %mul3A_157 = arith.muli %add3A_117, %mul3A_156 : i32
      %add3A_158 = arith.constant 1 : i32
      %add3A_159 = arith.addi %mul3A_157, %add3A_158 : i32
      %add3A_160 = arith.constant 1 : i32
      %add3A_161 = arith.addi %add3A_159, %add3A_160 : i32
      %lt3A_162 = arith.constant 250 : i32
      %lt3A_163 = arith.cmpi slt, %add3A_161, %lt3A_162 : i32
      %convert_element_type3A_164 = arith.extui %lt3A_163 : i1 to i32
      %cond3A_165 = arith.constant 0 : i32
      %cond3A_166 = arith.cmpi ne, %convert_element_type3A_164, %cond3A_165 : i32
      scf.if %cond3A_166 {
        %ge3A = arith.constant 1 : i32
        %ge3A_195 = arith.cmpi sge, %add3A_159, %ge3A : i32
        %convert_element_type3A_196 = arith.extui %ge3A_195 : i1 to i32
        %cond3A_197 = arith.constant 0 : i32
        %cond3A_198 = arith.cmpi ne, %convert_element_type3A_196, %cond3A_197 : i32
        scf.if %cond3A_198 {
          %dma_wait3A_212 = arith.constant 0 : i32
          %dma_wait3A_213 = arith.constant 0 : i32
          %dma_wait3A_214 = tpu.memref_slice %arg13[%dma_wait3A_212, %dma_wait3A_213] : memref<1x80xi32, #tpu.memory_space<vmem>> -> memref<1x80xi32, #tpu.memory_space<vmem>>
          %dma_wait3A_215 = tpu.memref_squeeze %dma_wait3A_214 : memref<1x80xi32, #tpu.memory_space<vmem>> -> memref<80xi32, #tpu.memory_space<vmem>>
          %dma_wait3A_216 = arith.constant 0 : i32
          %dma_wait3A_217 = arith.constant 0 : i32
          %dma_wait3A_218 = tpu.memref_slice %arg21[%dma_wait3A_216, %dma_wait3A_217] : memref<2568x128xf32, #tpu.memory_space<vmem_shared>> -> memref<2568x128xf32, #tpu.memory_space<vmem_shared>>
          tpu.wait_indirect_dma semaphore(%arg24 : memref<!tpu.dma_semaphore, #tpu.memory_space<semaphore_mem>>) src(%arg18 : memref<80x128xf32, #tpu.memory_space<vmem>>) dst(%dma_wait3A_218 : memref<2568x128xf32, #tpu.memory_space<vmem_shared>>)
        } else {
        }
        %add3A_199 = arith.constant 1 : i32
        %add3A_200 = arith.addi %add3A_159, %add3A_199 : i32
        %mul3A_201 = arith.constant 80 : i32
        %mul3A_202 = arith.muli %add3A_200, %mul3A_201 : i32
        %add3A_203 = arith.addi %mul3A_0, %mul3A_202 : i32
        %dma_start3A_204 = arith.constant 0 : i32
        %dma_start3A_205 = tpu.memref_slice %arg11[%add3A_200, %dma_start3A_204] : memref<250x80xi32, #tpu.memory_space<vmem>> -> memref<1x80xi32, #tpu.memory_space<vmem>>
        %dma_start3A_206 = tpu.memref_squeeze %dma_start3A_205 : memref<1x80xi32, #tpu.memory_space<vmem>> -> memref<80xi32, #tpu.memory_space<vmem>>
        %dma_start3A_207 = arith.constant 0 : i32
        %dma_start3A_208 = arith.constant 0 : i32
        %dma_start3A_209 = tpu.memref_slice %arg5[%dma_start3A_207, %dma_start3A_208] : memref<10000x128xf32, #tpu.memory_space<hbm>> -> memref<10000x128xf32, #tpu.memory_space<hbm>>
        tpu.enqueue_indirect_dma source(%dma_start3A_209 : memref<10000x128xf32, #tpu.memory_space<hbm>>) target(%arg18 : memref<80x128xf32, #tpu.memory_space<vmem>>) offsets(%dma_start3A_206 : memref<80xi32, #tpu.memory_space<vmem>>) semaphore(%arg22 : memref<!tpu.dma_semaphore, #tpu.memory_space<semaphore_mem>>)
        %dma_start3A_210 = tpu.memref_slice %arg4[%add3A_203] : memref<320000xf32, #tpu.memory_space<hbm>> -> memref<80xf32, #tpu.memory_space<hbm>>
        %dma_start3A_211 = tpu.memref_slice %arg4[%add3A_203] : memref<320000xf32, #tpu.memory_space<hbm>> -> memref<80xf32, #tpu.memory_space<hbm>>
        tpu.enqueue_dma source(%dma_start3A_211 : memref<80xf32, #tpu.memory_space<hbm>>) target(%arg15 : memref<80xf32, #tpu.memory_space<vmem>>) target_semaphore(%arg22 : memref<!tpu.dma_semaphore, #tpu.memory_space<semaphore_mem>>)
      } else {
      }
      %mul3A_167 = arith.constant 80 : i32
      %mul3A_168 = arith.muli %add3A_159, %mul3A_167 : i32
      %add3A_169 = arith.addi %mul3A_0, %mul3A_168 : i32
      %dma_wait3A_170 = arith.constant 0 : i32
      %dma_wait3A_171 = tpu.memref_slice %arg11[%add3A_159, %dma_wait3A_170] : memref<250x80xi32, #tpu.memory_space<vmem>> -> memref<1x80xi32, #tpu.memory_space<vmem>>
      %dma_wait3A_172 = tpu.memref_squeeze %dma_wait3A_171 : memref<1x80xi32, #tpu.memory_space<vmem>> -> memref<80xi32, #tpu.memory_space<vmem>>
      %dma_wait3A_173 = arith.constant 0 : i32
      %dma_wait3A_174 = arith.constant 0 : i32
      %dma_wait3A_175 = tpu.memref_slice %arg5[%dma_wait3A_173, %dma_wait3A_174] : memref<10000x128xf32, #tpu.memory_space<hbm>> -> memref<10000x128xf32, #tpu.memory_space<hbm>>
      tpu.wait_indirect_dma semaphore(%arg23 : memref<!tpu.dma_semaphore, #tpu.memory_space<semaphore_mem>>) src(%dma_wait3A_175 : memref<10000x128xf32, #tpu.memory_space<hbm>>) dst(%arg19 : memref<80x128xf32, #tpu.memory_space<vmem>>)
      %dma_wait3A_176 = tpu.memref_slice %arg4[%add3A_169] : memref<320000xf32, #tpu.memory_space<hbm>> -> memref<80xf32, #tpu.memory_space<hbm>>
      %dma_wait3A_177 = tpu.memref_slice %arg4[%add3A_169] : memref<320000xf32, #tpu.memory_space<hbm>> -> memref<80xf32, #tpu.memory_space<hbm>>
      tpu.wait_dma2 semaphore(%arg23 : memref<!tpu.dma_semaphore, #tpu.memory_space<semaphore_mem>>) src(%dma_wait3A_177 : memref<80xf32, #tpu.memory_space<hbm>>) dst(%arg16 : memref<80xf32, #tpu.memory_space<vmem>>)
      %scan3A_178 = arith.constant 0 : i32
      %scan3A_179 = arith.constant 5 : i32
      %scan3A_180 = arith.addi %scan3A_178, %scan3A_179 : i32
      %scan3A_181 = arith.constant 1 : i32
      scf.for %scan3A_195 = %scan3A_178 to %scan3A_180 step %scan3A_181  : i32 {
        %mul3A_196 = arith.constant 1 : i32
        %mul3A_197 = arith.muli %scan3A_195, %mul3A_196 : i32
        %add3A_198 = arith.constant 0 : i32
        %add3A_199 = arith.addi %add3A_198, %mul3A_197 : i32
        %mul3A_200 = arith.constant 16 : i32
        %mul3A_201 = arith.muli %add3A_199, %mul3A_200 : i32
        %get3A = arith.index_cast %add3A_159 : i32 to index
        %get3A_202 = arith.index_cast %mul3A_201 : i32 to index
        %get3A_203 = tpu.vector_load %arg12[%get3A, %get3A_202] {strides = array<i32>} : memref<250x80xi32, #tpu.memory_space<vmem>>, vector<16xi32>,
        %sub3A = vector.broadcast %mul3A_60 : i32 to vector<16xi32>
        %sub3A_204 = arith.subi %get3A_203, %sub3A : vector<16xi32>
        %ge3A = arith.constant 0 : i32
        %ge3A_205 = vector.broadcast %ge3A : i32 to vector<16xi32>
        %ge3A_206 = arith.cmpi sge, %sub3A_204, %ge3A_205 : vector<16xi32>
        %lt3A_207 = arith.constant 2560 : i32
        %lt3A_208 = vector.broadcast %lt3A_207 : i32 to vector<16xi32>
        %lt3A_209 = arith.cmpi slt, %sub3A_204, %lt3A_208 : vector<16xi32>
        %and3A = arith.andi %ge3A_206, %lt3A_209 : vector<16xi1>
        %jit3A = arith.constant 2560 : i32
        %broadcast_in_dim3A = vector.broadcast %jit3A : i32 to vector<16xi32>
        %select_n3A = arith.select %and3A, %sub3A_204, %broadcast_in_dim3A : vector<16xi1>, vector<16xi32>
        %mul3A_210 = arith.constant 16 : i32
        %mul3A_211 = arith.muli %add3A_199, %mul3A_210 : i32
        %swap3A = arith.constant 0 : i32
        %swap3A_212 = arith.index_cast %swap3A : i32 to index
        %swap3A_213 = arith.index_cast %mul3A_211 : i32 to index
        %swap3A_214 = tpu.vector_load %arg14[%swap3A_212, %swap3A_213] {strides = array<i32>} : memref<1x80xi32, #tpu.memory_space<vmem>>, vector<16xi32>,
        tpu.vector_store %arg14[%swap3A_212, %swap3A_213], %select_n3A {strides = array<i32>} : memref<1x80xi32, #tpu.memory_space<vmem>>, vector<16xi32>,
      }
      %scan3A_182 = arith.constant 5 : i32
      %scan3A_183 = arith.constant 0 : i32
      %scan3A_184 = arith.constant 80 : i32
      %scan3A_185 = arith.addi %scan3A_183, %scan3A_184 : i32
      %scan3A_186 = arith.constant 1 : i32
      scf.for %scan3A_195 = %scan3A_183 to %scan3A_185 step %scan3A_186  : i32 {
        %mul3A_196 = arith.constant 1 : i32
        %mul3A_197 = arith.muli %scan3A_195, %mul3A_196 : i32
        %add3A_198 = arith.constant 0 : i32
        %add3A_199 = arith.addi %add3A_198, %mul3A_197 : i32
        %broadcast_in_dim3A = vector.broadcast %add3A_199 : i32 to vector<16xi32>
        %gather3A = tpu.vector_load_idx %arg16[%broadcast_in_dim3A] : memref<80xf32, #tpu.memory_space<vmem>>[vector<16xi32>], vector<16xf32>,
        %get3A = arith.index_cast %add3A_199 : i32 to index
        %get3A_200 = arith.constant 0 : index
        %get3A_201 = tpu.vector_load %arg19[%get3A, %get3A_200] {strides = array<i32>} : memref<80x128xf32, #tpu.memory_space<vmem>>, vector<16xf32>,
        %mul3A_202 = arith.mulf %get3A_201, %gather3A : vector<16xf32>
        %swap3A = arith.index_cast %add3A_199 : i32 to index
        %swap3A_203 = arith.constant 0 : index
        %swap3A_204 = tpu.vector_load %arg19[%swap3A, %swap3A_203] {strides = array<i32>} : memref<80x128xf32, #tpu.memory_space<vmem>>, vector<16xf32>,
        tpu.vector_store %arg19[%swap3A, %swap3A_203], %mul3A_202 {strides = array<i32>} : memref<80x128xf32, #tpu.memory_space<vmem>>, vector<16xf32>,
        %get3A_205 = arith.index_cast %add3A_199 : i32 to index
        %get3A_206 = arith.constant 16 : index
        %get3A_207 = tpu.vector_load %arg19[%get3A_205, %get3A_206] {strides = array<i32>} : memref<80x128xf32, #tpu.memory_space<vmem>>, vector<16xf32>,
        %mul3A_208 = arith.mulf %get3A_207, %gather3A : vector<16xf32>
        %swap3A_209 = arith.index_cast %add3A_199 : i32 to index
        %swap3A_210 = arith.constant 16 : index
        %swap3A_211 = tpu.vector_load %arg19[%swap3A_209, %swap3A_210] {strides = array<i32>} : memref<80x128xf32, #tpu.memory_space<vmem>>, vector<16xf32>,
        tpu.vector_store %arg19[%swap3A_209, %swap3A_210], %mul3A_208 {strides = array<i32>} : memref<80x128xf32, #tpu.memory_space<vmem>>, vector<16xf32>,
        %get3A_212 = arith.index_cast %add3A_199 : i32 to index
        %get3A_213 = arith.constant 32 : index
        %get3A_214 = tpu.vector_load %arg19[%get3A_212, %get3A_213] {strides = array<i32>} : memref<80x128xf32, #tpu.memory_space<vmem>>, vector<16xf32>,
        %mul3A_215 = arith.mulf %get3A_214, %gather3A : vector<16xf32>
        %swap3A_216 = arith.index_cast %add3A_199 : i32 to index
        %swap3A_217 = arith.constant 32 : index
        %swap3A_218 = tpu.vector_load %arg19[%swap3A_216, %swap3A_217] {strides = array<i32>} : memref<80x128xf32, #tpu.memory_space<vmem>>, vector<16xf32>,
        tpu.vector_store %arg19[%swap3A_216, %swap3A_217], %mul3A_215 {strides = array<i32>} : memref<80x128xf32, #tpu.memory_space<vmem>>, vector<16xf32>,
        %get3A_219 = arith.index_cast %add3A_199 : i32 to index
        %get3A_220 = arith.constant 48 : index
        %get3A_221 = tpu.vector_load %arg19[%get3A_219, %get3A_220] {strides = array<i32>} : memref<80x128xf32, #tpu.memory_space<vmem>>, vector<16xf32>,
        %mul3A_222 = arith.mulf %get3A_221, %gather3A : vector<16xf32>
        %swap3A_223 = arith.index_cast %add3A_199 : i32 to index
        %swap3A_224 = arith.constant 48 : index
        %swap3A_225 = tpu.vector_load %arg19[%swap3A_223, %swap3A_224] {strides = array<i32>} : memref<80x128xf32, #tpu.memory_space<vmem>>, vector<16xf32>,
        tpu.vector_store %arg19[%swap3A_223, %swap3A_224], %mul3A_222 {strides = array<i32>} : memref<80x128xf32, #tpu.memory_space<vmem>>, vector<16xf32>,
        %get3A_226 = arith.index_cast %add3A_199 : i32 to index
        %get3A_227 = arith.constant 64 : index
        %get3A_228 = tpu.vector_load %arg19[%get3A_226, %get3A_227] {strides = array<i32>} : memref<80x128xf32, #tpu.memory_space<vmem>>, vector<16xf32>,
        %mul3A_229 = arith.mulf %get3A_228, %gather3A : vector<16xf32>
        %swap3A_230 = arith.index_cast %add3A_199 : i32 to index
        %swap3A_231 = arith.constant 64 : index
        %swap3A_232 = tpu.vector_load %arg19[%swap3A_230, %swap3A_231] {strides = array<i32>} : memref<80x128xf32, #tpu.memory_space<vmem>>, vector<16xf32>,
        tpu.vector_store %arg19[%swap3A_230, %swap3A_231], %mul3A_229 {strides = array<i32>} : memref<80x128xf32, #tpu.memory_space<vmem>>, vector<16xf32>,
        %get3A_233 = arith.index_cast %add3A_199 : i32 to index
        %get3A_234 = arith.constant 80 : index
        %get3A_235 = tpu.vector_load %arg19[%get3A_233, %get3A_234] {strides = array<i32>} : memref<80x128xf32, #tpu.memory_space<vmem>>, vector<16xf32>,
        %mul3A_236 = arith.mulf %get3A_235, %gather3A : vector<16xf32>
        %swap3A_237 = arith.index_cast %add3A_199 : i32 to index
        %swap3A_238 = arith.constant 80 : index
        %swap3A_239 = tpu.vector_load %arg19[%swap3A_237, %swap3A_238] {strides = array<i32>} : memref<80x128xf32, #tpu.memory_space<vmem>>, vector<16xf32>,
        tpu.vector_store %arg19[%swap3A_237, %swap3A_238], %mul3A_236 {strides = array<i32>} : memref<80x128xf32, #tpu.memory_space<vmem>>, vector<16xf32>,
        %get3A_240 = arith.index_cast %add3A_199 : i32 to index
        %get3A_241 = arith.constant 96 : index
        %get3A_242 = tpu.vector_load %arg19[%get3A_240, %get3A_241] {strides = array<i32>} : memref<80x128xf32, #tpu.memory_space<vmem>>, vector<16xf32>,
        %mul3A_243 = arith.mulf %get3A_242, %gather3A : vector<16xf32>
        %swap3A_244 = arith.index_cast %add3A_199 : i32 to index
        %swap3A_245 = arith.constant 96 : index
        %swap3A_246 = tpu.vector_load %arg19[%swap3A_244, %swap3A_245] {strides = array<i32>} : memref<80x128xf32, #tpu.memory_space<vmem>>, vector<16xf32>,
        tpu.vector_store %arg19[%swap3A_244, %swap3A_245], %mul3A_243 {strides = array<i32>} : memref<80x128xf32, #tpu.memory_space<vmem>>, vector<16xf32>,
        %get3A_247 = arith.index_cast %add3A_199 : i32 to index
        %get3A_248 = arith.constant 112 : index
        %get3A_249 = tpu.vector_load %arg19[%get3A_247, %get3A_248] {strides = array<i32>} : memref<80x128xf32, #tpu.memory_space<vmem>>, vector<16xf32>,
        %mul3A_250 = arith.mulf %get3A_249, %gather3A : vector<16xf32>
        %swap3A_251 = arith.index_cast %add3A_199 : i32 to index
        %swap3A_252 = arith.constant 112 : index
        %swap3A_253 = tpu.vector_load %arg19[%swap3A_251, %swap3A_252] {strides = array<i32>} : memref<80x128xf32, #tpu.memory_space<vmem>>, vector<16xf32>,
        tpu.vector_store %arg19[%swap3A_251, %swap3A_252], %mul3A_250 {strides = array<i32>} : memref<80x128xf32, #tpu.memory_space<vmem>>, vector<16xf32>,
      }
      %scan3A_187 = arith.constant 80 : i32
      %dma_start3A_188 = arith.constant 0 : i32
      %dma_start3A_189 = arith.constant 0 : i32
      %dma_start3A_190 = tpu.memref_slice %arg14[%dma_start3A_188, %dma_start3A_189] : memref<1x80xi32, #tpu.memory_space<vmem>> -> memref<1x80xi32, #tpu.memory_space<vmem>>
      %dma_start3A_191 = tpu.memref_squeeze %dma_start3A_190 : memref<1x80xi32, #tpu.memory_space<vmem>> -> memref<80xi32, #tpu.memory_space<vmem>>
      %dma_start3A_192 = arith.constant 0 : i32
      %dma_start3A_193 = arith.constant 0 : i32
      %dma_start3A_194 = tpu.memref_slice %arg21[%dma_start3A_192, %dma_start3A_193] : memref<2568x128xf32, #tpu.memory_space<vmem_shared>> -> memref<2568x128xf32, #tpu.memory_space<vmem_shared>>
      tpu.enqueue_indirect_dma source(%arg19 : memref<80x128xf32, #tpu.memory_space<vmem>>) target(%dma_start3A_194 : memref<2568x128xf32, #tpu.memory_space<vmem_shared>>) offsets(%dma_start3A_191 : memref<80xi32, #tpu.memory_space<vmem>>) semaphore(%arg25 : memref<!tpu.dma_semaphore, #tpu.memory_space<semaphore_mem>>) {add = true}
    }
    %scan3A_92 = arith.constant 125 : i32
    %dma_wait3A_93 = arith.constant 0 : i32
    %dma_wait3A_94 = arith.constant 0 : i32
    %dma_wait3A_95 = tpu.memref_slice %arg13[%dma_wait3A_93, %dma_wait3A_94] : memref<1x80xi32, #tpu.memory_space<vmem>> -> memref<1x80xi32, #tpu.memory_space<vmem>>
    %dma_wait3A_96 = tpu.memref_squeeze %dma_wait3A_95 : memref<1x80xi32, #tpu.memory_space<vmem>> -> memref<80xi32, #tpu.memory_space<vmem>>
    %dma_wait3A_97 = arith.constant 0 : i32
    %dma_wait3A_98 = arith.constant 0 : i32
    %dma_wait3A_99 = tpu.memref_slice %arg21[%dma_wait3A_97, %dma_wait3A_98] : memref<2568x128xf32, #tpu.memory_space<vmem_shared>> -> memref<2568x128xf32, #tpu.memory_space<vmem_shared>>
    tpu.wait_indirect_dma semaphore(%arg24 : memref<!tpu.dma_semaphore, #tpu.memory_space<semaphore_mem>>) src(%arg18 : memref<80x128xf32, #tpu.memory_space<vmem>>) dst(%dma_wait3A_99 : memref<2568x128xf32, #tpu.memory_space<vmem_shared>>)
    %dma_wait3A_100 = arith.constant 0 : i32
    %dma_wait3A_101 = arith.constant 0 : i32
    %dma_wait3A_102 = tpu.memref_slice %arg14[%dma_wait3A_100, %dma_wait3A_101] : memref<1x80xi32, #tpu.memory_space<vmem>> -> memref<1x80xi32, #tpu.memory_space<vmem>>
    %dma_wait3A_103 = tpu.memref_squeeze %dma_wait3A_102 : memref<1x80xi32, #tpu.memory_space<vmem>> -> memref<80xi32, #tpu.memory_space<vmem>>
    %dma_wait3A_104 = arith.constant 0 : i32
    %dma_wait3A_105 = arith.constant 0 : i32
    %dma_wait3A_106 = tpu.memref_slice %arg21[%dma_wait3A_104, %dma_wait3A_105] : memref<2568x128xf32, #tpu.memory_space<vmem_shared>> -> memref<2568x128xf32, #tpu.memory_space<vmem_shared>>
    tpu.wait_indirect_dma semaphore(%arg25 : memref<!tpu.dma_semaphore, #tpu.memory_space<semaphore_mem>>) src(%arg19 : memref<80x128xf32, #tpu.memory_space<vmem>>) dst(%dma_wait3A_106 : memref<2568x128xf32, #tpu.memory_space<vmem_shared>>)
    %barrier3A_107 = arith.constant 0 : index
    tpu.barrier barrier_id(%barrier3A_107)
    %scan3A_108 = arith.constant 0 : i32
    %scan3A_109 = arith.constant 10 : i32
    %scan3A_110 = arith.addi %scan3A_108, %scan3A_109 : i32
    %scan3A_111 = arith.constant 1 : i32
    scf.for %scan3A_113 = %scan3A_108 to %scan3A_110 step %scan3A_111  : i32 {
      %mul3A_114 = arith.constant 1 : i32
      %mul3A_115 = arith.muli %scan3A_113, %mul3A_114 : i32
      %add3A_116 = arith.constant 0 : i32
      %add3A_117 = arith.addi %add3A_116, %mul3A_115 : i32
      %mul3A_118 = arith.constant 16 : i32
      %mul3A_119 = arith.muli %add3A_117, %mul3A_118 : i32
      %add3A_120 = arith.addi %mul3A_6, %mul3A_119 : i32
      "tpu.region"() ({
        %run_scoped3A = tpu.sem_alloc : memref<!tpu.dma_semaphore, #tpu.memory_space<semaphore_mem>>
        %dma_start3A_127 = arith.constant 0 : i32
        %dma_start3A_128 = tpu.memref_slice %arg21[%add3A_120, %dma_start3A_127] : memref<2568x128xf32, #tpu.memory_space<vmem_shared>> -> memref<16x128xf32, #tpu.memory_space<vmem_shared>>
        %dma_start3A_129 = arith.constant 0 : i32
        %dma_start3A_130 = tpu.memref_slice %arg21[%add3A_120, %dma_start3A_129] : memref<2568x128xf32, #tpu.memory_space<vmem_shared>> -> memref<16x128xf32, #tpu.memory_space<vmem_shared>>
        tpu.enqueue_dma source(%dma_start3A_130 : memref<16x128xf32, #tpu.memory_space<vmem_shared>>) target(%arg20 : memref<16x128xf32, #tpu.memory_space<vmem>>) target_semaphore(%run_scoped3A : memref<!tpu.dma_semaphore, #tpu.memory_space<semaphore_mem>>)
        %dma_wait3A_131 = arith.constant 0 : i32
        %dma_wait3A_132 = tpu.memref_slice %arg21[%add3A_120, %dma_wait3A_131] : memref<2568x128xf32, #tpu.memory_space<vmem_shared>> -> memref<16x128xf32, #tpu.memory_space<vmem_shared>>
        %dma_wait3A_133 = arith.constant 0 : i32
        %dma_wait3A_134 = tpu.memref_slice %arg21[%add3A_120, %dma_wait3A_133] : memref<2568x128xf32, #tpu.memory_space<vmem_shared>> -> memref<16x128xf32, #tpu.memory_space<vmem_shared>>
        tpu.wait_dma2 semaphore(%run_scoped3A : memref<!tpu.dma_semaphore, #tpu.memory_space<semaphore_mem>>) src(%dma_wait3A_134 : memref<16x128xf32, #tpu.memory_space<vmem_shared>>) dst(%arg20 : memref<16x128xf32, #tpu.memory_space<vmem>>)
        tpu.yield
      }) : () -> ()
      %scan3A_121 = arith.constant 0 : i32
      %scan3A_122 = arith.constant 16 : i32
      %scan3A_123 = arith.addi %scan3A_121, %scan3A_122 : i32
      %scan3A_124 = arith.constant 1 : i32
      scf.for %scan3A_127 = %scan3A_121 to %scan3A_123 step %scan3A_124  : i32 {
        %mul3A_128 = arith.constant 1 : i32
        %mul3A_129 = arith.muli %scan3A_127, %mul3A_128 : i32
        %add3A_130 = arith.constant 0 : i32
        %add3A_131 = arith.addi %add3A_130, %mul3A_129 : i32
        %add3A_132 = arith.addi %mul3A_60, %add3A_120 : i32
        %add3A_133 = arith.addi %add3A_132, %add3A_131 : i32
        %broadcast_in_dim3A = vector.broadcast %add3A_133 : i32 to vector<16xi32>
        %gather3A = tpu.vector_load_idx %arg17[%broadcast_in_dim3A] : memref<10240xf32, #tpu.memory_space<vmem>>[vector<16xi32>], vector<16xf32>,
        %get3A = arith.index_cast %add3A_131 : i32 to index
        %get3A_134 = arith.constant 0 : index
        %get3A_135 = tpu.vector_load %arg20[%get3A, %get3A_134] {strides = array<i32>} : memref<16x128xf32, #tpu.memory_space<vmem>>, vector<16xf32>,
        %mul3A_136 = arith.mulf %get3A_135, %gather3A : vector<16xf32>
        %swap3A = arith.index_cast %add3A_131 : i32 to index
        %swap3A_137 = arith.constant 0 : index
        %swap3A_138 = tpu.vector_load %arg20[%swap3A, %swap3A_137] {strides = array<i32>} : memref<16x128xf32, #tpu.memory_space<vmem>>, vector<16xf32>,
        tpu.vector_store %arg20[%swap3A, %swap3A_137], %mul3A_136 {strides = array<i32>} : memref<16x128xf32, #tpu.memory_space<vmem>>, vector<16xf32>,
        %get3A_139 = arith.index_cast %add3A_131 : i32 to index
        %get3A_140 = arith.constant 16 : index
        %get3A_141 = tpu.vector_load %arg20[%get3A_139, %get3A_140] {strides = array<i32>} : memref<16x128xf32, #tpu.memory_space<vmem>>, vector<16xf32>,
        %mul3A_142 = arith.mulf %get3A_141, %gather3A : vector<16xf32>
        %swap3A_143 = arith.index_cast %add3A_131 : i32 to index
        %swap3A_144 = arith.constant 16 : index
        %swap3A_145 = tpu.vector_load %arg20[%swap3A_143, %swap3A_144] {strides = array<i32>} : memref<16x128xf32, #tpu.memory_space<vmem>>, vector<16xf32>,
        tpu.vector_store %arg20[%swap3A_143, %swap3A_144], %mul3A_142 {strides = array<i32>} : memref<16x128xf32, #tpu.memory_space<vmem>>, vector<16xf32>,
        %get3A_146 = arith.index_cast %add3A_131 : i32 to index
        %get3A_147 = arith.constant 32 : index
        %get3A_148 = tpu.vector_load %arg20[%get3A_146, %get3A_147] {strides = array<i32>} : memref<16x128xf32, #tpu.memory_space<vmem>>, vector<16xf32>,
        %mul3A_149 = arith.mulf %get3A_148, %gather3A : vector<16xf32>
        %swap3A_150 = arith.index_cast %add3A_131 : i32 to index
        %swap3A_151 = arith.constant 32 : index
        %swap3A_152 = tpu.vector_load %arg20[%swap3A_150, %swap3A_151] {strides = array<i32>} : memref<16x128xf32, #tpu.memory_space<vmem>>, vector<16xf32>,
        tpu.vector_store %arg20[%swap3A_150, %swap3A_151], %mul3A_149 {strides = array<i32>} : memref<16x128xf32, #tpu.memory_space<vmem>>, vector<16xf32>,
        %get3A_153 = arith.index_cast %add3A_131 : i32 to index
        %get3A_154 = arith.constant 48 : index
        %get3A_155 = tpu.vector_load %arg20[%get3A_153, %get3A_154] {strides = array<i32>} : memref<16x128xf32, #tpu.memory_space<vmem>>, vector<16xf32>,
        %mul3A_156 = arith.mulf %get3A_155, %gather3A : vector<16xf32>
        %swap3A_157 = arith.index_cast %add3A_131 : i32 to index
        %swap3A_158 = arith.constant 48 : index
        %swap3A_159 = tpu.vector_load %arg20[%swap3A_157, %swap3A_158] {strides = array<i32>} : memref<16x128xf32, #tpu.memory_space<vmem>>, vector<16xf32>,
        tpu.vector_store %arg20[%swap3A_157, %swap3A_158], %mul3A_156 {strides = array<i32>} : memref<16x128xf32, #tpu.memory_space<vmem>>, vector<16xf32>,
        %get3A_160 = arith.index_cast %add3A_131 : i32 to index
        %get3A_161 = arith.constant 64 : index
        %get3A_162 = tpu.vector_load %arg20[%get3A_160, %get3A_161] {strides = array<i32>} : memref<16x128xf32, #tpu.memory_space<vmem>>, vector<16xf32>,
        %mul3A_163 = arith.mulf %get3A_162, %gather3A : vector<16xf32>
        %swap3A_164 = arith.index_cast %add3A_131 : i32 to index
        %swap3A_165 = arith.constant 64 : index
        %swap3A_166 = tpu.vector_load %arg20[%swap3A_164, %swap3A_165] {strides = array<i32>} : memref<16x128xf32, #tpu.memory_space<vmem>>, vector<16xf32>,
        tpu.vector_store %arg20[%swap3A_164, %swap3A_165], %mul3A_163 {strides = array<i32>} : memref<16x128xf32, #tpu.memory_space<vmem>>, vector<16xf32>,
        %get3A_167 = arith.index_cast %add3A_131 : i32 to index
        %get3A_168 = arith.constant 80 : index
        %get3A_169 = tpu.vector_load %arg20[%get3A_167, %get3A_168] {strides = array<i32>} : memref<16x128xf32, #tpu.memory_space<vmem>>, vector<16xf32>,
        %mul3A_170 = arith.mulf %get3A_169, %gather3A : vector<16xf32>
        %swap3A_171 = arith.index_cast %add3A_131 : i32 to index
        %swap3A_172 = arith.constant 80 : index
        %swap3A_173 = tpu.vector_load %arg20[%swap3A_171, %swap3A_172] {strides = array<i32>} : memref<16x128xf32, #tpu.memory_space<vmem>>, vector<16xf32>,
        tpu.vector_store %arg20[%swap3A_171, %swap3A_172], %mul3A_170 {strides = array<i32>} : memref<16x128xf32, #tpu.memory_space<vmem>>, vector<16xf32>,
        %get3A_174 = arith.index_cast %add3A_131 : i32 to index
        %get3A_175 = arith.constant 96 : index
        %get3A_176 = tpu.vector_load %arg20[%get3A_174, %get3A_175] {strides = array<i32>} : memref<16x128xf32, #tpu.memory_space<vmem>>, vector<16xf32>,
        %mul3A_177 = arith.mulf %get3A_176, %gather3A : vector<16xf32>
        %swap3A_178 = arith.index_cast %add3A_131 : i32 to index
        %swap3A_179 = arith.constant 96 : index
        %swap3A_180 = tpu.vector_load %arg20[%swap3A_178, %swap3A_179] {strides = array<i32>} : memref<16x128xf32, #tpu.memory_space<vmem>>, vector<16xf32>,
        tpu.vector_store %arg20[%swap3A_178, %swap3A_179], %mul3A_177 {strides = array<i32>} : memref<16x128xf32, #tpu.memory_space<vmem>>, vector<16xf32>,
        %get3A_181 = arith.index_cast %add3A_131 : i32 to index
        %get3A_182 = arith.constant 112 : index
        %get3A_183 = tpu.vector_load %arg20[%get3A_181, %get3A_182] {strides = array<i32>} : memref<16x128xf32, #tpu.memory_space<vmem>>, vector<16xf32>,
        %mul3A_184 = arith.mulf %get3A_183, %gather3A : vector<16xf32>
        %swap3A_185 = arith.index_cast %add3A_131 : i32 to index
        %swap3A_186 = arith.constant 112 : index
        %swap3A_187 = tpu.vector_load %arg20[%swap3A_185, %swap3A_186] {strides = array<i32>} : memref<16x128xf32, #tpu.memory_space<vmem>>, vector<16xf32>,
        tpu.vector_store %arg20[%swap3A_185, %swap3A_186], %mul3A_184 {strides = array<i32>} : memref<16x128xf32, #tpu.memory_space<vmem>>, vector<16xf32>,
      }
      %scan3A_125 = arith.constant 16 : i32
      %add3A_126 = arith.addi %mul3A_60, %add3A_120 : i32
      "tpu.region"() ({
        %run_scoped3A = tpu.sem_alloc : memref<!tpu.dma_semaphore, #tpu.memory_space<semaphore_mem>>
        %dma_start3A_127 = arith.constant 0 : i32
        %dma_start3A_128 = tpu.memref_slice %arg8[%add3A_126, %dma_start3A_127] : memref<10240x128xf32, #tpu.memory_space<hbm>> -> memref<16x128xf32, #tpu.memory_space<hbm>>
        %dma_start3A_129 = arith.constant 0 : i32
        %dma_start3A_130 = tpu.memref_slice %arg8[%add3A_126, %dma_start3A_129] : memref<10240x128xf32, #tpu.memory_space<hbm>> -> memref<16x128xf32, #tpu.memory_space<hbm>>
        tpu.enqueue_dma source(%arg20 : memref<16x128xf32, #tpu.memory_space<vmem>>) target(%dma_start3A_130 : memref<16x128xf32, #tpu.memory_space<hbm>>) target_semaphore(%run_scoped3A : memref<!tpu.dma_semaphore, #tpu.memory_space<semaphore_mem>>)
        %dma_wait3A_131 = arith.constant 0 : i32
        %dma_wait3A_132 = tpu.memref_slice %arg8[%add3A_126, %dma_wait3A_131] : memref<10240x128xf32, #tpu.memory_space<hbm>> -> memref<16x128xf32, #tpu.memory_space<hbm>>
        %dma_wait3A_133 = arith.constant 0 : i32
        %dma_wait3A_134 = tpu.memref_slice %arg8[%add3A_126, %dma_wait3A_133] : memref<10240x128xf32, #tpu.memory_space<hbm>> -> memref<16x128xf32, #tpu.memory_space<hbm>>
        tpu.wait_dma2 semaphore(%run_scoped3A : memref<!tpu.dma_semaphore, #tpu.memory_space<semaphore_mem>>) src(%arg20 : memref<16x128xf32, #tpu.memory_space<vmem>>) dst(%dma_wait3A_134 : memref<16x128xf32, #tpu.memory_space<hbm>>)
        tpu.yield
      }) : () -> ()
    }
    %scan3A_112 = arith.constant 10 : i32
    return
  }
}

#map = affine_map<(d0, d1) -> (0, 0, 0)>
#map1 = affine_map<(d0, d1) -> (0)>
#map2 = affine_map<(d0, d1) -> (0, 0)>
module attributes {stable_mosaic.version = 14 : i64} {
  func.func @body(%arg0: i32, %arg1: i32, %arg2: memref<16x250x80xi32, #tpu.memory_space<hbm>>, %arg3: memref<16x250x80xi32, #tpu.memory_space<hbm>>, %arg4: memref<320000xf32, #tpu.memory_space<hbm>>, %arg5: memref<10000x128xf32, #tpu.memory_space<hbm>>, %arg6: memref<10240xf32, #tpu.memory_space<hbm>>, %arg7: memref<10240x128xf32, #tpu.memory_space<hbm>>, %arg8: memref<250x80xi32, #tpu.memory_space<vmem>>, %arg9: memref<250x80xi32, #tpu.memory_space<vmem>>, %arg10: memref<1x80xi32, #tpu.memory_space<vmem>>, %arg11: memref<1x80xi32, #tpu.memory_space<vmem>>, %arg12: memref<80xf32, #tpu.memory_space<vmem>>, %arg13: memref<80xf32, #tpu.memory_space<vmem>>, %arg14: memref<10240xf32, #tpu.memory_space<vmem>>, %arg15: memref<80x128xf32, #tpu.memory_space<vmem>>, %arg16: memref<80x128xf32, #tpu.memory_space<vmem>>, %arg17: memref<16x128xf32, #tpu.memory_space<vmem>>, %arg18: memref<2568x128xf32, #tpu.memory_space<vmem_shared>>, %arg19: memref<!tpu.dma_semaphore, #tpu.memory_space<semaphore_mem>>, %arg20: memref<!tpu.dma_semaphore, #tpu.memory_space<semaphore_mem>>, %arg21: memref<!tpu.dma_semaphore, #tpu.memory_space<semaphore_mem>>, %arg22: memref<!tpu.dma_semaphore, #tpu.memory_space<semaphore_mem>>) attributes {dimension_semantics = [#tpu.dimension_semantics<core_parallel>, #tpu.dimension_semantics<subcore_parallel>], iteration_bounds = array<i64: 2, 16>, scalar_prefetch = 0 : i64, scratch_operands = 15 : i64, tpu.core_type = #tpu.core_type<sc_vector_subcore>, window_params = [{transform_indices = #map}, {transform_indices = #map}, {transform_indices = #map1}, {transform_indices = #map2}, {transform_indices = #map1}, {transform_indices = #map2}]} {
    %mul3A = arith.constant 20000 : i32
    %mul3A_0 = arith.muli %arg1, %mul3A : i32
    "tpu.region"() ({
      %run_scoped3A = tpu.sem_alloc : memref<!tpu.dma_semaphore, #tpu.memory_space<semaphore_mem>>
      %dma_start3A_108 = arith.constant 0 : i32
      %dma_start3A_109 = arith.constant 0 : i32
      %dma_start3A_110 = tpu.memref_slice %arg2[%arg1, %dma_start3A_108, %dma_start3A_109] : memref<16x250x80xi32, #tpu.memory_space<hbm>> -> memref<1x250x80xi32, #tpu.memory_space<hbm>>
      %dma_start3A_111 = tpu.memref_squeeze %dma_start3A_110 : memref<1x250x80xi32, #tpu.memory_space<hbm>> -> memref<250x80xi32, #tpu.memory_space<hbm>>
      %dma_start3A_112 = arith.constant 0 : i32
      %dma_start3A_113 = arith.constant 0 : i32
      %dma_start3A_114 = tpu.memref_slice %arg2[%arg1, %dma_start3A_112, %dma_start3A_113] : memref<16x250x80xi32, #tpu.memory_space<hbm>> -> memref<1x250x80xi32, #tpu.memory_space<hbm>>
      %dma_start3A_115 = tpu.memref_squeeze %dma_start3A_114 : memref<1x250x80xi32, #tpu.memory_space<hbm>> -> memref<250x80xi32, #tpu.memory_space<hbm>>
      tpu.enqueue_dma source(%dma_start3A_115 : memref<250x80xi32, #tpu.memory_space<hbm>>) target(%arg8 : memref<250x80xi32, #tpu.memory_space<vmem>>) target_semaphore(%run_scoped3A : memref<!tpu.dma_semaphore, #tpu.memory_space<semaphore_mem>>)
      %dma_wait3A_116 = arith.constant 0 : i32
      %dma_wait3A_117 = arith.constant 0 : i32
      %dma_wait3A_118 = tpu.memref_slice %arg2[%arg1, %dma_wait3A_116, %dma_wait3A_117] : memref<16x250x80xi32, #tpu.memory_space<hbm>> -> memref<1x250x80xi32, #tpu.memory_space<hbm>>
      %dma_wait3A_119 = tpu.memref_squeeze %dma_wait3A_118 : memref<1x250x80xi32, #tpu.memory_space<hbm>> -> memref<250x80xi32, #tpu.memory_space<hbm>>
      %dma_wait3A_120 = arith.constant 0 : i32
      %dma_wait3A_121 = arith.constant 0 : i32
      %dma_wait3A_122 = tpu.memref_slice %arg2[%arg1, %dma_wait3A_120, %dma_wait3A_121] : memref<16x250x80xi32, #tpu.memory_space<hbm>> -> memref<1x250x80xi32, #tpu.memory_space<hbm>>
      %dma_wait3A_123 = tpu.memref_squeeze %dma_wait3A_122 : memref<1x250x80xi32, #tpu.memory_space<hbm>> -> memref<250x80xi32, #tpu.memory_space<hbm>>
      tpu.wait_dma2 semaphore(%run_scoped3A : memref<!tpu.dma_semaphore, #tpu.memory_space<semaphore_mem>>) src(%dma_wait3A_123 : memref<250x80xi32, #tpu.memory_space<hbm>>) dst(%arg8 : memref<250x80xi32, #tpu.memory_space<vmem>>)
      tpu.yield
    }) : () -> ()
    "tpu.region"() ({
      %run_scoped3A = tpu.sem_alloc : memref<!tpu.dma_semaphore, #tpu.memory_space<semaphore_mem>>
      %dma_start3A_108 = arith.constant 0 : i32
      %dma_start3A_109 = arith.constant 0 : i32
      %dma_start3A_110 = tpu.memref_slice %arg3[%arg1, %dma_start3A_108, %dma_start3A_109] : memref<16x250x80xi32, #tpu.memory_space<hbm>> -> memref<1x250x80xi32, #tpu.memory_space<hbm>>
      %dma_start3A_111 = tpu.memref_squeeze %dma_start3A_110 : memref<1x250x80xi32, #tpu.memory_space<hbm>> -> memref<250x80xi32, #tpu.memory_space<hbm>>
      %dma_start3A_112 = arith.constant 0 : i32
      %dma_start3A_113 = arith.constant 0 : i32
      %dma_start3A_114 = tpu.memref_slice %arg3[%arg1, %dma_start3A_112, %dma_start3A_113] : memref<16x250x80xi32, #tpu.memory_space<hbm>> -> memref<1x250x80xi32, #tpu.memory_space<hbm>>
      %dma_start3A_115 = tpu.memref_squeeze %dma_start3A_114 : memref<1x250x80xi32, #tpu.memory_space<hbm>> -> memref<250x80xi32, #tpu.memory_space<hbm>>
      tpu.enqueue_dma source(%dma_start3A_115 : memref<250x80xi32, #tpu.memory_space<hbm>>) target(%arg9 : memref<250x80xi32, #tpu.memory_space<vmem>>) target_semaphore(%run_scoped3A : memref<!tpu.dma_semaphore, #tpu.memory_space<semaphore_mem>>)
      %dma_wait3A_116 = arith.constant 0 : i32
      %dma_wait3A_117 = arith.constant 0 : i32
      %dma_wait3A_118 = tpu.memref_slice %arg3[%arg1, %dma_wait3A_116, %dma_wait3A_117] : memref<16x250x80xi32, #tpu.memory_space<hbm>> -> memref<1x250x80xi32, #tpu.memory_space<hbm>>
      %dma_wait3A_119 = tpu.memref_squeeze %dma_wait3A_118 : memref<1x250x80xi32, #tpu.memory_space<hbm>> -> memref<250x80xi32, #tpu.memory_space<hbm>>
      %dma_wait3A_120 = arith.constant 0 : i32
      %dma_wait3A_121 = arith.constant 0 : i32
      %dma_wait3A_122 = tpu.memref_slice %arg3[%arg1, %dma_wait3A_120, %dma_wait3A_121] : memref<16x250x80xi32, #tpu.memory_space<hbm>> -> memref<1x250x80xi32, #tpu.memory_space<hbm>>
      %dma_wait3A_123 = tpu.memref_squeeze %dma_wait3A_122 : memref<1x250x80xi32, #tpu.memory_space<hbm>> -> memref<250x80xi32, #tpu.memory_space<hbm>>
      tpu.wait_dma2 semaphore(%run_scoped3A : memref<!tpu.dma_semaphore, #tpu.memory_space<semaphore_mem>>) src(%dma_wait3A_123 : memref<250x80xi32, #tpu.memory_space<hbm>>) dst(%arg9 : memref<250x80xi32, #tpu.memory_space<vmem>>)
      tpu.yield
    }) : () -> ()
    "tpu.region"() ({
      %run_scoped3A = tpu.sem_alloc : memref<!tpu.dma_semaphore, #tpu.memory_space<semaphore_mem>>
      tpu.enqueue_dma source(%arg6 : memref<10240xf32, #tpu.memory_space<hbm>>) target(%arg14 : memref<10240xf32, #tpu.memory_space<vmem>>) target_semaphore(%run_scoped3A : memref<!tpu.dma_semaphore, #tpu.memory_space<semaphore_mem>>)
      tpu.wait_dma2 semaphore(%run_scoped3A : memref<!tpu.dma_semaphore, #tpu.memory_space<semaphore_mem>>) src(%arg6 : memref<10240xf32, #tpu.memory_space<hbm>>) dst(%arg14 : memref<10240xf32, #tpu.memory_space<vmem>>)
      tpu.yield
    }) : () -> ()
    %mul3A_1 = arith.constant 160 : i32
    %mul3A_2 = arith.muli %arg1, %mul3A_1 : i32
    %add3A = arith.constant 0 : i32
    %add3A_3 = arith.addi %add3A, %arg0 : i32
    %mul3A_4 = arith.constant 2560 : i32
    %mul3A_5 = arith.muli %add3A_3, %mul3A_4 : i32
    %scan3A = arith.constant 0 : i32
    %scan3A_6 = arith.constant 16 : i32
    %scan3A_7 = arith.addi %scan3A, %scan3A_6 : i32
    %scan3A_8 = arith.constant 1 : i32
    scf.for %scan3A_108 = %scan3A to %scan3A_7 step %scan3A_8  : i32 {
      %mul3A_109 = arith.constant 1 : i32
      %mul3A_110 = arith.muli %scan3A_108, %mul3A_109 : i32
      %add3A_111 = arith.constant 0 : i32
      %add3A_112 = arith.addi %add3A_111, %mul3A_110 : i32
      %scan3A_113 = arith.constant 0 : i32
      %scan3A_114 = arith.constant 8 : i32
      %scan3A_115 = arith.addi %scan3A_113, %scan3A_114 : i32
      %scan3A_116 = arith.constant 1 : i32
      scf.for %scan3A_118 = %scan3A_113 to %scan3A_115 step %scan3A_116  : i32 {
        %mul3A_119 = arith.constant 1 : i32
        %mul3A_120 = arith.muli %scan3A_118, %mul3A_119 : i32
        %add3A_121 = arith.constant 0 : i32
        %add3A_122 = arith.addi %add3A_121, %mul3A_120 : i32
        %broadcast_in_dim3A = arith.constant 0.000000e+00 : f32
        %broadcast_in_dim3A_123 = vector.broadcast %broadcast_in_dim3A : f32 to vector<16xf32>
        %mul3A_124 = arith.constant 16 : i32
        %mul3A_125 = arith.muli %add3A_122, %mul3A_124 : i32
        %swap3A = arith.index_cast %add3A_112 : i32 to index
        %swap3A_126 = arith.index_cast %mul3A_125 : i32 to index
        %swap3A_127 = tpu.vector_load %arg17[%swap3A, %swap3A_126] {strides = array<i32>} : memref<16x128xf32, #tpu.memory_space<vmem>>, vector<16xf32>,
        tpu.vector_store %arg17[%swap3A, %swap3A_126], %broadcast_in_dim3A_123 {strides = array<i32>} : memref<16x128xf32, #tpu.memory_space<vmem>>, vector<16xf32>,
      }
      %scan3A_117 = arith.constant 8 : i32
    }
    %scan3A_9 = arith.constant 16 : i32
    %scan3A_10 = arith.constant 0 : i32
    %scan3A_11 = arith.constant 10 : i32
    %scan3A_12 = arith.addi %scan3A_10, %scan3A_11 : i32
    %scan3A_13 = arith.constant 1 : i32
    scf.for %scan3A_108 = %scan3A_10 to %scan3A_12 step %scan3A_13  : i32 {
      %mul3A_109 = arith.constant 1 : i32
      %mul3A_110 = arith.muli %scan3A_108, %mul3A_109 : i32
      %add3A_111 = arith.constant 0 : i32
      %add3A_112 = arith.addi %add3A_111, %mul3A_110 : i32
      %mul3A_113 = arith.constant 16 : i32
      %mul3A_114 = arith.muli %add3A_112, %mul3A_113 : i32
      %add3A_115 = arith.addi %mul3A_2, %mul3A_114 : i32
      "tpu.region"() ({
        %run_scoped3A = tpu.sem_alloc : memref<!tpu.dma_semaphore, #tpu.memory_space<semaphore_mem>>
        %dma_start3A_116 = arith.constant 0 : i32
        %dma_start3A_117 = tpu.memref_slice %arg18[%add3A_115, %dma_start3A_116] : memref<2568x128xf32, #tpu.memory_space<vmem_shared>> -> memref<16x128xf32, #tpu.memory_space<vmem_shared>>
        %dma_start3A_118 = arith.constant 0 : i32
        %dma_start3A_119 = tpu.memref_slice %arg18[%add3A_115, %dma_start3A_118] : memref<2568x128xf32, #tpu.memory_space<vmem_shared>> -> memref<16x128xf32, #tpu.memory_space<vmem_shared>>
        tpu.enqueue_dma source(%arg17 : memref<16x128xf32, #tpu.memory_space<vmem>>) target(%dma_start3A_119 : memref<16x128xf32, #tpu.memory_space<vmem_shared>>) target_semaphore(%run_scoped3A : memref<!tpu.dma_semaphore, #tpu.memory_space<semaphore_mem>>)
        %dma_wait3A_120 = arith.constant 0 : i32
        %dma_wait3A_121 = tpu.memref_slice %arg18[%add3A_115, %dma_wait3A_120] : memref<2568x128xf32, #tpu.memory_space<vmem_shared>> -> memref<16x128xf32, #tpu.memory_space<vmem_shared>>
        %dma_wait3A_122 = arith.constant 0 : i32
        %dma_wait3A_123 = tpu.memref_slice %arg18[%add3A_115, %dma_wait3A_122] : memref<2568x128xf32, #tpu.memory_space<vmem_shared>> -> memref<16x128xf32, #tpu.memory_space<vmem_shared>>
        tpu.wait_dma2 semaphore(%run_scoped3A : memref<!tpu.dma_semaphore, #tpu.memory_space<semaphore_mem>>) src(%arg17 : memref<16x128xf32, #tpu.memory_space<vmem>>) dst(%dma_wait3A_123 : memref<16x128xf32, #tpu.memory_space<vmem_shared>>)
        tpu.yield
      }) : () -> ()
    }
    %scan3A_14 = arith.constant 10 : i32
    %eq3A = arith.constant 0 : i32
    %eq3A_15 = arith.cmpi eq, %arg1, %eq3A : i32
    %convert_element_type3A = arith.extui %eq3A_15 : i1 to i32
    %cond3A = arith.constant 0 : i32
    %cond3A_16 = arith.cmpi ne, %convert_element_type3A, %cond3A : i32
    scf.if %cond3A_16 {
      "tpu.region"() ({
        %run_scoped3A = tpu.sem_alloc : memref<!tpu.dma_semaphore, #tpu.memory_space<semaphore_mem>>
        %dma_start3A_108 = arith.constant 0 : i32
        %dma_start3A_109 = arith.constant 0 : i32
        %dma_start3A_110 = tpu.memref_slice %arg17[%dma_start3A_108, %dma_start3A_109] : memref<16x128xf32, #tpu.memory_space<vmem>> -> memref<8x128xf32, #tpu.memory_space<vmem>>
        %dma_start3A_111 = arith.constant 2560 : i32
        %dma_start3A_112 = arith.constant 0 : i32
        %dma_start3A_113 = tpu.memref_slice %arg18[%dma_start3A_111, %dma_start3A_112] : memref<2568x128xf32, #tpu.memory_space<vmem_shared>> -> memref<8x128xf32, #tpu.memory_space<vmem_shared>>
        %dma_start3A_114 = arith.constant 2560 : i32
        %dma_start3A_115 = arith.constant 0 : i32
        %dma_start3A_116 = tpu.memref_slice %arg18[%dma_start3A_114, %dma_start3A_115] : memref<2568x128xf32, #tpu.memory_space<vmem_shared>> -> memref<8x128xf32, #tpu.memory_space<vmem_shared>>
        %dma_start3A_117 = arith.constant 0 : i32
        %dma_start3A_118 = arith.constant 0 : i32
        %dma_start3A_119 = tpu.memref_slice %arg17[%dma_start3A_117, %dma_start3A_118] : memref<16x128xf32, #tpu.memory_space<vmem>> -> memref<8x128xf32, #tpu.memory_space<vmem>>
        tpu.enqueue_dma source(%dma_start3A_119 : memref<8x128xf32, #tpu.memory_space<vmem>>) target(%dma_start3A_116 : memref<8x128xf32, #tpu.memory_space<vmem_shared>>) target_semaphore(%run_scoped3A : memref<!tpu.dma_semaphore, #tpu.memory_space<semaphore_mem>>)
        %dma_wait3A_120 = arith.constant 0 : i32
        %dma_wait3A_121 = arith.constant 0 : i32
        %dma_wait3A_122 = tpu.memref_slice %arg17[%dma_wait3A_120, %dma_wait3A_121] : memref<16x128xf32, #tpu.memory_space<vmem>> -> memref<8x128xf32, #tpu.memory_space<vmem>>
        %dma_wait3A_123 = arith.constant 2560 : i32
        %dma_wait3A_124 = arith.constant 0 : i32
        %dma_wait3A_125 = tpu.memref_slice %arg18[%dma_wait3A_123, %dma_wait3A_124] : memref<2568x128xf32, #tpu.memory_space<vmem_shared>> -> memref<8x128xf32, #tpu.memory_space<vmem_shared>>
        %dma_wait3A_126 = arith.constant 2560 : i32
        %dma_wait3A_127 = arith.constant 0 : i32
        %dma_wait3A_128 = tpu.memref_slice %arg18[%dma_wait3A_126, %dma_wait3A_127] : memref<2568x128xf32, #tpu.memory_space<vmem_shared>> -> memref<8x128xf32, #tpu.memory_space<vmem_shared>>
        %dma_wait3A_129 = arith.constant 0 : i32
        %dma_wait3A_130 = arith.constant 0 : i32
        %dma_wait3A_131 = tpu.memref_slice %arg17[%dma_wait3A_129, %dma_wait3A_130] : memref<16x128xf32, #tpu.memory_space<vmem>> -> memref<8x128xf32, #tpu.memory_space<vmem>>
        tpu.wait_dma2 semaphore(%run_scoped3A : memref<!tpu.dma_semaphore, #tpu.memory_space<semaphore_mem>>) src(%dma_wait3A_131 : memref<8x128xf32, #tpu.memory_space<vmem>>) dst(%dma_wait3A_128 : memref<8x128xf32, #tpu.memory_space<vmem_shared>>)
        tpu.yield
      }) : () -> ()
    } else {
    }
    %add3A_17 = arith.constant 0 : i32
    %add3A_18 = arith.addi %mul3A_0, %add3A_17 : i32
    %dma_start3A = arith.constant 0 : i32
    %dma_start3A_19 = arith.constant 0 : i32
    %dma_start3A_20 = tpu.memref_slice %arg8[%dma_start3A, %dma_start3A_19] : memref<250x80xi32, #tpu.memory_space<vmem>> -> memref<1x80xi32, #tpu.memory_space<vmem>>
    %dma_start3A_21 = tpu.memref_squeeze %dma_start3A_20 : memref<1x80xi32, #tpu.memory_space<vmem>> -> memref<80xi32, #tpu.memory_space<vmem>>
    %dma_start3A_22 = arith.constant 0 : i32
    %dma_start3A_23 = arith.constant 0 : i32
    %dma_start3A_24 = tpu.memref_slice %arg5[%dma_start3A_22, %dma_start3A_23] : memref<10000x128xf32, #tpu.memory_space<hbm>> -> memref<10000x128xf32, #tpu.memory_space<hbm>>
    tpu.enqueue_indirect_dma source(%dma_start3A_24 : memref<10000x128xf32, #tpu.memory_space<hbm>>) target(%arg15 : memref<80x128xf32, #tpu.memory_space<vmem>>) offsets(%dma_start3A_21 : memref<80xi32, #tpu.memory_space<vmem>>) semaphore(%arg19 : memref<!tpu.dma_semaphore, #tpu.memory_space<semaphore_mem>>)
    %dma_start3A_25 = tpu.memref_slice %arg4[%add3A_18] : memref<320000xf32, #tpu.memory_space<hbm>> -> memref<80xf32, #tpu.memory_space<hbm>>
    %dma_start3A_26 = tpu.memref_slice %arg4[%add3A_18] : memref<320000xf32, #tpu.memory_space<hbm>> -> memref<80xf32, #tpu.memory_space<hbm>>
    tpu.enqueue_dma source(%dma_start3A_26 : memref<80xf32, #tpu.memory_space<hbm>>) target(%arg12 : memref<80xf32, #tpu.memory_space<vmem>>) target_semaphore(%arg19 : memref<!tpu.dma_semaphore, #tpu.memory_space<semaphore_mem>>)
    %barrier3A = arith.constant 0 : index
    tpu.barrier barrier_id(%barrier3A)
    %scan3A_27 = arith.constant 0 : i32
    %scan3A_28 = arith.constant 125 : i32
    %scan3A_29 = arith.addi %scan3A_27, %scan3A_28 : i32
    %scan3A_30 = arith.constant 1 : i32
    scf.for %scan3A_108 = %scan3A_27 to %scan3A_29 step %scan3A_30  : i32 {
      %mul3A_109 = arith.constant 1 : i32
      %mul3A_110 = arith.muli %scan3A_108, %mul3A_109 : i32
      %add3A_111 = arith.constant 0 : i32
      %add3A_112 = arith.addi %add3A_111, %mul3A_110 : i32
      %mul3A_113 = arith.constant 2 : i32
      %mul3A_114 = arith.muli %add3A_112, %mul3A_113 : i32
      %add3A_115 = arith.constant 0 : i32
      %add3A_116 = arith.addi %mul3A_114, %add3A_115 : i32
      %add3A_117 = arith.constant 1 : i32
      %add3A_118 = arith.addi %add3A_116, %add3A_117 : i32
      %lt3A = arith.constant 250 : i32
      %lt3A_119 = arith.cmpi slt, %add3A_118, %lt3A : i32
      %convert_element_type3A_120 = arith.extui %lt3A_119 : i1 to i32
      %cond3A_121 = arith.constant 0 : i32
      %cond3A_122 = arith.cmpi ne, %convert_element_type3A_120, %cond3A_121 : i32
      scf.if %cond3A_122 {
        %ge3A = arith.constant 1 : i32
        %ge3A_190 = arith.cmpi sge, %add3A_116, %ge3A : i32
        %convert_element_type3A_191 = arith.extui %ge3A_190 : i1 to i32
        %cond3A_192 = arith.constant 0 : i32
        %cond3A_193 = arith.cmpi ne, %convert_element_type3A_191, %cond3A_192 : i32
        scf.if %cond3A_193 {
          %dma_wait3A_207 = arith.constant 0 : i32
          %dma_wait3A_208 = arith.constant 0 : i32
          %dma_wait3A_209 = tpu.memref_slice %arg11[%dma_wait3A_207, %dma_wait3A_208] : memref<1x80xi32, #tpu.memory_space<vmem>> -> memref<1x80xi32, #tpu.memory_space<vmem>>
          %dma_wait3A_210 = tpu.memref_squeeze %dma_wait3A_209 : memref<1x80xi32, #tpu.memory_space<vmem>> -> memref<80xi32, #tpu.memory_space<vmem>>
          %dma_wait3A_211 = arith.constant 0 : i32
          %dma_wait3A_212 = arith.constant 0 : i32
          %dma_wait3A_213 = tpu.memref_slice %arg18[%dma_wait3A_211, %dma_wait3A_212] : memref<2568x128xf32, #tpu.memory_space<vmem_shared>> -> memref<2568x128xf32, #tpu.memory_space<vmem_shared>>
          tpu.wait_indirect_dma semaphore(%arg22 : memref<!tpu.dma_semaphore, #tpu.memory_space<semaphore_mem>>) src(%arg16 : memref<80x128xf32, #tpu.memory_space<vmem>>) dst(%dma_wait3A_213 : memref<2568x128xf32, #tpu.memory_space<vmem_shared>>)
        } else {
        }
        %add3A_194 = arith.constant 1 : i32
        %add3A_195 = arith.addi %add3A_116, %add3A_194 : i32
        %mul3A_196 = arith.constant 80 : i32
        %mul3A_197 = arith.muli %add3A_195, %mul3A_196 : i32
        %add3A_198 = arith.addi %mul3A_0, %mul3A_197 : i32
        %dma_start3A_199 = arith.constant 0 : i32
        %dma_start3A_200 = tpu.memref_slice %arg8[%add3A_195, %dma_start3A_199] : memref<250x80xi32, #tpu.memory_space<vmem>> -> memref<1x80xi32, #tpu.memory_space<vmem>>
        %dma_start3A_201 = tpu.memref_squeeze %dma_start3A_200 : memref<1x80xi32, #tpu.memory_space<vmem>> -> memref<80xi32, #tpu.memory_space<vmem>>
        %dma_start3A_202 = arith.constant 0 : i32
        %dma_start3A_203 = arith.constant 0 : i32
        %dma_start3A_204 = tpu.memref_slice %arg5[%dma_start3A_202, %dma_start3A_203] : memref<10000x128xf32, #tpu.memory_space<hbm>> -> memref<10000x128xf32, #tpu.memory_space<hbm>>
        tpu.enqueue_indirect_dma source(%dma_start3A_204 : memref<10000x128xf32, #tpu.memory_space<hbm>>) target(%arg16 : memref<80x128xf32, #tpu.memory_space<vmem>>) offsets(%dma_start3A_201 : memref<80xi32, #tpu.memory_space<vmem>>) semaphore(%arg20 : memref<!tpu.dma_semaphore, #tpu.memory_space<semaphore_mem>>)
        %dma_start3A_205 = tpu.memref_slice %arg4[%add3A_198] : memref<320000xf32, #tpu.memory_space<hbm>> -> memref<80xf32, #tpu.memory_space<hbm>>
        %dma_start3A_206 = tpu.memref_slice %arg4[%add3A_198] : memref<320000xf32, #tpu.memory_space<hbm>> -> memref<80xf32, #tpu.memory_space<hbm>>
        tpu.enqueue_dma source(%dma_start3A_206 : memref<80xf32, #tpu.memory_space<hbm>>) target(%arg13 : memref<80xf32, #tpu.memory_space<vmem>>) target_semaphore(%arg20 : memref<!tpu.dma_semaphore, #tpu.memory_space<semaphore_mem>>)
      } else {
      }
      %mul3A_123 = arith.constant 80 : i32
      %mul3A_124 = arith.muli %add3A_116, %mul3A_123 : i32
      %add3A_125 = arith.addi %mul3A_0, %mul3A_124 : i32
      %dma_wait3A_126 = arith.constant 0 : i32
      %dma_wait3A_127 = tpu.memref_slice %arg8[%add3A_116, %dma_wait3A_126] : memref<250x80xi32, #tpu.memory_space<vmem>> -> memref<1x80xi32, #tpu.memory_space<vmem>>
      %dma_wait3A_128 = tpu.memref_squeeze %dma_wait3A_127 : memref<1x80xi32, #tpu.memory_space<vmem>> -> memref<80xi32, #tpu.memory_space<vmem>>
      %dma_wait3A_129 = arith.constant 0 : i32
      %dma_wait3A_130 = arith.constant 0 : i32
      %dma_wait3A_131 = tpu.memref_slice %arg5[%dma_wait3A_129, %dma_wait3A_130] : memref<10000x128xf32, #tpu.memory_space<hbm>> -> memref<10000x128xf32, #tpu.memory_space<hbm>>
      tpu.wait_indirect_dma semaphore(%arg19 : memref<!tpu.dma_semaphore, #tpu.memory_space<semaphore_mem>>) src(%dma_wait3A_131 : memref<10000x128xf32, #tpu.memory_space<hbm>>) dst(%arg15 : memref<80x128xf32, #tpu.memory_space<vmem>>)
      %dma_wait3A_132 = tpu.memref_slice %arg4[%add3A_125] : memref<320000xf32, #tpu.memory_space<hbm>> -> memref<80xf32, #tpu.memory_space<hbm>>
      %dma_wait3A_133 = tpu.memref_slice %arg4[%add3A_125] : memref<320000xf32, #tpu.memory_space<hbm>> -> memref<80xf32, #tpu.memory_space<hbm>>
      tpu.wait_dma2 semaphore(%arg19 : memref<!tpu.dma_semaphore, #tpu.memory_space<semaphore_mem>>) src(%dma_wait3A_133 : memref<80xf32, #tpu.memory_space<hbm>>) dst(%arg12 : memref<80xf32, #tpu.memory_space<vmem>>)
      %scan3A_134 = arith.constant 0 : i32
      %scan3A_135 = arith.constant 5 : i32
      %scan3A_136 = arith.addi %scan3A_134, %scan3A_135 : i32
      %scan3A_137 = arith.constant 1 : i32
      scf.for %scan3A_190 = %scan3A_134 to %scan3A_136 step %scan3A_137  : i32 {
        %mul3A_191 = arith.constant 1 : i32
        %mul3A_192 = arith.muli %scan3A_190, %mul3A_191 : i32
        %add3A_193 = arith.constant 0 : i32
        %add3A_194 = arith.addi %add3A_193, %mul3A_192 : i32
        %mul3A_195 = arith.constant 16 : i32
        %mul3A_196 = arith.muli %add3A_194, %mul3A_195 : i32
        %get3A = arith.index_cast %add3A_116 : i32 to index
        %get3A_197 = arith.index_cast %mul3A_196 : i32 to index
        %get3A_198 = tpu.vector_load %arg9[%get3A, %get3A_197] {strides = array<i32>} : memref<250x80xi32, #tpu.memory_space<vmem>>, vector<16xi32>,
        %sub3A = vector.broadcast %mul3A_5 : i32 to vector<16xi32>
        %sub3A_199 = arith.subi %get3A_198, %sub3A : vector<16xi32>
        %ge3A = arith.constant 0 : i32
        %ge3A_200 = vector.broadcast %ge3A : i32 to vector<16xi32>
        %ge3A_201 = arith.cmpi sge, %sub3A_199, %ge3A_200 : vector<16xi32>
        %lt3A_202 = arith.constant 2560 : i32
        %lt3A_203 = vector.broadcast %lt3A_202 : i32 to vector<16xi32>
        %lt3A_204 = arith.cmpi slt, %sub3A_199, %lt3A_203 : vector<16xi32>
        %and3A = arith.andi %ge3A_201, %lt3A_204 : vector<16xi1>
        %jit3A = arith.constant 2560 : i32
        %broadcast_in_dim3A = vector.broadcast %jit3A : i32 to vector<16xi32>
        %select_n3A = arith.select %and3A, %sub3A_199, %broadcast_in_dim3A : vector<16xi1>, vector<16xi32>
        %mul3A_205 = arith.constant 16 : i32
        %mul3A_206 = arith.muli %add3A_194, %mul3A_205 : i32
        %swap3A = arith.constant 0 : i32
        %swap3A_207 = arith.index_cast %swap3A : i32 to index
        %swap3A_208 = arith.index_cast %mul3A_206 : i32 to index
        %swap3A_209 = tpu.vector_load %arg10[%swap3A_207, %swap3A_208] {strides = array<i32>} : memref<1x80xi32, #tpu.memory_space<vmem>>, vector<16xi32>,
        tpu.vector_store %arg10[%swap3A_207, %swap3A_208], %select_n3A {strides = array<i32>} : memref<1x80xi32, #tpu.memory_space<vmem>>, vector<16xi32>,
      }
      %scan3A_138 = arith.constant 5 : i32
      %scan3A_139 = arith.constant 0 : i32
      %scan3A_140 = arith.constant 80 : i32
      %scan3A_141 = arith.addi %scan3A_139, %scan3A_140 : i32
      %scan3A_142 = arith.constant 1 : i32
      scf.for %scan3A_190 = %scan3A_139 to %scan3A_141 step %scan3A_142  : i32 {
        %mul3A_191 = arith.constant 1 : i32
        %mul3A_192 = arith.muli %scan3A_190, %mul3A_191 : i32
        %add3A_193 = arith.constant 0 : i32
        %add3A_194 = arith.addi %add3A_193, %mul3A_192 : i32
        %broadcast_in_dim3A = vector.broadcast %add3A_194 : i32 to vector<16xi32>
        %gather3A = tpu.vector_load_idx %arg12[%broadcast_in_dim3A] : memref<80xf32, #tpu.memory_space<vmem>>[vector<16xi32>], vector<16xf32>,
        %get3A = arith.index_cast %add3A_194 : i32 to index
        %get3A_195 = arith.constant 0 : index
        %get3A_196 = tpu.vector_load %arg15[%get3A, %get3A_195] {strides = array<i32>} : memref<80x128xf32, #tpu.memory_space<vmem>>, vector<16xf32>,
        %mul3A_197 = arith.mulf %get3A_196, %gather3A : vector<16xf32>
        %swap3A = arith.index_cast %add3A_194 : i32 to index
        %swap3A_198 = arith.constant 0 : index
        %swap3A_199 = tpu.vector_load %arg15[%swap3A, %swap3A_198] {strides = array<i32>} : memref<80x128xf32, #tpu.memory_space<vmem>>, vector<16xf32>,
        tpu.vector_store %arg15[%swap3A, %swap3A_198], %mul3A_197 {strides = array<i32>} : memref<80x128xf32, #tpu.memory_space<vmem>>, vector<16xf32>,
        %get3A_200 = arith.index_cast %add3A_194 : i32 to index
        %get3A_201 = arith.constant 16 : index
        %get3A_202 = tpu.vector_load %arg15[%get3A_200, %get3A_201] {strides = array<i32>} : memref<80x128xf32, #tpu.memory_space<vmem>>, vector<16xf32>,
        %mul3A_203 = arith.mulf %get3A_202, %gather3A : vector<16xf32>
        %swap3A_204 = arith.index_cast %add3A_194 : i32 to index
        %swap3A_205 = arith.constant 16 : index
        %swap3A_206 = tpu.vector_load %arg15[%swap3A_204, %swap3A_205] {strides = array<i32>} : memref<80x128xf32, #tpu.memory_space<vmem>>, vector<16xf32>,
        tpu.vector_store %arg15[%swap3A_204, %swap3A_205], %mul3A_203 {strides = array<i32>} : memref<80x128xf32, #tpu.memory_space<vmem>>, vector<16xf32>,
        %get3A_207 = arith.index_cast %add3A_194 : i32 to index
        %get3A_208 = arith.constant 32 : index
        %get3A_209 = tpu.vector_load %arg15[%get3A_207, %get3A_208] {strides = array<i32>} : memref<80x128xf32, #tpu.memory_space<vmem>>, vector<16xf32>,
        %mul3A_210 = arith.mulf %get3A_209, %gather3A : vector<16xf32>
        %swap3A_211 = arith.index_cast %add3A_194 : i32 to index
        %swap3A_212 = arith.constant 32 : index
        %swap3A_213 = tpu.vector_load %arg15[%swap3A_211, %swap3A_212] {strides = array<i32>} : memref<80x128xf32, #tpu.memory_space<vmem>>, vector<16xf32>,
        tpu.vector_store %arg15[%swap3A_211, %swap3A_212], %mul3A_210 {strides = array<i32>} : memref<80x128xf32, #tpu.memory_space<vmem>>, vector<16xf32>,
        %get3A_214 = arith.index_cast %add3A_194 : i32 to index
        %get3A_215 = arith.constant 48 : index
        %get3A_216 = tpu.vector_load %arg15[%get3A_214, %get3A_215] {strides = array<i32>} : memref<80x128xf32, #tpu.memory_space<vmem>>, vector<16xf32>,
        %mul3A_217 = arith.mulf %get3A_216, %gather3A : vector<16xf32>
        %swap3A_218 = arith.index_cast %add3A_194 : i32 to index
        %swap3A_219 = arith.constant 48 : index
        %swap3A_220 = tpu.vector_load %arg15[%swap3A_218, %swap3A_219] {strides = array<i32>} : memref<80x128xf32, #tpu.memory_space<vmem>>, vector<16xf32>,
        tpu.vector_store %arg15[%swap3A_218, %swap3A_219], %mul3A_217 {strides = array<i32>} : memref<80x128xf32, #tpu.memory_space<vmem>>, vector<16xf32>,
        %get3A_221 = arith.index_cast %add3A_194 : i32 to index
        %get3A_222 = arith.constant 64 : index
        %get3A_223 = tpu.vector_load %arg15[%get3A_221, %get3A_222] {strides = array<i32>} : memref<80x128xf32, #tpu.memory_space<vmem>>, vector<16xf32>,
        %mul3A_224 = arith.mulf %get3A_223, %gather3A : vector<16xf32>
        %swap3A_225 = arith.index_cast %add3A_194 : i32 to index
        %swap3A_226 = arith.constant 64 : index
        %swap3A_227 = tpu.vector_load %arg15[%swap3A_225, %swap3A_226] {strides = array<i32>} : memref<80x128xf32, #tpu.memory_space<vmem>>, vector<16xf32>,
        tpu.vector_store %arg15[%swap3A_225, %swap3A_226], %mul3A_224 {strides = array<i32>} : memref<80x128xf32, #tpu.memory_space<vmem>>, vector<16xf32>,
        %get3A_228 = arith.index_cast %add3A_194 : i32 to index
        %get3A_229 = arith.constant 80 : index
        %get3A_230 = tpu.vector_load %arg15[%get3A_228, %get3A_229] {strides = array<i32>} : memref<80x128xf32, #tpu.memory_space<vmem>>, vector<16xf32>,
        %mul3A_231 = arith.mulf %get3A_230, %gather3A : vector<16xf32>
        %swap3A_232 = arith.index_cast %add3A_194 : i32 to index
        %swap3A_233 = arith.constant 80 : index
        %swap3A_234 = tpu.vector_load %arg15[%swap3A_232, %swap3A_233] {strides = array<i32>} : memref<80x128xf32, #tpu.memory_space<vmem>>, vector<16xf32>,
        tpu.vector_store %arg15[%swap3A_232, %swap3A_233], %mul3A_231 {strides = array<i32>} : memref<80x128xf32, #tpu.memory_space<vmem>>, vector<16xf32>,
        %get3A_235 = arith.index_cast %add3A_194 : i32 to index
        %get3A_236 = arith.constant 96 : index
        %get3A_237 = tpu.vector_load %arg15[%get3A_235, %get3A_236] {strides = array<i32>} : memref<80x128xf32, #tpu.memory_space<vmem>>, vector<16xf32>,
        %mul3A_238 = arith.mulf %get3A_237, %gather3A : vector<16xf32>
        %swap3A_239 = arith.index_cast %add3A_194 : i32 to index
        %swap3A_240 = arith.constant 96 : index
        %swap3A_241 = tpu.vector_load %arg15[%swap3A_239, %swap3A_240] {strides = array<i32>} : memref<80x128xf32, #tpu.memory_space<vmem>>, vector<16xf32>,
        tpu.vector_store %arg15[%swap3A_239, %swap3A_240], %mul3A_238 {strides = array<i32>} : memref<80x128xf32, #tpu.memory_space<vmem>>, vector<16xf32>,
        %get3A_242 = arith.index_cast %add3A_194 : i32 to index
        %get3A_243 = arith.constant 112 : index
        %get3A_244 = tpu.vector_load %arg15[%get3A_242, %get3A_243] {strides = array<i32>} : memref<80x128xf32, #tpu.memory_space<vmem>>, vector<16xf32>,
        %mul3A_245 = arith.mulf %get3A_244, %gather3A : vector<16xf32>
        %swap3A_246 = arith.index_cast %add3A_194 : i32 to index
        %swap3A_247 = arith.constant 112 : index
        %swap3A_248 = tpu.vector_load %arg15[%swap3A_246, %swap3A_247] {strides = array<i32>} : memref<80x128xf32, #tpu.memory_space<vmem>>, vector<16xf32>,
        tpu.vector_store %arg15[%swap3A_246, %swap3A_247], %mul3A_245 {strides = array<i32>} : memref<80x128xf32, #tpu.memory_space<vmem>>, vector<16xf32>,
      }
      %scan3A_143 = arith.constant 80 : i32
      %dma_start3A_144 = arith.constant 0 : i32
      %dma_start3A_145 = arith.constant 0 : i32
      %dma_start3A_146 = tpu.memref_slice %arg10[%dma_start3A_144, %dma_start3A_145] : memref<1x80xi32, #tpu.memory_space<vmem>> -> memref<1x80xi32, #tpu.memory_space<vmem>>
      %dma_start3A_147 = tpu.memref_squeeze %dma_start3A_146 : memref<1x80xi32, #tpu.memory_space<vmem>> -> memref<80xi32, #tpu.memory_space<vmem>>
      %dma_start3A_148 = arith.constant 0 : i32
      %dma_start3A_149 = arith.constant 0 : i32
      %dma_start3A_150 = tpu.memref_slice %arg18[%dma_start3A_148, %dma_start3A_149] : memref<2568x128xf32, #tpu.memory_space<vmem_shared>> -> memref<2568x128xf32, #tpu.memory_space<vmem_shared>>
      tpu.enqueue_indirect_dma source(%arg15 : memref<80x128xf32, #tpu.memory_space<vmem>>) target(%dma_start3A_150 : memref<2568x128xf32, #tpu.memory_space<vmem_shared>>) offsets(%dma_start3A_147 : memref<80xi32, #tpu.memory_space<vmem>>) semaphore(%arg21 : memref<!tpu.dma_semaphore, #tpu.memory_space<semaphore_mem>>) {add = true}
      %mul3A_151 = arith.constant 2 : i32
      %mul3A_152 = arith.muli %add3A_112, %mul3A_151 : i32
      %add3A_153 = arith.constant 1 : i32
      %add3A_154 = arith.addi %mul3A_152, %add3A_153 : i32
      %add3A_155 = arith.constant 1 : i32
      %add3A_156 = arith.addi %add3A_154, %add3A_155 : i32
      %lt3A_157 = arith.constant 250 : i32
      %lt3A_158 = arith.cmpi slt, %add3A_156, %lt3A_157 : i32
      %convert_element_type3A_159 = arith.extui %lt3A_158 : i1 to i32
      %cond3A_160 = arith.constant 0 : i32
      %cond3A_161 = arith.cmpi ne, %convert_element_type3A_159, %cond3A_160 : i32
      scf.if %cond3A_161 {
        %ge3A = arith.constant 1 : i32
        %ge3A_190 = arith.cmpi sge, %add3A_154, %ge3A : i32
        %convert_element_type3A_191 = arith.extui %ge3A_190 : i1 to i32
        %cond3A_192 = arith.constant 0 : i32
        %cond3A_193 = arith.cmpi ne, %convert_element_type3A_191, %cond3A_192 : i32
        scf.if %cond3A_193 {
          %dma_wait3A_207 = arith.constant 0 : i32
          %dma_wait3A_208 = arith.constant 0 : i32
          %dma_wait3A_209 = tpu.memref_slice %arg10[%dma_wait3A_207, %dma_wait3A_208] : memref<1x80xi32, #tpu.memory_space<vmem>> -> memref<1x80xi32, #tpu.memory_space<vmem>>
          %dma_wait3A_210 = tpu.memref_squeeze %dma_wait3A_209 : memref<1x80xi32, #tpu.memory_space<vmem>> -> memref<80xi32, #tpu.memory_space<vmem>>
          %dma_wait3A_211 = arith.constant 0 : i32
          %dma_wait3A_212 = arith.constant 0 : i32
          %dma_wait3A_213 = tpu.memref_slice %arg18[%dma_wait3A_211, %dma_wait3A_212] : memref<2568x128xf32, #tpu.memory_space<vmem_shared>> -> memref<2568x128xf32, #tpu.memory_space<vmem_shared>>
          tpu.wait_indirect_dma semaphore(%arg21 : memref<!tpu.dma_semaphore, #tpu.memory_space<semaphore_mem>>) src(%arg15 : memref<80x128xf32, #tpu.memory_space<vmem>>) dst(%dma_wait3A_213 : memref<2568x128xf32, #tpu.memory_space<vmem_shared>>)
        } else {
        }
        %add3A_194 = arith.constant 1 : i32
        %add3A_195 = arith.addi %add3A_154, %add3A_194 : i32
        %mul3A_196 = arith.constant 80 : i32
        %mul3A_197 = arith.muli %add3A_195, %mul3A_196 : i32
        %add3A_198 = arith.addi %mul3A_0, %mul3A_197 : i32
        %dma_start3A_199 = arith.constant 0 : i32
        %dma_start3A_200 = tpu.memref_slice %arg8[%add3A_195, %dma_start3A_199] : memref<250x80xi32, #tpu.memory_space<vmem>> -> memref<1x80xi32, #tpu.memory_space<vmem>>
        %dma_start3A_201 = tpu.memref_squeeze %dma_start3A_200 : memref<1x80xi32, #tpu.memory_space<vmem>> -> memref<80xi32, #tpu.memory_space<vmem>>
        %dma_start3A_202 = arith.constant 0 : i32
        %dma_start3A_203 = arith.constant 0 : i32
        %dma_start3A_204 = tpu.memref_slice %arg5[%dma_start3A_202, %dma_start3A_203] : memref<10000x128xf32, #tpu.memory_space<hbm>> -> memref<10000x128xf32, #tpu.memory_space<hbm>>
        tpu.enqueue_indirect_dma source(%dma_start3A_204 : memref<10000x128xf32, #tpu.memory_space<hbm>>) target(%arg15 : memref<80x128xf32, #tpu.memory_space<vmem>>) offsets(%dma_start3A_201 : memref<80xi32, #tpu.memory_space<vmem>>) semaphore(%arg19 : memref<!tpu.dma_semaphore, #tpu.memory_space<semaphore_mem>>)
        %dma_start3A_205 = tpu.memref_slice %arg4[%add3A_198] : memref<320000xf32, #tpu.memory_space<hbm>> -> memref<80xf32, #tpu.memory_space<hbm>>
        %dma_start3A_206 = tpu.memref_slice %arg4[%add3A_198] : memref<320000xf32, #tpu.memory_space<hbm>> -> memref<80xf32, #tpu.memory_space<hbm>>
        tpu.enqueue_dma source(%dma_start3A_206 : memref<80xf32, #tpu.memory_space<hbm>>) target(%arg12 : memref<80xf32, #tpu.memory_space<vmem>>) target_semaphore(%arg19 : memref<!tpu.dma_semaphore, #tpu.memory_space<semaphore_mem>>)
      } else {
      }
      %mul3A_162 = arith.constant 80 : i32
      %mul3A_163 = arith.muli %add3A_154, %mul3A_162 : i32
      %add3A_164 = arith.addi %mul3A_0, %mul3A_163 : i32
      %dma_wait3A_165 = arith.constant 0 : i32
      %dma_wait3A_166 = tpu.memref_slice %arg8[%add3A_154, %dma_wait3A_165] : memref<250x80xi32, #tpu.memory_space<vmem>> -> memref<1x80xi32, #tpu.memory_space<vmem>>
      %dma_wait3A_167 = tpu.memref_squeeze %dma_wait3A_166 : memref<1x80xi32, #tpu.memory_space<vmem>> -> memref<80xi32, #tpu.memory_space<vmem>>
      %dma_wait3A_168 = arith.constant 0 : i32
      %dma_wait3A_169 = arith.constant 0 : i32
      %dma_wait3A_170 = tpu.memref_slice %arg5[%dma_wait3A_168, %dma_wait3A_169] : memref<10000x128xf32, #tpu.memory_space<hbm>> -> memref<10000x128xf32, #tpu.memory_space<hbm>>
      tpu.wait_indirect_dma semaphore(%arg20 : memref<!tpu.dma_semaphore, #tpu.memory_space<semaphore_mem>>) src(%dma_wait3A_170 : memref<10000x128xf32, #tpu.memory_space<hbm>>) dst(%arg16 : memref<80x128xf32, #tpu.memory_space<vmem>>)
      %dma_wait3A_171 = tpu.memref_slice %arg4[%add3A_164] : memref<320000xf32, #tpu.memory_space<hbm>> -> memref<80xf32, #tpu.memory_space<hbm>>
      %dma_wait3A_172 = tpu.memref_slice %arg4[%add3A_164] : memref<320000xf32, #tpu.memory_space<hbm>> -> memref<80xf32, #tpu.memory_space<hbm>>
      tpu.wait_dma2 semaphore(%arg20 : memref<!tpu.dma_semaphore, #tpu.memory_space<semaphore_mem>>) src(%dma_wait3A_172 : memref<80xf32, #tpu.memory_space<hbm>>) dst(%arg13 : memref<80xf32, #tpu.memory_space<vmem>>)
      %scan3A_173 = arith.constant 0 : i32
      %scan3A_174 = arith.constant 5 : i32
      %scan3A_175 = arith.addi %scan3A_173, %scan3A_174 : i32
      %scan3A_176 = arith.constant 1 : i32
      scf.for %scan3A_190 = %scan3A_173 to %scan3A_175 step %scan3A_176  : i32 {
        %mul3A_191 = arith.constant 1 : i32
        %mul3A_192 = arith.muli %scan3A_190, %mul3A_191 : i32
        %add3A_193 = arith.constant 0 : i32
        %add3A_194 = arith.addi %add3A_193, %mul3A_192 : i32
        %mul3A_195 = arith.constant 16 : i32
        %mul3A_196 = arith.muli %add3A_194, %mul3A_195 : i32
        %get3A = arith.index_cast %add3A_154 : i32 to index
        %get3A_197 = arith.index_cast %mul3A_196 : i32 to index
        %get3A_198 = tpu.vector_load %arg9[%get3A, %get3A_197] {strides = array<i32>} : memref<250x80xi32, #tpu.memory_space<vmem>>, vector<16xi32>,
        %sub3A = vector.broadcast %mul3A_5 : i32 to vector<16xi32>
        %sub3A_199 = arith.subi %get3A_198, %sub3A : vector<16xi32>
        %ge3A = arith.constant 0 : i32
        %ge3A_200 = vector.broadcast %ge3A : i32 to vector<16xi32>
        %ge3A_201 = arith.cmpi sge, %sub3A_199, %ge3A_200 : vector<16xi32>
        %lt3A_202 = arith.constant 2560 : i32
        %lt3A_203 = vector.broadcast %lt3A_202 : i32 to vector<16xi32>
        %lt3A_204 = arith.cmpi slt, %sub3A_199, %lt3A_203 : vector<16xi32>
        %and3A = arith.andi %ge3A_201, %lt3A_204 : vector<16xi1>
        %jit3A = arith.constant 2560 : i32
        %broadcast_in_dim3A = vector.broadcast %jit3A : i32 to vector<16xi32>
        %select_n3A = arith.select %and3A, %sub3A_199, %broadcast_in_dim3A : vector<16xi1>, vector<16xi32>
        %mul3A_205 = arith.constant 16 : i32
        %mul3A_206 = arith.muli %add3A_194, %mul3A_205 : i32
        %swap3A = arith.constant 0 : i32
        %swap3A_207 = arith.index_cast %swap3A : i32 to index
        %swap3A_208 = arith.index_cast %mul3A_206 : i32 to index
        %swap3A_209 = tpu.vector_load %arg11[%swap3A_207, %swap3A_208] {strides = array<i32>} : memref<1x80xi32, #tpu.memory_space<vmem>>, vector<16xi32>,
        tpu.vector_store %arg11[%swap3A_207, %swap3A_208], %select_n3A {strides = array<i32>} : memref<1x80xi32, #tpu.memory_space<vmem>>, vector<16xi32>,
      }
      %scan3A_177 = arith.constant 5 : i32
      %scan3A_178 = arith.constant 0 : i32
      %scan3A_179 = arith.constant 80 : i32
      %scan3A_180 = arith.addi %scan3A_178, %scan3A_179 : i32
      %scan3A_181 = arith.constant 1 : i32
      scf.for %scan3A_190 = %scan3A_178 to %scan3A_180 step %scan3A_181  : i32 {
        %mul3A_191 = arith.constant 1 : i32
        %mul3A_192 = arith.muli %scan3A_190, %mul3A_191 : i32
        %add3A_193 = arith.constant 0 : i32
        %add3A_194 = arith.addi %add3A_193, %mul3A_192 : i32
        %broadcast_in_dim3A = vector.broadcast %add3A_194 : i32 to vector<16xi32>
        %gather3A = tpu.vector_load_idx %arg13[%broadcast_in_dim3A] : memref<80xf32, #tpu.memory_space<vmem>>[vector<16xi32>], vector<16xf32>,
        %get3A = arith.index_cast %add3A_194 : i32 to index
        %get3A_195 = arith.constant 0 : index
        %get3A_196 = tpu.vector_load %arg16[%get3A, %get3A_195] {strides = array<i32>} : memref<80x128xf32, #tpu.memory_space<vmem>>, vector<16xf32>,
        %mul3A_197 = arith.mulf %get3A_196, %gather3A : vector<16xf32>
        %swap3A = arith.index_cast %add3A_194 : i32 to index
        %swap3A_198 = arith.constant 0 : index
        %swap3A_199 = tpu.vector_load %arg16[%swap3A, %swap3A_198] {strides = array<i32>} : memref<80x128xf32, #tpu.memory_space<vmem>>, vector<16xf32>,
        tpu.vector_store %arg16[%swap3A, %swap3A_198], %mul3A_197 {strides = array<i32>} : memref<80x128xf32, #tpu.memory_space<vmem>>, vector<16xf32>,
        %get3A_200 = arith.index_cast %add3A_194 : i32 to index
        %get3A_201 = arith.constant 16 : index
        %get3A_202 = tpu.vector_load %arg16[%get3A_200, %get3A_201] {strides = array<i32>} : memref<80x128xf32, #tpu.memory_space<vmem>>, vector<16xf32>,
        %mul3A_203 = arith.mulf %get3A_202, %gather3A : vector<16xf32>
        %swap3A_204 = arith.index_cast %add3A_194 : i32 to index
        %swap3A_205 = arith.constant 16 : index
        %swap3A_206 = tpu.vector_load %arg16[%swap3A_204, %swap3A_205] {strides = array<i32>} : memref<80x128xf32, #tpu.memory_space<vmem>>, vector<16xf32>,
        tpu.vector_store %arg16[%swap3A_204, %swap3A_205], %mul3A_203 {strides = array<i32>} : memref<80x128xf32, #tpu.memory_space<vmem>>, vector<16xf32>,
        %get3A_207 = arith.index_cast %add3A_194 : i32 to index
        %get3A_208 = arith.constant 32 : index
        %get3A_209 = tpu.vector_load %arg16[%get3A_207, %get3A_208] {strides = array<i32>} : memref<80x128xf32, #tpu.memory_space<vmem>>, vector<16xf32>,
        %mul3A_210 = arith.mulf %get3A_209, %gather3A : vector<16xf32>
        %swap3A_211 = arith.index_cast %add3A_194 : i32 to index
        %swap3A_212 = arith.constant 32 : index
        %swap3A_213 = tpu.vector_load %arg16[%swap3A_211, %swap3A_212] {strides = array<i32>} : memref<80x128xf32, #tpu.memory_space<vmem>>, vector<16xf32>,
        tpu.vector_store %arg16[%swap3A_211, %swap3A_212], %mul3A_210 {strides = array<i32>} : memref<80x128xf32, #tpu.memory_space<vmem>>, vector<16xf32>,
        %get3A_214 = arith.index_cast %add3A_194 : i32 to index
        %get3A_215 = arith.constant 48 : index
        %get3A_216 = tpu.vector_load %arg16[%get3A_214, %get3A_215] {strides = array<i32>} : memref<80x128xf32, #tpu.memory_space<vmem>>, vector<16xf32>,
        %mul3A_217 = arith.mulf %get3A_216, %gather3A : vector<16xf32>
        %swap3A_218 = arith.index_cast %add3A_194 : i32 to index
        %swap3A_219 = arith.constant 48 : index
        %swap3A_220 = tpu.vector_load %arg16[%swap3A_218, %swap3A_219] {strides = array<i32>} : memref<80x128xf32, #tpu.memory_space<vmem>>, vector<16xf32>,
        tpu.vector_store %arg16[%swap3A_218, %swap3A_219], %mul3A_217 {strides = array<i32>} : memref<80x128xf32, #tpu.memory_space<vmem>>, vector<16xf32>,
        %get3A_221 = arith.index_cast %add3A_194 : i32 to index
        %get3A_222 = arith.constant 64 : index
        %get3A_223 = tpu.vector_load %arg16[%get3A_221, %get3A_222] {strides = array<i32>} : memref<80x128xf32, #tpu.memory_space<vmem>>, vector<16xf32>,
        %mul3A_224 = arith.mulf %get3A_223, %gather3A : vector<16xf32>
        %swap3A_225 = arith.index_cast %add3A_194 : i32 to index
        %swap3A_226 = arith.constant 64 : index
        %swap3A_227 = tpu.vector_load %arg16[%swap3A_225, %swap3A_226] {strides = array<i32>} : memref<80x128xf32, #tpu.memory_space<vmem>>, vector<16xf32>,
        tpu.vector_store %arg16[%swap3A_225, %swap3A_226], %mul3A_224 {strides = array<i32>} : memref<80x128xf32, #tpu.memory_space<vmem>>, vector<16xf32>,
        %get3A_228 = arith.index_cast %add3A_194 : i32 to index
        %get3A_229 = arith.constant 80 : index
        %get3A_230 = tpu.vector_load %arg16[%get3A_228, %get3A_229] {strides = array<i32>} : memref<80x128xf32, #tpu.memory_space<vmem>>, vector<16xf32>,
        %mul3A_231 = arith.mulf %get3A_230, %gather3A : vector<16xf32>
        %swap3A_232 = arith.index_cast %add3A_194 : i32 to index
        %swap3A_233 = arith.constant 80 : index
        %swap3A_234 = tpu.vector_load %arg16[%swap3A_232, %swap3A_233] {strides = array<i32>} : memref<80x128xf32, #tpu.memory_space<vmem>>, vector<16xf32>,
        tpu.vector_store %arg16[%swap3A_232, %swap3A_233], %mul3A_231 {strides = array<i32>} : memref<80x128xf32, #tpu.memory_space<vmem>>, vector<16xf32>,
        %get3A_235 = arith.index_cast %add3A_194 : i32 to index
        %get3A_236 = arith.constant 96 : index
        %get3A_237 = tpu.vector_load %arg16[%get3A_235, %get3A_236] {strides = array<i32>} : memref<80x128xf32, #tpu.memory_space<vmem>>, vector<16xf32>,
        %mul3A_238 = arith.mulf %get3A_237, %gather3A : vector<16xf32>
        %swap3A_239 = arith.index_cast %add3A_194 : i32 to index
        %swap3A_240 = arith.constant 96 : index
        %swap3A_241 = tpu.vector_load %arg16[%swap3A_239, %swap3A_240] {strides = array<i32>} : memref<80x128xf32, #tpu.memory_space<vmem>>, vector<16xf32>,
        tpu.vector_store %arg16[%swap3A_239, %swap3A_240], %mul3A_238 {strides = array<i32>} : memref<80x128xf32, #tpu.memory_space<vmem>>, vector<16xf32>,
        %get3A_242 = arith.index_cast %add3A_194 : i32 to index
        %get3A_243 = arith.constant 112 : index
        %get3A_244 = tpu.vector_load %arg16[%get3A_242, %get3A_243] {strides = array<i32>} : memref<80x128xf32, #tpu.memory_space<vmem>>, vector<16xf32>,
        %mul3A_245 = arith.mulf %get3A_244, %gather3A : vector<16xf32>
        %swap3A_246 = arith.index_cast %add3A_194 : i32 to index
        %swap3A_247 = arith.constant 112 : index
        %swap3A_248 = tpu.vector_load %arg16[%swap3A_246, %swap3A_247] {strides = array<i32>} : memref<80x128xf32, #tpu.memory_space<vmem>>, vector<16xf32>,
        tpu.vector_store %arg16[%swap3A_246, %swap3A_247], %mul3A_245 {strides = array<i32>} : memref<80x128xf32, #tpu.memory_space<vmem>>, vector<16xf32>,
      }
      %scan3A_182 = arith.constant 80 : i32
      %dma_start3A_183 = arith.constant 0 : i32
      %dma_start3A_184 = arith.constant 0 : i32
      %dma_start3A_185 = tpu.memref_slice %arg11[%dma_start3A_183, %dma_start3A_184] : memref<1x80xi32, #tpu.memory_space<vmem>> -> memref<1x80xi32, #tpu.memory_space<vmem>>
      %dma_start3A_186 = tpu.memref_squeeze %dma_start3A_185 : memref<1x80xi32, #tpu.memory_space<vmem>> -> memref<80xi32, #tpu.memory_space<vmem>>
      %dma_start3A_187 = arith.constant 0 : i32
      %dma_start3A_188 = arith.constant 0 : i32
      %dma_start3A_189 = tpu.memref_slice %arg18[%dma_start3A_187, %dma_start3A_188] : memref<2568x128xf32, #tpu.memory_space<vmem_shared>> -> memref<2568x128xf32, #tpu.memory_space<vmem_shared>>
      tpu.enqueue_indirect_dma source(%arg16 : memref<80x128xf32, #tpu.memory_space<vmem>>) target(%dma_start3A_189 : memref<2568x128xf32, #tpu.memory_space<vmem_shared>>) offsets(%dma_start3A_186 : memref<80xi32, #tpu.memory_space<vmem>>) semaphore(%arg22 : memref<!tpu.dma_semaphore, #tpu.memory_space<semaphore_mem>>) {add = true}
    }
    %scan3A_31 = arith.constant 125 : i32
    %dma_wait3A = arith.constant 0 : i32
    %dma_wait3A_32 = arith.constant 0 : i32
    %dma_wait3A_33 = tpu.memref_slice %arg10[%dma_wait3A, %dma_wait3A_32] : memref<1x80xi32, #tpu.memory_space<vmem>> -> memref<1x80xi32, #tpu.memory_space<vmem>>
    %dma_wait3A_34 = tpu.memref_squeeze %dma_wait3A_33 : memref<1x80xi32, #tpu.memory_space<vmem>> -> memref<80xi32, #tpu.memory_space<vmem>>
    %dma_wait3A_35 = arith.constant 0 : i32
    %dma_wait3A_36 = arith.constant 0 : i32
    %dma_wait3A_37 = tpu.memref_slice %arg18[%dma_wait3A_35, %dma_wait3A_36] : memref<2568x128xf32, #tpu.memory_space<vmem_shared>> -> memref<2568x128xf32, #tpu.memory_space<vmem_shared>>
    tpu.wait_indirect_dma semaphore(%arg21 : memref<!tpu.dma_semaphore, #tpu.memory_space<semaphore_mem>>) src(%arg15 : memref<80x128xf32, #tpu.memory_space<vmem>>) dst(%dma_wait3A_37 : memref<2568x128xf32, #tpu.memory_space<vmem_shared>>)
    %dma_wait3A_38 = arith.constant 0 : i32
    %dma_wait3A_39 = arith.constant 0 : i32
    %dma_wait3A_40 = tpu.memref_slice %arg11[%dma_wait3A_38, %dma_wait3A_39] : memref<1x80xi32, #tpu.memory_space<vmem>> -> memref<1x80xi32, #tpu.memory_space<vmem>>
    %dma_wait3A_41 = tpu.memref_squeeze %dma_wait3A_40 : memref<1x80xi32, #tpu.memory_space<vmem>> -> memref<80xi32, #tpu.memory_space<vmem>>
    %dma_wait3A_42 = arith.constant 0 : i32
    %dma_wait3A_43 = arith.constant 0 : i32
    %dma_wait3A_44 = tpu.memref_slice %arg18[%dma_wait3A_42, %dma_wait3A_43] : memref<2568x128xf32, #tpu.memory_space<vmem_shared>> -> memref<2568x128xf32, #tpu.memory_space<vmem_shared>>
    tpu.wait_indirect_dma semaphore(%arg22 : memref<!tpu.dma_semaphore, #tpu.memory_space<semaphore_mem>>) src(%arg16 : memref<80x128xf32, #tpu.memory_space<vmem>>) dst(%dma_wait3A_44 : memref<2568x128xf32, #tpu.memory_space<vmem_shared>>)
    %barrier3A_45 = arith.constant 0 : index
    tpu.barrier barrier_id(%barrier3A_45)
    %scan3A_46 = arith.constant 0 : i32
    %scan3A_47 = arith.constant 10 : i32
    %scan3A_48 = arith.addi %scan3A_46, %scan3A_47 : i32
    %scan3A_49 = arith.constant 1 : i32
    scf.for %scan3A_108 = %scan3A_46 to %scan3A_48 step %scan3A_49  : i32 {
      %mul3A_109 = arith.constant 1 : i32
      %mul3A_110 = arith.muli %scan3A_108, %mul3A_109 : i32
      %add3A_111 = arith.constant 0 : i32
      %add3A_112 = arith.addi %add3A_111, %mul3A_110 : i32
      %mul3A_113 = arith.constant 16 : i32
      %mul3A_114 = arith.muli %add3A_112, %mul3A_113 : i32
      %add3A_115 = arith.addi %mul3A_2, %mul3A_114 : i32
      "tpu.region"() ({
        %run_scoped3A = tpu.sem_alloc : memref<!tpu.dma_semaphore, #tpu.memory_space<semaphore_mem>>
        %dma_start3A_122 = arith.constant 0 : i32
        %dma_start3A_123 = tpu.memref_slice %arg18[%add3A_115, %dma_start3A_122] : memref<2568x128xf32, #tpu.memory_space<vmem_shared>> -> memref<16x128xf32, #tpu.memory_space<vmem_shared>>
        %dma_start3A_124 = arith.constant 0 : i32
        %dma_start3A_125 = tpu.memref_slice %arg18[%add3A_115, %dma_start3A_124] : memref<2568x128xf32, #tpu.memory_space<vmem_shared>> -> memref<16x128xf32, #tpu.memory_space<vmem_shared>>
        tpu.enqueue_dma source(%dma_start3A_125 : memref<16x128xf32, #tpu.memory_space<vmem_shared>>) target(%arg17 : memref<16x128xf32, #tpu.memory_space<vmem>>) target_semaphore(%run_scoped3A : memref<!tpu.dma_semaphore, #tpu.memory_space<semaphore_mem>>)
        %dma_wait3A_126 = arith.constant 0 : i32
        %dma_wait3A_127 = tpu.memref_slice %arg18[%add3A_115, %dma_wait3A_126] : memref<2568x128xf32, #tpu.memory_space<vmem_shared>> -> memref<16x128xf32, #tpu.memory_space<vmem_shared>>
        %dma_wait3A_128 = arith.constant 0 : i32
        %dma_wait3A_129 = tpu.memref_slice %arg18[%add3A_115, %dma_wait3A_128] : memref<2568x128xf32, #tpu.memory_space<vmem_shared>> -> memref<16x128xf32, #tpu.memory_space<vmem_shared>>
        tpu.wait_dma2 semaphore(%run_scoped3A : memref<!tpu.dma_semaphore, #tpu.memory_space<semaphore_mem>>) src(%dma_wait3A_129 : memref<16x128xf32, #tpu.memory_space<vmem_shared>>) dst(%arg17 : memref<16x128xf32, #tpu.memory_space<vmem>>)
        tpu.yield
      }) : () -> ()
      %scan3A_116 = arith.constant 0 : i32
      %scan3A_117 = arith.constant 16 : i32
      %scan3A_118 = arith.addi %scan3A_116, %scan3A_117 : i32
      %scan3A_119 = arith.constant 1 : i32
      scf.for %scan3A_122 = %scan3A_116 to %scan3A_118 step %scan3A_119  : i32 {
        %mul3A_123 = arith.constant 1 : i32
        %mul3A_124 = arith.muli %scan3A_122, %mul3A_123 : i32
        %add3A_125 = arith.constant 0 : i32
        %add3A_126 = arith.addi %add3A_125, %mul3A_124 : i32
        %add3A_127 = arith.addi %mul3A_5, %add3A_115 : i32
        %add3A_128 = arith.addi %add3A_127, %add3A_126 : i32
        %broadcast_in_dim3A = vector.broadcast %add3A_128 : i32 to vector<16xi32>
        %gather3A = tpu.vector_load_idx %arg14[%broadcast_in_dim3A] : memref<10240xf32, #tpu.memory_space<vmem>>[vector<16xi32>], vector<16xf32>,
        %get3A = arith.index_cast %add3A_126 : i32 to index
        %get3A_129 = arith.constant 0 : index
        %get3A_130 = tpu.vector_load %arg17[%get3A, %get3A_129] {strides = array<i32>} : memref<16x128xf32, #tpu.memory_space<vmem>>, vector<16xf32>,
        %mul3A_131 = arith.mulf %get3A_130, %gather3A : vector<16xf32>
        %swap3A = arith.index_cast %add3A_126 : i32 to index
        %swap3A_132 = arith.constant 0 : index
        %swap3A_133 = tpu.vector_load %arg17[%swap3A, %swap3A_132] {strides = array<i32>} : memref<16x128xf32, #tpu.memory_space<vmem>>, vector<16xf32>,
        tpu.vector_store %arg17[%swap3A, %swap3A_132], %mul3A_131 {strides = array<i32>} : memref<16x128xf32, #tpu.memory_space<vmem>>, vector<16xf32>,
        %get3A_134 = arith.index_cast %add3A_126 : i32 to index
        %get3A_135 = arith.constant 16 : index
        %get3A_136 = tpu.vector_load %arg17[%get3A_134, %get3A_135] {strides = array<i32>} : memref<16x128xf32, #tpu.memory_space<vmem>>, vector<16xf32>,
        %mul3A_137 = arith.mulf %get3A_136, %gather3A : vector<16xf32>
        %swap3A_138 = arith.index_cast %add3A_126 : i32 to index
        %swap3A_139 = arith.constant 16 : index
        %swap3A_140 = tpu.vector_load %arg17[%swap3A_138, %swap3A_139] {strides = array<i32>} : memref<16x128xf32, #tpu.memory_space<vmem>>, vector<16xf32>,
        tpu.vector_store %arg17[%swap3A_138, %swap3A_139], %mul3A_137 {strides = array<i32>} : memref<16x128xf32, #tpu.memory_space<vmem>>, vector<16xf32>,
        %get3A_141 = arith.index_cast %add3A_126 : i32 to index
        %get3A_142 = arith.constant 32 : index
        %get3A_143 = tpu.vector_load %arg17[%get3A_141, %get3A_142] {strides = array<i32>} : memref<16x128xf32, #tpu.memory_space<vmem>>, vector<16xf32>,
        %mul3A_144 = arith.mulf %get3A_143, %gather3A : vector<16xf32>
        %swap3A_145 = arith.index_cast %add3A_126 : i32 to index
        %swap3A_146 = arith.constant 32 : index
        %swap3A_147 = tpu.vector_load %arg17[%swap3A_145, %swap3A_146] {strides = array<i32>} : memref<16x128xf32, #tpu.memory_space<vmem>>, vector<16xf32>,
        tpu.vector_store %arg17[%swap3A_145, %swap3A_146], %mul3A_144 {strides = array<i32>} : memref<16x128xf32, #tpu.memory_space<vmem>>, vector<16xf32>,
        %get3A_148 = arith.index_cast %add3A_126 : i32 to index
        %get3A_149 = arith.constant 48 : index
        %get3A_150 = tpu.vector_load %arg17[%get3A_148, %get3A_149] {strides = array<i32>} : memref<16x128xf32, #tpu.memory_space<vmem>>, vector<16xf32>,
        %mul3A_151 = arith.mulf %get3A_150, %gather3A : vector<16xf32>
        %swap3A_152 = arith.index_cast %add3A_126 : i32 to index
        %swap3A_153 = arith.constant 48 : index
        %swap3A_154 = tpu.vector_load %arg17[%swap3A_152, %swap3A_153] {strides = array<i32>} : memref<16x128xf32, #tpu.memory_space<vmem>>, vector<16xf32>,
        tpu.vector_store %arg17[%swap3A_152, %swap3A_153], %mul3A_151 {strides = array<i32>} : memref<16x128xf32, #tpu.memory_space<vmem>>, vector<16xf32>,
        %get3A_155 = arith.index_cast %add3A_126 : i32 to index
        %get3A_156 = arith.constant 64 : index
        %get3A_157 = tpu.vector_load %arg17[%get3A_155, %get3A_156] {strides = array<i32>} : memref<16x128xf32, #tpu.memory_space<vmem>>, vector<16xf32>,
        %mul3A_158 = arith.mulf %get3A_157, %gather3A : vector<16xf32>
        %swap3A_159 = arith.index_cast %add3A_126 : i32 to index
        %swap3A_160 = arith.constant 64 : index
        %swap3A_161 = tpu.vector_load %arg17[%swap3A_159, %swap3A_160] {strides = array<i32>} : memref<16x128xf32, #tpu.memory_space<vmem>>, vector<16xf32>,
        tpu.vector_store %arg17[%swap3A_159, %swap3A_160], %mul3A_158 {strides = array<i32>} : memref<16x128xf32, #tpu.memory_space<vmem>>, vector<16xf32>,
        %get3A_162 = arith.index_cast %add3A_126 : i32 to index
        %get3A_163 = arith.constant 80 : index
        %get3A_164 = tpu.vector_load %arg17[%get3A_162, %get3A_163] {strides = array<i32>} : memref<16x128xf32, #tpu.memory_space<vmem>>, vector<16xf32>,
        %mul3A_165 = arith.mulf %get3A_164, %gather3A : vector<16xf32>
        %swap3A_166 = arith.index_cast %add3A_126 : i32 to index
        %swap3A_167 = arith.constant 80 : index
        %swap3A_168 = tpu.vector_load %arg17[%swap3A_166, %swap3A_167] {strides = array<i32>} : memref<16x128xf32, #tpu.memory_space<vmem>>, vector<16xf32>,
        tpu.vector_store %arg17[%swap3A_166, %swap3A_167], %mul3A_165 {strides = array<i32>} : memref<16x128xf32, #tpu.memory_space<vmem>>, vector<16xf32>,
        %get3A_169 = arith.index_cast %add3A_126 : i32 to index
        %get3A_170 = arith.constant 96 : index
        %get3A_171 = tpu.vector_load %arg17[%get3A_169, %get3A_170] {strides = array<i32>} : memref<16x128xf32, #tpu.memory_space<vmem>>, vector<16xf32>,
        %mul3A_172 = arith.mulf %get3A_171, %gather3A : vector<16xf32>
        %swap3A_173 = arith.index_cast %add3A_126 : i32 to index
        %swap3A_174 = arith.constant 96 : index
        %swap3A_175 = tpu.vector_load %arg17[%swap3A_173, %swap3A_174] {strides = array<i32>} : memref<16x128xf32, #tpu.memory_space<vmem>>, vector<16xf32>,
        tpu.vector_store %arg17[%swap3A_173, %swap3A_174], %mul3A_172 {strides = array<i32>} : memref<16x128xf32, #tpu.memory_space<vmem>>, vector<16xf32>,
        %get3A_176 = arith.index_cast %add3A_126 : i32 to index
        %get3A_177 = arith.constant 112 : index
        %get3A_178 = tpu.vector_load %arg17[%get3A_176, %get3A_177] {strides = array<i32>} : memref<16x128xf32, #tpu.memory_space<vmem>>, vector<16xf32>,
        %mul3A_179 = arith.mulf %get3A_178, %gather3A : vector<16xf32>
        %swap3A_180 = arith.index_cast %add3A_126 : i32 to index
        %swap3A_181 = arith.constant 112 : index
        %swap3A_182 = tpu.vector_load %arg17[%swap3A_180, %swap3A_181] {strides = array<i32>} : memref<16x128xf32, #tpu.memory_space<vmem>>, vector<16xf32>,
        tpu.vector_store %arg17[%swap3A_180, %swap3A_181], %mul3A_179 {strides = array<i32>} : memref<16x128xf32, #tpu.memory_space<vmem>>, vector<16xf32>,
      }
      %scan3A_120 = arith.constant 16 : i32
      %add3A_121 = arith.addi %mul3A_5, %add3A_115 : i32
      "tpu.region"() ({
        %run_scoped3A = tpu.sem_alloc : memref<!tpu.dma_semaphore, #tpu.memory_space<semaphore_mem>>
        %dma_start3A_122 = arith.constant 0 : i32
        %dma_start3A_123 = tpu.memref_slice %arg7[%add3A_121, %dma_start3A_122] : memref<10240x128xf32, #tpu.memory_space<hbm>> -> memref<16x128xf32, #tpu.memory_space<hbm>>
        %dma_start3A_124 = arith.constant 0 : i32
        %dma_start3A_125 = tpu.memref_slice %arg7[%add3A_121, %dma_start3A_124] : memref<10240x128xf32, #tpu.memory_space<hbm>> -> memref<16x128xf32, #tpu.memory_space<hbm>>
        tpu.enqueue_dma source(%arg17 : memref<16x128xf32, #tpu.memory_space<vmem>>) target(%dma_start3A_125 : memref<16x128xf32, #tpu.memory_space<hbm>>) target_semaphore(%run_scoped3A : memref<!tpu.dma_semaphore, #tpu.memory_space<semaphore_mem>>)
        %dma_wait3A_126 = arith.constant 0 : i32
        %dma_wait3A_127 = tpu.memref_slice %arg7[%add3A_121, %dma_wait3A_126] : memref<10240x128xf32, #tpu.memory_space<hbm>> -> memref<16x128xf32, #tpu.memory_space<hbm>>
        %dma_wait3A_128 = arith.constant 0 : i32
        %dma_wait3A_129 = tpu.memref_slice %arg7[%add3A_121, %dma_wait3A_128] : memref<10240x128xf32, #tpu.memory_space<hbm>> -> memref<16x128xf32, #tpu.memory_space<hbm>>
        tpu.wait_dma2 semaphore(%run_scoped3A : memref<!tpu.dma_semaphore, #tpu.memory_space<semaphore_mem>>) src(%arg17 : memref<16x128xf32, #tpu.memory_space<vmem>>) dst(%dma_wait3A_129 : memref<16x128xf32, #tpu.memory_space<hbm>>)
        tpu.yield
      }) : () -> ()
    }
    %scan3A_50 = arith.constant 10 : i32
    %barrier3A_51 = arith.constant 0 : index
    tpu.barrier barrier_id(%barrier3A_51)
    %add3A_52 = arith.constant 2 : i32
    %add3A_53 = arith.addi %add3A_52, %arg0 : i32
    %mul3A_54 = arith.constant 2560 : i32
    %mul3A_55 = arith.muli %add3A_53, %mul3A_54 : i32
    %scan3A_56 = arith.constant 0 : i32
    %scan3A_57 = arith.constant 16 : i32
    %scan3A_58 = arith.addi %scan3A_56, %scan3A_57 : i32
    %scan3A_59 = arith.constant 1 : i32
    scf.for %scan3A_108 = %scan3A_56 to %scan3A_58 step %scan3A_59  : i32 {
      %mul3A_109 = arith.constant 1 : i32
      %mul3A_110 = arith.muli %scan3A_108, %mul3A_109 : i32
      %add3A_111 = arith.constant 0 : i32
      %add3A_112 = arith.addi %add3A_111, %mul3A_110 : i32
      %scan3A_113 = arith.constant 0 : i32
      %scan3A_114 = arith.constant 8 : i32
      %scan3A_115 = arith.addi %scan3A_113, %scan3A_114 : i32
      %scan3A_116 = arith.constant 1 : i32
      scf.for %scan3A_118 = %scan3A_113 to %scan3A_115 step %scan3A_116  : i32 {
        %mul3A_119 = arith.constant 1 : i32
        %mul3A_120 = arith.muli %scan3A_118, %mul3A_119 : i32
        %add3A_121 = arith.constant 0 : i32
        %add3A_122 = arith.addi %add3A_121, %mul3A_120 : i32
        %broadcast_in_dim3A = arith.constant 0.000000e+00 : f32
        %broadcast_in_dim3A_123 = vector.broadcast %broadcast_in_dim3A : f32 to vector<16xf32>
        %mul3A_124 = arith.constant 16 : i32
        %mul3A_125 = arith.muli %add3A_122, %mul3A_124 : i32
        %swap3A = arith.index_cast %add3A_112 : i32 to index
        %swap3A_126 = arith.index_cast %mul3A_125 : i32 to index
        %swap3A_127 = tpu.vector_load %arg17[%swap3A, %swap3A_126] {strides = array<i32>} : memref<16x128xf32, #tpu.memory_space<vmem>>, vector<16xf32>,
        tpu.vector_store %arg17[%swap3A, %swap3A_126], %broadcast_in_dim3A_123 {strides = array<i32>} : memref<16x128xf32, #tpu.memory_space<vmem>>, vector<16xf32>,
      }
      %scan3A_117 = arith.constant 8 : i32
    }
    %scan3A_60 = arith.constant 16 : i32
    %scan3A_61 = arith.constant 0 : i32
    %scan3A_62 = arith.constant 10 : i32
    %scan3A_63 = arith.addi %scan3A_61, %scan3A_62 : i32
    %scan3A_64 = arith.constant 1 : i32
    scf.for %scan3A_108 = %scan3A_61 to %scan3A_63 step %scan3A_64  : i32 {
      %mul3A_109 = arith.constant 1 : i32
      %mul3A_110 = arith.muli %scan3A_108, %mul3A_109 : i32
      %add3A_111 = arith.constant 0 : i32
      %add3A_112 = arith.addi %add3A_111, %mul3A_110 : i32
      %mul3A_113 = arith.constant 16 : i32
      %mul3A_114 = arith.muli %add3A_112, %mul3A_113 : i32
      %add3A_115 = arith.addi %mul3A_2, %mul3A_114 : i32
      "tpu.region"() ({
        %run_scoped3A = tpu.sem_alloc : memref<!tpu.dma_semaphore, #tpu.memory_space<semaphore_mem>>
        %dma_start3A_116 = arith.constant 0 : i32
        %dma_start3A_117 = tpu.memref_slice %arg18[%add3A_115, %dma_start3A_116] : memref<2568x128xf32, #tpu.memory_space<vmem_shared>> -> memref<16x128xf32, #tpu.memory_space<vmem_shared>>
        %dma_start3A_118 = arith.constant 0 : i32
        %dma_start3A_119 = tpu.memref_slice %arg18[%add3A_115, %dma_start3A_118] : memref<2568x128xf32, #tpu.memory_space<vmem_shared>> -> memref<16x128xf32, #tpu.memory_space<vmem_shared>>
        tpu.enqueue_dma source(%arg17 : memref<16x128xf32, #tpu.memory_space<vmem>>) target(%dma_start3A_119 : memref<16x128xf32, #tpu.memory_space<vmem_shared>>) target_semaphore(%run_scoped3A : memref<!tpu.dma_semaphore, #tpu.memory_space<semaphore_mem>>)
        %dma_wait3A_120 = arith.constant 0 : i32
        %dma_wait3A_121 = tpu.memref_slice %arg18[%add3A_115, %dma_wait3A_120] : memref<2568x128xf32, #tpu.memory_space<vmem_shared>> -> memref<16x128xf32, #tpu.memory_space<vmem_shared>>
        %dma_wait3A_122 = arith.constant 0 : i32
        %dma_wait3A_123 = tpu.memref_slice %arg18[%add3A_115, %dma_wait3A_122] : memref<2568x128xf32, #tpu.memory_space<vmem_shared>> -> memref<16x128xf32, #tpu.memory_space<vmem_shared>>
        tpu.wait_dma2 semaphore(%run_scoped3A : memref<!tpu.dma_semaphore, #tpu.memory_space<semaphore_mem>>) src(%arg17 : memref<16x128xf32, #tpu.memory_space<vmem>>) dst(%dma_wait3A_123 : memref<16x128xf32, #tpu.memory_space<vmem_shared>>)
        tpu.yield
      }) : () -> ()
    }
    %scan3A_65 = arith.constant 10 : i32
    %eq3A_66 = arith.constant 0 : i32
    %eq3A_67 = arith.cmpi eq, %arg1, %eq3A_66 : i32
    %convert_element_type3A_68 = arith.extui %eq3A_67 : i1 to i32
    %cond3A_69 = arith.constant 0 : i32
    %cond3A_70 = arith.cmpi ne, %convert_element_type3A_68, %cond3A_69 : i32
    scf.if %cond3A_70 {
      "tpu.region"() ({
        %run_scoped3A = tpu.sem_alloc : memref<!tpu.dma_semaphore, #tpu.memory_space<semaphore_mem>>
        %dma_start3A_108 = arith.constant 0 : i32
        %dma_start3A_109 = arith.constant 0 : i32
        %dma_start3A_110 = tpu.memref_slice %arg17[%dma_start3A_108, %dma_start3A_109] : memref<16x128xf32, #tpu.memory_space<vmem>> -> memref<8x128xf32, #tpu.memory_space<vmem>>
        %dma_start3A_111 = arith.constant 2560 : i32
        %dma_start3A_112 = arith.constant 0 : i32
        %dma_start3A_113 = tpu.memref_slice %arg18[%dma_start3A_111, %dma_start3A_112] : memref<2568x128xf32, #tpu.memory_space<vmem_shared>> -> memref<8x128xf32, #tpu.memory_space<vmem_shared>>
        %dma_start3A_114 = arith.constant 2560 : i32
        %dma_start3A_115 = arith.constant 0 : i32
        %dma_start3A_116 = tpu.memref_slice %arg18[%dma_start3A_114, %dma_start3A_115] : memref<2568x128xf32, #tpu.memory_space<vmem_shared>> -> memref<8x128xf32, #tpu.memory_space<vmem_shared>>
        %dma_start3A_117 = arith.constant 0 : i32
        %dma_start3A_118 = arith.constant 0 : i32
        %dma_start3A_119 = tpu.memref_slice %arg17[%dma_start3A_117, %dma_start3A_118] : memref<16x128xf32, #tpu.memory_space<vmem>> -> memref<8x128xf32, #tpu.memory_space<vmem>>
        tpu.enqueue_dma source(%dma_start3A_119 : memref<8x128xf32, #tpu.memory_space<vmem>>) target(%dma_start3A_116 : memref<8x128xf32, #tpu.memory_space<vmem_shared>>) target_semaphore(%run_scoped3A : memref<!tpu.dma_semaphore, #tpu.memory_space<semaphore_mem>>)
        %dma_wait3A_120 = arith.constant 0 : i32
        %dma_wait3A_121 = arith.constant 0 : i32
        %dma_wait3A_122 = tpu.memref_slice %arg17[%dma_wait3A_120, %dma_wait3A_121] : memref<16x128xf32, #tpu.memory_space<vmem>> -> memref<8x128xf32, #tpu.memory_space<vmem>>
        %dma_wait3A_123 = arith.constant 2560 : i32
        %dma_wait3A_124 = arith.constant 0 : i32
        %dma_wait3A_125 = tpu.memref_slice %arg18[%dma_wait3A_123, %dma_wait3A_124] : memref<2568x128xf32, #tpu.memory_space<vmem_shared>> -> memref<8x128xf32, #tpu.memory_space<vmem_shared>>
        %dma_wait3A_126 = arith.constant 2560 : i32
        %dma_wait3A_127 = arith.constant 0 : i32
        %dma_wait3A_128 = tpu.memref_slice %arg18[%dma_wait3A_126, %dma_wait3A_127] : memref<2568x128xf32, #tpu.memory_space<vmem_shared>> -> memref<8x128xf32, #tpu.memory_space<vmem_shared>>
        %dma_wait3A_129 = arith.constant 0 : i32
        %dma_wait3A_130 = arith.constant 0 : i32
        %dma_wait3A_131 = tpu.memref_slice %arg17[%dma_wait3A_129, %dma_wait3A_130] : memref<16x128xf32, #tpu.memory_space<vmem>> -> memref<8x128xf32, #tpu.memory_space<vmem>>
        tpu.wait_dma2 semaphore(%run_scoped3A : memref<!tpu.dma_semaphore, #tpu.memory_space<semaphore_mem>>) src(%dma_wait3A_131 : memref<8x128xf32, #tpu.memory_space<vmem>>) dst(%dma_wait3A_128 : memref<8x128xf32, #tpu.memory_space<vmem_shared>>)
        tpu.yield
      }) : () -> ()
    } else {
    }
    %add3A_71 = arith.constant 0 : i32
    %add3A_72 = arith.addi %mul3A_0, %add3A_71 : i32
    %dma_start3A_73 = arith.constant 0 : i32
    %dma_start3A_74 = arith.constant 0 : i32
    %dma_start3A_75 = tpu.memref_slice %arg8[%dma_start3A_73, %dma_start3A_74] : memref<250x80xi32, #tpu.memory_space<vmem>> -> memref<1x80xi32, #tpu.memory_space<vmem>>
    %dma_start3A_76 = tpu.memref_squeeze %dma_start3A_75 : memref<1x80xi32, #tpu.memory_space<vmem>> -> memref<80xi32, #tpu.memory_space<vmem>>
    %dma_start3A_77 = arith.constant 0 : i32
    %dma_start3A_78 = arith.constant 0 : i32
    %dma_start3A_79 = tpu.memref_slice %arg5[%dma_start3A_77, %dma_start3A_78] : memref<10000x128xf32, #tpu.memory_space<hbm>> -> memref<10000x128xf32, #tpu.memory_space<hbm>>
    tpu.enqueue_indirect_dma source(%dma_start3A_79 : memref<10000x128xf32, #tpu.memory_space<hbm>>) target(%arg15 : memref<80x128xf32, #tpu.memory_space<vmem>>) offsets(%dma_start3A_76 : memref<80xi32, #tpu.memory_space<vmem>>) semaphore(%arg19 : memref<!tpu.dma_semaphore, #tpu.memory_space<semaphore_mem>>)
    %dma_start3A_80 = tpu.memref_slice %arg4[%add3A_72] : memref<320000xf32, #tpu.memory_space<hbm>> -> memref<80xf32, #tpu.memory_space<hbm>>
    %dma_start3A_81 = tpu.memref_slice %arg4[%add3A_72] : memref<320000xf32, #tpu.memory_space<hbm>> -> memref<80xf32, #tpu.memory_space<hbm>>
    tpu.enqueue_dma source(%dma_start3A_81 : memref<80xf32, #tpu.memory_space<hbm>>) target(%arg12 : memref<80xf32, #tpu.memory_space<vmem>>) target_semaphore(%arg19 : memref<!tpu.dma_semaphore, #tpu.memory_space<semaphore_mem>>)
    %barrier3A_82 = arith.constant 0 : index
    tpu.barrier barrier_id(%barrier3A_82)
    %scan3A_83 = arith.constant 0 : i32
    %scan3A_84 = arith.constant 125 : i32
    %scan3A_85 = arith.addi %scan3A_83, %scan3A_84 : i32
    %scan3A_86 = arith.constant 1 : i32
    scf.for %scan3A_108 = %scan3A_83 to %scan3A_85 step %scan3A_86  : i32 {
      %mul3A_109 = arith.constant 1 : i32
      %mul3A_110 = arith.muli %scan3A_108, %mul3A_109 : i32
      %add3A_111 = arith.constant 0 : i32
      %add3A_112 = arith.addi %add3A_111, %mul3A_110 : i32
      %mul3A_113 = arith.constant 2 : i32
      %mul3A_114 = arith.muli %add3A_112, %mul3A_113 : i32
      %add3A_115 = arith.constant 0 : i32
      %add3A_116 = arith.addi %mul3A_114, %add3A_115 : i32
      %add3A_117 = arith.constant 1 : i32
      %add3A_118 = arith.addi %add3A_116, %add3A_117 : i32
      %lt3A = arith.constant 250 : i32
      %lt3A_119 = arith.cmpi slt, %add3A_118, %lt3A : i32
      %convert_element_type3A_120 = arith.extui %lt3A_119 : i1 to i32
      %cond3A_121 = arith.constant 0 : i32
      %cond3A_122 = arith.cmpi ne, %convert_element_type3A_120, %cond3A_121 : i32
      scf.if %cond3A_122 {
        %ge3A = arith.constant 1 : i32
        %ge3A_190 = arith.cmpi sge, %add3A_116, %ge3A : i32
        %convert_element_type3A_191 = arith.extui %ge3A_190 : i1 to i32
        %cond3A_192 = arith.constant 0 : i32
        %cond3A_193 = arith.cmpi ne, %convert_element_type3A_191, %cond3A_192 : i32
        scf.if %cond3A_193 {
          %dma_wait3A_207 = arith.constant 0 : i32
          %dma_wait3A_208 = arith.constant 0 : i32
          %dma_wait3A_209 = tpu.memref_slice %arg11[%dma_wait3A_207, %dma_wait3A_208] : memref<1x80xi32, #tpu.memory_space<vmem>> -> memref<1x80xi32, #tpu.memory_space<vmem>>
          %dma_wait3A_210 = tpu.memref_squeeze %dma_wait3A_209 : memref<1x80xi32, #tpu.memory_space<vmem>> -> memref<80xi32, #tpu.memory_space<vmem>>
          %dma_wait3A_211 = arith.constant 0 : i32
          %dma_wait3A_212 = arith.constant 0 : i32
          %dma_wait3A_213 = tpu.memref_slice %arg18[%dma_wait3A_211, %dma_wait3A_212] : memref<2568x128xf32, #tpu.memory_space<vmem_shared>> -> memref<2568x128xf32, #tpu.memory_space<vmem_shared>>
          tpu.wait_indirect_dma semaphore(%arg22 : memref<!tpu.dma_semaphore, #tpu.memory_space<semaphore_mem>>) src(%arg16 : memref<80x128xf32, #tpu.memory_space<vmem>>) dst(%dma_wait3A_213 : memref<2568x128xf32, #tpu.memory_space<vmem_shared>>)
        } else {
        }
        %add3A_194 = arith.constant 1 : i32
        %add3A_195 = arith.addi %add3A_116, %add3A_194 : i32
        %mul3A_196 = arith.constant 80 : i32
        %mul3A_197 = arith.muli %add3A_195, %mul3A_196 : i32
        %add3A_198 = arith.addi %mul3A_0, %mul3A_197 : i32
        %dma_start3A_199 = arith.constant 0 : i32
        %dma_start3A_200 = tpu.memref_slice %arg8[%add3A_195, %dma_start3A_199] : memref<250x80xi32, #tpu.memory_space<vmem>> -> memref<1x80xi32, #tpu.memory_space<vmem>>
        %dma_start3A_201 = tpu.memref_squeeze %dma_start3A_200 : memref<1x80xi32, #tpu.memory_space<vmem>> -> memref<80xi32, #tpu.memory_space<vmem>>
        %dma_start3A_202 = arith.constant 0 : i32
        %dma_start3A_203 = arith.constant 0 : i32
        %dma_start3A_204 = tpu.memref_slice %arg5[%dma_start3A_202, %dma_start3A_203] : memref<10000x128xf32, #tpu.memory_space<hbm>> -> memref<10000x128xf32, #tpu.memory_space<hbm>>
        tpu.enqueue_indirect_dma source(%dma_start3A_204 : memref<10000x128xf32, #tpu.memory_space<hbm>>) target(%arg16 : memref<80x128xf32, #tpu.memory_space<vmem>>) offsets(%dma_start3A_201 : memref<80xi32, #tpu.memory_space<vmem>>) semaphore(%arg20 : memref<!tpu.dma_semaphore, #tpu.memory_space<semaphore_mem>>)
        %dma_start3A_205 = tpu.memref_slice %arg4[%add3A_198] : memref<320000xf32, #tpu.memory_space<hbm>> -> memref<80xf32, #tpu.memory_space<hbm>>
        %dma_start3A_206 = tpu.memref_slice %arg4[%add3A_198] : memref<320000xf32, #tpu.memory_space<hbm>> -> memref<80xf32, #tpu.memory_space<hbm>>
        tpu.enqueue_dma source(%dma_start3A_206 : memref<80xf32, #tpu.memory_space<hbm>>) target(%arg13 : memref<80xf32, #tpu.memory_space<vmem>>) target_semaphore(%arg20 : memref<!tpu.dma_semaphore, #tpu.memory_space<semaphore_mem>>)
      } else {
      }
      %mul3A_123 = arith.constant 80 : i32
      %mul3A_124 = arith.muli %add3A_116, %mul3A_123 : i32
      %add3A_125 = arith.addi %mul3A_0, %mul3A_124 : i32
      %dma_wait3A_126 = arith.constant 0 : i32
      %dma_wait3A_127 = tpu.memref_slice %arg8[%add3A_116, %dma_wait3A_126] : memref<250x80xi32, #tpu.memory_space<vmem>> -> memref<1x80xi32, #tpu.memory_space<vmem>>
      %dma_wait3A_128 = tpu.memref_squeeze %dma_wait3A_127 : memref<1x80xi32, #tpu.memory_space<vmem>> -> memref<80xi32, #tpu.memory_space<vmem>>
      %dma_wait3A_129 = arith.constant 0 : i32
      %dma_wait3A_130 = arith.constant 0 : i32
      %dma_wait3A_131 = tpu.memref_slice %arg5[%dma_wait3A_129, %dma_wait3A_130] : memref<10000x128xf32, #tpu.memory_space<hbm>> -> memref<10000x128xf32, #tpu.memory_space<hbm>>
      tpu.wait_indirect_dma semaphore(%arg19 : memref<!tpu.dma_semaphore, #tpu.memory_space<semaphore_mem>>) src(%dma_wait3A_131 : memref<10000x128xf32, #tpu.memory_space<hbm>>) dst(%arg15 : memref<80x128xf32, #tpu.memory_space<vmem>>)
      %dma_wait3A_132 = tpu.memref_slice %arg4[%add3A_125] : memref<320000xf32, #tpu.memory_space<hbm>> -> memref<80xf32, #tpu.memory_space<hbm>>
      %dma_wait3A_133 = tpu.memref_slice %arg4[%add3A_125] : memref<320000xf32, #tpu.memory_space<hbm>> -> memref<80xf32, #tpu.memory_space<hbm>>
      tpu.wait_dma2 semaphore(%arg19 : memref<!tpu.dma_semaphore, #tpu.memory_space<semaphore_mem>>) src(%dma_wait3A_133 : memref<80xf32, #tpu.memory_space<hbm>>) dst(%arg12 : memref<80xf32, #tpu.memory_space<vmem>>)
      %scan3A_134 = arith.constant 0 : i32
      %scan3A_135 = arith.constant 5 : i32
      %scan3A_136 = arith.addi %scan3A_134, %scan3A_135 : i32
      %scan3A_137 = arith.constant 1 : i32
      scf.for %scan3A_190 = %scan3A_134 to %scan3A_136 step %scan3A_137  : i32 {
        %mul3A_191 = arith.constant 1 : i32
        %mul3A_192 = arith.muli %scan3A_190, %mul3A_191 : i32
        %add3A_193 = arith.constant 0 : i32
        %add3A_194 = arith.addi %add3A_193, %mul3A_192 : i32
        %mul3A_195 = arith.constant 16 : i32
        %mul3A_196 = arith.muli %add3A_194, %mul3A_195 : i32
        %get3A = arith.index_cast %add3A_116 : i32 to index
        %get3A_197 = arith.index_cast %mul3A_196 : i32 to index
        %get3A_198 = tpu.vector_load %arg9[%get3A, %get3A_197] {strides = array<i32>} : memref<250x80xi32, #tpu.memory_space<vmem>>, vector<16xi32>,
        %sub3A = vector.broadcast %mul3A_55 : i32 to vector<16xi32>
        %sub3A_199 = arith.subi %get3A_198, %sub3A : vector<16xi32>
        %ge3A = arith.constant 0 : i32
        %ge3A_200 = vector.broadcast %ge3A : i32 to vector<16xi32>
        %ge3A_201 = arith.cmpi sge, %sub3A_199, %ge3A_200 : vector<16xi32>
        %lt3A_202 = arith.constant 2560 : i32
        %lt3A_203 = vector.broadcast %lt3A_202 : i32 to vector<16xi32>
        %lt3A_204 = arith.cmpi slt, %sub3A_199, %lt3A_203 : vector<16xi32>
        %and3A = arith.andi %ge3A_201, %lt3A_204 : vector<16xi1>
        %jit3A = arith.constant 2560 : i32
        %broadcast_in_dim3A = vector.broadcast %jit3A : i32 to vector<16xi32>
        %select_n3A = arith.select %and3A, %sub3A_199, %broadcast_in_dim3A : vector<16xi1>, vector<16xi32>
        %mul3A_205 = arith.constant 16 : i32
        %mul3A_206 = arith.muli %add3A_194, %mul3A_205 : i32
        %swap3A = arith.constant 0 : i32
        %swap3A_207 = arith.index_cast %swap3A : i32 to index
        %swap3A_208 = arith.index_cast %mul3A_206 : i32 to index
        %swap3A_209 = tpu.vector_load %arg10[%swap3A_207, %swap3A_208] {strides = array<i32>} : memref<1x80xi32, #tpu.memory_space<vmem>>, vector<16xi32>,
        tpu.vector_store %arg10[%swap3A_207, %swap3A_208], %select_n3A {strides = array<i32>} : memref<1x80xi32, #tpu.memory_space<vmem>>, vector<16xi32>,
      }
      %scan3A_138 = arith.constant 5 : i32
      %scan3A_139 = arith.constant 0 : i32
      %scan3A_140 = arith.constant 80 : i32
      %scan3A_141 = arith.addi %scan3A_139, %scan3A_140 : i32
      %scan3A_142 = arith.constant 1 : i32
      scf.for %scan3A_190 = %scan3A_139 to %scan3A_141 step %scan3A_142  : i32 {
        %mul3A_191 = arith.constant 1 : i32
        %mul3A_192 = arith.muli %scan3A_190, %mul3A_191 : i32
        %add3A_193 = arith.constant 0 : i32
        %add3A_194 = arith.addi %add3A_193, %mul3A_192 : i32
        %broadcast_in_dim3A = vector.broadcast %add3A_194 : i32 to vector<16xi32>
        %gather3A = tpu.vector_load_idx %arg12[%broadcast_in_dim3A] : memref<80xf32, #tpu.memory_space<vmem>>[vector<16xi32>], vector<16xf32>,
        %get3A = arith.index_cast %add3A_194 : i32 to index
        %get3A_195 = arith.constant 0 : index
        %get3A_196 = tpu.vector_load %arg15[%get3A, %get3A_195] {strides = array<i32>} : memref<80x128xf32, #tpu.memory_space<vmem>>, vector<16xf32>,
        %mul3A_197 = arith.mulf %get3A_196, %gather3A : vector<16xf32>
        %swap3A = arith.index_cast %add3A_194 : i32 to index
        %swap3A_198 = arith.constant 0 : index
        %swap3A_199 = tpu.vector_load %arg15[%swap3A, %swap3A_198] {strides = array<i32>} : memref<80x128xf32, #tpu.memory_space<vmem>>, vector<16xf32>,
        tpu.vector_store %arg15[%swap3A, %swap3A_198], %mul3A_197 {strides = array<i32>} : memref<80x128xf32, #tpu.memory_space<vmem>>, vector<16xf32>,
        %get3A_200 = arith.index_cast %add3A_194 : i32 to index
        %get3A_201 = arith.constant 16 : index
        %get3A_202 = tpu.vector_load %arg15[%get3A_200, %get3A_201] {strides = array<i32>} : memref<80x128xf32, #tpu.memory_space<vmem>>, vector<16xf32>,
        %mul3A_203 = arith.mulf %get3A_202, %gather3A : vector<16xf32>
        %swap3A_204 = arith.index_cast %add3A_194 : i32 to index
        %swap3A_205 = arith.constant 16 : index
        %swap3A_206 = tpu.vector_load %arg15[%swap3A_204, %swap3A_205] {strides = array<i32>} : memref<80x128xf32, #tpu.memory_space<vmem>>, vector<16xf32>,
        tpu.vector_store %arg15[%swap3A_204, %swap3A_205], %mul3A_203 {strides = array<i32>} : memref<80x128xf32, #tpu.memory_space<vmem>>, vector<16xf32>,
        %get3A_207 = arith.index_cast %add3A_194 : i32 to index
        %get3A_208 = arith.constant 32 : index
        %get3A_209 = tpu.vector_load %arg15[%get3A_207, %get3A_208] {strides = array<i32>} : memref<80x128xf32, #tpu.memory_space<vmem>>, vector<16xf32>,
        %mul3A_210 = arith.mulf %get3A_209, %gather3A : vector<16xf32>
        %swap3A_211 = arith.index_cast %add3A_194 : i32 to index
        %swap3A_212 = arith.constant 32 : index
        %swap3A_213 = tpu.vector_load %arg15[%swap3A_211, %swap3A_212] {strides = array<i32>} : memref<80x128xf32, #tpu.memory_space<vmem>>, vector<16xf32>,
        tpu.vector_store %arg15[%swap3A_211, %swap3A_212], %mul3A_210 {strides = array<i32>} : memref<80x128xf32, #tpu.memory_space<vmem>>, vector<16xf32>,
        %get3A_214 = arith.index_cast %add3A_194 : i32 to index
        %get3A_215 = arith.constant 48 : index
        %get3A_216 = tpu.vector_load %arg15[%get3A_214, %get3A_215] {strides = array<i32>} : memref<80x128xf32, #tpu.memory_space<vmem>>, vector<16xf32>,
        %mul3A_217 = arith.mulf %get3A_216, %gather3A : vector<16xf32>
        %swap3A_218 = arith.index_cast %add3A_194 : i32 to index
        %swap3A_219 = arith.constant 48 : index
        %swap3A_220 = tpu.vector_load %arg15[%swap3A_218, %swap3A_219] {strides = array<i32>} : memref<80x128xf32, #tpu.memory_space<vmem>>, vector<16xf32>,
        tpu.vector_store %arg15[%swap3A_218, %swap3A_219], %mul3A_217 {strides = array<i32>} : memref<80x128xf32, #tpu.memory_space<vmem>>, vector<16xf32>,
        %get3A_221 = arith.index_cast %add3A_194 : i32 to index
        %get3A_222 = arith.constant 64 : index
        %get3A_223 = tpu.vector_load %arg15[%get3A_221, %get3A_222] {strides = array<i32>} : memref<80x128xf32, #tpu.memory_space<vmem>>, vector<16xf32>,
        %mul3A_224 = arith.mulf %get3A_223, %gather3A : vector<16xf32>
        %swap3A_225 = arith.index_cast %add3A_194 : i32 to index
        %swap3A_226 = arith.constant 64 : index
        %swap3A_227 = tpu.vector_load %arg15[%swap3A_225, %swap3A_226] {strides = array<i32>} : memref<80x128xf32, #tpu.memory_space<vmem>>, vector<16xf32>,
        tpu.vector_store %arg15[%swap3A_225, %swap3A_226], %mul3A_224 {strides = array<i32>} : memref<80x128xf32, #tpu.memory_space<vmem>>, vector<16xf32>,
        %get3A_228 = arith.index_cast %add3A_194 : i32 to index
        %get3A_229 = arith.constant 80 : index
        %get3A_230 = tpu.vector_load %arg15[%get3A_228, %get3A_229] {strides = array<i32>} : memref<80x128xf32, #tpu.memory_space<vmem>>, vector<16xf32>,
        %mul3A_231 = arith.mulf %get3A_230, %gather3A : vector<16xf32>
        %swap3A_232 = arith.index_cast %add3A_194 : i32 to index
        %swap3A_233 = arith.constant 80 : index
        %swap3A_234 = tpu.vector_load %arg15[%swap3A_232, %swap3A_233] {strides = array<i32>} : memref<80x128xf32, #tpu.memory_space<vmem>>, vector<16xf32>,
        tpu.vector_store %arg15[%swap3A_232, %swap3A_233], %mul3A_231 {strides = array<i32>} : memref<80x128xf32, #tpu.memory_space<vmem>>, vector<16xf32>,
        %get3A_235 = arith.index_cast %add3A_194 : i32 to index
        %get3A_236 = arith.constant 96 : index
        %get3A_237 = tpu.vector_load %arg15[%get3A_235, %get3A_236] {strides = array<i32>} : memref<80x128xf32, #tpu.memory_space<vmem>>, vector<16xf32>,
        %mul3A_238 = arith.mulf %get3A_237, %gather3A : vector<16xf32>
        %swap3A_239 = arith.index_cast %add3A_194 : i32 to index
        %swap3A_240 = arith.constant 96 : index
        %swap3A_241 = tpu.vector_load %arg15[%swap3A_239, %swap3A_240] {strides = array<i32>} : memref<80x128xf32, #tpu.memory_space<vmem>>, vector<16xf32>,
        tpu.vector_store %arg15[%swap3A_239, %swap3A_240], %mul3A_238 {strides = array<i32>} : memref<80x128xf32, #tpu.memory_space<vmem>>, vector<16xf32>,
        %get3A_242 = arith.index_cast %add3A_194 : i32 to index
        %get3A_243 = arith.constant 112 : index
        %get3A_244 = tpu.vector_load %arg15[%get3A_242, %get3A_243] {strides = array<i32>} : memref<80x128xf32, #tpu.memory_space<vmem>>, vector<16xf32>,
        %mul3A_245 = arith.mulf %get3A_244, %gather3A : vector<16xf32>
        %swap3A_246 = arith.index_cast %add3A_194 : i32 to index
        %swap3A_247 = arith.constant 112 : index
        %swap3A_248 = tpu.vector_load %arg15[%swap3A_246, %swap3A_247] {strides = array<i32>} : memref<80x128xf32, #tpu.memory_space<vmem>>, vector<16xf32>,
        tpu.vector_store %arg15[%swap3A_246, %swap3A_247], %mul3A_245 {strides = array<i32>} : memref<80x128xf32, #tpu.memory_space<vmem>>, vector<16xf32>,
      }
      %scan3A_143 = arith.constant 80 : i32
      %dma_start3A_144 = arith.constant 0 : i32
      %dma_start3A_145 = arith.constant 0 : i32
      %dma_start3A_146 = tpu.memref_slice %arg10[%dma_start3A_144, %dma_start3A_145] : memref<1x80xi32, #tpu.memory_space<vmem>> -> memref<1x80xi32, #tpu.memory_space<vmem>>
      %dma_start3A_147 = tpu.memref_squeeze %dma_start3A_146 : memref<1x80xi32, #tpu.memory_space<vmem>> -> memref<80xi32, #tpu.memory_space<vmem>>
      %dma_start3A_148 = arith.constant 0 : i32
      %dma_start3A_149 = arith.constant 0 : i32
      %dma_start3A_150 = tpu.memref_slice %arg18[%dma_start3A_148, %dma_start3A_149] : memref<2568x128xf32, #tpu.memory_space<vmem_shared>> -> memref<2568x128xf32, #tpu.memory_space<vmem_shared>>
      tpu.enqueue_indirect_dma source(%arg15 : memref<80x128xf32, #tpu.memory_space<vmem>>) target(%dma_start3A_150 : memref<2568x128xf32, #tpu.memory_space<vmem_shared>>) offsets(%dma_start3A_147 : memref<80xi32, #tpu.memory_space<vmem>>) semaphore(%arg21 : memref<!tpu.dma_semaphore, #tpu.memory_space<semaphore_mem>>) {add = true}
      %mul3A_151 = arith.constant 2 : i32
      %mul3A_152 = arith.muli %add3A_112, %mul3A_151 : i32
      %add3A_153 = arith.constant 1 : i32
      %add3A_154 = arith.addi %mul3A_152, %add3A_153 : i32
      %add3A_155 = arith.constant 1 : i32
      %add3A_156 = arith.addi %add3A_154, %add3A_155 : i32
      %lt3A_157 = arith.constant 250 : i32
      %lt3A_158 = arith.cmpi slt, %add3A_156, %lt3A_157 : i32
      %convert_element_type3A_159 = arith.extui %lt3A_158 : i1 to i32
      %cond3A_160 = arith.constant 0 : i32
      %cond3A_161 = arith.cmpi ne, %convert_element_type3A_159, %cond3A_160 : i32
      scf.if %cond3A_161 {
        %ge3A = arith.constant 1 : i32
        %ge3A_190 = arith.cmpi sge, %add3A_154, %ge3A : i32
        %convert_element_type3A_191 = arith.extui %ge3A_190 : i1 to i32
        %cond3A_192 = arith.constant 0 : i32
        %cond3A_193 = arith.cmpi ne, %convert_element_type3A_191, %cond3A_192 : i32
        scf.if %cond3A_193 {
          %dma_wait3A_207 = arith.constant 0 : i32
          %dma_wait3A_208 = arith.constant 0 : i32
          %dma_wait3A_209 = tpu.memref_slice %arg10[%dma_wait3A_207, %dma_wait3A_208] : memref<1x80xi32, #tpu.memory_space<vmem>> -> memref<1x80xi32, #tpu.memory_space<vmem>>
          %dma_wait3A_210 = tpu.memref_squeeze %dma_wait3A_209 : memref<1x80xi32, #tpu.memory_space<vmem>> -> memref<80xi32, #tpu.memory_space<vmem>>
          %dma_wait3A_211 = arith.constant 0 : i32
          %dma_wait3A_212 = arith.constant 0 : i32
          %dma_wait3A_213 = tpu.memref_slice %arg18[%dma_wait3A_211, %dma_wait3A_212] : memref<2568x128xf32, #tpu.memory_space<vmem_shared>> -> memref<2568x128xf32, #tpu.memory_space<vmem_shared>>
          tpu.wait_indirect_dma semaphore(%arg21 : memref<!tpu.dma_semaphore, #tpu.memory_space<semaphore_mem>>) src(%arg15 : memref<80x128xf32, #tpu.memory_space<vmem>>) dst(%dma_wait3A_213 : memref<2568x128xf32, #tpu.memory_space<vmem_shared>>)
        } else {
        }
        %add3A_194 = arith.constant 1 : i32
        %add3A_195 = arith.addi %add3A_154, %add3A_194 : i32
        %mul3A_196 = arith.constant 80 : i32
        %mul3A_197 = arith.muli %add3A_195, %mul3A_196 : i32
        %add3A_198 = arith.addi %mul3A_0, %mul3A_197 : i32
        %dma_start3A_199 = arith.constant 0 : i32
        %dma_start3A_200 = tpu.memref_slice %arg8[%add3A_195, %dma_start3A_199] : memref<250x80xi32, #tpu.memory_space<vmem>> -> memref<1x80xi32, #tpu.memory_space<vmem>>
        %dma_start3A_201 = tpu.memref_squeeze %dma_start3A_200 : memref<1x80xi32, #tpu.memory_space<vmem>> -> memref<80xi32, #tpu.memory_space<vmem>>
        %dma_start3A_202 = arith.constant 0 : i32
        %dma_start3A_203 = arith.constant 0 : i32
        %dma_start3A_204 = tpu.memref_slice %arg5[%dma_start3A_202, %dma_start3A_203] : memref<10000x128xf32, #tpu.memory_space<hbm>> -> memref<10000x128xf32, #tpu.memory_space<hbm>>
        tpu.enqueue_indirect_dma source(%dma_start3A_204 : memref<10000x128xf32, #tpu.memory_space<hbm>>) target(%arg15 : memref<80x128xf32, #tpu.memory_space<vmem>>) offsets(%dma_start3A_201 : memref<80xi32, #tpu.memory_space<vmem>>) semaphore(%arg19 : memref<!tpu.dma_semaphore, #tpu.memory_space<semaphore_mem>>)
        %dma_start3A_205 = tpu.memref_slice %arg4[%add3A_198] : memref<320000xf32, #tpu.memory_space<hbm>> -> memref<80xf32, #tpu.memory_space<hbm>>
        %dma_start3A_206 = tpu.memref_slice %arg4[%add3A_198] : memref<320000xf32, #tpu.memory_space<hbm>> -> memref<80xf32, #tpu.memory_space<hbm>>
        tpu.enqueue_dma source(%dma_start3A_206 : memref<80xf32, #tpu.memory_space<hbm>>) target(%arg12 : memref<80xf32, #tpu.memory_space<vmem>>) target_semaphore(%arg19 : memref<!tpu.dma_semaphore, #tpu.memory_space<semaphore_mem>>)
      } else {
      }
      %mul3A_162 = arith.constant 80 : i32
      %mul3A_163 = arith.muli %add3A_154, %mul3A_162 : i32
      %add3A_164 = arith.addi %mul3A_0, %mul3A_163 : i32
      %dma_wait3A_165 = arith.constant 0 : i32
      %dma_wait3A_166 = tpu.memref_slice %arg8[%add3A_154, %dma_wait3A_165] : memref<250x80xi32, #tpu.memory_space<vmem>> -> memref<1x80xi32, #tpu.memory_space<vmem>>
      %dma_wait3A_167 = tpu.memref_squeeze %dma_wait3A_166 : memref<1x80xi32, #tpu.memory_space<vmem>> -> memref<80xi32, #tpu.memory_space<vmem>>
      %dma_wait3A_168 = arith.constant 0 : i32
      %dma_wait3A_169 = arith.constant 0 : i32
      %dma_wait3A_170 = tpu.memref_slice %arg5[%dma_wait3A_168, %dma_wait3A_169] : memref<10000x128xf32, #tpu.memory_space<hbm>> -> memref<10000x128xf32, #tpu.memory_space<hbm>>
      tpu.wait_indirect_dma semaphore(%arg20 : memref<!tpu.dma_semaphore, #tpu.memory_space<semaphore_mem>>) src(%dma_wait3A_170 : memref<10000x128xf32, #tpu.memory_space<hbm>>) dst(%arg16 : memref<80x128xf32, #tpu.memory_space<vmem>>)
      %dma_wait3A_171 = tpu.memref_slice %arg4[%add3A_164] : memref<320000xf32, #tpu.memory_space<hbm>> -> memref<80xf32, #tpu.memory_space<hbm>>
      %dma_wait3A_172 = tpu.memref_slice %arg4[%add3A_164] : memref<320000xf32, #tpu.memory_space<hbm>> -> memref<80xf32, #tpu.memory_space<hbm>>
      tpu.wait_dma2 semaphore(%arg20 : memref<!tpu.dma_semaphore, #tpu.memory_space<semaphore_mem>>) src(%dma_wait3A_172 : memref<80xf32, #tpu.memory_space<hbm>>) dst(%arg13 : memref<80xf32, #tpu.memory_space<vmem>>)
      %scan3A_173 = arith.constant 0 : i32
      %scan3A_174 = arith.constant 5 : i32
      %scan3A_175 = arith.addi %scan3A_173, %scan3A_174 : i32
      %scan3A_176 = arith.constant 1 : i32
      scf.for %scan3A_190 = %scan3A_173 to %scan3A_175 step %scan3A_176  : i32 {
        %mul3A_191 = arith.constant 1 : i32
        %mul3A_192 = arith.muli %scan3A_190, %mul3A_191 : i32
        %add3A_193 = arith.constant 0 : i32
        %add3A_194 = arith.addi %add3A_193, %mul3A_192 : i32
        %mul3A_195 = arith.constant 16 : i32
        %mul3A_196 = arith.muli %add3A_194, %mul3A_195 : i32
        %get3A = arith.index_cast %add3A_154 : i32 to index
        %get3A_197 = arith.index_cast %mul3A_196 : i32 to index
        %get3A_198 = tpu.vector_load %arg9[%get3A, %get3A_197] {strides = array<i32>} : memref<250x80xi32, #tpu.memory_space<vmem>>, vector<16xi32>,
        %sub3A = vector.broadcast %mul3A_55 : i32 to vector<16xi32>
        %sub3A_199 = arith.subi %get3A_198, %sub3A : vector<16xi32>
        %ge3A = arith.constant 0 : i32
        %ge3A_200 = vector.broadcast %ge3A : i32 to vector<16xi32>
        %ge3A_201 = arith.cmpi sge, %sub3A_199, %ge3A_200 : vector<16xi32>
        %lt3A_202 = arith.constant 2560 : i32
        %lt3A_203 = vector.broadcast %lt3A_202 : i32 to vector<16xi32>
        %lt3A_204 = arith.cmpi slt, %sub3A_199, %lt3A_203 : vector<16xi32>
        %and3A = arith.andi %ge3A_201, %lt3A_204 : vector<16xi1>
        %jit3A = arith.constant 2560 : i32
        %broadcast_in_dim3A = vector.broadcast %jit3A : i32 to vector<16xi32>
        %select_n3A = arith.select %and3A, %sub3A_199, %broadcast_in_dim3A : vector<16xi1>, vector<16xi32>
        %mul3A_205 = arith.constant 16 : i32
        %mul3A_206 = arith.muli %add3A_194, %mul3A_205 : i32
        %swap3A = arith.constant 0 : i32
        %swap3A_207 = arith.index_cast %swap3A : i32 to index
        %swap3A_208 = arith.index_cast %mul3A_206 : i32 to index
        %swap3A_209 = tpu.vector_load %arg11[%swap3A_207, %swap3A_208] {strides = array<i32>} : memref<1x80xi32, #tpu.memory_space<vmem>>, vector<16xi32>,
        tpu.vector_store %arg11[%swap3A_207, %swap3A_208], %select_n3A {strides = array<i32>} : memref<1x80xi32, #tpu.memory_space<vmem>>, vector<16xi32>,
      }
      %scan3A_177 = arith.constant 5 : i32
      %scan3A_178 = arith.constant 0 : i32
      %scan3A_179 = arith.constant 80 : i32
      %scan3A_180 = arith.addi %scan3A_178, %scan3A_179 : i32
      %scan3A_181 = arith.constant 1 : i32
      scf.for %scan3A_190 = %scan3A_178 to %scan3A_180 step %scan3A_181  : i32 {
        %mul3A_191 = arith.constant 1 : i32
        %mul3A_192 = arith.muli %scan3A_190, %mul3A_191 : i32
        %add3A_193 = arith.constant 0 : i32
        %add3A_194 = arith.addi %add3A_193, %mul3A_192 : i32
        %broadcast_in_dim3A = vector.broadcast %add3A_194 : i32 to vector<16xi32>
        %gather3A = tpu.vector_load_idx %arg13[%broadcast_in_dim3A] : memref<80xf32, #tpu.memory_space<vmem>>[vector<16xi32>], vector<16xf32>,
        %get3A = arith.index_cast %add3A_194 : i32 to index
        %get3A_195 = arith.constant 0 : index
        %get3A_196 = tpu.vector_load %arg16[%get3A, %get3A_195] {strides = array<i32>} : memref<80x128xf32, #tpu.memory_space<vmem>>, vector<16xf32>,
        %mul3A_197 = arith.mulf %get3A_196, %gather3A : vector<16xf32>
        %swap3A = arith.index_cast %add3A_194 : i32 to index
        %swap3A_198 = arith.constant 0 : index
        %swap3A_199 = tpu.vector_load %arg16[%swap3A, %swap3A_198] {strides = array<i32>} : memref<80x128xf32, #tpu.memory_space<vmem>>, vector<16xf32>,
        tpu.vector_store %arg16[%swap3A, %swap3A_198], %mul3A_197 {strides = array<i32>} : memref<80x128xf32, #tpu.memory_space<vmem>>, vector<16xf32>,
        %get3A_200 = arith.index_cast %add3A_194 : i32 to index
        %get3A_201 = arith.constant 16 : index
        %get3A_202 = tpu.vector_load %arg16[%get3A_200, %get3A_201] {strides = array<i32>} : memref<80x128xf32, #tpu.memory_space<vmem>>, vector<16xf32>,
        %mul3A_203 = arith.mulf %get3A_202, %gather3A : vector<16xf32>
        %swap3A_204 = arith.index_cast %add3A_194 : i32 to index
        %swap3A_205 = arith.constant 16 : index
        %swap3A_206 = tpu.vector_load %arg16[%swap3A_204, %swap3A_205] {strides = array<i32>} : memref<80x128xf32, #tpu.memory_space<vmem>>, vector<16xf32>,
        tpu.vector_store %arg16[%swap3A_204, %swap3A_205], %mul3A_203 {strides = array<i32>} : memref<80x128xf32, #tpu.memory_space<vmem>>, vector<16xf32>,
        %get3A_207 = arith.index_cast %add3A_194 : i32 to index
        %get3A_208 = arith.constant 32 : index
        %get3A_209 = tpu.vector_load %arg16[%get3A_207, %get3A_208] {strides = array<i32>} : memref<80x128xf32, #tpu.memory_space<vmem>>, vector<16xf32>,
        %mul3A_210 = arith.mulf %get3A_209, %gather3A : vector<16xf32>
        %swap3A_211 = arith.index_cast %add3A_194 : i32 to index
        %swap3A_212 = arith.constant 32 : index
        %swap3A_213 = tpu.vector_load %arg16[%swap3A_211, %swap3A_212] {strides = array<i32>} : memref<80x128xf32, #tpu.memory_space<vmem>>, vector<16xf32>,
        tpu.vector_store %arg16[%swap3A_211, %swap3A_212], %mul3A_210 {strides = array<i32>} : memref<80x128xf32, #tpu.memory_space<vmem>>, vector<16xf32>,
        %get3A_214 = arith.index_cast %add3A_194 : i32 to index
        %get3A_215 = arith.constant 48 : index
        %get3A_216 = tpu.vector_load %arg16[%get3A_214, %get3A_215] {strides = array<i32>} : memref<80x128xf32, #tpu.memory_space<vmem>>, vector<16xf32>,
        %mul3A_217 = arith.mulf %get3A_216, %gather3A : vector<16xf32>
        %swap3A_218 = arith.index_cast %add3A_194 : i32 to index
        %swap3A_219 = arith.constant 48 : index
        %swap3A_220 = tpu.vector_load %arg16[%swap3A_218, %swap3A_219] {strides = array<i32>} : memref<80x128xf32, #tpu.memory_space<vmem>>, vector<16xf32>,
        tpu.vector_store %arg16[%swap3A_218, %swap3A_219], %mul3A_217 {strides = array<i32>} : memref<80x128xf32, #tpu.memory_space<vmem>>, vector<16xf32>,
        %get3A_221 = arith.index_cast %add3A_194 : i32 to index
        %get3A_222 = arith.constant 64 : index
        %get3A_223 = tpu.vector_load %arg16[%get3A_221, %get3A_222] {strides = array<i32>} : memref<80x128xf32, #tpu.memory_space<vmem>>, vector<16xf32>,
        %mul3A_224 = arith.mulf %get3A_223, %gather3A : vector<16xf32>
        %swap3A_225 = arith.index_cast %add3A_194 : i32 to index
        %swap3A_226 = arith.constant 64 : index
        %swap3A_227 = tpu.vector_load %arg16[%swap3A_225, %swap3A_226] {strides = array<i32>} : memref<80x128xf32, #tpu.memory_space<vmem>>, vector<16xf32>,
        tpu.vector_store %arg16[%swap3A_225, %swap3A_226], %mul3A_224 {strides = array<i32>} : memref<80x128xf32, #tpu.memory_space<vmem>>, vector<16xf32>,
        %get3A_228 = arith.index_cast %add3A_194 : i32 to index
        %get3A_229 = arith.constant 80 : index
        %get3A_230 = tpu.vector_load %arg16[%get3A_228, %get3A_229] {strides = array<i32>} : memref<80x128xf32, #tpu.memory_space<vmem>>, vector<16xf32>,
        %mul3A_231 = arith.mulf %get3A_230, %gather3A : vector<16xf32>
        %swap3A_232 = arith.index_cast %add3A_194 : i32 to index
        %swap3A_233 = arith.constant 80 : index
        %swap3A_234 = tpu.vector_load %arg16[%swap3A_232, %swap3A_233] {strides = array<i32>} : memref<80x128xf32, #tpu.memory_space<vmem>>, vector<16xf32>,
        tpu.vector_store %arg16[%swap3A_232, %swap3A_233], %mul3A_231 {strides = array<i32>} : memref<80x128xf32, #tpu.memory_space<vmem>>, vector<16xf32>,
        %get3A_235 = arith.index_cast %add3A_194 : i32 to index
        %get3A_236 = arith.constant 96 : index
        %get3A_237 = tpu.vector_load %arg16[%get3A_235, %get3A_236] {strides = array<i32>} : memref<80x128xf32, #tpu.memory_space<vmem>>, vector<16xf32>,
        %mul3A_238 = arith.mulf %get3A_237, %gather3A : vector<16xf32>
        %swap3A_239 = arith.index_cast %add3A_194 : i32 to index
        %swap3A_240 = arith.constant 96 : index
        %swap3A_241 = tpu.vector_load %arg16[%swap3A_239, %swap3A_240] {strides = array<i32>} : memref<80x128xf32, #tpu.memory_space<vmem>>, vector<16xf32>,
        tpu.vector_store %arg16[%swap3A_239, %swap3A_240], %mul3A_238 {strides = array<i32>} : memref<80x128xf32, #tpu.memory_space<vmem>>, vector<16xf32>,
        %get3A_242 = arith.index_cast %add3A_194 : i32 to index
        %get3A_243 = arith.constant 112 : index
        %get3A_244 = tpu.vector_load %arg16[%get3A_242, %get3A_243] {strides = array<i32>} : memref<80x128xf32, #tpu.memory_space<vmem>>, vector<16xf32>,
        %mul3A_245 = arith.mulf %get3A_244, %gather3A : vector<16xf32>
        %swap3A_246 = arith.index_cast %add3A_194 : i32 to index
        %swap3A_247 = arith.constant 112 : index
        %swap3A_248 = tpu.vector_load %arg16[%swap3A_246, %swap3A_247] {strides = array<i32>} : memref<80x128xf32, #tpu.memory_space<vmem>>, vector<16xf32>,
        tpu.vector_store %arg16[%swap3A_246, %swap3A_247], %mul3A_245 {strides = array<i32>} : memref<80x128xf32, #tpu.memory_space<vmem>>, vector<16xf32>,
      }
      %scan3A_182 = arith.constant 80 : i32
      %dma_start3A_183 = arith.constant 0 : i32
      %dma_start3A_184 = arith.constant 0 : i32
      %dma_start3A_185 = tpu.memref_slice %arg11[%dma_start3A_183, %dma_start3A_184] : memref<1x80xi32, #tpu.memory_space<vmem>> -> memref<1x80xi32, #tpu.memory_space<vmem>>
      %dma_start3A_186 = tpu.memref_squeeze %dma_start3A_185 : memref<1x80xi32, #tpu.memory_space<vmem>> -> memref<80xi32, #tpu.memory_space<vmem>>
      %dma_start3A_187 = arith.constant 0 : i32
      %dma_start3A_188 = arith.constant 0 : i32
      %dma_start3A_189 = tpu.memref_slice %arg18[%dma_start3A_187, %dma_start3A_188] : memref<2568x128xf32, #tpu.memory_space<vmem_shared>> -> memref<2568x128xf32, #tpu.memory_space<vmem_shared>>
      tpu.enqueue_indirect_dma source(%arg16 : memref<80x128xf32, #tpu.memory_space<vmem>>) target(%dma_start3A_189 : memref<2568x128xf32, #tpu.memory_space<vmem_shared>>) offsets(%dma_start3A_186 : memref<80xi32, #tpu.memory_space<vmem>>) semaphore(%arg22 : memref<!tpu.dma_semaphore, #tpu.memory_space<semaphore_mem>>) {add = true}
    }
    %scan3A_87 = arith.constant 125 : i32
    %dma_wait3A_88 = arith.constant 0 : i32
    %dma_wait3A_89 = arith.constant 0 : i32
    %dma_wait3A_90 = tpu.memref_slice %arg10[%dma_wait3A_88, %dma_wait3A_89] : memref<1x80xi32, #tpu.memory_space<vmem>> -> memref<1x80xi32, #tpu.memory_space<vmem>>
    %dma_wait3A_91 = tpu.memref_squeeze %dma_wait3A_90 : memref<1x80xi32, #tpu.memory_space<vmem>> -> memref<80xi32, #tpu.memory_space<vmem>>
    %dma_wait3A_92 = arith.constant 0 : i32
    %dma_wait3A_93 = arith.constant 0 : i32
    %dma_wait3A_94 = tpu.memref_slice %arg18[%dma_wait3A_92, %dma_wait3A_93] : memref<2568x128xf32, #tpu.memory_space<vmem_shared>> -> memref<2568x128xf32, #tpu.memory_space<vmem_shared>>
    tpu.wait_indirect_dma semaphore(%arg21 : memref<!tpu.dma_semaphore, #tpu.memory_space<semaphore_mem>>) src(%arg15 : memref<80x128xf32, #tpu.memory_space<vmem>>) dst(%dma_wait3A_94 : memref<2568x128xf32, #tpu.memory_space<vmem_shared>>)
    %dma_wait3A_95 = arith.constant 0 : i32
    %dma_wait3A_96 = arith.constant 0 : i32
    %dma_wait3A_97 = tpu.memref_slice %arg11[%dma_wait3A_95, %dma_wait3A_96] : memref<1x80xi32, #tpu.memory_space<vmem>> -> memref<1x80xi32, #tpu.memory_space<vmem>>
    %dma_wait3A_98 = tpu.memref_squeeze %dma_wait3A_97 : memref<1x80xi32, #tpu.memory_space<vmem>> -> memref<80xi32, #tpu.memory_space<vmem>>
    %dma_wait3A_99 = arith.constant 0 : i32
    %dma_wait3A_100 = arith.constant 0 : i32
    %dma_wait3A_101 = tpu.memref_slice %arg18[%dma_wait3A_99, %dma_wait3A_100] : memref<2568x128xf32, #tpu.memory_space<vmem_shared>> -> memref<2568x128xf32, #tpu.memory_space<vmem_shared>>
    tpu.wait_indirect_dma semaphore(%arg22 : memref<!tpu.dma_semaphore, #tpu.memory_space<semaphore_mem>>) src(%arg16 : memref<80x128xf32, #tpu.memory_space<vmem>>) dst(%dma_wait3A_101 : memref<2568x128xf32, #tpu.memory_space<vmem_shared>>)
    %barrier3A_102 = arith.constant 0 : index
    tpu.barrier barrier_id(%barrier3A_102)
    %scan3A_103 = arith.constant 0 : i32
    %scan3A_104 = arith.constant 10 : i32
    %scan3A_105 = arith.addi %scan3A_103, %scan3A_104 : i32
    %scan3A_106 = arith.constant 1 : i32
    scf.for %scan3A_108 = %scan3A_103 to %scan3A_105 step %scan3A_106  : i32 {
      %mul3A_109 = arith.constant 1 : i32
      %mul3A_110 = arith.muli %scan3A_108, %mul3A_109 : i32
      %add3A_111 = arith.constant 0 : i32
      %add3A_112 = arith.addi %add3A_111, %mul3A_110 : i32
      %mul3A_113 = arith.constant 16 : i32
      %mul3A_114 = arith.muli %add3A_112, %mul3A_113 : i32
      %add3A_115 = arith.addi %mul3A_2, %mul3A_114 : i32
      "tpu.region"() ({
        %run_scoped3A = tpu.sem_alloc : memref<!tpu.dma_semaphore, #tpu.memory_space<semaphore_mem>>
        %dma_start3A_122 = arith.constant 0 : i32
        %dma_start3A_123 = tpu.memref_slice %arg18[%add3A_115, %dma_start3A_122] : memref<2568x128xf32, #tpu.memory_space<vmem_shared>> -> memref<16x128xf32, #tpu.memory_space<vmem_shared>>
        %dma_start3A_124 = arith.constant 0 : i32
        %dma_start3A_125 = tpu.memref_slice %arg18[%add3A_115, %dma_start3A_124] : memref<2568x128xf32, #tpu.memory_space<vmem_shared>> -> memref<16x128xf32, #tpu.memory_space<vmem_shared>>
        tpu.enqueue_dma source(%dma_start3A_125 : memref<16x128xf32, #tpu.memory_space<vmem_shared>>) target(%arg17 : memref<16x128xf32, #tpu.memory_space<vmem>>) target_semaphore(%run_scoped3A : memref<!tpu.dma_semaphore, #tpu.memory_space<semaphore_mem>>)
        %dma_wait3A_126 = arith.constant 0 : i32
        %dma_wait3A_127 = tpu.memref_slice %arg18[%add3A_115, %dma_wait3A_126] : memref<2568x128xf32, #tpu.memory_space<vmem_shared>> -> memref<16x128xf32, #tpu.memory_space<vmem_shared>>
        %dma_wait3A_128 = arith.constant 0 : i32
        %dma_wait3A_129 = tpu.memref_slice %arg18[%add3A_115, %dma_wait3A_128] : memref<2568x128xf32, #tpu.memory_space<vmem_shared>> -> memref<16x128xf32, #tpu.memory_space<vmem_shared>>
        tpu.wait_dma2 semaphore(%run_scoped3A : memref<!tpu.dma_semaphore, #tpu.memory_space<semaphore_mem>>) src(%dma_wait3A_129 : memref<16x128xf32, #tpu.memory_space<vmem_shared>>) dst(%arg17 : memref<16x128xf32, #tpu.memory_space<vmem>>)
        tpu.yield
      }) : () -> ()
      %scan3A_116 = arith.constant 0 : i32
      %scan3A_117 = arith.constant 16 : i32
      %scan3A_118 = arith.addi %scan3A_116, %scan3A_117 : i32
      %scan3A_119 = arith.constant 1 : i32
      scf.for %scan3A_122 = %scan3A_116 to %scan3A_118 step %scan3A_119  : i32 {
        %mul3A_123 = arith.constant 1 : i32
        %mul3A_124 = arith.muli %scan3A_122, %mul3A_123 : i32
        %add3A_125 = arith.constant 0 : i32
        %add3A_126 = arith.addi %add3A_125, %mul3A_124 : i32
        %add3A_127 = arith.addi %mul3A_55, %add3A_115 : i32
        %add3A_128 = arith.addi %add3A_127, %add3A_126 : i32
        %broadcast_in_dim3A = vector.broadcast %add3A_128 : i32 to vector<16xi32>
        %gather3A = tpu.vector_load_idx %arg14[%broadcast_in_dim3A] : memref<10240xf32, #tpu.memory_space<vmem>>[vector<16xi32>], vector<16xf32>,
        %get3A = arith.index_cast %add3A_126 : i32 to index
        %get3A_129 = arith.constant 0 : index
        %get3A_130 = tpu.vector_load %arg17[%get3A, %get3A_129] {strides = array<i32>} : memref<16x128xf32, #tpu.memory_space<vmem>>, vector<16xf32>,
        %mul3A_131 = arith.mulf %get3A_130, %gather3A : vector<16xf32>
        %swap3A = arith.index_cast %add3A_126 : i32 to index
        %swap3A_132 = arith.constant 0 : index
        %swap3A_133 = tpu.vector_load %arg17[%swap3A, %swap3A_132] {strides = array<i32>} : memref<16x128xf32, #tpu.memory_space<vmem>>, vector<16xf32>,
        tpu.vector_store %arg17[%swap3A, %swap3A_132], %mul3A_131 {strides = array<i32>} : memref<16x128xf32, #tpu.memory_space<vmem>>, vector<16xf32>,
        %get3A_134 = arith.index_cast %add3A_126 : i32 to index
        %get3A_135 = arith.constant 16 : index
        %get3A_136 = tpu.vector_load %arg17[%get3A_134, %get3A_135] {strides = array<i32>} : memref<16x128xf32, #tpu.memory_space<vmem>>, vector<16xf32>,
        %mul3A_137 = arith.mulf %get3A_136, %gather3A : vector<16xf32>
        %swap3A_138 = arith.index_cast %add3A_126 : i32 to index
        %swap3A_139 = arith.constant 16 : index
        %swap3A_140 = tpu.vector_load %arg17[%swap3A_138, %swap3A_139] {strides = array<i32>} : memref<16x128xf32, #tpu.memory_space<vmem>>, vector<16xf32>,
        tpu.vector_store %arg17[%swap3A_138, %swap3A_139], %mul3A_137 {strides = array<i32>} : memref<16x128xf32, #tpu.memory_space<vmem>>, vector<16xf32>,
        %get3A_141 = arith.index_cast %add3A_126 : i32 to index
        %get3A_142 = arith.constant 32 : index
        %get3A_143 = tpu.vector_load %arg17[%get3A_141, %get3A_142] {strides = array<i32>} : memref<16x128xf32, #tpu.memory_space<vmem>>, vector<16xf32>,
        %mul3A_144 = arith.mulf %get3A_143, %gather3A : vector<16xf32>
        %swap3A_145 = arith.index_cast %add3A_126 : i32 to index
        %swap3A_146 = arith.constant 32 : index
        %swap3A_147 = tpu.vector_load %arg17[%swap3A_145, %swap3A_146] {strides = array<i32>} : memref<16x128xf32, #tpu.memory_space<vmem>>, vector<16xf32>,
        tpu.vector_store %arg17[%swap3A_145, %swap3A_146], %mul3A_144 {strides = array<i32>} : memref<16x128xf32, #tpu.memory_space<vmem>>, vector<16xf32>,
        %get3A_148 = arith.index_cast %add3A_126 : i32 to index
        %get3A_149 = arith.constant 48 : index
        %get3A_150 = tpu.vector_load %arg17[%get3A_148, %get3A_149] {strides = array<i32>} : memref<16x128xf32, #tpu.memory_space<vmem>>, vector<16xf32>,
        %mul3A_151 = arith.mulf %get3A_150, %gather3A : vector<16xf32>
        %swap3A_152 = arith.index_cast %add3A_126 : i32 to index
        %swap3A_153 = arith.constant 48 : index
        %swap3A_154 = tpu.vector_load %arg17[%swap3A_152, %swap3A_153] {strides = array<i32>} : memref<16x128xf32, #tpu.memory_space<vmem>>, vector<16xf32>,
        tpu.vector_store %arg17[%swap3A_152, %swap3A_153], %mul3A_151 {strides = array<i32>} : memref<16x128xf32, #tpu.memory_space<vmem>>, vector<16xf32>,
        %get3A_155 = arith.index_cast %add3A_126 : i32 to index
        %get3A_156 = arith.constant 64 : index
        %get3A_157 = tpu.vector_load %arg17[%get3A_155, %get3A_156] {strides = array<i32>} : memref<16x128xf32, #tpu.memory_space<vmem>>, vector<16xf32>,
        %mul3A_158 = arith.mulf %get3A_157, %gather3A : vector<16xf32>
        %swap3A_159 = arith.index_cast %add3A_126 : i32 to index
        %swap3A_160 = arith.constant 64 : index
        %swap3A_161 = tpu.vector_load %arg17[%swap3A_159, %swap3A_160] {strides = array<i32>} : memref<16x128xf32, #tpu.memory_space<vmem>>, vector<16xf32>,
        tpu.vector_store %arg17[%swap3A_159, %swap3A_160], %mul3A_158 {strides = array<i32>} : memref<16x128xf32, #tpu.memory_space<vmem>>, vector<16xf32>,
        %get3A_162 = arith.index_cast %add3A_126 : i32 to index
        %get3A_163 = arith.constant 80 : index
        %get3A_164 = tpu.vector_load %arg17[%get3A_162, %get3A_163] {strides = array<i32>} : memref<16x128xf32, #tpu.memory_space<vmem>>, vector<16xf32>,
        %mul3A_165 = arith.mulf %get3A_164, %gather3A : vector<16xf32>
        %swap3A_166 = arith.index_cast %add3A_126 : i32 to index
        %swap3A_167 = arith.constant 80 : index
        %swap3A_168 = tpu.vector_load %arg17[%swap3A_166, %swap3A_167] {strides = array<i32>} : memref<16x128xf32, #tpu.memory_space<vmem>>, vector<16xf32>,
        tpu.vector_store %arg17[%swap3A_166, %swap3A_167], %mul3A_165 {strides = array<i32>} : memref<16x128xf32, #tpu.memory_space<vmem>>, vector<16xf32>,
        %get3A_169 = arith.index_cast %add3A_126 : i32 to index
        %get3A_170 = arith.constant 96 : index
        %get3A_171 = tpu.vector_load %arg17[%get3A_169, %get3A_170] {strides = array<i32>} : memref<16x128xf32, #tpu.memory_space<vmem>>, vector<16xf32>,
        %mul3A_172 = arith.mulf %get3A_171, %gather3A : vector<16xf32>
        %swap3A_173 = arith.index_cast %add3A_126 : i32 to index
        %swap3A_174 = arith.constant 96 : index
        %swap3A_175 = tpu.vector_load %arg17[%swap3A_173, %swap3A_174] {strides = array<i32>} : memref<16x128xf32, #tpu.memory_space<vmem>>, vector<16xf32>,
        tpu.vector_store %arg17[%swap3A_173, %swap3A_174], %mul3A_172 {strides = array<i32>} : memref<16x128xf32, #tpu.memory_space<vmem>>, vector<16xf32>,
        %get3A_176 = arith.index_cast %add3A_126 : i32 to index
        %get3A_177 = arith.constant 112 : index
        %get3A_178 = tpu.vector_load %arg17[%get3A_176, %get3A_177] {strides = array<i32>} : memref<16x128xf32, #tpu.memory_space<vmem>>, vector<16xf32>,
        %mul3A_179 = arith.mulf %get3A_178, %gather3A : vector<16xf32>
        %swap3A_180 = arith.index_cast %add3A_126 : i32 to index
        %swap3A_181 = arith.constant 112 : index
        %swap3A_182 = tpu.vector_load %arg17[%swap3A_180, %swap3A_181] {strides = array<i32>} : memref<16x128xf32, #tpu.memory_space<vmem>>, vector<16xf32>,
        tpu.vector_store %arg17[%swap3A_180, %swap3A_181], %mul3A_179 {strides = array<i32>} : memref<16x128xf32, #tpu.memory_space<vmem>>, vector<16xf32>,
      }
      %scan3A_120 = arith.constant 16 : i32
      %add3A_121 = arith.addi %mul3A_55, %add3A_115 : i32
      "tpu.region"() ({
        %run_scoped3A = tpu.sem_alloc : memref<!tpu.dma_semaphore, #tpu.memory_space<semaphore_mem>>
        %dma_start3A_122 = arith.constant 0 : i32
        %dma_start3A_123 = tpu.memref_slice %arg7[%add3A_121, %dma_start3A_122] : memref<10240x128xf32, #tpu.memory_space<hbm>> -> memref<16x128xf32, #tpu.memory_space<hbm>>
        %dma_start3A_124 = arith.constant 0 : i32
        %dma_start3A_125 = tpu.memref_slice %arg7[%add3A_121, %dma_start3A_124] : memref<10240x128xf32, #tpu.memory_space<hbm>> -> memref<16x128xf32, #tpu.memory_space<hbm>>
        tpu.enqueue_dma source(%arg17 : memref<16x128xf32, #tpu.memory_space<vmem>>) target(%dma_start3A_125 : memref<16x128xf32, #tpu.memory_space<hbm>>) target_semaphore(%run_scoped3A : memref<!tpu.dma_semaphore, #tpu.memory_space<semaphore_mem>>)
        %dma_wait3A_126 = arith.constant 0 : i32
        %dma_wait3A_127 = tpu.memref_slice %arg7[%add3A_121, %dma_wait3A_126] : memref<10240x128xf32, #tpu.memory_space<hbm>> -> memref<16x128xf32, #tpu.memory_space<hbm>>
        %dma_wait3A_128 = arith.constant 0 : i32
        %dma_wait3A_129 = tpu.memref_slice %arg7[%add3A_121, %dma_wait3A_128] : memref<10240x128xf32, #tpu.memory_space<hbm>> -> memref<16x128xf32, #tpu.memory_space<hbm>>
        tpu.wait_dma2 semaphore(%run_scoped3A : memref<!tpu.dma_semaphore, #tpu.memory_space<semaphore_mem>>) src(%arg17 : memref<16x128xf32, #tpu.memory_space<vmem>>) dst(%dma_wait3A_129 : memref<16x128xf32, #tpu.memory_space<hbm>>)
        tpu.yield
      }) : () -> ()
    }
    %scan3A_107 = arith.constant 10 : i32
    return
  }
}

module attributes {stable_mosaic.version = 14 : i64} {
  func.func @_tc1_body(%arg0: i32, %arg1: memref<2000x128xf32, #tpu.memory_space<vmem>>, %arg2: memref<128x128xf32, #tpu.memory_space<vmem>>, %arg3: memref<128x2xf32, #tpu.memory_space<vmem>>, %arg4: memref<1x128xf32, #tpu.memory_space<vmem>>, %arg5: memref<1x128xf32, #tpu.memory_space<vmem>>, %arg6: memref<2000x128xf32, #tpu.memory_space<vmem>>, %arg7: memref<2000x2xf32, #tpu.memory_space<vmem>>, %arg8: memref<1x128xf32, #tpu.memory_space<vmem>>) attributes {dimension_semantics = [#tpu.dimension_semantics<arbitrary>], iteration_bounds = array<i64: 5>, scalar_prefetch = 0 : i64, scratch_operands = 0 : i64, tpu.core_type = #tpu.core_type<tc>, window_params = [{transform_indices = @transform_0, window_bounds = array<i64: 2000, 128>}, {pipeline_mode = #tpu.pipeline_mode<synchronous>, transform_indices = @transform_1, window_bounds = array<i64: 128, 128>}, {pipeline_mode = #tpu.pipeline_mode<synchronous>, transform_indices = @transform_2, window_bounds = array<i64: 128, 2>}, {pipeline_mode = #tpu.pipeline_mode<synchronous>, transform_indices = @transform_3, window_bounds = array<i64: 1, 128>}, {pipeline_mode = #tpu.pipeline_mode<synchronous>, transform_indices = @transform_4, window_bounds = array<i64: 1, 128>}, {transform_indices = @transform_5, window_bounds = array<i64: 2000, 128>}, {transform_indices = @transform_6, window_bounds = array<i64: 2000, 2>}, {pipeline_mode = #tpu.pipeline_mode<synchronous>, transform_indices = @transform_7, window_bounds = array<i64: 1, 128>}]} {
    %get3A = arith.constant 0 : index
    %get3A_0 = arith.constant 0 : index
    %get3A_1 = vector.load %arg1[%get3A, %get3A_0] : memref<2000x128xf32, #tpu.memory_space<vmem>>, vector<2000x128xf32>
    %get3A_2 = arith.constant 0 : index
    %get3A_3 = arith.constant 0 : index
    %get3A_4 = vector.load %arg2[%get3A_2, %get3A_3] : memref<128x128xf32, #tpu.memory_space<vmem>>, vector<128x128xf32>
    %dot_general3A = arith.constant dense<0.000000e+00> : vector<2000x128xf32>
    %dot_general3A_5 = tpu.matmul %get3A_1, %get3A_4, %dot_general3A {dimension_numbers = #tpu.dot_dimension_numbers<[1], [0], [0], [1], [0, 0, 1, 1], [], []>, transpose_lhs_hint = false} : vector<2000x128xf32>, vector<128x128xf32>, vector<2000x128xf32> -> vector<2000x128xf32>
    %swap3A = arith.constant 0 : index
    %swap3A_6 = arith.constant 0 : index
    %swap3A_7 = vector.load %arg6[%swap3A, %swap3A_6] : memref<2000x128xf32, #tpu.memory_space<vmem>>, vector<2000x128xf32>
    tpu.vector_store %arg6[%swap3A, %swap3A_6], %dot_general3A_5 {strides = array<i32>} : memref<2000x128xf32, #tpu.memory_space<vmem>>, vector<2000x128xf32>,
    %get3A_8 = arith.constant 0 : index
    %get3A_9 = arith.constant 0 : index
    %get3A_10 = vector.load %arg3[%get3A_8, %get3A_9] : memref<128x2xf32, #tpu.memory_space<vmem>>, vector<128x2xf32>
    %dot_general3A_11 = arith.constant dense<0.000000e+00> : vector<2000x2xf32>
    %dot_general3A_12 = tpu.matmul %dot_general3A_5, %get3A_10, %dot_general3A_11 {dimension_numbers = #tpu.dot_dimension_numbers<[1], [0], [0], [1], [0, 0, 1, 1], [], []>, transpose_lhs_hint = false} : vector<2000x128xf32>, vector<128x2xf32>, vector<2000x2xf32> -> vector<2000x2xf32>
    %swap3A_13 = arith.constant 0 : index
    %swap3A_14 = arith.constant 0 : index
    %swap3A_15 = vector.load %arg7[%swap3A_13, %swap3A_14] : memref<2000x2xf32, #tpu.memory_space<vmem>>, vector<2000x2xf32>
    tpu.vector_store %arg7[%swap3A_13, %swap3A_14], %dot_general3A_12 {strides = array<i32>} : memref<2000x2xf32, #tpu.memory_space<vmem>>, vector<2000x2xf32>,
    %get3A_16 = arith.constant 0 : index
    %get3A_17 = arith.constant 0 : index
    %get3A_18 = vector.load %arg4[%get3A_16, %get3A_17] : memref<1x128xf32, #tpu.memory_space<vmem>>, vector<1x128xf32>
    %get3A_19 = arith.constant 0 : index
    %get3A_20 = arith.constant 0 : index
    %get3A_21 = vector.load %arg5[%get3A_19, %get3A_20] : memref<1x128xf32, #tpu.memory_space<vmem>>, vector<1x128xf32>
    %mul3A = arith.mulf %get3A_18, %get3A_21 : vector<1x128xf32>
    %reduce_sum3A = vector.shape_cast %mul3A : vector<1x128xf32> to vector<1x1x128xf32>
    %reduce_sum3A_22 = arith.constant dense<0.000000e+00> : vector<1xf32>
    %reduce_sum3A_23 = vector.multi_reduction <add>, %reduce_sum3A, %reduce_sum3A_22 [1, 2] : vector<1x1x128xf32> to vector<1xf32>
    %reduce_sum3A_24 = vector.shape_cast %reduce_sum3A_23 : vector<1xf32> to vector<1x1x1xf32>
    %reduce_sum3A_25 = vector.extract %reduce_sum3A_24[0, 0, 0] : f32 from vector<1x1x1xf32>
    %broadcast_in_dim3A = vector.broadcast %reduce_sum3A_25 : f32 to vector<1x128xf32>
    %swap3A_26 = arith.constant 0 : index
    %swap3A_27 = arith.constant 0 : index
    %swap3A_28 = vector.load %arg8[%swap3A_26, %swap3A_27] : memref<1x128xf32, #tpu.memory_space<vmem>>, vector<1x128xf32>
    tpu.vector_store %arg8[%swap3A_26, %swap3A_27], %broadcast_in_dim3A {strides = array<i32>} : memref<1x128xf32, #tpu.memory_space<vmem>>, vector<1x128xf32>,
    return
  }
  func.func @transform_0(%arg0: i32) -> (i32, i32) {
    %c0_i32 = arith.constant 0 : i32
    %c0_i32_0 = arith.constant 0 : i32
    return %arg0, %c0_i32 : i32, i32
  }
  func.func @transform_1(%arg0: i32) -> (i32, i32) {
    %c0_i32 = arith.constant 0 : i32
    %c0_i32_0 = arith.constant 0 : i32
    %c0_i32_1 = arith.constant 0 : i32
    return %c0_i32, %c0_i32_0 : i32, i32
  }
  func.func @transform_2(%arg0: i32) -> (i32, i32) {
    %c0_i32 = arith.constant 0 : i32
    %c0_i32_0 = arith.constant 0 : i32
    %c0_i32_1 = arith.constant 0 : i32
    return %c0_i32, %c0_i32_0 : i32, i32
  }
  func.func @transform_3(%arg0: i32) -> (i32, i32) {
    %c0_i32 = arith.constant 0 : i32
    %c0_i32_0 = arith.constant 0 : i32
    %c0_i32_1 = arith.constant 0 : i32
    return %c0_i32, %c0_i32_0 : i32, i32
  }
  func.func @transform_4(%arg0: i32) -> (i32, i32) {
    %c0_i32 = arith.constant 0 : i32
    %c0_i32_0 = arith.constant 0 : i32
    %c0_i32_1 = arith.constant 0 : i32
    return %c0_i32, %c0_i32_0 : i32, i32
  }
  func.func @transform_5(%arg0: i32) -> (i32, i32) {
    %c0_i32 = arith.constant 0 : i32
    %c0_i32_0 = arith.constant 0 : i32
    return %arg0, %c0_i32 : i32, i32
  }
  func.func @transform_6(%arg0: i32) -> (i32, i32) {
    %c0_i32 = arith.constant 0 : i32
    %c0_i32_0 = arith.constant 0 : i32
    return %arg0, %c0_i32 : i32, i32
  }
  func.func @transform_7(%arg0: i32) -> (i32, i32) {
    %c0_i32 = arith.constant 0 : i32
    %c0_i32_0 = arith.constant 0 : i32
    %c0_i32_1 = arith.constant 0 : i32
    return %c0_i32, %c0_i32_0 : i32, i32
  }
}

module attributes {stable_mosaic.version = 14 : i64} {
  func.func @_tc3_body(%arg0: memref<2x10000xf32, #tpu.memory_space<vmem>>, %arg1: memref<1x10000xf32, #tpu.memory_space<vmem>>, %arg2: memref<1x10000xf32, #tpu.memory_space<vmem>>, %arg3: memref<1x10000xf32, #tpu.memory_space<vmem>>) attributes {dimension_semantics = [], scalar_prefetch = 0 : i64, scratch_operands = 0 : i64, tpu.core_type = #tpu.core_type<tc>} {
    %get3A = arith.constant 0 : index
    %get3A_0 = arith.constant 0 : index
    %get3A_1 = vector.load %arg0[%get3A, %get3A_0] : memref<2x10000xf32, #tpu.memory_space<vmem>>, vector<1x10000xf32>
    %get3A_2 = arith.constant 1 : index
    %get3A_3 = arith.constant 0 : index
    %get3A_4 = vector.load %arg0[%get3A_2, %get3A_3] : memref<2x10000xf32, #tpu.memory_space<vmem>>, vector<1x10000xf32>
    %add3A = arith.addf %get3A_1, %get3A_4 : vector<1x10000xf32>
    %add3A_5 = arith.constant 1.000000e-16 : f32
    %add3A_6 = vector.broadcast %add3A_5 : f32 to vector<1x10000xf32>
    %add3A_7 = arith.addf %add3A, %add3A_6 : vector<1x10000xf32>
    %div3A = arith.constant 1.000000e+00 : f32
    %div3A_8 = vector.broadcast %div3A : f32 to vector<1x10000xf32>
    %div3A_9 = arith.divf %div3A_8, %add3A_7 : vector<1x10000xf32>
    %swap3A = arith.constant 0 : index
    %swap3A_10 = arith.constant 0 : index
    %swap3A_11 = vector.load %arg1[%swap3A, %swap3A_10] : memref<1x10000xf32, #tpu.memory_space<vmem>>, vector<1x10000xf32>
    tpu.vector_store %arg1[%swap3A, %swap3A_10], %div3A_9 {strides = array<i32>} : memref<1x10000xf32, #tpu.memory_space<vmem>>, vector<1x10000xf32>,
    %mul3A = arith.mulf %add3A, %div3A_9 : vector<1x10000xf32>
    %gt3A = arith.constant 0.000000e+00 : f32
    %gt3A_12 = vector.broadcast %gt3A : f32 to vector<1x10000xf32>
    %gt3A_13 = arith.cmpf ogt, %mul3A, %gt3A_12 : vector<1x10000xf32>
    %rsqrt3A = math.rsqrt %mul3A : vector<1x10000xf32>
    %jit3A = arith.constant 0.000000e+00 : f32
    %broadcast_in_dim3A = vector.broadcast %jit3A : f32 to vector<1x10000xf32>
    %select_n3A = arith.select %gt3A_13, %rsqrt3A, %broadcast_in_dim3A : vector<1x10000xi1>, vector<1x10000xf32>
    %swap3A_14 = arith.constant 0 : index
    %swap3A_15 = arith.constant 0 : index
    %swap3A_16 = vector.load %arg2[%swap3A_14, %swap3A_15] : memref<1x10000xf32, #tpu.memory_space<vmem>>, vector<1x10000xf32>
    tpu.vector_store %arg2[%swap3A_14, %swap3A_15], %select_n3A {strides = array<i32>} : memref<1x10000xf32, #tpu.memory_space<vmem>>, vector<1x10000xf32>,
    %mul3A_17 = arith.mulf %select_n3A, %div3A_9 : vector<1x10000xf32>
    %swap3A_18 = arith.constant 0 : index
    %swap3A_19 = arith.constant 0 : index
    %swap3A_20 = vector.load %arg3[%swap3A_18, %swap3A_19] : memref<1x10000xf32, #tpu.memory_space<vmem>>, vector<1x10000xf32>
    tpu.vector_store %arg3[%swap3A_18, %swap3A_19], %mul3A_17 {strides = array<i32>} : memref<1x10000xf32, #tpu.memory_space<vmem>>, vector<1x10000xf32>,
    return
  }
}

module attributes {stable_mosaic.version = 14 : i64} {
  func.func @_tcmm_body(%arg0: i32, %arg1: memref<2000x128xf32, #tpu.memory_space<vmem>>, %arg2: memref<1x128xf32, #tpu.memory_space<vmem>>, %arg3: memref<128x128xf32, #tpu.memory_space<vmem>>, %arg4: memref<1x128xf32, #tpu.memory_space<vmem>>, %arg5: memref<2000x128xf32, #tpu.memory_space<vmem>>) attributes {dimension_semantics = [#tpu.dimension_semantics<arbitrary>], iteration_bounds = array<i64: 5>, scalar_prefetch = 0 : i64, scratch_operands = 0 : i64, tpu.core_type = #tpu.core_type<tc>, window_params = [{transform_indices = @transform_0, window_bounds = array<i64: 2000, 128>}, {pipeline_mode = #tpu.pipeline_mode<synchronous>, transform_indices = @transform_1, window_bounds = array<i64: 1, 128>}, {pipeline_mode = #tpu.pipeline_mode<synchronous>, transform_indices = @transform_2, window_bounds = array<i64: 128, 128>}, {pipeline_mode = #tpu.pipeline_mode<synchronous>, transform_indices = @transform_3, window_bounds = array<i64: 1, 128>}, {transform_indices = @transform_4, window_bounds = array<i64: 2000, 128>}]} {
    %get3A = arith.constant 0 : index
    %get3A_0 = arith.constant 0 : index
    %get3A_1 = vector.load %arg1[%get3A, %get3A_0] : memref<2000x128xf32, #tpu.memory_space<vmem>>, vector<2000x128xf32>
    %get3A_2 = arith.constant 0 : index
    %get3A_3 = arith.constant 0 : index
    %get3A_4 = vector.load %arg2[%get3A_2, %get3A_3] : memref<1x128xf32, #tpu.memory_space<vmem>>, vector<1x128xf32>
    %add3A = vector.broadcast %get3A_4 : vector<1x128xf32> to vector<2000x128xf32>
    %add3A_5 = arith.addf %get3A_1, %add3A : vector<2000x128xf32>
    %max3A = arith.constant 0.000000e+00 : f32
    %max3A_6 = vector.broadcast %max3A : f32 to vector<2000x128xf32>
    %max3A_7 = arith.maximumf %add3A_5, %max3A_6 : vector<2000x128xf32>
    %get3A_8 = arith.constant 0 : index
    %get3A_9 = arith.constant 0 : index
    %get3A_10 = vector.load %arg3[%get3A_8, %get3A_9] : memref<128x128xf32, #tpu.memory_space<vmem>>, vector<128x128xf32>
    %dot_general3A = arith.constant dense<0.000000e+00> : vector<2000x128xf32>
    %dot_general3A_11 = tpu.matmul %max3A_7, %get3A_10, %dot_general3A {dimension_numbers = #tpu.dot_dimension_numbers<[1], [0], [0], [1], [0, 0, 1, 1], [], []>, transpose_lhs_hint = false} : vector<2000x128xf32>, vector<128x128xf32>, vector<2000x128xf32> -> vector<2000x128xf32>
    %get3A_12 = arith.constant 0 : index
    %get3A_13 = arith.constant 0 : index
    %get3A_14 = vector.load %arg4[%get3A_12, %get3A_13] : memref<1x128xf32, #tpu.memory_space<vmem>>, vector<1x128xf32>
    %add3A_15 = vector.broadcast %get3A_14 : vector<1x128xf32> to vector<2000x128xf32>
    %add3A_16 = arith.addf %dot_general3A_11, %add3A_15 : vector<2000x128xf32>
    %swap3A = arith.constant 0 : index
    %swap3A_17 = arith.constant 0 : index
    %swap3A_18 = vector.load %arg5[%swap3A, %swap3A_17] : memref<2000x128xf32, #tpu.memory_space<vmem>>, vector<2000x128xf32>
    tpu.vector_store %arg5[%swap3A, %swap3A_17], %add3A_16 {strides = array<i32>} : memref<2000x128xf32, #tpu.memory_space<vmem>>, vector<2000x128xf32>,
    return
  }
  func.func @transform_0(%arg0: i32) -> (i32, i32) {
    %c0_i32 = arith.constant 0 : i32
    %c0_i32_0 = arith.constant 0 : i32
    return %arg0, %c0_i32 : i32, i32
  }
  func.func @transform_1(%arg0: i32) -> (i32, i32) {
    %c0_i32 = arith.constant 0 : i32
    %c0_i32_0 = arith.constant 0 : i32
    %c0_i32_1 = arith.constant 0 : i32
    return %c0_i32, %c0_i32_0 : i32, i32
  }
  func.func @transform_2(%arg0: i32) -> (i32, i32) {
    %c0_i32 = arith.constant 0 : i32
    %c0_i32_0 = arith.constant 0 : i32
    %c0_i32_1 = arith.constant 0 : i32
    return %c0_i32, %c0_i32_0 : i32, i32
  }
  func.func @transform_3(%arg0: i32) -> (i32, i32) {
    %c0_i32 = arith.constant 0 : i32
    %c0_i32_0 = arith.constant 0 : i32
    %c0_i32_1 = arith.constant 0 : i32
    return %c0_i32, %c0_i32_0 : i32, i32
  }
  func.func @transform_4(%arg0: i32) -> (i32, i32) {
    %c0_i32 = arith.constant 0 : i32
    %c0_i32_0 = arith.constant 0 : i32
    return %arg0, %c0_i32 : i32, i32
  }
}

module attributes {stable_mosaic.version = 14 : i64} {
  func.func @_tcmm_body(%arg0: i32, %arg1: memref<2000x128xf32, #tpu.memory_space<vmem>>, %arg2: memref<1x128xf32, #tpu.memory_space<vmem>>, %arg3: memref<128x2xf32, #tpu.memory_space<vmem>>, %arg4: memref<1x2xf32, #tpu.memory_space<vmem>>, %arg5: memref<2000x2xf32, #tpu.memory_space<vmem>>) attributes {dimension_semantics = [#tpu.dimension_semantics<arbitrary>], iteration_bounds = array<i64: 5>, scalar_prefetch = 0 : i64, scratch_operands = 0 : i64, tpu.core_type = #tpu.core_type<tc>, window_params = [{transform_indices = @transform_0, window_bounds = array<i64: 2000, 128>}, {pipeline_mode = #tpu.pipeline_mode<synchronous>, transform_indices = @transform_1, window_bounds = array<i64: 1, 128>}, {pipeline_mode = #tpu.pipeline_mode<synchronous>, transform_indices = @transform_2, window_bounds = array<i64: 128, 2>}, {pipeline_mode = #tpu.pipeline_mode<synchronous>, transform_indices = @transform_3, window_bounds = array<i64: 1, 2>}, {transform_indices = @transform_4, window_bounds = array<i64: 2000, 2>}]} {
    %get3A = arith.constant 0 : index
    %get3A_0 = arith.constant 0 : index
    %get3A_1 = vector.load %arg1[%get3A, %get3A_0] : memref<2000x128xf32, #tpu.memory_space<vmem>>, vector<2000x128xf32>
    %get3A_2 = arith.constant 0 : index
    %get3A_3 = arith.constant 0 : index
    %get3A_4 = vector.load %arg2[%get3A_2, %get3A_3] : memref<1x128xf32, #tpu.memory_space<vmem>>, vector<1x128xf32>
    %add3A = vector.broadcast %get3A_4 : vector<1x128xf32> to vector<2000x128xf32>
    %add3A_5 = arith.addf %get3A_1, %add3A : vector<2000x128xf32>
    %max3A = arith.constant 0.000000e+00 : f32
    %max3A_6 = vector.broadcast %max3A : f32 to vector<2000x128xf32>
    %max3A_7 = arith.maximumf %add3A_5, %max3A_6 : vector<2000x128xf32>
    %get3A_8 = arith.constant 0 : index
    %get3A_9 = arith.constant 0 : index
    %get3A_10 = vector.load %arg3[%get3A_8, %get3A_9] : memref<128x2xf32, #tpu.memory_space<vmem>>, vector<128x2xf32>
    %dot_general3A = arith.constant dense<0.000000e+00> : vector<2000x2xf32>
    %dot_general3A_11 = tpu.matmul %max3A_7, %get3A_10, %dot_general3A {dimension_numbers = #tpu.dot_dimension_numbers<[1], [0], [0], [1], [0, 0, 1, 1], [], []>, transpose_lhs_hint = false} : vector<2000x128xf32>, vector<128x2xf32>, vector<2000x2xf32> -> vector<2000x2xf32>
    %get3A_12 = arith.constant 0 : index
    %get3A_13 = arith.constant 0 : index
    %get3A_14 = vector.load %arg4[%get3A_12, %get3A_13] : memref<1x2xf32, #tpu.memory_space<vmem>>, vector<1x2xf32>
    %add3A_15 = vector.broadcast %get3A_14 : vector<1x2xf32> to vector<2000x2xf32>
    %add3A_16 = arith.addf %dot_general3A_11, %add3A_15 : vector<2000x2xf32>
    %swap3A = arith.constant 0 : index
    %swap3A_17 = arith.constant 0 : index
    %swap3A_18 = vector.load %arg5[%swap3A, %swap3A_17] : memref<2000x2xf32, #tpu.memory_space<vmem>>, vector<2000x2xf32>
    tpu.vector_store %arg5[%swap3A, %swap3A_17], %add3A_16 {strides = array<i32>} : memref<2000x2xf32, #tpu.memory_space<vmem>>, vector<2000x2xf32>,
    return
  }
  func.func @transform_0(%arg0: i32) -> (i32, i32) {
    %c0_i32 = arith.constant 0 : i32
    %c0_i32_0 = arith.constant 0 : i32
    return %arg0, %c0_i32 : i32, i32
  }
  func.func @transform_1(%arg0: i32) -> (i32, i32) {
    %c0_i32 = arith.constant 0 : i32
    %c0_i32_0 = arith.constant 0 : i32
    %c0_i32_1 = arith.constant 0 : i32
    return %c0_i32, %c0_i32_0 : i32, i32
  }
  func.func @transform_2(%arg0: i32) -> (i32, i32) {
    %c0_i32 = arith.constant 0 : i32
    %c0_i32_0 = arith.constant 0 : i32
    %c0_i32_1 = arith.constant 0 : i32
    return %c0_i32, %c0_i32_0 : i32, i32
  }
  func.func @transform_3(%arg0: i32) -> (i32, i32) {
    %c0_i32 = arith.constant 0 : i32
    %c0_i32_0 = arith.constant 0 : i32
    %c0_i32_1 = arith.constant 0 : i32
    return %c0_i32, %c0_i32_0 : i32, i32
  }
  func.func @transform_4(%arg0: i32) -> (i32, i32) {
    %c0_i32 = arith.constant 0 : i32
    %c0_i32_0 = arith.constant 0 : i32
    return %arg0, %c0_i32 : i32, i32
  }
}

</mosaic_0001>

<sc_bundles>
// kernel: kernel.12.cloned.1.call-start
scs
__scs_entry_jumppad:
0x0: {  	(pc) =	sbr.rel $0x88, $3  }
0x1: {  	(tag) =	ssettag $0x0;
	lr =	simm.s32 $0x1  }
0x2: {  	[smem:$0x3F94] =	sst lr;
	_ =	strace $0xD0000000  }
0x3: {  	_ = 	snop  }
0x4: {  	_ = 	snop  }
0x5: {  	_ = 	snop  }
0x6: {  	_ = 	snop  }
0x7: {  	_ = 	snop  }
__scs_overlays_trampoline_lowered:
0x8: {  	[smem:$0x3FA3] =	sst s0  }
0x9: {  	[smem:$0x3FA4] =	sst s1  }
0xa: {  	[smem:$0x3FA5] =	sst s2  }
0xb: {  	[smem:$0x3FA6] =	sst s3  }
0xc: {  	[smem:$0x3FA7] =	sst s4  }
0xd: {  	[smem:$0x3FA8] =	sst s5  }
0xe: {  	[smem:$0x3FA9] =	sst s6  }
0xf: {  	[smem:$0x3FAA] =	sst s7  }
0x10: {  	[smem:$0x3FAB] =	sst s8  }
0x11: {  	[smem:$0x3FAC] =	sst s9;
	s0 =	simm.s32 @!p0 $0x0  }
0x12: {  	s1 =	sld [smem:$0x3F92];
	s0 =	simm.s32 @p0 $0x1  }
0x13: {  	[smem:$0x3FAD] =	sst s0;
	s0 =	simm.s32 @!p1 $0x0  }
0x14: {  	s2 =	sld [smem:$0x3F91];
	s0 =	simm.s32 @p1 $0x1  }
0x15: {  	[smem:$0x3FAE] =	sst s0;
	s0 =	simm.s32 @!p2 $0x0  }
0x16: {  	s3 =	sld [smem:$0x3FDB];
	s0 =	simm.s32 @p2 $0x1  }
0x17: {  	s4 =	simm.s32 $0x1BF5;
	[smem:$0x3FB0] =	sst s0  }
0x18: {  	s0 =	sld [smem:$0x3F93];
	_ =	swait.ge [sflag:s4], $0x0  }
0x19: {  	s7 =	sld [smem:$0x3F94]  }
0x1a: {  	s8 =	sadd.s32 $0xFFFFE003, lr  }
0x1b: {  	s9 =	sadd.s32 $0xFFFFFEF7, lr;
	s5 =	simm.s32 $0xFFFFFFFF;
	p2 =	slt.u32 s8, $0xFFFFF086  }
0x1c: {  	p1 =	slt.u32 s9, $0xF7A;
	s5 =	simm.s32 @!p2 $0x0  }
0x1d: {  	s5 =	simm.s32 @p1 $0x1;
	p0 =	seq.s32 s7, s2  }
0x1e: {  	s7 =	smul.u32 @!p0 $0xF7A, s2;
	p2 =	seq.s32 @!p0 s5, $0x0  }
0x1f: {  	s9 =	smul.u32 $0xF7A, s1;
	s8 =	simm.s32 @!p0 $0x1BF5;
	p2 =	por !p2, p0  }
0x20: {  	[sflag:s8] =	ssyncset.s32 @!p0 $0xFFFFF086;
	s6 =	sadd.s32 @!p0 s3, s7;
	s7 =	simm.s32 @!p0 $0x108  }
0x21: {  	s3 =	sadd.s32 s3, s9;
	s6 =	sadd.s32 @!p0 $0x88, s6;
	s7 =	simm.s32 @p2 $0x1082  }
0x22: {  	[simem:s7], [sflag:s8] =	dma.local @!p0 [hbm:s6], $0xF7A  }
0x23: {  	s9 =	sor.u32 $0xD0000000, s2;
	s6 =	simm.s32 $0x108;
	_ =	swait.ge @!p0 [sflag:s8], $0x0  }
0x24: {  	s3 =	sadd.s32 $0x88, s3;
	s6 =	simm.s32 @!p1 $0x1082;
	[sflag:s4] =	ssyncset.s32 $0xFFFFF086  }
0x25: {  	[simem:s6], [sflag:s4] =	dma.local [hbm:s3], $0xF7A  }
0x26: {  	[smem:$0x3F94] =	sst s1;
	(tag) =	ssettag s2;
	_ =	strace s9  }
0x27: {  	s1 =	sld [smem:$0x3FA4]  }
0x28: {  	s2 =	sld [smem:$0x3FA5]  }
0x29: {  	s4 =	sld [smem:$0x3FA7]  }
0x2a: {  	p0 =	seq.s32 s5, $0x0;
	s5 =	sld [smem:$0x3FA8]  }
0x2b: {  	s6 =	sld [smem:$0x3FA9]  }
0x2c: {  	s7 =	sld [smem:$0x3FAA]  }
0x2d: {  	s3 =	simm.s32 $0x108;
	s8 =	sld [smem:$0x3FAB]  }
0x2e: {  	s3 =	simm.s32 @!p0 $0x1082;
	s9 =	sld [smem:$0x3FAC]  }
0x2f: {  	lr =	sadd.s32 s0, s3;
	s0 =	sld [smem:$0x3FA3]  }
0x30: {  	s3 =	sld [smem:$0x3FA6]  }
0x31: {  	[smem:$0x3FAF] =	sst s10  }
0x32: {  	s10 =	sld [smem:$0x3FAD];
	_ =	sdelay $0x3  }
0x33: {  	p0 =	seq.s32 s10, $0x1;
	s10 =	sld [smem:$0x3FAF];
	_ =	sdelay $0x3  }
0x34: {  	[smem:$0x3FAF] =	sst s10  }
0x35: {  	s10 =	sld [smem:$0x3FAE];
	_ =	sdelay $0x3  }
0x36: {  	p1 =	seq.s32 s10, $0x1;
	s10 =	sld [smem:$0x3FAF];
	_ =	sdelay $0x3  }
0x37: {  	[smem:$0x3FAF] =	sst s10  }
0x38: {  	s10 =	sld [smem:$0x3FB0]  }
0x39: {  	_ = 	snop;
	(pc) =	sbr.ind lr, $3  }
0x3a: {  	_ = 	snop  }
0x3b: {  	_ = 	snop  }
0x3c: {  	p2 =	seq.s32 s10, $0x1;
	s10 =	sld [smem:$0x3FAF]  }
0x3d: {  	_ =	shalt  }
0x3e: {  	_ =	shalt  }
0x3f: {  	_ =	shalt  }
0x40: {  	_ =	shalt  }
0x41: {  	_ =	shalt  }
0x42: {  	_ =	shalt  }
0x43: {  	_ =	shalt  }
0x44: {  	_ =	shalt  }
0x45: {  	_ =	shalt  }
0x46: {  	_ =	shalt  }
0x47: {  	_ =	shalt  }
0x48: {  	_ =	shalt  }
0x49: {  	_ =	shalt  }
0x4a: {  	_ =	shalt  }
0x4b: {  	_ =	shalt  }
0x4c: {  	_ =	shalt  }
0x4d: {  	_ =	shalt  }
0x4e: {  	_ =	shalt  }
0x4f: {  	_ =	shalt  }
0x50: {  	_ =	shalt  }
0x51: {  	_ =	shalt  }
0x52: {  	_ =	shalt  }
0x53: {  	_ =	shalt  }
0x54: {  	_ =	shalt  }
0x55: {  	_ =	shalt  }
0x56: {  	_ =	shalt  }
0x57: {  	_ =	shalt  }
0x58: {  	_ =	shalt  }
0x59: {  	_ =	shalt  }
0x5a: {  	_ =	shalt  }
0x5b: {  	_ =	shalt  }
0x5c: {  	_ =	shalt  }
0x5d: {  	_ =	shalt  }
0x5e: {  	_ =	shalt  }
0x5f: {  	_ =	shalt  }
0x60: {  	_ =	shalt  }
0x61: {  	_ =	shalt  }
0x62: {  	_ =	shalt  }
0x63: {  	_ =	shalt  }
0x64: {  	_ =	shalt  }
0x65: {  	_ =	shalt  }
0x66: {  	_ =	shalt  }
0x67: {  	_ =	shalt  }
0x68: {  	_ =	shalt  }
0x69: {  	_ =	shalt  }
0x6a: {  	_ =	shalt  }
0x6b: {  	_ =	shalt  }
0x6c: {  	_ =	shalt  }
0x6d: {  	_ =	shalt  }
0x6e: {  	_ =	shalt  }
0x6f: {  	_ =	shalt  }
0x70: {  	_ =	shalt  }
0x71: {  	_ =	shalt  }
0x72: {  	_ =	shalt  }
0x73: {  	_ =	shalt  }
0x74: {  	_ =	shalt  }
0x75: {  	_ =	shalt  }
0x76: {  	_ =	shalt  }
0x77: {  	_ =	shalt  }
0x78: {  	_ =	shalt  }
0x79: {  	_ =	shalt  }
0x7a: {  	_ =	shalt  }
0x7b: {  	_ =	shalt  }
0x7c: {  	_ =	shalt  }
0x7d: {  	_ =	shalt  }
0x7e: {  	_ =	shalt  }
0x7f: {  	_ =	shalt  }
0x80: {  	_ =	shalt  }
0x81: {  	_ =	shalt  }
0x82: {  	_ =	shalt  }
0x83: {  	_ =	shalt  }
0x84: {  	_ =	shalt  }
0x85: {  	_ =	shalt  }
0x86: {  	_ =	shalt  }
0x87: {  	_ =	shalt  }
.Lfunc_end0:
.L_simem_size_0:
called_computation.1_lowered:
.L_overlay_start_0:
0x88: {  	s2 =	sld [smem:$0x3FD9]  }
0x89: {  	s3 =	sld [smem:$0x3FFE];
	_ =	sdelay $0x1  }
0x8a: {  	s1 =	srdreg.scid  }
0x8b: {  	s0 =	sand.u32 $0x1, s1  }
0x8c: {  	s14 =	sshll.u32 s0, $0xA;
	s2 =	sadd.s32 s3, s2  }
0x8d: {  	s2 =	sadd.s32 s2, s14  }
0x8e: {  	[smem:$0x3FBB] =	sst s2  }
0x8f: {  	_ = 	snop  }
0x90: {  	s2 =	sld [smem:$0x3FD0];
	_ =	sdelay $0x2  }
0x91: {  	s15 =	simm.s32 $0xA;
	s4 =	simm.s32 $0x10  }
0x92: {  	[smem:s4], [sflag:s15] =	dma.local [hbm:s2], $0x1  }
0x93: {  	_ =	swait.eq [sflag:s15], $0x1  }
0x94: {  	[sflag:s15] =	ssyncset.done $0x0  }
0x95: {  	s16 =	sld [smem:$0x10];
	[sflag:s15] =	ssyncadd.s32 $0xFFFFFFFF  }
0x96: {  	s17 =	sld [smem:$0x11];
	(tm) =	ssettm $0x1  }
0x97: {  	s18 =	sld [smem:$0x3FFB];
	_ =	sdelay $0x3  }
0x98: {  	_ =	strace s18  }
0x99: {  	s4 =	sld [smem:$0x3FFC];
	_ =	sdelay $0x3  }
0x9a: {  	_ =	strace s4  }
0x9b: {  	s4 =	sld [smem:$0x3FFD];
	_ =	sdelay $0x3  }
0x9c: {  	_ =	strace s4  }
0x9d: {  	_ =	strace $0x8FFFFFFF  }
0x9e: {  	s19 =	sld [smem:$0x3FDB];
	_ =	sdelay $0x1  }
0x9f: {  	s5 =	simm.s32 $_scs_section_size  }
0xa0: {  	s6 =	simm.s32 $_size__tile_overlayer_lowered;
	s7 =	simm.s32 $_tile_overlayer_lowered  }
0xa1: {  	s22 =	simm.s32 $0x1BFF;
	s21 =	sshll.u32 s7, $0x1;
	s4 =	sadd.s32 s5, s19  }
0xa2: {  	s8 =	simm.s32 $0x0;
	s20 =	sshll.u32 s6, $0x1;
	s6 =	sadd.s32 s21, s4  }
0xa3: {  	[timem:s8], [sflag:s22] =	dma.local [hbm:s6], s20  }
0xa4: {  	_ =	swait.ge [sflag:s22], s20  }
0xa5: {  	s5 =	ssub.s32 $0x0, s20;
	[sflag:s22] =	ssyncset.done $0x0  }
0xa6: {  	[sflag:s22] =	ssyncadd.s32 s5;
	_ =	sdelay $0x1  }
0xa7: {  	s23 =	simm.s32 $0x1B8B  }
0xa8: {  	_ =	swait.ge [sflag:s23], $0x1  }
0xa9: {  	[sflag:s23] =	ssyncset.done $0x0  }
0xaa: {  	s25 =	simm.s32 $0x1B8E;
	s24 =	sld [smem:$0x3FFE];
	[sflag:s23] =	ssyncadd.s32 $0xFFFFFFFF  }
0xab: {  	s26 =	simm.s32 $execute0_lowered;
	[smem:$0x3FD2] =	sst s25  }
0xac: {  	s6 =	sshll.u32 s26, $0x1;
	_ =	strace $0x80000049;
	[dreg:$0x1] =	wrdreg $0xFFFFFFFF  }
0xad: {  	s28 =	simm.s32 $_size_execute0_lowered;
	s4 =	sadd.s32 s4, s6;
	[dreg:$0x0] =	wrdreg $0x0  }
0xae: {  	s6 =	sshll.u32 s28, $0x1;
	[dreg:$0x2] =	wrdreg s4  }
0xaf: {  	[dreg:$0x3] =	wrdreg s6  }
0xb0: {  	[dreg:$0x4] =	wrdreg $0xC0  }
0xb1: {  	_ =	task [dreg:s8], $0x5FFFF  }
0xb2: {  	[dreg:$0x1] =	wrdreg $0xFFFFFFFF  }
0xb3: {  	[dreg:$0x0] =	wrdreg $0x60  }
0xb4: {  	[dreg:$0x2] =	wrdreg s24  }
0xb5: {  	[dreg:$0x3] =	wrdreg s16  }
0xb6: {  	[dreg:$0x4] =	wrdreg s17  }
0xb7: {  	[dreg:$0x5] =	wrdreg $0x182000  }
0xb8: {  	[dreg:$0x6] =	wrdreg $0x9  }
0xb9: {  	_ =	task.clear_ibuf [dreg:s8], $0x7FFFF;
	_ =	strace $0x90000049  }
0xba: {  	s29 =	simm.s32 $0x9;
	_ =	strace $0x8000004B  }
0xbb: {  	_ =	swait.ge [sflag:s29], $0x1  }
0xbc: {  	[sflag:s29] =	ssyncadd.s32 $0xFFFFFFFF  }
0xbd: {  	_ =	strace $0x9000004B  }
0xbe: {  	_ =	sfence  }
0xbf: {  	s30 =	sld [smem:$0x0];
	_ =	sdelay $0x2  }
0xc0: {  	s31 =	sshll.u32 s1, $0xD;
	s1 =	sshrl.u32 s1, $0x2  }
0xc1: {  	s3 =	sand.u32 $0x4000, s31;
	s1 =	sadd.s32 s1, s30  }
0xc2: {  	s0 =	sor.u32 s3, s0;
	s1 =	sshll.u32 s1, $0x11  }
0xc3: {  	s0 =	sor.u32 s1, s0  }
0xc4: {  	s0 =	sadd.s32 $0x8F2B, s0  }
0xc5: {  	[sflag:s0] =	ssyncadd.remote.s32 $0x1  }
0xc6: {  	_ =	sfence.sel $0xFFFF  }
0xc7: {  	[dreg:$0x0] =	wrdreg $0xFFFFFFFF;
	(pc) =	sbr.abs _section_cstart, $3  }
0xc8: {  	[dreg:$0x1] =	wrdreg $0xFFFFFFFF  }
0xc9: {  	_ =	task.clear_ibuf [dreg:s8], $0x2FFFF;
	_ =	strace $0x9FFFFFFF  }
0xca: {  	(tm) =	ssettm $0x7FFFFFFF  }
0xcb: {  	_ =	shalt  }
tec
execute0_lowered:
.L_overlay_start_1:
0x0: {  	(tag) =	ssettag $0x1  }
0x1: {  	s0 =	rddreg [dreg:$0x0]  }
0x2: {  	s3 =	rddreg [dreg:$0x3];
	s4 =	simm.s32 $0x0  }
0x3: {  	s1 =	stileid.u32;
	s7 =	srdreg.scid;
	s12 =	simm.s32 $0x6  }
0x4: {  	s31 =	simm.s32 $0x50;
	s29 =	simm.s32 $0x12A00;
	[smem:$0x7FF] =	sst s4  }
0x5: {  	s2 =	sshll.u32 s1, $0xC;
	s5 =	sadd.s32 $0x52200, s0;
	s6 =	sadd.s32 $0xA00, s0  }
0x6: {  	s8 =	sand.u32 $0x1, s7;
	s7 =	sadd.s32 $0x27C00, s0;
	s9 =	sadd.s32 $0x7C000, s0  }
0x7: {  	s11 =	smul.u32 $0x14000, s1;
	s18 =	sadd.s32 $0x50000, s3;
	p0 =	sne.s32 s1, $0x0  }
0x8: {  	_ =	strace $0x8000004A;
	s2 =	sadd.s32 s2, s0;
	[dreg:$0x5] =	wrdreg s9  }
0x9: {  	s10 =	ssub.s32 $0x2, s8;
	s0 =	sadd.s32 $0x85E00, s0;
	[dreg:$0xa] =	wrdreg s18  }
0xa: {  	[dreg:$0x6] =	wrdreg s0;
	s13 =	sshrl.u32 s10, $0x1;
	s14 =	sadd.s32 $0x5C000, s2  }
0xb: {  	s2 =	sadd.s32 $0x6C000, s2;
	s15 =	sshrl.u32 s11, $0x2;
	[dreg:$0x7] =	wrdreg s14  }
0xc: {  	s0 =	ssub.s32 s10, s13;
	[dreg:$0x8] =	wrdreg s2;
	s16 =	sadd.s32 s15, s3  }
0xd: {  	p1 =	sne.s32 s8, $0x0;
	s0 =	smax.u32 s0, $0x1;
	[dreg:$0x9] =	wrdreg s16  }
0xe: {  	s9 =	simm.s32 $0x0;
	s19 =	sadd.s32 $0x800, s16;
	[dreg:$0xc] =	wrdreg s0  }
0xf: {  	s10 =	smul.u32 $0x4E20, s1;
	s20 =	sadd.s32 $0x1000, s16;
	[dreg:$0xd] =	wrdreg s19  }
0x10: {  	s13 =	smul.u32 $0xA00, s8;
	s21 =	sadd.s32 $0x1800, s16;
	[dreg:$0xe] =	wrdreg s20  }
0x11: {  	s14 =	smul.u32 $0xA0, s1;
	s22 =	sadd.s32 $0x2000, s16;
	[dreg:$0xf] =	wrdreg s21  }
0x12: {  	s1 =	simm.s32 $0x1D240;
	s23 =	sadd.s32 $0x2800, s16;
	[dreg:$0x10] =	wrdreg s22  }
0x13: {  	s24 =	sadd.s32 $0x3000, s16;
	s25 =	sadd.s32 $0x3800, s16;
	[dreg:$0x11] =	wrdreg s23  }
0x14: {  	s26 =	sadd.s32 $0x4000, s16;
	s30 =	sadd.s32 $0x4800, s16;
	[dreg:$0x12] =	wrdreg s24  }
0x15: {  	s16 =	simm.s32 $0x10100;
	s17 =	sshrl.u32 s10, $0x3;
	[dreg:$0x13] =	wrdreg s25  }
0x16: {  	s18 =	sadd.s32 $0x1400, s13;
	[dreg:$0x14] =	wrdreg s26;
	s28 =	sadd.s32 s14, s13  }
0x17: {  	[dreg:$0x16] =	wrdreg s30;
	s19 =	simm.s32 $0x17A00;
	s20 =	simm.s32 $0x10180  }
0x18: {  	s21 =	simm.s32 $0x1;
	s22 =	simm.s32 $0x10000;
	s23 =	simm.s32 $0x2  }
0x19: {  	s24 =	simm.s32 $0x10080;
	s2 =	sadd.s32 s5, s17;
	[dreg:$0x15] =	wrdreg s28  }
0x1a: {  	s0 =	sadd.s32 $0x1400, s28;
	s17 =	simm.s32 $0x15200;
	[dreg:$0xb] =	wrdreg s2  }
0x1b: {  	v2 =	vimm.f32 $0.0e+00;
	v0 =	vmov s13;
	v1 =	vmov s18;
	[dreg:$0x17] =	wrdreg s0;
	s0 =	simm.s32 $0x5;
	s2 =	simm.s32 $0x10200  }
.LBB2_1:
0x1c: {  	[dreg:$0x18] =	wrdreg s9  }
0x1d: {  	s8 =	rddreg [dreg:$0x7]  }
0x1e: {  	[tilespmem:s4], [sflag:$0x5] =	stream.linear.gather [hbm4b:s8+s4], $0x7D00, $0x38;
	v63 =	vld [tilespmem:$0x0]  }
0x1f: {  	_ =	swait.ge [sflag:s0], $0x7D00  }
0x20: {  	[sflag:s0] =	ssyncset.done $0x0  }
0x21: {  	s25 =	simm.s32 $0x8000;
	s15 =	rddreg [dreg:$0x8];
	[sflag:s0] =	ssyncadd.s32 $0xFFFF8300  }
0x22: {  	[tilespmem:s25], [sflag:$0x5] =	stream.linear.gather [hbm4b:s15+s4], $0x7D00, $0x38;
	v63 =	vld [tilespmem:$0x0]  }
0x23: {  	_ =	swait.ge [sflag:s0], $0x7D00  }
0x24: {  	[sflag:s0] =	ssyncset.done $0x0  }
0x25: {  	[sflag:s0] =	ssyncadd.s32 $0xFFFF8300  }
0x26: {  	s26 =	rddreg [dreg:$0x1]  }
0x27: {  	[tilespmem:s2], [sflag:$0x5] =	stream.linear.gather [hbm4b:s26+s4], $0x2800, $0x38;
	v63 =	vld [tilespmem:$0x0]  }
0x28: {  	_ =	swait.ge [sflag:s0], $0x2800  }
0x29: {  	[sflag:s0] =	ssyncset.done $0x0  }
0x2a: {  	[sflag:s0] =	ssyncadd.s32 $0xFFFFD800  }
0x2b: {  	s28 =	rddreg [dreg:$0x2]  }
0x2c: {  	[tilespmem:s1], [sflag:$0x5] =	stream.linear.gather [hbm4b:s28+s4], $0x2780, $0x38;
	v63 =	vld [tilespmem:$0x0]  }
0x2d: {  	_ =	swait.ge [sflag:s0], $0x2780  }
0x2e: {  	s11 =	simm.s32 $0x8020;
	[sflag:s0] =	ssyncset.done $0x0  }
0x2f: {  	s30 =	simm.s32 $0x0;
	s8 =	simm.s32 $0x20;
	[sflag:s0] =	ssyncadd.s32 $0xFFFFD880  }
.LBB2_2:
0x30: {  	s15 =	smul.u32 $0x190, s30;
	_ =	sdelay $0x1  }
0x31: {  	s15 =	sadd.s32 s10, s15  }
0x32: {  	s26 =	sshrl.u32 s15, $0x3  }
0x33: {  	s9 =	simm.s32 $0x1F9C0;
	s15 =	sadd.s32 s5, s26  }
0x34: {  	[tilespmem:s9], [sflag:$0x6] =	stream.linear.gather [hbm4b:s15+s4], $0x190, $0x38;
	v63 =	vld [tilespmem:$0x0]  }
0x35: {  	_ =	swait.ge [sflag:s12], $0x190  }
0x36: {  	s28 =	simm.s32 $0x100;
	[sflag:s12] =	ssyncset.done $0x0  }
0x37: {  	s25 =	smov.u32 s11;
	s15 =	smov.u32 s8;
	[sflag:s12] =	ssyncadd.s32 $0xFFFFFE70  }
.LBB2_3:
0x38: {  	v3 =	vld [tilespmem:s25+$0xFFFFFFE0];
	_ =	sdelay $0x5  }
0x39: {  	v4 =	vld [tilespmem:s15+$0xFFFFFFE0];
	s9 =	sshra.s32 s28, $0x2  }
0x3a: {  	v5 =	vld [tilespmem:s9+$0x1F980]  }
0x3b: {  	v3 =	vld.idx.msk [tilespmem:v3+s2+$0x0], $0xffff;
	_ =	sdelay $0x4  }
0x3c: {  	v3 =	vmul.f32 v3, v5;
	_ =	sdelay $0x1  }
0x3d: {  	[tilespmem:s9+$0x1FB80] =	vst v3  }
0x3e: {  	v3 =	vld.idx.msk [tilespmem:v4+s1+$0x0], $0xffff;
	_ =	sdelay $0x4  }
0x3f: {  	v3 =	vmul.f32 v3, v5;
	_ =	sdelay $0x1  }
0x40: {  	[tilespmem:s9+$0x1FD80] =	vst v3  }
0x41: {  	v3 =	vld [tilespmem:s25+$0xFFFFFFF0];
	_ =	sdelay $0x5  }
0x42: {  	v56 =	vld [tilespmem:s9+$0x1F990]  }
0x43: {  	v55 =	vld [tilespmem:s15+$0xFFFFFFF0]  }
0x44: {  	v3 =	vld.idx.msk [tilespmem:v3+s2+$0x0], $0xffff;
	_ =	sdelay $0x4  }
0x45: {  	v3 =	vmul.f32 v3, v56;
	_ =	sdelay $0x1  }
0x46: {  	[tilespmem:s9+$0x1FB90] =	vst v3  }
0x47: {  	v3 =	vld.idx.msk [tilespmem:v55+s1+$0x0], $0xffff;
	_ =	sdelay $0x4  }
0x48: {  	v3 =	vmul.f32 v3, v56;
	_ =	sdelay $0x1  }
0x49: {  	[tilespmem:s9+$0x1FD90] =	vst v3  }
0x4a: {  	v3 =	vld [tilespmem:s25+$0x0];
	_ =	sdelay $0x5  }
0x4b: {  	v58 =	vld [tilespmem:s9+$0x1F9A0]  }
0x4c: {  	v57 =	vld [tilespmem:s15+$0x0]  }
0x4d: {  	v3 =	vld.idx.msk [tilespmem:v3+s2+$0x0], $0xffff;
	_ =	sdelay $0x4  }
0x4e: {  	v3 =	vmul.f32 v3, v58;
	_ =	sdelay $0x1  }
0x4f: {  	[tilespmem:s9+$0x1FBA0] =	vst v3  }
0x50: {  	v3 =	vld.idx.msk [tilespmem:v57+s1+$0x0], $0xffff;
	_ =	sdelay $0x4  }
0x51: {  	v3 =	vmul.f32 v3, v58;
	_ =	sdelay $0x1  }
0x52: {  	[tilespmem:s9+$0x1FDA0] =	vst v3  }
0x53: {  	v3 =	vld [tilespmem:s25+$0x10];
	_ =	sdelay $0x5  }
0x54: {  	v60 =	vld [tilespmem:s9+$0x1F9B0]  }
0x55: {  	v59 =	vld [tilespmem:s15+$0x10]  }
0x56: {  	v3 =	vld.idx.msk [tilespmem:v3+s2+$0x0], $0xffff;
	_ =	sdelay $0x4  }
0x57: {  	v3 =	vmul.f32 v3, v60;
	_ =	sdelay $0x1  }
0x58: {  	[tilespmem:s9+$0x1FBB0] =	vst v3  }
0x59: {  	v3 =	vld.idx.msk [tilespmem:v59+s1+$0x0], $0xffff;
	_ =	sdelay $0x4  }
0x5a: {  	v3 =	vmul.f32 v3, v60;
	_ =	sdelay $0x1  }
0x5b: {  	[tilespmem:s9+$0x1FDB0] =	vst v3  }
0x5c: {  	v3 =	vld [tilespmem:s25+$0x20];
	_ =	sdelay $0x5  }
0x5d: {  	v62 =	vld [tilespmem:s9+$0x1F9C0]  }
0x5e: {  	v61 =	vld [tilespmem:s15+$0x20]  }
0x5f: {  	v3 =	vld.idx.msk [tilespmem:v3+s2+$0x0], $0xffff;
	_ =	sdelay $0x4  }
0x60: {  	v3 =	vmul.f32 v3, v62;
	_ =	sdelay $0x1  }
0x61: {  	[tilespmem:s9+$0x1FBC0] =	vst v3  }
0x62: {  	v3 =	vld.idx.msk [tilespmem:v61+s1+$0x0], $0xffff;
	_ =	sdelay $0x1  }
0x63: {  	p2 =	sne.s32 s28, $0x600  }
.Ltmp0:
0x64: {  	_ = 	snop;
	(pc) =	sbr.rel @p2 .LBB2_3-.Ltmp0, $3  }
0x65: {  	_ = 	snop  }
0x66: {  	v3 =	vmul.f32 v3, v62;
	_ =	sdelay $0x1  }
0x67: {  	s28 =	sadd.s32 $0x140, s28;
	s15 =	sadd.s32 $0x80, s15;
	s25 =	sadd.s32 $0x80, s25;
	[tilespmem:s9+$0x1FDC0] =	vst v3  }
0x68: {  	s9 =	rddreg [dreg:$0x5]  }
0x69: {  	s15 =	simm.s32 @!p1 $0x0;
	s25 =	simm.s32 @!p1 $0x1FBC0;
	s9 =	sadd.s32 @!p1 s9, s26  }
0x6a: {  	[hbm4b:s9+s15] =	stream.linear.scatter @!p1 [tilespmem:s25], [sflag:$0x6], $0x190, $0x38;
	v63 =	vld [tilespmem:$0x0]  }
0x6b: {  	s9 =	simm.s32 @!p1 $0x6  }
0x6c: {  	_ =	swait.ge @!p1 [sflag:s9], $0x190  }
0x6d: {  	[sflag:s9] =	ssyncset.done @!p1 $0x0  }
0x6e: {  	s30 =	sadd.s32 $0x1, s30;
	[sflag:s9] =	ssyncadd.s32 @!p1 $0xFFFFFE70;
	s9 =	rddreg [dreg:$0x6]  }
0x6f: {  	p2 =	sne.s32 s30, $0x32;
	s25 =	simm.s32 @!p1 $0x1FDC0;
	s9 =	sadd.s32 @!p1 s9, s26  }
0x70: {  	[hbm4b:s9+s15] =	stream.linear.scatter @!p1 [tilespmem:s25], [sflag:$0x5], $0x190, $0x38;
	v63 =	vld [tilespmem:$0x0]  }
.Ltmp1:
0x71: {  	_ = 	snop;
	(pc) =	sbr.rel @p2 .LBB2_2-.Ltmp1, $4  }
0x72: {  	s9 =	simm.s32 @!p1 $0x5  }
0x73: {  	_ =	swait.ge @!p1 [sflag:s9], $0x190  }
0x74: {  	[sflag:s9] =	ssyncset.done @!p1 $0x0  }
0x75: {  	s8 =	sadd.s32 $0x280, s8;
	s11 =	sadd.s32 $0x280, s11;
	[sflag:s9] =	ssyncadd.s32 @!p1 $0xFFFFFE70  }
0x76: {  	s8 =	simm.s32 $0x0;
	s11 =	simm.s32 $0x200  }
.LBB2_6:
0x77: {  	p2 =	sne.s32 s11, $0x1E00;
	[tilespmem:s8+$0x17A70] =	vst v2  }
0x78: {  	[tilespmem:s8+$0x17A00] =	vst v2  }
0x79: {  	[tilespmem:s8+$0x17A10] =	vst v2  }
.Ltmp2:
0x7a: {  	[tilespmem:s8+$0x17A20] =	vst v2;
	(pc) =	sbr.rel @p2 .LBB2_6-.Ltmp2, $4  }
0x7b: {  	[tilespmem:s8+$0x17A30] =	vst v2  }
0x7c: {  	[tilespmem:s8+$0x17A40] =	vst v2  }
0x7d: {  	[tilespmem:s8+$0x17A50] =	vst v2  }
0x7e: {  	[tilespmem:s8+$0x17A60] =	vst v2;
	s8 =	sshra.s32 s11, $0x2;
	s11 =	sadd.s32 $0x200, s11  }
0x7f: {  	[tilespmem:s8+$0x17A70] =	vst v2  }
0x80: {  	[tilespmem:s8+$0x17A00] =	vst v2  }
0x81: {  	[tilespmem:s8+$0x17A10] =	vst v2  }
0x82: {  	[tilespmem:s8+$0x17A20] =	vst v2  }
0x83: {  	[tilespmem:s8+$0x17A30] =	vst v2  }
0x84: {  	[tilespmem:s8+$0x17A40] =	vst v2  }
0x85: {  	[tilespmem:s8+$0x17A50] =	vst v2  }
0x86: {  	[tilespmem:s8+$0x17A60] =	vst v2;
	s11 =	rddreg [dreg:$0x9]  }
0x87: {  	[spmem:s11] =	stream.linear.scatter [tilespmem:s19], [sflag:$0x5], $0x800, $0x38;
	v63 =	vld [tilespmem:$0x0]  }
0x88: {  	_ =	swait.ge [sflag:s0], $0x800  }
0x89: {  	[sflag:s0] =	ssyncset.done $0x0  }
0x8a: {  	s15 =	rddreg [dreg:$0xd];
	[sflag:s0] =	ssyncadd.s32 $0xFFFFF800  }
0x8b: {  	[spmem:s15] =	stream.linear.scatter [tilespmem:s19], [sflag:$0x5], $0x800, $0x38;
	v63 =	vld [tilespmem:$0x0]  }
0x8c: {  	_ =	swait.ge [sflag:s0], $0x800  }
0x8d: {  	[sflag:s0] =	ssyncset.done $0x0  }
0x8e: {  	s25 =	rddreg [dreg:$0xe];
	[sflag:s0] =	ssyncadd.s32 $0xFFFFF800  }
0x8f: {  	[spmem:s25] =	stream.linear.scatter [tilespmem:s19], [sflag:$0x5], $0x800, $0x38;
	v63 =	vld [tilespmem:$0x0]  }
0x90: {  	_ =	swait.ge [sflag:s0], $0x800  }
0x91: {  	[sflag:s0] =	ssyncset.done $0x0  }
0x92: {  	s26 =	rddreg [dreg:$0xf];
	[sflag:s0] =	ssyncadd.s32 $0xFFFFF800  }
0x93: {  	[spmem:s26] =	stream.linear.scatter [tilespmem:s19], [sflag:$0x5], $0x800, $0x38;
	v63 =	vld [tilespmem:$0x0]  }
0x94: {  	_ =	swait.ge [sflag:s0], $0x800  }
0x95: {  	[sflag:s0] =	ssyncset.done $0x0  }
0x96: {  	s28 =	rddreg [dreg:$0x10];
	[sflag:s0] =	ssyncadd.s32 $0xFFFFF800  }
0x97: {  	[spmem:s28] =	stream.linear.scatter [tilespmem:s19], [sflag:$0x5], $0x800, $0x38;
	v63 =	vld [tilespmem:$0x0]  }
0x98: {  	_ =	swait.ge [sflag:s0], $0x800  }
0x99: {  	[sflag:s0] =	ssyncset.done $0x0  }
0x9a: {  	s9 =	rddreg [dreg:$0x11];
	[sflag:s0] =	ssyncadd.s32 $0xFFFFF800  }
0x9b: {  	[spmem:s9] =	stream.linear.scatter [tilespmem:s19], [sflag:$0x5], $0x800, $0x38;
	v63 =	vld [tilespmem:$0x0]  }
0x9c: {  	_ =	swait.ge [sflag:s0], $0x800  }
0x9d: {  	[sflag:s0] =	ssyncset.done $0x0  }
0x9e: {  	s11 =	rddreg [dreg:$0x12];
	[sflag:s0] =	ssyncadd.s32 $0xFFFFF800  }
0x9f: {  	[spmem:s11] =	stream.linear.scatter [tilespmem:s19], [sflag:$0x5], $0x800, $0x38;
	v63 =	vld [tilespmem:$0x0]  }
0xa0: {  	_ =	swait.ge [sflag:s0], $0x800  }
0xa1: {  	[sflag:s0] =	ssyncset.done $0x0  }
0xa2: {  	s15 =	rddreg [dreg:$0x13];
	[sflag:s0] =	ssyncadd.s32 $0xFFFFF800  }
0xa3: {  	[spmem:s15] =	stream.linear.scatter [tilespmem:s19], [sflag:$0x5], $0x800, $0x38;
	v63 =	vld [tilespmem:$0x0]  }
0xa4: {  	_ =	swait.ge [sflag:s0], $0x800  }
0xa5: {  	[sflag:s0] =	ssyncset.done $0x0  }
0xa6: {  	s25 =	rddreg [dreg:$0x14];
	[sflag:s0] =	ssyncadd.s32 $0xFFFFF800  }
0xa7: {  	[spmem:s25] =	stream.linear.scatter [tilespmem:s19], [sflag:$0x5], $0x800, $0x38;
	v63 =	vld [tilespmem:$0x0]  }
0xa8: {  	_ =	swait.ge [sflag:s0], $0x800  }
0xa9: {  	[sflag:s0] =	ssyncset.done $0x0  }
0xaa: {  	s26 =	rddreg [dreg:$0x16];
	[sflag:s0] =	ssyncadd.s32 $0xFFFFF800  }
0xab: {  	[spmem:s26] =	stream.linear.scatter [tilespmem:s19], [sflag:$0x5], $0x800, $0x38;
	v63 =	vld [tilespmem:$0x0]  }
0xac: {  	_ =	swait.ge [sflag:s0], $0x800  }
0xad: {  	[sflag:s0] =	ssyncset.done $0x0  }
0xae: {  	s8 =	simm.s32 @!p0 $0x17A00;
	s9 =	rddreg [dreg:$0xa];
	[sflag:s0] =	ssyncadd.s32 $0xFFFFF800  }
0xaf: {  	[spmem:s9] =	stream.linear.scatter @!p0 [tilespmem:s8], [sflag:$0x5], $0x400, $0x38;
	v63 =	vld [tilespmem:$0x0]  }
0xb0: {  	s8 =	simm.s32 @!p0 $0x5  }
0xb1: {  	_ =	swait.ge @!p0 [sflag:s8], $0x400  }
0xb2: {  	[sflag:s8] =	ssyncset.done @!p0 $0x0  }
0xb3: {  	s30 =	simm.s32 $0x0;
	[sflag:s8] =	ssyncadd.s32 @!p0 $0xFFFFFC00  }
0xb4: {  	[tilespmem:s29], [sflag:$0x1] =	stream.indirect.gather [hbm4b:s6+s31], $0x80, s30, s31, $0xb8;
	v63 =	vld [tilespmem:$0x0]  }
0xb5: {  	s28 =	rddreg [dreg:$0xb]  }
0xb6: {  	[tilespmem:s16], [sflag:$0x1] =	stream.linear.gather [hbm4b:s28+s30], $0x50, $0x38;
	v63 =	vld [tilespmem:$0x0]  }
0xb7: {  	s15 =	simm.s32 $0x0;
	[bflag:$0x0] =	sbarrier.arrive $0xFFFF  }
.LBB2_8:
0xb8: {  	p2 =	seq.s32 s15, $0x0;
	s9 =	sshllo.u32 s15, $0x1  }
0xb9: {  	s8 =	simm.s32 @!p2 $0x4;
	s11 =	sshll.u32 s9, $0x9  }
0xba: {  	_ =	swait.ge @!p2 [sflag:s8], $0x2800;
	s25 =	sshrl.u32 s11, $0x2;
	s11 =	smul.u32 $0x50, s9  }
0xbb: {  	[sflag:s8] =	ssyncset.done @!p2 $0x0  }
0xbc: {  	[sflag:s8] =	ssyncadd.s32 @!p2 $0xFFFFD800;
	s8 =	sadd.s32 s10, s11  }
0xbd: {  	[tilespmem:s17], [sflag:$0x2] =	stream.indirect.gather [hbm4b:s6+s31], $0x80, s25, s31, $0xb8;
	v63 =	vld [tilespmem:$0x0]  }
0xbe: {  	s8 =	sshrl.u32 s8, $0x3  }
0xbf: {  	s8 =	sadd.s32 s5, s8  }
0xc0: {  	[tilespmem:s20], [sflag:$0x2] =	stream.linear.gather [hbm4b:s8+s30], $0x50, $0x38;
	v63 =	vld [tilespmem:$0x0]  }
0xc1: {  	_ =	swait.ge [sflag:s21], $0x2800  }
0xc2: {  	[sflag:s21] =	ssyncset.done $0x0  }
0xc3: {  	[sflag:s21] =	ssyncadd.s32 $0xFFFFD800  }
0xc4: {  	_ =	swait.ge [sflag:s21], $0x50  }
0xc5: {  	s26 =	sshll.u32 s15, $0x8;
	[sflag:s21] =	ssyncset.done $0x0  }
0xc6: {  	s8 =	sand.u32 $0x3FFFFF00, s26;
	[sflag:s21] =	ssyncadd.s32 $0xFFFFFFB0  }
0xc7: {  	v3 =	vld [tilespmem:s8+$0x8000];
	_ =	sdelay $0x4  }
0xc8: {  	v3 =	vsub.s32 v3, v0  }
0xc9: {  	v3 =	vmin.u32 v3, $0xA00  }
0xca: {  	[tilespmem:$0x10000] =	vst v3  }
0xcb: {  	v3 =	vld [tilespmem:s8+$0x8010];
	_ =	sdelay $0x4  }
0xcc: {  	v3 =	vsub.s32 v3, v0  }
0xcd: {  	v3 =	vmin.u32 v3, $0xA00  }
0xce: {  	[tilespmem:$0x10010] =	vst v3  }
0xcf: {  	v3 =	vld [tilespmem:s8+$0x8020];
	_ =	sdelay $0x4  }
0xd0: {  	v3 =	vsub.s32 v3, v0  }
0xd1: {  	v3 =	vmin.u32 v3, $0xA00  }
0xd2: {  	[tilespmem:$0x10020] =	vst v3  }
0xd3: {  	v3 =	vld [tilespmem:s8+$0x8030];
	_ =	sdelay $0x4  }
0xd4: {  	v3 =	vsub.s32 v3, v0  }
0xd5: {  	v3 =	vmin.u32 v3, $0xA00  }
0xd6: {  	[tilespmem:$0x10030] =	vst v3  }
0xd7: {  	v3 =	vld [tilespmem:s8+$0x8040];
	_ =	sdelay $0x4  }
0xd8: {  	v3 =	vsub.s32 v3, v0  }
0xd9: {  	v4 =	vmov s30;
	v3 =	vmin.u32 v3, $0xA00  }
0xda: {  	s26 =	simm.s32 $0x12A40;
	[tilespmem:$0x10040] =	vst v3  }
0xdb: {  	v7 =	vld [tilespmem:s26+$0x30]  }
0xdc: {  	v10 =	vld [tilespmem:s26+$0x10]  }
0xdd: {  	v8 =	vld [tilespmem:s26+$0xFFFFFFC0]  }
0xde: {  	v4 =	vld.idx.msk [tilespmem:v4+s16+$0x0], $0xffff  }
0xdf: {  	v12 =	vld [tilespmem:s26+$0xFFFFFFE0]  }
0xe0: {  	v3 =	vld [tilespmem:s26+$0xFFFFFFF0]  }
0xe1: {  	v5 =	vld [tilespmem:s26+$0x20]  }
0xe2: {  	v6 =	vld [tilespmem:s26+$0xFFFFFFD0]  }
0xe3: {  	v11 =	vmul.f32 v7, v4;
	v7 =	vld [tilespmem:s26+$0x0]  }
0xe4: {  	v9 =	vmul.f32 v8, v4  }
0xe5: {  	s28 =	sshll.u32 s15, $0x1;
	s11 =	simm.s32 $0x1;
	s8 =	simm.s32 $0x12A40;
	v8 =	vmul.f32 v12, v4;
	v10 =	vmul.f32 v10, v4  }
.LBB2_9:
0xe6: {  	p2 =	sne.s32 s11, $0x4F  }
0xe7: {  	v6 =	vmul.f32 v6, v4;
	v5 =	vmul.f32 v5, v4;
	[tilespmem:s26+$0x30] =	vst v11;
	s8 =	sadd.s32 $0x80, s8;
	s9 =	smov.u32 s11;
	s11 =	sadd.s32 $0x1, s11  }
0xe8: {  	[tilespmem:s26+$0xFFFFFFC0] =	vst v9;
	v9 =	vmul.f32 v3, v4;
	v4 =	vmul.f32 v7, v4  }
0xe9: {  	[tilespmem:s26+$0x10] =	vst v10  }
0xea: {  	v7 =	vmov s9;
	[tilespmem:s26+$0xFFFFFFE0] =	vst v8  }
0xeb: {  	v3 =	vld [tilespmem:s8+$0xFFFFFFF0];
	[tilespmem:s26+$0xFFFFFFF0] =	vst v9  }
0xec: {  	v8 =	vld [tilespmem:s8+$0x30];
	[tilespmem:s26+$0x0] =	vst v4  }
0xed: {  	v10 =	vld [tilespmem:s8+$0x10];
	[tilespmem:s26+$0x20] =	vst v5  }
0xee: {  	v9 =	vld [tilespmem:s8+$0xFFFFFFC0];
	[tilespmem:s26+$0xFFFFFFD0] =	vst v6;
	s26 =	smov.u32 s8  }
0xef: {  	v4 =	vld.idx.msk [tilespmem:v7+s16+$0x0], $0xffff  }
0xf0: {  	v12 =	vld [tilespmem:s8+$0xFFFFFFE0]  }
0xf1: {  	v5 =	vld [tilespmem:s8+$0x20]  }
.Ltmp3:
0xf2: {  	v6 =	vld [tilespmem:s8+$0xFFFFFFD0];
	(pc) =	sbr.rel @p2 .LBB2_9-.Ltmp3, $3  }
0xf3: {  	v7 =	vld [tilespmem:s8+$0x0];
	_ =	sdelay $0x1  }
0xf4: {  	v9 =	vmul.f32 v9, v4;
	v11 =	vmul.f32 v8, v4  }
0xf5: {  	v10 =	vmul.f32 v10, v4;
	v8 =	vmul.f32 v12, v4  }
0xf6: {  	[tilespmem:s26+$0x30] =	vst v11  }
0xf7: {  	[tilespmem:s26+$0xFFFFFFC0] =	vst v9  }
0xf8: {  	v3 =	vmul.f32 v3, v4;
	[tilespmem:s26+$0x10] =	vst v10  }
0xf9: {  	v5 =	vmul.f32 v5, v4;
	[tilespmem:s26+$0xFFFFFFE0] =	vst v8  }
0xfa: {  	v7 =	vmul.f32 v7, v4;
	[tilespmem:s26+$0xFFFFFFF0] =	vst v3  }
0xfb: {  	v3 =	vmul.f32 v6, v4;
	[tilespmem:s26+$0x20] =	vst v5  }
0xfc: {  	p2 =	seq.s32 s15, $0x7C;
	[tilespmem:s26+$0x0] =	vst v7  }
0xfd: {  	s8 =	simm.s32 @!p2 $0x3;
	s9 =	sadd.s32 @!p2 $0x2, s28;
	[tilespmem:s26+$0xFFFFFFD0] =	vst v3  }
0xfe: {  	[spmem:s3] =	stream.indirect.scatter.add.f32 [tilespmem:s29], [sflag:$0x3], $0x80, s22, s31, $0xb8;
	v63 =	vld [tilespmem:$0x0]  }
0xff: {  	s11 =	sshll.u32 @!p2 s9, $0x7;
	_ =	swait.ge @!p2 [sflag:s8], $0x2800  }
0x100: {  	s9 =	smul.u32 @!p2 $0x50, s9;
	s26 =	simm.s32 @!p2 $0x12A00;
	[sflag:s8] =	ssyncset.done @!p2 $0x0  }
0x101: {  	[sflag:s8] =	ssyncadd.s32 @!p2 $0xFFFFD800;
	s8 =	sand.u32 @!p2 $0x3FFFFF80, s11;
	s11 =	simm.s32 @!p2 $0x50  }
0x102: {  	[tilespmem:s26], [sflag:$0x1] =	stream.indirect.gather @!p2 [hbm4b:s6+s11], $0x80, s8, s11, $0xb8;
	v63 =	vld [tilespmem:$0x0]  }
0x103: {  	s8 =	sadd.s32 @!p2 s10, s9  }
0x104: {  	s8 =	sshrl.u32 @!p2 s8, $0x3  }
0x105: {  	s9 =	simm.s32 @!p2 $0x0;
	s11 =	simm.s32 @!p2 $0x10100;
	s8 =	sadd.s32 @!p2 s5, s8  }
0x106: {  	[tilespmem:s11], [sflag:$0x1] =	stream.linear.gather @!p2 [hbm4b:s8+s9], $0x50, $0x38;
	v63 =	vld [tilespmem:$0x0]  }
0x107: {  	_ =	swait.ge [sflag:s23], $0x2800  }
0x108: {  	[sflag:s23] =	ssyncset.done $0x0  }
0x109: {  	[sflag:s23] =	ssyncadd.s32 $0xFFFFD800  }
0x10a: {  	_ =	swait.ge [sflag:s23], $0x50  }
0x10b: {  	[sflag:s23] =	ssyncset.done $0x0  }
0x10c: {  	[sflag:s23] =	ssyncadd.s32 $0xFFFFFFB0  }
0x10d: {  	v3 =	vld [tilespmem:s25+$0x8000];
	_ =	sdelay $0x4  }
0x10e: {  	v3 =	vsub.s32 v3, v0  }
0x10f: {  	v3 =	vmin.u32 v3, $0xA00  }
0x110: {  	[tilespmem:$0x10080] =	vst v3  }
0x111: {  	v3 =	vld [tilespmem:s25+$0x8010];
	_ =	sdelay $0x4  }
0x112: {  	v3 =	vsub.s32 v3, v0  }
0x113: {  	v3 =	vmin.u32 v3, $0xA00  }
0x114: {  	[tilespmem:$0x10090] =	vst v3  }
0x115: {  	v3 =	vld [tilespmem:s25+$0x8020];
	_ =	sdelay $0x4  }
0x116: {  	v3 =	vsub.s32 v3, v0  }
0x117: {  	v3 =	vmin.u32 v3, $0xA00  }
0x118: {  	[tilespmem:$0x100A0] =	vst v3  }
0x119: {  	v3 =	vld [tilespmem:s25+$0x8030];
	_ =	sdelay $0x4  }
0x11a: {  	v3 =	vsub.s32 v3, v0  }
0x11b: {  	v3 =	vmin.u32 v3, $0xA00  }
0x11c: {  	[tilespmem:$0x100B0] =	vst v3  }
0x11d: {  	v3 =	vld [tilespmem:s25+$0x8040];
	_ =	sdelay $0x4  }
0x11e: {  	s28 =	simm.s32 $0x0;
	v3 =	vsub.s32 v3, v0  }
0x11f: {  	v4 =	vmov s28;
	v3 =	vmin.u32 v3, $0xA00  }
0x120: {  	s25 =	simm.s32 $0x15240;
	[tilespmem:$0x100C0] =	vst v3  }
0x121: {  	v7 =	vld [tilespmem:s25+$0x30]  }
0x122: {  	v10 =	vld [tilespmem:s25+$0x10]  }
0x123: {  	v8 =	vld [tilespmem:s25+$0xFFFFFFC0]  }
0x124: {  	v4 =	vld.idx.msk [tilespmem:v4+s20+$0x0], $0xffff  }
0x125: {  	v12 =	vld [tilespmem:s25+$0xFFFFFFE0]  }
0x126: {  	v3 =	vld [tilespmem:s25+$0xFFFFFFF0]  }
0x127: {  	v5 =	vld [tilespmem:s25+$0x20]  }
0x128: {  	v6 =	vld [tilespmem:s25+$0xFFFFFFD0]  }
0x129: {  	v11 =	vmul.f32 v7, v4;
	v7 =	vld [tilespmem:s25+$0x0]  }
0x12a: {  	v9 =	vmul.f32 v8, v4  }
0x12b: {  	s11 =	simm.s32 $0x1;
	s8 =	simm.s32 $0x15240;
	v8 =	vmul.f32 v12, v4;
	v10 =	vmul.f32 v10, v4  }
.LBB2_11:
0x12c: {  	p2 =	sne.s32 s11, $0x4F  }
0x12d: {  	v6 =	vmul.f32 v6, v4;
	v5 =	vmul.f32 v5, v4;
	[tilespmem:s25+$0x30] =	vst v11;
	s8 =	sadd.s32 $0x80, s8;
	s9 =	smov.u32 s11;
	s11 =	sadd.s32 $0x1, s11  }
0x12e: {  	[tilespmem:s25+$0xFFFFFFC0] =	vst v9;
	v9 =	vmul.f32 v3, v4;
	v4 =	vmul.f32 v7, v4  }
0x12f: {  	[tilespmem:s25+$0x10] =	vst v10  }
0x130: {  	v7 =	vmov s9;
	[tilespmem:s25+$0xFFFFFFE0] =	vst v8  }
0x131: {  	v3 =	vld [tilespmem:s8+$0xFFFFFFF0];
	[tilespmem:s25+$0xFFFFFFF0] =	vst v9  }
0x132: {  	v8 =	vld [tilespmem:s8+$0x30];
	[tilespmem:s25+$0x0] =	vst v4  }
0x133: {  	v10 =	vld [tilespmem:s8+$0x10];
	[tilespmem:s25+$0x20] =	vst v5  }
0x134: {  	v9 =	vld [tilespmem:s8+$0xFFFFFFC0];
	[tilespmem:s25+$0xFFFFFFD0] =	vst v6;
	s25 =	smov.u32 s8  }
0x135: {  	v4 =	vld.idx.msk [tilespmem:v7+s20+$0x0], $0xffff  }
0x136: {  	v12 =	vld [tilespmem:s8+$0xFFFFFFE0]  }
0x137: {  	v5 =	vld [tilespmem:s8+$0x20]  }
.Ltmp4:
0x138: {  	v6 =	vld [tilespmem:s8+$0xFFFFFFD0];
	(pc) =	sbr.rel @p2 .LBB2_11-.Ltmp4, $3  }
0x139: {  	v7 =	vld [tilespmem:s8+$0x0];
	_ =	sdelay $0x1  }
0x13a: {  	v9 =	vmul.f32 v9, v4;
	v11 =	vmul.f32 v8, v4  }
0x13b: {  	v10 =	vmul.f32 v10, v4;
	v8 =	vmul.f32 v12, v4  }
0x13c: {  	[tilespmem:s25+$0x30] =	vst v11  }
0x13d: {  	[tilespmem:s25+$0xFFFFFFC0] =	vst v9  }
0x13e: {  	v3 =	vmul.f32 v3, v4;
	s15 =	sadd.s32 $0x1, s15;
	[tilespmem:s25+$0x10] =	vst v10  }
0x13f: {  	v5 =	vmul.f32 v5, v4;
	[tilespmem:s25+$0xFFFFFFE0] =	vst v8;
	p2 =	sne.s32 s15, $0x7D  }
.Ltmp5:
0x140: {  	v7 =	vmul.f32 v7, v4;
	[tilespmem:s25+$0xFFFFFFF0] =	vst v3;
	(pc) =	sbr.rel @p2 .LBB2_8-.Ltmp5, $4  }
0x141: {  	v3 =	vmul.f32 v6, v4;
	[tilespmem:s25+$0x20] =	vst v5  }
0x142: {  	[tilespmem:s25+$0x0] =	vst v7  }
0x143: {  	[tilespmem:s25+$0xFFFFFFD0] =	vst v3  }
0x144: {  	[spmem:s3] =	stream.indirect.scatter.add.f32 [tilespmem:s17], [sflag:$0x4], $0x80, s24, s31, $0xb8;
	v63 =	vld [tilespmem:$0x0]  }
0x145: {  	s8 =	simm.s32 $0x3  }
0x146: {  	_ =	swait.ge [sflag:s8], $0x2800  }
0x147: {  	[sflag:s8] =	ssyncset.done $0x0  }
0x148: {  	s30 =	simm.s32 $0x4;
	[sflag:s8] =	ssyncadd.s32 $0xFFFFD800  }
0x149: {  	_ =	swait.ge [sflag:s30], $0x2800  }
0x14a: {  	[sflag:s30] =	ssyncset.done $0x0  }
0x14b: {  	[sflag:s30] =	ssyncadd.s32 $0xFFFFD800  }
0x14c: {  	[bflag:$0x0] =	sbarrier.arrive $0xFFFF  }
0x14d: {  	s15 =	simm.s32 $0x0;
	s25 =	rddreg [dreg:$0x15]  }
.LBB2_14:
0x14e: {  	s8 =	sshll.u32 s15, $0x4  }
0x14f: {  	s8 =	sadd.s32 s14, s8  }
0x150: {  	s9 =	sshll.u32 s8, $0x7  }
0x151: {  	s9 =	sand.u32 $0x3FFFFF80, s9  }
0x152: {  	s9 =	sadd.s32 s9, s3  }
0x153: {  	[tilespmem:s19], [sflag:$0x5] =	stream.linear.gather [spmem:s9], $0x800, $0x38;
	v63 =	vld [tilespmem:$0x0]  }
0x154: {  	s26 =	sadd.s32 $0x0, s25;
	_ =	swait.ge [sflag:s0], $0x800  }
0x155: {  	v3 =	vmov s26;
	[sflag:s0] =	ssyncset.done $0x0  }
0x156: {  	s30 =	simm.s32 $0x17A40;
	[sflag:s0] =	ssyncadd.s32 $0xFFFFF800  }
0x157: {  	v7 =	vld [tilespmem:s30+$0x30]  }
0x158: {  	v10 =	vld [tilespmem:s30+$0x10]  }
0x159: {  	v8 =	vld [tilespmem:s30+$0xFFFFFFC0]  }
0x15a: {  	v4 =	vld.idx.msk [tilespmem:v3+s2+$0x0], $0xffff  }
0x15b: {  	v12 =	vld [tilespmem:s30+$0xFFFFFFE0]  }
0x15c: {  	v3 =	vld [tilespmem:s30+$0xFFFFFFF0]  }
0x15d: {  	v5 =	vld [tilespmem:s30+$0x20]  }
0x15e: {  	v6 =	vld [tilespmem:s30+$0xFFFFFFD0]  }
0x15f: {  	v11 =	vmul.f32 v7, v4;
	v7 =	vld [tilespmem:s30+$0x0]  }
0x160: {  	v9 =	vmul.f32 v8, v4  }
0x161: {  	s28 =	simm.s32 $0x1;
	s26 =	sadd.s32 s13, s8;
	s8 =	simm.s32 $0x17A40;
	v8 =	vmul.f32 v12, v4;
	v10 =	vmul.f32 v10, v4  }
.LBB2_15:
0x162: {  	p2 =	sne.s32 s28, $0xF  }
0x163: {  	v6 =	vmul.f32 v6, v4;
	v5 =	vmul.f32 v5, v4;
	[tilespmem:s30+$0x30] =	vst v11;
	s8 =	sadd.s32 $0x80, s8;
	s9 =	smov.u32 s28;
	s28 =	sadd.s32 $0x1, s28  }
0x164: {  	[tilespmem:s30+$0xFFFFFFC0] =	vst v9;
	v9 =	vmul.f32 v3, v4;
	v4 =	vmul.f32 v7, v4  }
0x165: {  	s9 =	sadd.s32 s9, s25;
	[tilespmem:s30+$0x10] =	vst v10  }
0x166: {  	v7 =	vmov s9;
	[tilespmem:s30+$0xFFFFFFE0] =	vst v8  }
0x167: {  	v3 =	vld [tilespmem:s8+$0xFFFFFFF0];
	[tilespmem:s30+$0xFFFFFFF0] =	vst v9  }
0x168: {  	v8 =	vld [tilespmem:s8+$0x30];
	[tilespmem:s30+$0x0] =	vst v4  }
0x169: {  	v10 =	vld [tilespmem:s8+$0x10];
	[tilespmem:s30+$0x20] =	vst v5  }
0x16a: {  	v9 =	vld [tilespmem:s8+$0xFFFFFFC0];
	[tilespmem:s30+$0xFFFFFFD0] =	vst v6;
	s30 =	smov.u32 s8  }
0x16b: {  	v4 =	vld.idx.msk [tilespmem:v7+s2+$0x0], $0xffff  }
0x16c: {  	v12 =	vld [tilespmem:s8+$0xFFFFFFE0]  }
0x16d: {  	v5 =	vld [tilespmem:s8+$0x20]  }
.Ltmp6:
0x16e: {  	v6 =	vld [tilespmem:s8+$0xFFFFFFD0];
	(pc) =	sbr.rel @p2 .LBB2_15-.Ltmp6, $3  }
0x16f: {  	v7 =	vld [tilespmem:s8+$0x0];
	_ =	sdelay $0x1  }
0x170: {  	v9 =	vmul.f32 v9, v4;
	v11 =	vmul.f32 v8, v4  }
0x171: {  	v10 =	vmul.f32 v10, v4;
	v8 =	vmul.f32 v12, v4  }
0x172: {  	[tilespmem:s30+$0x30] =	vst v11  }
0x173: {  	[tilespmem:s30+$0xFFFFFFC0] =	vst v9  }
0x174: {  	v3 =	vmul.f32 v3, v4;
	[tilespmem:s30+$0x10] =	vst v10  }
0x175: {  	v5 =	vmul.f32 v5, v4;
	[tilespmem:s30+$0xFFFFFFE0] =	vst v8  }
0x176: {  	v7 =	vmul.f32 v7, v4;
	[tilespmem:s30+$0xFFFFFFF0] =	vst v3  }
0x177: {  	s15 =	sadd.s32 $0x1, s15;
	v3 =	vmul.f32 v6, v4;
	[tilespmem:s30+$0x20] =	vst v5  }
0x178: {  	s8 =	sshll.u32 s26, $0x4;
	p2 =	sne.s32 s15, $0xA;
	[tilespmem:s30+$0x0] =	vst v7  }
.Ltmp7:
0x179: {  	s8 =	sadd.s32 s7, s8;
	[tilespmem:s30+$0xFFFFFFD0] =	vst v3;
	(pc) =	sbr.rel @p2 .LBB2_14-.Ltmp7, $4  }
0x17a: {  	[hbm4b:s8+s4] =	stream.linear.scatter [tilespmem:s19], [sflag:$0x5], $0x800, $0x38;
	v63 =	vld [tilespmem:$0x0]  }
0x17b: {  	_ =	swait.ge [sflag:s0], $0x800  }
0x17c: {  	[sflag:s0] =	ssyncset.done $0x0  }
0x17d: {  	s25 =	sadd.s32 $0x10, s25;
	[sflag:s0] =	ssyncadd.s32 $0xFFFFF800  }
0x17e: {  	[bflag:$0x0] =	sbarrier.arrive $0xFFFF;
	s8 =	simm.s32 $0x0;
	s11 =	simm.s32 $0x200  }
.LBB2_18:
0x17f: {  	p2 =	sne.s32 s11, $0x1E00;
	[tilespmem:s8+$0x17A70] =	vst v2  }
0x180: {  	[tilespmem:s8+$0x17A00] =	vst v2  }
0x181: {  	[tilespmem:s8+$0x17A10] =	vst v2  }
.Ltmp8:
0x182: {  	[tilespmem:s8+$0x17A20] =	vst v2;
	(pc) =	sbr.rel @p2 .LBB2_18-.Ltmp8, $4  }
0x183: {  	[tilespmem:s8+$0x17A30] =	vst v2  }
0x184: {  	[tilespmem:s8+$0x17A40] =	vst v2  }
0x185: {  	[tilespmem:s8+$0x17A50] =	vst v2  }
0x186: {  	[tilespmem:s8+$0x17A60] =	vst v2;
	s8 =	sshra.s32 s11, $0x2;
	s11 =	sadd.s32 $0x200, s11  }
0x187: {  	[tilespmem:s8+$0x17A70] =	vst v2  }
0x188: {  	[tilespmem:s8+$0x17A00] =	vst v2  }
0x189: {  	[tilespmem:s8+$0x17A10] =	vst v2  }
0x18a: {  	[tilespmem:s8+$0x17A20] =	vst v2  }
0x18b: {  	[tilespmem:s8+$0x17A30] =	vst v2  }
0x18c: {  	[tilespmem:s8+$0x17A40] =	vst v2  }
0x18d: {  	[tilespmem:s8+$0x17A50] =	vst v2  }
0x18e: {  	[tilespmem:s8+$0x17A60] =	vst v2;
	s11 =	rddreg [dreg:$0x9]  }
0x18f: {  	[spmem:s11] =	stream.linear.scatter [tilespmem:s19], [sflag:$0x5], $0x800, $0x38;
	v63 =	vld [tilespmem:$0x0]  }
0x190: {  	_ =	swait.ge [sflag:s0], $0x800  }
0x191: {  	[sflag:s0] =	ssyncset.done $0x0  }
0x192: {  	s15 =	rddreg [dreg:$0xd];
	[sflag:s0] =	ssyncadd.s32 $0xFFFFF800  }
0x193: {  	[spmem:s15] =	stream.linear.scatter [tilespmem:s19], [sflag:$0x5], $0x800, $0x38;
	v63 =	vld [tilespmem:$0x0]  }
0x194: {  	_ =	swait.ge [sflag:s0], $0x800  }
0x195: {  	[sflag:s0] =	ssyncset.done $0x0  }
0x196: {  	s25 =	rddreg [dreg:$0xe];
	[sflag:s0] =	ssyncadd.s32 $0xFFFFF800  }
0x197: {  	[spmem:s25] =	stream.linear.scatter [tilespmem:s19], [sflag:$0x5], $0x800, $0x38;
	v63 =	vld [tilespmem:$0x0]  }
0x198: {  	_ =	swait.ge [sflag:s0], $0x800  }
0x199: {  	[sflag:s0] =	ssyncset.done $0x0  }
0x19a: {  	s26 =	rddreg [dreg:$0xf];
	[sflag:s0] =	ssyncadd.s32 $0xFFFFF800  }
0x19b: {  	[spmem:s26] =	stream.linear.scatter [tilespmem:s19], [sflag:$0x5], $0x800, $0x38;
	v63 =	vld [tilespmem:$0x0]  }
0x19c: {  	_ =	swait.ge [sflag:s0], $0x800  }
0x19d: {  	[sflag:s0] =	ssyncset.done $0x0  }
0x19e: {  	s28 =	rddreg [dreg:$0x10];
	[sflag:s0] =	ssyncadd.s32 $0xFFFFF800  }
0x19f: {  	[spmem:s28] =	stream.linear.scatter [tilespmem:s19], [sflag:$0x5], $0x800, $0x38;
	v63 =	vld [tilespmem:$0x0]  }
0x1a0: {  	_ =	swait.ge [sflag:s0], $0x800  }
0x1a1: {  	[sflag:s0] =	ssyncset.done $0x0  }
0x1a2: {  	s9 =	rddreg [dreg:$0x11];
	[sflag:s0] =	ssyncadd.s32 $0xFFFFF800  }
0x1a3: {  	[spmem:s9] =	stream.linear.scatter [tilespmem:s19], [sflag:$0x5], $0x800, $0x38;
	v63 =	vld [tilespmem:$0x0]  }
0x1a4: {  	_ =	swait.ge [sflag:s0], $0x800  }
0x1a5: {  	[sflag:s0] =	ssyncset.done $0x0  }
0x1a6: {  	s11 =	rddreg [dreg:$0x12];
	[sflag:s0] =	ssyncadd.s32 $0xFFFFF800  }
0x1a7: {  	[spmem:s11] =	stream.linear.scatter [tilespmem:s19], [sflag:$0x5], $0x800, $0x38;
	v63 =	vld [tilespmem:$0x0]  }
0x1a8: {  	_ =	swait.ge [sflag:s0], $0x800  }
0x1a9: {  	[sflag:s0] =	ssyncset.done $0x0  }
0x1aa: {  	s15 =	rddreg [dreg:$0x13];
	[sflag:s0] =	ssyncadd.s32 $0xFFFFF800  }
0x1ab: {  	[spmem:s15] =	stream.linear.scatter [tilespmem:s19], [sflag:$0x5], $0x800, $0x38;
	v63 =	vld [tilespmem:$0x0]  }
0x1ac: {  	_ =	swait.ge [sflag:s0], $0x800  }
0x1ad: {  	[sflag:s0] =	ssyncset.done $0x0  }
0x1ae: {  	s25 =	rddreg [dreg:$0x14];
	[sflag:s0] =	ssyncadd.s32 $0xFFFFF800  }
0x1af: {  	[spmem:s25] =	stream.linear.scatter [tilespmem:s19], [sflag:$0x5], $0x800, $0x38;
	v63 =	vld [tilespmem:$0x0]  }
0x1b0: {  	_ =	swait.ge [sflag:s0], $0x800  }
0x1b1: {  	[sflag:s0] =	ssyncset.done $0x0  }
0x1b2: {  	s26 =	rddreg [dreg:$0x16];
	[sflag:s0] =	ssyncadd.s32 $0xFFFFF800  }
0x1b3: {  	[spmem:s26] =	stream.linear.scatter [tilespmem:s19], [sflag:$0x5], $0x800, $0x38;
	v63 =	vld [tilespmem:$0x0]  }
0x1b4: {  	_ =	swait.ge [sflag:s0], $0x800  }
0x1b5: {  	[sflag:s0] =	ssyncset.done $0x0  }
0x1b6: {  	s8 =	simm.s32 @!p0 $0x17A00;
	s9 =	rddreg [dreg:$0xa];
	[sflag:s0] =	ssyncadd.s32 $0xFFFFF800  }
0x1b7: {  	[spmem:s9] =	stream.linear.scatter @!p0 [tilespmem:s8], [sflag:$0x5], $0x400, $0x38;
	v63 =	vld [tilespmem:$0x0]  }
0x1b8: {  	s8 =	simm.s32 @!p0 $0x5  }
0x1b9: {  	_ =	swait.ge @!p0 [sflag:s8], $0x400  }
0x1ba: {  	[sflag:s8] =	ssyncset.done @!p0 $0x0  }
0x1bb: {  	s30 =	simm.s32 $0x0;
	[sflag:s8] =	ssyncadd.s32 @!p0 $0xFFFFFC00  }
0x1bc: {  	[tilespmem:s29], [sflag:$0x1] =	stream.indirect.gather [hbm4b:s6+s31], $0x80, s30, s31, $0xb8;
	v63 =	vld [tilespmem:$0x0]  }
0x1bd: {  	s28 =	rddreg [dreg:$0xb]  }
0x1be: {  	[tilespmem:s16], [sflag:$0x1] =	stream.linear.gather [hbm4b:s28+s30], $0x50, $0x38;
	v63 =	vld [tilespmem:$0x0]  }
0x1bf: {  	s15 =	simm.s32 $0x0;
	[bflag:$0x0] =	sbarrier.arrive $0xFFFF  }
.LBB2_20:
0x1c0: {  	p2 =	seq.s32 s15, $0x0;
	s9 =	sshllo.u32 s15, $0x1  }
0x1c1: {  	s8 =	simm.s32 @!p2 $0x4;
	s11 =	sshll.u32 s9, $0x9  }
0x1c2: {  	_ =	swait.ge @!p2 [sflag:s8], $0x2800;
	s25 =	sshrl.u32 s11, $0x2;
	s11 =	smul.u32 $0x50, s9  }
0x1c3: {  	[sflag:s8] =	ssyncset.done @!p2 $0x0  }
0x1c4: {  	[sflag:s8] =	ssyncadd.s32 @!p2 $0xFFFFD800;
	s8 =	sadd.s32 s10, s11  }
0x1c5: {  	[tilespmem:s17], [sflag:$0x2] =	stream.indirect.gather [hbm4b:s6+s31], $0x80, s25, s31, $0xb8;
	v63 =	vld [tilespmem:$0x0]  }
0x1c6: {  	s8 =	sshrl.u32 s8, $0x3  }
0x1c7: {  	s8 =	sadd.s32 s5, s8  }
0x1c8: {  	[tilespmem:s20], [sflag:$0x2] =	stream.linear.gather [hbm4b:s8+s30], $0x50, $0x38;
	v63 =	vld [tilespmem:$0x0]  }
0x1c9: {  	_ =	swait.ge [sflag:s21], $0x2800  }
0x1ca: {  	[sflag:s21] =	ssyncset.done $0x0  }
0x1cb: {  	[sflag:s21] =	ssyncadd.s32 $0xFFFFD800  }
0x1cc: {  	_ =	swait.ge [sflag:s21], $0x50  }
0x1cd: {  	s26 =	sshll.u32 s15, $0x8;
	[sflag:s21] =	ssyncset.done $0x0  }
0x1ce: {  	s8 =	sand.u32 $0x3FFFFF00, s26;
	[sflag:s21] =	ssyncadd.s32 $0xFFFFFFB0  }
0x1cf: {  	v3 =	vld [tilespmem:s8+$0x8000];
	_ =	sdelay $0x4  }
0x1d0: {  	v3 =	vsub.s32 v3, v1  }
0x1d1: {  	v3 =	vmin.u32 v3, $0xA00  }
0x1d2: {  	[tilespmem:$0x10000] =	vst v3  }
0x1d3: {  	v3 =	vld [tilespmem:s8+$0x8010];
	_ =	sdelay $0x4  }
0x1d4: {  	v3 =	vsub.s32 v3, v1  }
0x1d5: {  	v3 =	vmin.u32 v3, $0xA00  }
0x1d6: {  	[tilespmem:$0x10010] =	vst v3  }
0x1d7: {  	v3 =	vld [tilespmem:s8+$0x8020];
	_ =	sdelay $0x4  }
0x1d8: {  	v3 =	vsub.s32 v3, v1  }
0x1d9: {  	v3 =	vmin.u32 v3, $0xA00  }
0x1da: {  	[tilespmem:$0x10020] =	vst v3  }
0x1db: {  	v3 =	vld [tilespmem:s8+$0x8030];
	_ =	sdelay $0x4  }
0x1dc: {  	v3 =	vsub.s32 v3, v1  }
0x1dd: {  	v3 =	vmin.u32 v3, $0xA00  }
0x1de: {  	[tilespmem:$0x10030] =	vst v3  }
0x1df: {  	v3 =	vld [tilespmem:s8+$0x8040];
	_ =	sdelay $0x4  }
0x1e0: {  	v3 =	vsub.s32 v3, v1  }
0x1e1: {  	v4 =	vmov s30;
	v3 =	vmin.u32 v3, $0xA00  }
0x1e2: {  	s26 =	simm.s32 $0x12A40;
	[tilespmem:$0x10040] =	vst v3  }
0x1e3: {  	v7 =	vld [tilespmem:s26+$0x30]  }
0x1e4: {  	v10 =	vld [tilespmem:s26+$0x10]  }
0x1e5: {  	v8 =	vld [tilespmem:s26+$0xFFFFFFC0]  }
0x1e6: {  	v4 =	vld.idx.msk [tilespmem:v4+s16+$0x0], $0xffff  }
0x1e7: {  	v12 =	vld [tilespmem:s26+$0xFFFFFFE0]  }
0x1e8: {  	v3 =	vld [tilespmem:s26+$0xFFFFFFF0]  }
0x1e9: {  	v5 =	vld [tilespmem:s26+$0x20]  }
0x1ea: {  	v6 =	vld [tilespmem:s26+$0xFFFFFFD0]  }
0x1eb: {  	v11 =	vmul.f32 v7, v4;
	v7 =	vld [tilespmem:s26+$0x0]  }
0x1ec: {  	v9 =	vmul.f32 v8, v4  }
0x1ed: {  	s28 =	sshll.u32 s15, $0x1;
	s11 =	simm.s32 $0x1;
	s8 =	simm.s32 $0x12A40;
	v8 =	vmul.f32 v12, v4;
	v10 =	vmul.f32 v10, v4  }
.LBB2_21:
0x1ee: {  	p2 =	sne.s32 s11, $0x4F  }
0x1ef: {  	v6 =	vmul.f32 v6, v4;
	v5 =	vmul.f32 v5, v4;
	[tilespmem:s26+$0x30] =	vst v11;
	s8 =	sadd.s32 $0x80, s8;
	s9 =	smov.u32 s11;
	s11 =	sadd.s32 $0x1, s11  }
0x1f0: {  	[tilespmem:s26+$0xFFFFFFC0] =	vst v9;
	v9 =	vmul.f32 v3, v4;
	v4 =	vmul.f32 v7, v4  }
0x1f1: {  	[tilespmem:s26+$0x10] =	vst v10  }
0x1f2: {  	v7 =	vmov s9;
	[tilespmem:s26+$0xFFFFFFE0] =	vst v8  }
0x1f3: {  	v3 =	vld [tilespmem:s8+$0xFFFFFFF0];
	[tilespmem:s26+$0xFFFFFFF0] =	vst v9  }
0x1f4: {  	v8 =	vld [tilespmem:s8+$0x30];
	[tilespmem:s26+$0x0] =	vst v4  }
0x1f5: {  	v10 =	vld [tilespmem:s8+$0x10];
	[tilespmem:s26+$0x20] =	vst v5  }
0x1f6: {  	v9 =	vld [tilespmem:s8+$0xFFFFFFC0];
	[tilespmem:s26+$0xFFFFFFD0] =	vst v6;
	s26 =	smov.u32 s8  }
0x1f7: {  	v4 =	vld.idx.msk [tilespmem:v7+s16+$0x0], $0xffff  }
0x1f8: {  	v12 =	vld [tilespmem:s8+$0xFFFFFFE0]  }
0x1f9: {  	v5 =	vld [tilespmem:s8+$0x20]  }
.Ltmp9:
0x1fa: {  	v6 =	vld [tilespmem:s8+$0xFFFFFFD0];
	(pc) =	sbr.rel @p2 .LBB2_21-.Ltmp9, $3  }
0x1fb: {  	v7 =	vld [tilespmem:s8+$0x0];
	_ =	sdelay $0x1  }
0x1fc: {  	v9 =	vmul.f32 v9, v4;
	v11 =	vmul.f32 v8, v4  }
0x1fd: {  	v10 =	vmul.f32 v10, v4;
	v8 =	vmul.f32 v12, v4  }
0x1fe: {  	[tilespmem:s26+$0x30] =	vst v11  }
0x1ff: {  	[tilespmem:s26+$0xFFFFFFC0] =	vst v9  }
0x200: {  	v3 =	vmul.f32 v3, v4;
	[tilespmem:s26+$0x10] =	vst v10  }
0x201: {  	v5 =	vmul.f32 v5, v4;
	[tilespmem:s26+$0xFFFFFFE0] =	vst v8  }
0x202: {  	v7 =	vmul.f32 v7, v4;
	[tilespmem:s26+$0xFFFFFFF0] =	vst v3  }
0x203: {  	v3 =	vmul.f32 v6, v4;
	[tilespmem:s26+$0x20] =	vst v5  }
0x204: {  	p2 =	seq.s32 s15, $0x7C;
	[tilespmem:s26+$0x0] =	vst v7  }
0x205: {  	s8 =	simm.s32 @!p2 $0x3;
	s9 =	sadd.s32 @!p2 $0x2, s28;
	[tilespmem:s26+$0xFFFFFFD0] =	vst v3  }
0x206: {  	[spmem:s3] =	stream.indirect.scatter.add.f32 [tilespmem:s29], [sflag:$0x3], $0x80, s22, s31, $0xb8;
	v63 =	vld [tilespmem:$0x0]  }
0x207: {  	s11 =	sshll.u32 @!p2 s9, $0x7;
	_ =	swait.ge @!p2 [sflag:s8], $0x2800  }
0x208: {  	s9 =	smul.u32 @!p2 $0x50, s9;
	s26 =	simm.s32 @!p2 $0x12A00;
	[sflag:s8] =	ssyncset.done @!p2 $0x0  }
0x209: {  	[sflag:s8] =	ssyncadd.s32 @!p2 $0xFFFFD800;
	s8 =	sand.u32 @!p2 $0x3FFFFF80, s11;
	s11 =	simm.s32 @!p2 $0x50  }
0x20a: {  	[tilespmem:s26], [sflag:$0x1] =	stream.indirect.gather @!p2 [hbm4b:s6+s11], $0x80, s8, s11, $0xb8;
	v63 =	vld [tilespmem:$0x0]  }
0x20b: {  	s8 =	sadd.s32 @!p2 s10, s9  }
0x20c: {  	s8 =	sshrl.u32 @!p2 s8, $0x3  }
0x20d: {  	s9 =	simm.s32 @!p2 $0x0;
	s11 =	simm.s32 @!p2 $0x10100;
	s8 =	sadd.s32 @!p2 s5, s8  }
0x20e: {  	[tilespmem:s11], [sflag:$0x1] =	stream.linear.gather @!p2 [hbm4b:s8+s9], $0x50, $0x38;
	v63 =	vld [tilespmem:$0x0]  }
0x20f: {  	_ =	swait.ge [sflag:s23], $0x2800  }
0x210: {  	[sflag:s23] =	ssyncset.done $0x0  }
0x211: {  	[sflag:s23] =	ssyncadd.s32 $0xFFFFD800  }
0x212: {  	_ =	swait.ge [sflag:s23], $0x50  }
0x213: {  	[sflag:s23] =	ssyncset.done $0x0  }
0x214: {  	[sflag:s23] =	ssyncadd.s32 $0xFFFFFFB0  }
0x215: {  	v3 =	vld [tilespmem:s25+$0x8000];
	_ =	sdelay $0x4  }
0x216: {  	v3 =	vsub.s32 v3, v1  }
0x217: {  	v3 =	vmin.u32 v3, $0xA00  }
0x218: {  	[tilespmem:$0x10080] =	vst v3  }
0x219: {  	v3 =	vld [tilespmem:s25+$0x8010];
	_ =	sdelay $0x4  }
0x21a: {  	v3 =	vsub.s32 v3, v1  }
0x21b: {  	v3 =	vmin.u32 v3, $0xA00  }
0x21c: {  	[tilespmem:$0x10090] =	vst v3  }
0x21d: {  	v3 =	vld [tilespmem:s25+$0x8020];
	_ =	sdelay $0x4  }
0x21e: {  	v3 =	vsub.s32 v3, v1  }
0x21f: {  	v3 =	vmin.u32 v3, $0xA00  }
0x220: {  	[tilespmem:$0x100A0] =	vst v3  }
0x221: {  	v3 =	vld [tilespmem:s25+$0x8030];
	_ =	sdelay $0x4  }
0x222: {  	v3 =	vsub.s32 v3, v1  }
0x223: {  	v3 =	vmin.u32 v3, $0xA00  }
0x224: {  	[tilespmem:$0x100B0] =	vst v3  }
0x225: {  	v3 =	vld [tilespmem:s25+$0x8040];
	_ =	sdelay $0x4  }
0x226: {  	s28 =	simm.s32 $0x0;
	v3 =	vsub.s32 v3, v1  }
0x227: {  	v4 =	vmov s28;
	v3 =	vmin.u32 v3, $0xA00  }
0x228: {  	s25 =	simm.s32 $0x15240;
	[tilespmem:$0x100C0] =	vst v3  }
0x229: {  	v7 =	vld [tilespmem:s25+$0x30]  }
0x22a: {  	v10 =	vld [tilespmem:s25+$0x10]  }
0x22b: {  	v8 =	vld [tilespmem:s25+$0xFFFFFFC0]  }
0x22c: {  	v4 =	vld.idx.msk [tilespmem:v4+s20+$0x0], $0xffff  }
0x22d: {  	v12 =	vld [tilespmem:s25+$0xFFFFFFE0]  }
0x22e: {  	v3 =	vld [tilespmem:s25+$0xFFFFFFF0]  }
0x22f: {  	v5 =	vld [tilespmem:s25+$0x20]  }
0x230: {  	v6 =	vld [tilespmem:s25+$0xFFFFFFD0]  }
0x231: {  	v11 =	vmul.f32 v7, v4;
	v7 =	vld [tilespmem:s25+$0x0]  }
0x232: {  	v9 =	vmul.f32 v8, v4  }
0x233: {  	s11 =	simm.s32 $0x1;
	s8 =	simm.s32 $0x15240;
	v8 =	vmul.f32 v12, v4;
	v10 =	vmul.f32 v10, v4  }
.LBB2_23:
0x234: {  	p2 =	sne.s32 s11, $0x4F  }
0x235: {  	v6 =	vmul.f32 v6, v4;
	v5 =	vmul.f32 v5, v4;
	[tilespmem:s25+$0x30] =	vst v11;
	s8 =	sadd.s32 $0x80, s8;
	s9 =	smov.u32 s11;
	s11 =	sadd.s32 $0x1, s11  }
0x236: {  	[tilespmem:s25+$0xFFFFFFC0] =	vst v9;
	v9 =	vmul.f32 v3, v4;
	v4 =	vmul.f32 v7, v4  }
0x237: {  	[tilespmem:s25+$0x10] =	vst v10  }
0x238: {  	v7 =	vmov s9;
	[tilespmem:s25+$0xFFFFFFE0] =	vst v8  }
0x239: {  	v3 =	vld [tilespmem:s8+$0xFFFFFFF0];
	[tilespmem:s25+$0xFFFFFFF0] =	vst v9  }
0x23a: {  	v8 =	vld [tilespmem:s8+$0x30];
	[tilespmem:s25+$0x0] =	vst v4  }
0x23b: {  	v10 =	vld [tilespmem:s8+$0x10];
	[tilespmem:s25+$0x20] =	vst v5  }
0x23c: {  	v9 =	vld [tilespmem:s8+$0xFFFFFFC0];
	[tilespmem:s25+$0xFFFFFFD0] =	vst v6;
	s25 =	smov.u32 s8  }
0x23d: {  	v4 =	vld.idx.msk [tilespmem:v7+s20+$0x0], $0xffff  }
0x23e: {  	v12 =	vld [tilespmem:s8+$0xFFFFFFE0]  }
0x23f: {  	v5 =	vld [tilespmem:s8+$0x20]  }
.Ltmp10:
0x240: {  	v6 =	vld [tilespmem:s8+$0xFFFFFFD0];
	(pc) =	sbr.rel @p2 .LBB2_23-.Ltmp10, $3  }
0x241: {  	v7 =	vld [tilespmem:s8+$0x0];
	_ =	sdelay $0x1  }
0x242: {  	v9 =	vmul.f32 v9, v4;
	v11 =	vmul.f32 v8, v4  }
0x243: {  	v10 =	vmul.f32 v10, v4;
	v8 =	vmul.f32 v12, v4  }
0x244: {  	[tilespmem:s25+$0x30] =	vst v11  }
0x245: {  	[tilespmem:s25+$0xFFFFFFC0] =	vst v9  }
0x246: {  	v3 =	vmul.f32 v3, v4;
	s15 =	sadd.s32 $0x1, s15;
	[tilespmem:s25+$0x10] =	vst v10  }
0x247: {  	v5 =	vmul.f32 v5, v4;
	[tilespmem:s25+$0xFFFFFFE0] =	vst v8;
	p2 =	sne.s32 s15, $0x7D  }
.Ltmp11:
0x248: {  	v7 =	vmul.f32 v7, v4;
	[tilespmem:s25+$0xFFFFFFF0] =	vst v3;
	(pc) =	sbr.rel @p2 .LBB2_20-.Ltmp11, $4  }
0x249: {  	v3 =	vmul.f32 v6, v4;
	[tilespmem:s25+$0x20] =	vst v5  }
0x24a: {  	[tilespmem:s25+$0x0] =	vst v7  }
0x24b: {  	[tilespmem:s25+$0xFFFFFFD0] =	vst v3  }
0x24c: {  	[spmem:s3] =	stream.indirect.scatter.add.f32 [tilespmem:s17], [sflag:$0x4], $0x80, s24, s31, $0xb8;
	v63 =	vld [tilespmem:$0x0]  }
0x24d: {  	s8 =	simm.s32 $0x3  }
0x24e: {  	_ =	swait.ge [sflag:s8], $0x2800  }
0x24f: {  	[sflag:s8] =	ssyncset.done $0x0  }
0x250: {  	s30 =	simm.s32 $0x4;
	[sflag:s8] =	ssyncadd.s32 $0xFFFFD800  }
0x251: {  	_ =	swait.ge [sflag:s30], $0x2800  }
0x252: {  	[sflag:s30] =	ssyncset.done $0x0  }
0x253: {  	[sflag:s30] =	ssyncadd.s32 $0xFFFFD800  }
0x254: {  	[bflag:$0x0] =	sbarrier.arrive $0xFFFF  }
0x255: {  	s15 =	simm.s32 $0x0;
	s25 =	rddreg [dreg:$0x17]  }
.LBB2_26:
0x256: {  	s8 =	sshll.u32 s15, $0x4  }
0x257: {  	s8 =	sadd.s32 s14, s8  }
0x258: {  	s9 =	sshll.u32 s8, $0x7  }
0x259: {  	s9 =	sand.u32 $0x3FFFFF80, s9  }
0x25a: {  	s9 =	sadd.s32 s9, s3  }
0x25b: {  	[tilespmem:s19], [sflag:$0x5] =	stream.linear.gather [spmem:s9], $0x800, $0x38;
	v63 =	vld [tilespmem:$0x0]  }
0x25c: {  	s26 =	sadd.s32 $0x0, s25;
	_ =	swait.ge [sflag:s0], $0x800  }
0x25d: {  	v3 =	vmov s26;
	[sflag:s0] =	ssyncset.done $0x0  }
0x25e: {  	s30 =	simm.s32 $0x17A40;
	[sflag:s0] =	ssyncadd.s32 $0xFFFFF800  }
0x25f: {  	v7 =	vld [tilespmem:s30+$0x30]  }
0x260: {  	v10 =	vld [tilespmem:s30+$0x10]  }
0x261: {  	v8 =	vld [tilespmem:s30+$0xFFFFFFC0]  }
0x262: {  	v4 =	vld.idx.msk [tilespmem:v3+s2+$0x0], $0xffff  }
0x263: {  	v12 =	vld [tilespmem:s30+$0xFFFFFFE0]  }
0x264: {  	v3 =	vld [tilespmem:s30+$0xFFFFFFF0]  }
0x265: {  	v5 =	vld [tilespmem:s30+$0x20]  }
0x266: {  	v6 =	vld [tilespmem:s30+$0xFFFFFFD0]  }
0x267: {  	v11 =	vmul.f32 v7, v4;
	v7 =	vld [tilespmem:s30+$0x0]  }
0x268: {  	v9 =	vmul.f32 v8, v4  }
0x269: {  	s28 =	simm.s32 $0x1;
	s26 =	sadd.s32 s18, s8;
	s8 =	simm.s32 $0x17A40;
	v8 =	vmul.f32 v12, v4;
	v10 =	vmul.f32 v10, v4  }
.LBB2_27:
0x26a: {  	p2 =	sne.s32 s28, $0xF  }
0x26b: {  	v6 =	vmul.f32 v6, v4;
	v5 =	vmul.f32 v5, v4;
	[tilespmem:s30+$0x30] =	vst v11;
	s8 =	sadd.s32 $0x80, s8;
	s9 =	smov.u32 s28;
	s28 =	sadd.s32 $0x1, s28  }
0x26c: {  	[tilespmem:s30+$0xFFFFFFC0] =	vst v9;
	v9 =	vmul.f32 v3, v4;
	v4 =	vmul.f32 v7, v4  }
0x26d: {  	s9 =	sadd.s32 s9, s25;
	[tilespmem:s30+$0x10] =	vst v10  }
0x26e: {  	v7 =	vmov s9;
	[tilespmem:s30+$0xFFFFFFE0] =	vst v8  }
0x26f: {  	v3 =	vld [tilespmem:s8+$0xFFFFFFF0];
	[tilespmem:s30+$0xFFFFFFF0] =	vst v9  }
0x270: {  	v8 =	vld [tilespmem:s8+$0x30];
	[tilespmem:s30+$0x0] =	vst v4  }
0x271: {  	v10 =	vld [tilespmem:s8+$0x10];
	[tilespmem:s30+$0x20] =	vst v5  }
0x272: {  	v9 =	vld [tilespmem:s8+$0xFFFFFFC0];
	[tilespmem:s30+$0xFFFFFFD0] =	vst v6;
	s30 =	smov.u32 s8  }
0x273: {  	v4 =	vld.idx.msk [tilespmem:v7+s2+$0x0], $0xffff  }
0x274: {  	v12 =	vld [tilespmem:s8+$0xFFFFFFE0]  }
0x275: {  	v5 =	vld [tilespmem:s8+$0x20]  }
.Ltmp12:
0x276: {  	v6 =	vld [tilespmem:s8+$0xFFFFFFD0];
	(pc) =	sbr.rel @p2 .LBB2_27-.Ltmp12, $3  }
0x277: {  	v7 =	vld [tilespmem:s8+$0x0];
	_ =	sdelay $0x1  }
0x278: {  	v9 =	vmul.f32 v9, v4;
	v11 =	vmul.f32 v8, v4  }
0x279: {  	v10 =	vmul.f32 v10, v4;
	v8 =	vmul.f32 v12, v4  }
0x27a: {  	[tilespmem:s30+$0x30] =	vst v11  }
0x27b: {  	[tilespmem:s30+$0xFFFFFFC0] =	vst v9  }
0x27c: {  	v3 =	vmul.f32 v3, v4;
	[tilespmem:s30+$0x10] =	vst v10  }
0x27d: {  	v5 =	vmul.f32 v5, v4;
	[tilespmem:s30+$0xFFFFFFE0] =	vst v8  }
0x27e: {  	v7 =	vmul.f32 v7, v4;
	[tilespmem:s30+$0xFFFFFFF0] =	vst v3  }
0x27f: {  	s15 =	sadd.s32 $0x1, s15;
	v3 =	vmul.f32 v6, v4;
	[tilespmem:s30+$0x20] =	vst v5  }
0x280: {  	s8 =	sshll.u32 s26, $0x4;
	p2 =	sne.s32 s15, $0xA;
	[tilespmem:s30+$0x0] =	vst v7  }
.Ltmp13:
0x281: {  	s8 =	sadd.s32 s7, s8;
	[tilespmem:s30+$0xFFFFFFD0] =	vst v3;
	(pc) =	sbr.rel @p2 .LBB2_26-.Ltmp13, $4  }
0x282: {  	[hbm4b:s8+s4] =	stream.linear.scatter [tilespmem:s19], [sflag:$0x5], $0x800, $0x38;
	v63 =	vld [tilespmem:$0x0]  }
0x283: {  	_ =	swait.ge [sflag:s0], $0x800  }
0x284: {  	[sflag:s0] =	ssyncset.done $0x0  }
0x285: {  	s25 =	sadd.s32 $0x10, s25;
	[sflag:s0] =	ssyncadd.s32 $0xFFFFF800  }
0x286: {  	s9 =	rddreg [dreg:$0x18]  }
0x287: {  	s8 =	rddreg [dreg:$0xc];
	s9 =	sadd.s32 $0x1, s9  }
0x288: {  	p2 =	sne.s32 s9, s8  }
.Ltmp14:
0x289: {  	_ = 	snop;
	(pc) =	sbr.rel @p2 .LBB2_1-.Ltmp14, $1  }
0x28a: {  	_ =	sdelay $0x3  }
0x28b: {  	_ =	sfence.sel $0x180000  }
0x28c: {  	[bflag:$0x0] =	sbarrier.arrive $0xFFFF  }
0x28d: {  	_ =	strace $0x9000004A  }
0x28e: {  	[bflag:$0x2] =	sbarrier.arrive $0xFFFF  }
0x28f: {  	s0 =	rddreg [dreg:$0x4]  }
0x290: {  	s0 =	sadd.s32 @!p0 $0x100000, s0  }
0x291: {  	[sflag:s0] =	ssyncadd.tile.s32 @!p0 $0x1;
	_ =	shalt  }
.Lfunc_end2:
_tile_overlayer_lowered:
.L_overlay_start_2:
0x292: {  	(tag) =	ssettag $0x2  }
0x293: {  	s0 =	rddreg [dreg:$0x0];
	s2 =	stileid.u32  }
0x294: {  	s1 =	rddreg [dreg:$0x1];
	p0 =	sne.s32 s2, $0x0  }
0x295: {  	s3 =	rddreg [dreg:$0x2];
	[bflag:$0x3] =	sbarrier.arrive $0xFFFF;
	s2 =	simm.s32 @!p0 $0x1C05  }
0x296: {  	[timem:s3], [sflag:s2] =	dma.local @!p0 [hbm:s0], s1  }
0x297: {  	s0 =	simm.s32 @!p0 $0x5  }
0x298: {  	_ =	swait.ge @!p0 [sflag:s0], s1  }
0x299: {  	s1 =	ssub.s32 @!p0 $0x0, s1;
	[sflag:s0] =	ssyncset.done @!p0 $0x0  }
0x29a: {  	[sflag:s0] =	ssyncadd.s32 @!p0 s1  }
0x29b: {  	[bflag:$0x3] =	sbarrier.arrive $0xFFFF  }
0x29c: {  	_ =	shalt  }

// kernel: kernel.15.cloned.1.call-start
scs
__scs_entry_jumppad:
0x0: {  	(pc) =	sbr.rel $0x88, $3  }
0x1: {  	(tag) =	ssettag $0x0;
	lr =	simm.s32 $0x1  }
0x2: {  	[smem:$0x3F94] =	sst lr;
	_ =	strace $0xD0000000  }
0x3: {  	_ = 	snop  }
0x4: {  	_ = 	snop  }
0x5: {  	_ = 	snop  }
0x6: {  	_ = 	snop  }
0x7: {  	_ = 	snop  }
__scs_overlays_trampoline_lowered:
0x8: {  	[smem:$0x3FA3] =	sst s0  }
0x9: {  	[smem:$0x3FA4] =	sst s1  }
0xa: {  	[smem:$0x3FA5] =	sst s2  }
0xb: {  	[smem:$0x3FA6] =	sst s3  }
0xc: {  	[smem:$0x3FA7] =	sst s4  }
0xd: {  	[smem:$0x3FA8] =	sst s5  }
0xe: {  	[smem:$0x3FA9] =	sst s6  }
0xf: {  	[smem:$0x3FAA] =	sst s7  }
0x10: {  	[smem:$0x3FAB] =	sst s8  }
0x11: {  	[smem:$0x3FAC] =	sst s9;
	s0 =	simm.s32 @!p0 $0x0  }
0x12: {  	s1 =	sld [smem:$0x3F92];
	s0 =	simm.s32 @p0 $0x1  }
0x13: {  	[smem:$0x3FAD] =	sst s0;
	s0 =	simm.s32 @!p1 $0x0  }
0x14: {  	s2 =	sld [smem:$0x3F91];
	s0 =	simm.s32 @p1 $0x1  }
0x15: {  	[smem:$0x3FAE] =	sst s0;
	s0 =	simm.s32 @!p2 $0x0  }
0x16: {  	s3 =	sld [smem:$0x3FDB];
	s0 =	simm.s32 @p2 $0x1  }
0x17: {  	s4 =	simm.s32 $0x1BF5;
	[smem:$0x3FB0] =	sst s0  }
0x18: {  	s0 =	sld [smem:$0x3F93];
	_ =	swait.ge [sflag:s4], $0x0  }
0x19: {  	s7 =	sld [smem:$0x3F94]  }
0x1a: {  	s8 =	sadd.s32 $0xFFFFE003, lr  }
0x1b: {  	s9 =	sadd.s32 $0xFFFFFEF7, lr;
	s5 =	simm.s32 $0xFFFFFFFF;
	p2 =	slt.u32 s8, $0xFFFFF086  }
0x1c: {  	p1 =	slt.u32 s9, $0xF7A;
	s5 =	simm.s32 @!p2 $0x0  }
0x1d: {  	s5 =	simm.s32 @p1 $0x1;
	p0 =	seq.s32 s7, s2  }
0x1e: {  	s7 =	smul.u32 @!p0 $0xF7A, s2;
	p2 =	seq.s32 @!p0 s5, $0x0  }
0x1f: {  	s9 =	smul.u32 $0xF7A, s1;
	s8 =	simm.s32 @!p0 $0x1BF5;
	p2 =	por !p2, p0  }
0x20: {  	[sflag:s8] =	ssyncset.s32 @!p0 $0xFFFFF086;
	s6 =	sadd.s32 @!p0 s3, s7;
	s7 =	simm.s32 @!p0 $0x108  }
0x21: {  	s3 =	sadd.s32 s3, s9;
	s6 =	sadd.s32 @!p0 $0x88, s6;
	s7 =	simm.s32 @p2 $0x1082  }
0x22: {  	[simem:s7], [sflag:s8] =	dma.local @!p0 [hbm:s6], $0xF7A  }
0x23: {  	s9 =	sor.u32 $0xD0000000, s2;
	s6 =	simm.s32 $0x108;
	_ =	swait.ge @!p0 [sflag:s8], $0x0  }
0x24: {  	s3 =	sadd.s32 $0x88, s3;
	s6 =	simm.s32 @!p1 $0x1082;
	[sflag:s4] =	ssyncset.s32 $0xFFFFF086  }
0x25: {  	[simem:s6], [sflag:s4] =	dma.local [hbm:s3], $0xF7A  }
0x26: {  	[smem:$0x3F94] =	sst s1;
	(tag) =	ssettag s2;
	_ =	strace s9  }
0x27: {  	s1 =	sld [smem:$0x3FA4]  }
0x28: {  	s2 =	sld [smem:$0x3FA5]  }
0x29: {  	s4 =	sld [smem:$0x3FA7]  }
0x2a: {  	p0 =	seq.s32 s5, $0x0;
	s5 =	sld [smem:$0x3FA8]  }
0x2b: {  	s6 =	sld [smem:$0x3FA9]  }
0x2c: {  	s7 =	sld [smem:$0x3FAA]  }
0x2d: {  	s3 =	simm.s32 $0x108;
	s8 =	sld [smem:$0x3FAB]  }
0x2e: {  	s3 =	simm.s32 @!p0 $0x1082;
	s9 =	sld [smem:$0x3FAC]  }
0x2f: {  	lr =	sadd.s32 s0, s3;
	s0 =	sld [smem:$0x3FA3]  }
0x30: {  	s3 =	sld [smem:$0x3FA6]  }
0x31: {  	[smem:$0x3FAF] =	sst s10  }
0x32: {  	s10 =	sld [smem:$0x3FAD];
	_ =	sdelay $0x3  }
0x33: {  	p0 =	seq.s32 s10, $0x1;
	s10 =	sld [smem:$0x3FAF];
	_ =	sdelay $0x3  }
0x34: {  	[smem:$0x3FAF] =	sst s10  }
0x35: {  	s10 =	sld [smem:$0x3FAE];
	_ =	sdelay $0x3  }
0x36: {  	p1 =	seq.s32 s10, $0x1;
	s10 =	sld [smem:$0x3FAF];
	_ =	sdelay $0x3  }
0x37: {  	[smem:$0x3FAF] =	sst s10  }
0x38: {  	s10 =	sld [smem:$0x3FB0]  }
0x39: {  	_ = 	snop;
	(pc) =	sbr.ind lr, $3  }
0x3a: {  	_ = 	snop  }
0x3b: {  	_ = 	snop  }
0x3c: {  	p2 =	seq.s32 s10, $0x1;
	s10 =	sld [smem:$0x3FAF]  }
0x3d: {  	_ =	shalt  }
0x3e: {  	_ =	shalt  }
0x3f: {  	_ =	shalt  }
0x40: {  	_ =	shalt  }
0x41: {  	_ =	shalt  }
0x42: {  	_ =	shalt  }
0x43: {  	_ =	shalt  }
0x44: {  	_ =	shalt  }
0x45: {  	_ =	shalt  }
0x46: {  	_ =	shalt  }
0x47: {  	_ =	shalt  }
0x48: {  	_ =	shalt  }
0x49: {  	_ =	shalt  }
0x4a: {  	_ =	shalt  }
0x4b: {  	_ =	shalt  }
0x4c: {  	_ =	shalt  }
0x4d: {  	_ =	shalt  }
0x4e: {  	_ =	shalt  }
0x4f: {  	_ =	shalt  }
0x50: {  	_ =	shalt  }
0x51: {  	_ =	shalt  }
0x52: {  	_ =	shalt  }
0x53: {  	_ =	shalt  }
0x54: {  	_ =	shalt  }
0x55: {  	_ =	shalt  }
0x56: {  	_ =	shalt  }
0x57: {  	_ =	shalt  }
0x58: {  	_ =	shalt  }
0x59: {  	_ =	shalt  }
0x5a: {  	_ =	shalt  }
0x5b: {  	_ =	shalt  }
0x5c: {  	_ =	shalt  }
0x5d: {  	_ =	shalt  }
0x5e: {  	_ =	shalt  }
0x5f: {  	_ =	shalt  }
0x60: {  	_ =	shalt  }
0x61: {  	_ =	shalt  }
0x62: {  	_ =	shalt  }
0x63: {  	_ =	shalt  }
0x64: {  	_ =	shalt  }
0x65: {  	_ =	shalt  }
0x66: {  	_ =	shalt  }
0x67: {  	_ =	shalt  }
0x68: {  	_ =	shalt  }
0x69: {  	_ =	shalt  }
0x6a: {  	_ =	shalt  }
0x6b: {  	_ =	shalt  }
0x6c: {  	_ =	shalt  }
0x6d: {  	_ =	shalt  }
0x6e: {  	_ =	shalt  }
0x6f: {  	_ =	shalt  }
0x70: {  	_ =	shalt  }
0x71: {  	_ =	shalt  }
0x72: {  	_ =	shalt  }
0x73: {  	_ =	shalt  }
0x74: {  	_ =	shalt  }
0x75: {  	_ =	shalt  }
0x76: {  	_ =	shalt  }
0x77: {  	_ =	shalt  }
0x78: {  	_ =	shalt  }
0x79: {  	_ =	shalt  }
0x7a: {  	_ =	shalt  }
0x7b: {  	_ =	shalt  }
0x7c: {  	_ =	shalt  }
0x7d: {  	_ =	shalt  }
0x7e: {  	_ =	shalt  }
0x7f: {  	_ =	shalt  }
0x80: {  	_ =	shalt  }
0x81: {  	_ =	shalt  }
0x82: {  	_ =	shalt  }
0x83: {  	_ =	shalt  }
0x84: {  	_ =	shalt  }
0x85: {  	_ =	shalt  }
0x86: {  	_ =	shalt  }
0x87: {  	_ =	shalt  }
.Lfunc_end0:
.L_simem_size_0:
called_computation.2_lowered:
.L_overlay_start_0:
0x88: {  	s2 =	sld [smem:$0x3FD9]  }
0x89: {  	s3 =	sld [smem:$0x3FFE];
	_ =	sdelay $0x1  }
0x8a: {  	s1 =	srdreg.scid  }
0x8b: {  	s0 =	sand.u32 $0x1, s1  }
0x8c: {  	s16 =	sshll.u32 s0, $0xA;
	s2 =	sadd.s32 s3, s2  }
0x8d: {  	s2 =	sadd.s32 s2, s16  }
0x8e: {  	[smem:$0x3FBB] =	sst s2  }
0x8f: {  	_ = 	snop  }
0x90: {  	(tm) =	ssettm $0x1  }
0x91: {  	s17 =	sld [smem:$0x3FFB];
	_ =	sdelay $0x3  }
0x92: {  	_ =	strace s17  }
0x93: {  	s2 =	sld [smem:$0x3FFC];
	_ =	sdelay $0x3  }
0x94: {  	_ =	strace s2  }
0x95: {  	s2 =	sld [smem:$0x3FFD];
	_ =	sdelay $0x3  }
0x96: {  	_ =	strace s2  }
0x97: {  	_ =	strace $0x8FFFFFFF  }
0x98: {  	s18 =	sld [smem:$0x3FDB];
	_ =	sdelay $0x1  }
0x99: {  	s19 =	simm.s32 $_scs_section_size  }
0x9a: {  	s4 =	simm.s32 $_size__tile_overlayer_lowered;
	s5 =	simm.s32 $_tile_overlayer_lowered  }
0x9b: {  	s22 =	simm.s32 $0x1BFF;
	s21 =	sshll.u32 s5, $0x1;
	s2 =	sadd.s32 s19, s18  }
0x9c: {  	s6 =	simm.s32 $0x0;
	s20 =	sshll.u32 s4, $0x1;
	s4 =	sadd.s32 s21, s2  }
0x9d: {  	[timem:s6], [sflag:s22] =	dma.local [hbm:s4], s20  }
0x9e: {  	_ =	swait.ge [sflag:s22], s20  }
0x9f: {  	s3 =	ssub.s32 $0x0, s20;
	[sflag:s22] =	ssyncset.done $0x0  }
0xa0: {  	[sflag:s22] =	ssyncadd.s32 s3;
	_ =	sdelay $0x1  }
0xa1: {  	s23 =	simm.s32 $0x1B8B  }
0xa2: {  	_ =	swait.ge [sflag:s23], $0x1  }
0xa3: {  	[sflag:s23] =	ssyncset.done $0x0  }
0xa4: {  	s25 =	simm.s32 $0x1B8E;
	s24 =	sld [smem:$0x3FFE];
	[sflag:s23] =	ssyncadd.s32 $0xFFFFFFFF  }
0xa5: {  	s26 =	simm.s32 $execute0_lowered;
	[smem:$0x3FD2] =	sst s25  }
0xa6: {  	s4 =	sshll.u32 s26, $0x1;
	_ =	strace $0x8000004C;
	[dreg:$0x1] =	wrdreg $0xFFFFFFFF  }
0xa7: {  	s28 =	simm.s32 $_size_execute0_lowered;
	s2 =	sadd.s32 s2, s4;
	[dreg:$0x0] =	wrdreg $0x0  }
0xa8: {  	s4 =	sshll.u32 s28, $0x1;
	[dreg:$0x2] =	wrdreg s2  }
0xa9: {  	[dreg:$0x3] =	wrdreg s4  }
0xaa: {  	[dreg:$0x4] =	wrdreg $0xC0  }
0xab: {  	_ =	task [dreg:s6], $0x5FFFF  }
0xac: {  	[dreg:$0x1] =	wrdreg $0xFFFFFFFF  }
0xad: {  	[dreg:$0x0] =	wrdreg $0x60  }
0xae: {  	[dreg:$0x2] =	wrdreg s24  }
0xaf: {  	[dreg:$0x3] =	wrdreg $0x182000  }
0xb0: {  	[dreg:$0x4] =	wrdreg $0x9  }
0xb1: {  	_ =	task.clear_ibuf [dreg:s6], $0x5FFFF;
	_ =	strace $0x9000004C  }
0xb2: {  	s29 =	simm.s32 $0x9;
	_ =	strace $0x8000004E  }
0xb3: {  	_ =	swait.ge [sflag:s29], $0x1  }
0xb4: {  	[sflag:s29] =	ssyncadd.s32 $0xFFFFFFFF  }
0xb5: {  	_ =	strace $0x9000004E  }
0xb6: {  	_ =	sfence  }
0xb7: {  	s30 =	sld [smem:$0x0];
	_ =	sdelay $0x2  }
0xb8: {  	s31 =	sshll.u32 s1, $0xD;
	s1 =	sshrl.u32 s1, $0x2  }
0xb9: {  	s3 =	sand.u32 $0x4000, s31;
	s1 =	sadd.s32 s1, s30  }
0xba: {  	s0 =	sor.u32 s3, s0;
	s1 =	sshll.u32 s1, $0x11  }
0xbb: {  	s0 =	sor.u32 s1, s0  }
0xbc: {  	s0 =	sadd.s32 $0x8F2B, s0  }
0xbd: {  	[sflag:s0] =	ssyncadd.remote.s32 $0x1  }
0xbe: {  	_ =	sfence.sel $0xFFFF  }
0xbf: {  	[dreg:$0x0] =	wrdreg $0xFFFFFFFF;
	(pc) =	sbr.abs _section_cstart, $3  }
0xc0: {  	[dreg:$0x1] =	wrdreg $0xFFFFFFFF  }
0xc1: {  	_ =	task.clear_ibuf [dreg:s6], $0x2FFFF;
	_ =	strace $0x9FFFFFFF  }
0xc2: {  	(tm) =	ssettm $0x7FFFFFFF  }
0xc3: {  	_ =	shalt  }
tec
execute0_lowered:
.L_overlay_start_1:
0x0: {  	(tag) =	ssettag $0x1  }
0x1: {  	s0 =	rddreg [dreg:$0x0]  }
0x2: {  	s1 =	rddreg [dreg:$0x1]  }
0x3: {  	s2 =	simm.s32 $0x0;
	s5 =	stileid.u32;
	s4 =	srdreg.scid  }
0x4: {  	s29 =	simm.s32 $0x5;
	s31 =	simm.s32 $0x10200;
	s30 =	simm.s32 $0x50  }
0x5: {  	s28 =	simm.s32 $0x1;
	[smem:$0x7FF] =	sst s2;
	s3 =	sshll.u32 s5, $0xC  }
0x6: {  	s9 =	sand.u32 $0x1, s4;
	s4 =	sadd.s32 $0xA00, s0;
	s6 =	sadd.s32 $0x4FC00, s0  }
0x7: {  	s12 =	smul.u32 $0x14000, s5;
	s16 =	sadd.s32 $0x50000, s1;
	_ =	strace $0x8000004D  }
0x8: {  	s8 =	sadd.s32 s3, s0;
	s3 =	sadd.s32 $0x85E00, s0;
	[dreg:$0x3] =	wrdreg s6  }
0x9: {  	s10 =	ssub.s32 $0x2, s9;
	s6 =	smul.u32 $0x4E20, s5;
	[dreg:$0x7] =	wrdreg s16  }
0xa: {  	s11 =	sshrl.u32 s10, $0x1;
	s13 =	sadd.s32 $0x5C000, s8;
	s8 =	sadd.s32 $0x6C000, s8  }
0xb: {  	s14 =	sshrl.u32 s12, $0x2;
	s26 =	ssub.s32 s10, s11;
	[dreg:$0x4] =	wrdreg s13  }
0xc: {  	[dreg:$0x5] =	wrdreg s8;
	s15 =	sshrl.u32 s6, $0x3;
	s8 =	sadd.s32 s14, s1  }
0xd: {  	s11 =	smul.u32 $0xA00, s9;
	s9 =	sadd.s32 s3, s15;
	[dreg:$0x6] =	wrdreg s8  }
0xe: {  	s7 =	sadd.s32 $0x27C00, s0;
	s0 =	smax.u32 s26, $0x1;
	[dreg:$0x8] =	wrdreg s9  }
0xf: {  	p0 =	sne.s32 s5, $0x0;
	s17 =	sadd.s32 $0x800, s8;
	[dreg:$0x9] =	wrdreg s0  }
0x10: {  	s16 =	simm.s32 $0x10180;
	s18 =	sadd.s32 $0x1000, s8;
	[dreg:$0xa] =	wrdreg s17  }
0x11: {  	s10 =	smul.u32 $0xA0, s5;
	s19 =	sadd.s32 $0x1800, s8;
	[dreg:$0xb] =	wrdreg s18  }
0x12: {  	s5 =	simm.s32 $0x12A00;
	s20 =	sadd.s32 $0x2000, s8;
	[dreg:$0xc] =	wrdreg s19  }
0x13: {  	s13 =	simm.s32 $0x2;
	s21 =	sadd.s32 $0x2800, s8;
	[dreg:$0xd] =	wrdreg s20  }
0x14: {  	s14 =	simm.s32 $0x10080;
	s22 =	sadd.s32 $0x3000, s8;
	[dreg:$0xe] =	wrdreg s21  }
0x15: {  	s23 =	sadd.s32 $0x3800, s8;
	s24 =	sadd.s32 $0x4000, s8;
	[dreg:$0xf] =	wrdreg s22  }
0x16: {  	s26 =	sadd.s32 $0x4800, s8;
	s8 =	simm.s32 $0x10100;
	[dreg:$0x10] =	wrdreg s23  }
0x17: {  	s15 =	sadd.s32 $0x1400, s11;
	[dreg:$0x11] =	wrdreg s24;
	s25 =	sadd.s32 s10, s11  }
0x18: {  	[dreg:$0x13] =	wrdreg s26;
	s9 =	simm.s32 $0x15200;
	s18 =	simm.s32 $0x4  }
0x19: {  	s19 =	simm.s32 $0x0;
	[dreg:$0x12] =	wrdreg s25;
	s0 =	sadd.s32 $0x1400, s25  }
0x1a: {  	v2 =	vimm.f32 $0.0e+00;
	v0 =	vmov s11;
	s25 =	simm.s32 $0x10000;
	v1 =	vmov s15;
	[dreg:$0x14] =	wrdreg s0;
	s0 =	simm.s32 $0x17A00  }
.LBB2_1:
0x1b: {  	s12 =	rddreg [dreg:$0x4]  }
0x1c: {  	[tilespmem:s2], [sflag:$0x5] =	stream.linear.gather [hbm4b:s12+s2], $0x7D00, $0x38;
	[tilespmem:$0x1D240] =	vst v63  }
0x1d: {  	_ =	swait.ge [sflag:s29], $0x7D00  }
0x1e: {  	[sflag:s29] =	ssyncset.done $0x0  }
0x1f: {  	s17 =	simm.s32 $0x8000;
	s24 =	rddreg [dreg:$0x5];
	[sflag:s29] =	ssyncadd.s32 $0xFFFF8300  }
0x20: {  	[tilespmem:s17], [sflag:$0x5] =	stream.linear.gather [hbm4b:s24+s2], $0x7D00, $0x38;
	[tilespmem:$0x1D240] =	vst v63  }
0x21: {  	_ =	swait.ge [sflag:s29], $0x7D00  }
0x22: {  	[sflag:s29] =	ssyncset.done $0x0  }
0x23: {  	s26 =	rddreg [dreg:$0x3];
	[sflag:s29] =	ssyncadd.s32 $0xFFFF8300  }
0x24: {  	[tilespmem:s31], [sflag:$0x5] =	stream.linear.gather [hbm4b:s26+s2], $0x2800, $0x38;
	[tilespmem:$0x1D240] =	vst v63  }
0x25: {  	_ =	swait.ge [sflag:s29], $0x2800  }
0x26: {  	[sflag:s29] =	ssyncset.done $0x0  }
0x27: {  	s20 =	simm.s32 $0x200;
	s12 =	simm.s32 $0x0;
	[sflag:s29] =	ssyncadd.s32 $0xFFFFD800  }
.LBB2_2:
0x28: {  	p1 =	sne.s32 s20, $0x1E00;
	[tilespmem:s12+$0x17A70] =	vst v2  }
0x29: {  	[tilespmem:s12+$0x17A00] =	vst v2  }
0x2a: {  	[tilespmem:s12+$0x17A10] =	vst v2  }
.Ltmp0:
0x2b: {  	[tilespmem:s12+$0x17A20] =	vst v2;
	(pc) =	sbr.rel @p1 .LBB2_2-.Ltmp0, $4  }
0x2c: {  	[tilespmem:s12+$0x17A30] =	vst v2  }
0x2d: {  	[tilespmem:s12+$0x17A40] =	vst v2  }
0x2e: {  	[tilespmem:s12+$0x17A50] =	vst v2  }
0x2f: {  	[tilespmem:s12+$0x17A60] =	vst v2;
	s12 =	sshra.s32 s20, $0x2;
	s20 =	sadd.s32 $0x200, s20  }
0x30: {  	[tilespmem:s12+$0x17A70] =	vst v2  }
0x31: {  	[tilespmem:s12+$0x17A00] =	vst v2  }
0x32: {  	[tilespmem:s12+$0x17A10] =	vst v2  }
0x33: {  	[tilespmem:s12+$0x17A20] =	vst v2  }
0x34: {  	[tilespmem:s12+$0x17A30] =	vst v2  }
0x35: {  	[tilespmem:s12+$0x17A40] =	vst v2  }
0x36: {  	[tilespmem:s12+$0x17A50] =	vst v2  }
0x37: {  	[tilespmem:s12+$0x17A60] =	vst v2;
	s22 =	rddreg [dreg:$0x6]  }
0x38: {  	[spmem:s22] =	stream.linear.scatter [tilespmem:s0], [sflag:$0x5], $0x800, $0x38;
	[tilespmem:$0x1D240] =	vst v63  }
0x39: {  	_ =	swait.ge [sflag:s29], $0x800  }
0x3a: {  	[sflag:s29] =	ssyncset.done $0x0  }
0x3b: {  	s23 =	rddreg [dreg:$0xa];
	[sflag:s29] =	ssyncadd.s32 $0xFFFFF800  }
0x3c: {  	[spmem:s23] =	stream.linear.scatter [tilespmem:s0], [sflag:$0x5], $0x800, $0x38;
	[tilespmem:$0x1D240] =	vst v63  }
0x3d: {  	_ =	swait.ge [sflag:s29], $0x800  }
0x3e: {  	[sflag:s29] =	ssyncset.done $0x0  }
0x3f: {  	s24 =	rddreg [dreg:$0xb];
	[sflag:s29] =	ssyncadd.s32 $0xFFFFF800  }
0x40: {  	[spmem:s24] =	stream.linear.scatter [tilespmem:s0], [sflag:$0x5], $0x800, $0x38;
	[tilespmem:$0x1D240] =	vst v63  }
0x41: {  	_ =	swait.ge [sflag:s29], $0x800  }
0x42: {  	[sflag:s29] =	ssyncset.done $0x0  }
0x43: {  	s26 =	rddreg [dreg:$0xc];
	[sflag:s29] =	ssyncadd.s32 $0xFFFFF800  }
0x44: {  	[spmem:s26] =	stream.linear.scatter [tilespmem:s0], [sflag:$0x5], $0x800, $0x38;
	[tilespmem:$0x1D240] =	vst v63  }
0x45: {  	_ =	swait.ge [sflag:s29], $0x800  }
0x46: {  	[sflag:s29] =	ssyncset.done $0x0  }
0x47: {  	s17 =	rddreg [dreg:$0xd];
	[sflag:s29] =	ssyncadd.s32 $0xFFFFF800  }
0x48: {  	[spmem:s17] =	stream.linear.scatter [tilespmem:s0], [sflag:$0x5], $0x800, $0x38;
	[tilespmem:$0x1D240] =	vst v63  }
0x49: {  	_ =	swait.ge [sflag:s29], $0x800  }
0x4a: {  	[sflag:s29] =	ssyncset.done $0x0  }
0x4b: {  	s20 =	rddreg [dreg:$0xe];
	[sflag:s29] =	ssyncadd.s32 $0xFFFFF800  }
0x4c: {  	[spmem:s20] =	stream.linear.scatter [tilespmem:s0], [sflag:$0x5], $0x800, $0x38;
	[tilespmem:$0x1D240] =	vst v63  }
0x4d: {  	_ =	swait.ge [sflag:s29], $0x800  }
0x4e: {  	[sflag:s29] =	ssyncset.done $0x0  }
0x4f: {  	s21 =	rddreg [dreg:$0xf];
	[sflag:s29] =	ssyncadd.s32 $0xFFFFF800  }
0x50: {  	[spmem:s21] =	stream.linear.scatter [tilespmem:s0], [sflag:$0x5], $0x800, $0x38;
	[tilespmem:$0x1D240] =	vst v63  }
0x51: {  	_ =	swait.ge [sflag:s29], $0x800  }
0x52: {  	[sflag:s29] =	ssyncset.done $0x0  }
0x53: {  	s22 =	rddreg [dreg:$0x10];
	[sflag:s29] =	ssyncadd.s32 $0xFFFFF800  }
0x54: {  	[spmem:s22] =	stream.linear.scatter [tilespmem:s0], [sflag:$0x5], $0x800, $0x38;
	[tilespmem:$0x1D240] =	vst v63  }
0x55: {  	_ =	swait.ge [sflag:s29], $0x800  }
0x56: {  	[sflag:s29] =	ssyncset.done $0x0  }
0x57: {  	s23 =	rddreg [dreg:$0x11];
	[sflag:s29] =	ssyncadd.s32 $0xFFFFF800  }
0x58: {  	[spmem:s23] =	stream.linear.scatter [tilespmem:s0], [sflag:$0x5], $0x800, $0x38;
	[tilespmem:$0x1D240] =	vst v63  }
0x59: {  	_ =	swait.ge [sflag:s29], $0x800  }
0x5a: {  	[sflag:s29] =	ssyncset.done $0x0  }
0x5b: {  	s24 =	rddreg [dreg:$0x13];
	[sflag:s29] =	ssyncadd.s32 $0xFFFFF800  }
0x5c: {  	[spmem:s24] =	stream.linear.scatter [tilespmem:s0], [sflag:$0x5], $0x800, $0x38;
	[tilespmem:$0x1D240] =	vst v63  }
0x5d: {  	_ =	swait.ge [sflag:s29], $0x800  }
0x5e: {  	[sflag:s29] =	ssyncset.done $0x0  }
0x5f: {  	s12 =	simm.s32 @!p0 $0x17A00;
	s17 =	rddreg [dreg:$0x7];
	[sflag:s29] =	ssyncadd.s32 $0xFFFFF800  }
0x60: {  	[spmem:s17] =	stream.linear.scatter @!p0 [tilespmem:s12], [sflag:$0x5], $0x400, $0x38;
	[tilespmem:$0x1D240] =	vst v63  }
0x61: {  	s12 =	simm.s32 @!p0 $0x5  }
0x62: {  	_ =	swait.ge @!p0 [sflag:s12], $0x400  }
0x63: {  	[sflag:s12] =	ssyncset.done @!p0 $0x0  }
0x64: {  	s20 =	simm.s32 $0x0;
	[sflag:s12] =	ssyncadd.s32 @!p0 $0xFFFFFC00  }
0x65: {  	[tilespmem:s5], [sflag:$0x1] =	stream.indirect.gather [hbm4b:s4+s30], $0x80, s20, s30, $0xb8;
	[tilespmem:$0x1D240] =	vst v63  }
0x66: {  	s26 =	rddreg [dreg:$0x8]  }
0x67: {  	[tilespmem:s8], [sflag:$0x1] =	stream.linear.gather [hbm4b:s26+s20], $0x50, $0x38;
	[tilespmem:$0x1D240] =	vst v63  }
0x68: {  	s21 =	simm.s32 $0x0;
	[bflag:$0x0] =	sbarrier.arrive $0xFFFF  }
.LBB2_4:
0x69: {  	p1 =	seq.s32 s21, $0x0  }
0x6a: {  	s23 =	sshllo.u32 s21, $0x1;
	s12 =	simm.s32 @!p1 $0x4  }
0x6b: {  	s24 =	smul.u32 $0x50, s23;
	_ =	swait.ge @!p1 [sflag:s12], $0x2800  }
0x6c: {  	s22 =	sshll.u32 s23, $0x9;
	[sflag:s12] =	ssyncset.done @!p1 $0x0  }
0x6d: {  	s22 =	sshrl.u32 s22, $0x2;
	[sflag:s12] =	ssyncadd.s32 @!p1 $0xFFFFD800;
	s12 =	sadd.s32 s6, s24  }
0x6e: {  	[tilespmem:s9], [sflag:$0x2] =	stream.indirect.gather [hbm4b:s4+s30], $0x80, s22, s30, $0xb8;
	[tilespmem:$0x1D240] =	vst v63  }
0x6f: {  	s12 =	sshrl.u32 s12, $0x3  }
0x70: {  	s12 =	sadd.s32 s3, s12  }
0x71: {  	[tilespmem:s16], [sflag:$0x2] =	stream.linear.gather [hbm4b:s12+s20], $0x50, $0x38;
	[tilespmem:$0x1D240] =	vst v63  }
0x72: {  	_ =	swait.ge [sflag:s28], $0x2800  }
0x73: {  	[sflag:s28] =	ssyncset.done $0x0  }
0x74: {  	[sflag:s28] =	ssyncadd.s32 $0xFFFFD800  }
0x75: {  	_ =	swait.ge [sflag:s28], $0x50  }
0x76: {  	s26 =	sshll.u32 s21, $0x8;
	[sflag:s28] =	ssyncset.done $0x0  }
0x77: {  	s12 =	sand.u32 $0x3FFFFF00, s26;
	[sflag:s28] =	ssyncadd.s32 $0xFFFFFFB0  }
0x78: {  	v3 =	vld [tilespmem:s12+$0x8000];
	_ =	sdelay $0x4  }
0x79: {  	v3 =	vsub.s32 v3, v0  }
0x7a: {  	v3 =	vmin.u32 v3, $0xA00  }
0x7b: {  	[tilespmem:$0x10000] =	vst v3  }
0x7c: {  	v3 =	vld [tilespmem:s12+$0x8010];
	_ =	sdelay $0x4  }
0x7d: {  	v3 =	vsub.s32 v3, v0  }
0x7e: {  	v3 =	vmin.u32 v3, $0xA00  }
0x7f: {  	[tilespmem:$0x10010] =	vst v3  }
0x80: {  	v3 =	vld [tilespmem:s12+$0x8020];
	_ =	sdelay $0x4  }
0x81: {  	v3 =	vsub.s32 v3, v0  }
0x82: {  	v3 =	vmin.u32 v3, $0xA00  }
0x83: {  	[tilespmem:$0x10020] =	vst v3  }
0x84: {  	v3 =	vld [tilespmem:s12+$0x8030];
	_ =	sdelay $0x4  }
0x85: {  	v3 =	vsub.s32 v3, v0  }
0x86: {  	v3 =	vmin.u32 v3, $0xA00  }
0x87: {  	[tilespmem:$0x10030] =	vst v3  }
0x88: {  	v3 =	vld [tilespmem:s12+$0x8040];
	_ =	sdelay $0x4  }
0x89: {  	v3 =	vsub.s32 v3, v0  }
0x8a: {  	v4 =	vmov s20;
	v3 =	vmin.u32 v3, $0xA00  }
0x8b: {  	s23 =	simm.s32 $0x12A40;
	[tilespmem:$0x10040] =	vst v3  }
0x8c: {  	v7 =	vld [tilespmem:s23+$0x30]  }
0x8d: {  	v10 =	vld [tilespmem:s23+$0x10]  }
0x8e: {  	v8 =	vld [tilespmem:s23+$0xFFFFFFC0]  }
0x8f: {  	v4 =	vld.idx.msk [tilespmem:v4+s8+$0x0], $0xffff  }
0x90: {  	v12 =	vld [tilespmem:s23+$0xFFFFFFE0]  }
0x91: {  	v3 =	vld [tilespmem:s23+$0xFFFFFFF0]  }
0x92: {  	v5 =	vld [tilespmem:s23+$0x20]  }
0x93: {  	v6 =	vld [tilespmem:s23+$0xFFFFFFD0]  }
0x94: {  	v11 =	vmul.f32 v7, v4;
	v7 =	vld [tilespmem:s23+$0x0]  }
0x95: {  	v9 =	vmul.f32 v8, v4  }
0x96: {  	s24 =	sshll.u32 s21, $0x1;
	s26 =	simm.s32 $0x1;
	s12 =	simm.s32 $0x12A40;
	v8 =	vmul.f32 v12, v4;
	v10 =	vmul.f32 v10, v4  }
.LBB2_5:
0x97: {  	p1 =	sne.s32 s26, $0x4F  }
0x98: {  	v6 =	vmul.f32 v6, v4;
	v5 =	vmul.f32 v5, v4;
	[tilespmem:s23+$0x30] =	vst v11;
	s12 =	sadd.s32 $0x80, s12;
	s17 =	smov.u32 s26;
	s26 =	sadd.s32 $0x1, s26  }
0x99: {  	[tilespmem:s23+$0xFFFFFFC0] =	vst v9;
	v9 =	vmul.f32 v3, v4;
	v4 =	vmul.f32 v7, v4  }
0x9a: {  	[tilespmem:s23+$0x10] =	vst v10  }
0x9b: {  	v7 =	vmov s17;
	[tilespmem:s23+$0xFFFFFFE0] =	vst v8  }
0x9c: {  	v3 =	vld [tilespmem:s12+$0xFFFFFFF0];
	[tilespmem:s23+$0xFFFFFFF0] =	vst v9  }
0x9d: {  	v8 =	vld [tilespmem:s12+$0x30];
	[tilespmem:s23+$0x0] =	vst v4  }
0x9e: {  	v10 =	vld [tilespmem:s12+$0x10];
	[tilespmem:s23+$0x20] =	vst v5  }
0x9f: {  	v9 =	vld [tilespmem:s12+$0xFFFFFFC0];
	[tilespmem:s23+$0xFFFFFFD0] =	vst v6;
	s23 =	smov.u32 s12  }
0xa0: {  	v4 =	vld.idx.msk [tilespmem:v7+s8+$0x0], $0xffff  }
0xa1: {  	v12 =	vld [tilespmem:s12+$0xFFFFFFE0]  }
0xa2: {  	v5 =	vld [tilespmem:s12+$0x20]  }
.Ltmp1:
0xa3: {  	v6 =	vld [tilespmem:s12+$0xFFFFFFD0];
	(pc) =	sbr.rel @p1 .LBB2_5-.Ltmp1, $3  }
0xa4: {  	v7 =	vld [tilespmem:s12+$0x0];
	_ =	sdelay $0x1  }
0xa5: {  	v9 =	vmul.f32 v9, v4;
	v11 =	vmul.f32 v8, v4  }
0xa6: {  	v10 =	vmul.f32 v10, v4;
	v8 =	vmul.f32 v12, v4  }
0xa7: {  	[tilespmem:s23+$0x30] =	vst v11  }
0xa8: {  	[tilespmem:s23+$0xFFFFFFC0] =	vst v9  }
0xa9: {  	v3 =	vmul.f32 v3, v4;
	[tilespmem:s23+$0x10] =	vst v10  }
0xaa: {  	v5 =	vmul.f32 v5, v4;
	[tilespmem:s23+$0xFFFFFFE0] =	vst v8  }
0xab: {  	v7 =	vmul.f32 v7, v4;
	[tilespmem:s23+$0xFFFFFFF0] =	vst v3  }
0xac: {  	v3 =	vmul.f32 v6, v4;
	[tilespmem:s23+$0x20] =	vst v5  }
0xad: {  	p1 =	seq.s32 s21, $0x7C;
	[tilespmem:s23+$0x0] =	vst v7  }
0xae: {  	s12 =	simm.s32 @!p1 $0x3;
	[tilespmem:s23+$0xFFFFFFD0] =	vst v3  }
0xaf: {  	[spmem:s1] =	stream.indirect.scatter.add.f32 [tilespmem:s5], [sflag:$0x3], $0x80, s25, s30, $0xb8;
	[tilespmem:$0x1D240] =	vst v63  }
0xb0: {  	s17 =	sadd.s32 @!p1 $0x2, s24;
	s24 =	simm.s32 @!p1 $0x12A00;
	_ =	swait.ge @!p1 [sflag:s12], $0x2800  }
0xb1: {  	s23 =	sshll.u32 @!p1 s17, $0x7;
	s17 =	smul.u32 @!p1 $0x50, s17;
	[sflag:s12] =	ssyncset.done @!p1 $0x0  }
0xb2: {  	[sflag:s12] =	ssyncadd.s32 @!p1 $0xFFFFD800;
	s12 =	sand.u32 @!p1 $0x3FFFFF80, s23;
	s23 =	simm.s32 @!p1 $0x50  }
0xb3: {  	[tilespmem:s24], [sflag:$0x1] =	stream.indirect.gather @!p1 [hbm4b:s4+s23], $0x80, s12, s23, $0xb8;
	[tilespmem:$0x1D240] =	vst v63  }
0xb4: {  	s12 =	sadd.s32 @!p1 s6, s17  }
0xb5: {  	s12 =	sshrl.u32 @!p1 s12, $0x3  }
0xb6: {  	s17 =	simm.s32 @!p1 $0x0;
	s23 =	simm.s32 @!p1 $0x10100;
	s12 =	sadd.s32 @!p1 s3, s12  }
0xb7: {  	[tilespmem:s23], [sflag:$0x1] =	stream.linear.gather @!p1 [hbm4b:s12+s17], $0x50, $0x38;
	[tilespmem:$0x1D240] =	vst v63  }
0xb8: {  	_ =	swait.ge [sflag:s13], $0x2800  }
0xb9: {  	[sflag:s13] =	ssyncset.done $0x0  }
0xba: {  	[sflag:s13] =	ssyncadd.s32 $0xFFFFD800  }
0xbb: {  	_ =	swait.ge [sflag:s13], $0x50  }
0xbc: {  	[sflag:s13] =	ssyncset.done $0x0  }
0xbd: {  	[sflag:s13] =	ssyncadd.s32 $0xFFFFFFB0  }
0xbe: {  	v3 =	vld [tilespmem:s22+$0x8000];
	_ =	sdelay $0x4  }
0xbf: {  	v3 =	vsub.s32 v3, v0  }
0xc0: {  	v3 =	vmin.u32 v3, $0xA00  }
0xc1: {  	[tilespmem:$0x10080] =	vst v3  }
0xc2: {  	v3 =	vld [tilespmem:s22+$0x8010];
	_ =	sdelay $0x4  }
0xc3: {  	v3 =	vsub.s32 v3, v0  }
0xc4: {  	v3 =	vmin.u32 v3, $0xA00  }
0xc5: {  	[tilespmem:$0x10090] =	vst v3  }
0xc6: {  	v3 =	vld [tilespmem:s22+$0x8020];
	_ =	sdelay $0x4  }
0xc7: {  	v3 =	vsub.s32 v3, v0  }
0xc8: {  	v3 =	vmin.u32 v3, $0xA00  }
0xc9: {  	[tilespmem:$0x100A0] =	vst v3  }
0xca: {  	v3 =	vld [tilespmem:s22+$0x8030];
	_ =	sdelay $0x4  }
0xcb: {  	v3 =	vsub.s32 v3, v0  }
0xcc: {  	v3 =	vmin.u32 v3, $0xA00  }
0xcd: {  	[tilespmem:$0x100B0] =	vst v3  }
0xce: {  	v3 =	vld [tilespmem:s22+$0x8040];
	_ =	sdelay $0x4  }
0xcf: {  	s26 =	simm.s32 $0x0;
	v3 =	vsub.s32 v3, v0  }
0xd0: {  	v4 =	vmov s26;
	v3 =	vmin.u32 v3, $0xA00  }
0xd1: {  	s22 =	simm.s32 $0x15240;
	[tilespmem:$0x100C0] =	vst v3  }
0xd2: {  	v7 =	vld [tilespmem:s22+$0x30]  }
0xd3: {  	v10 =	vld [tilespmem:s22+$0x10]  }
0xd4: {  	v8 =	vld [tilespmem:s22+$0xFFFFFFC0]  }
0xd5: {  	v4 =	vld.idx.msk [tilespmem:v4+s16+$0x0], $0xffff  }
0xd6: {  	v12 =	vld [tilespmem:s22+$0xFFFFFFE0]  }
0xd7: {  	v3 =	vld [tilespmem:s22+$0xFFFFFFF0]  }
0xd8: {  	v5 =	vld [tilespmem:s22+$0x20]  }
0xd9: {  	v6 =	vld [tilespmem:s22+$0xFFFFFFD0]  }
0xda: {  	v11 =	vmul.f32 v7, v4;
	v7 =	vld [tilespmem:s22+$0x0]  }
0xdb: {  	v9 =	vmul.f32 v8, v4  }
0xdc: {  	s23 =	simm.s32 $0x1;
	s12 =	simm.s32 $0x15240;
	v8 =	vmul.f32 v12, v4;
	v10 =	vmul.f32 v10, v4  }
.LBB2_7:
0xdd: {  	p1 =	sne.s32 s23, $0x4F  }
0xde: {  	v6 =	vmul.f32 v6, v4;
	v5 =	vmul.f32 v5, v4;
	[tilespmem:s22+$0x30] =	vst v11;
	s12 =	sadd.s32 $0x80, s12;
	s17 =	smov.u32 s23;
	s23 =	sadd.s32 $0x1, s23  }
0xdf: {  	[tilespmem:s22+$0xFFFFFFC0] =	vst v9;
	v9 =	vmul.f32 v3, v4;
	v4 =	vmul.f32 v7, v4  }
0xe0: {  	[tilespmem:s22+$0x10] =	vst v10  }
0xe1: {  	v7 =	vmov s17;
	[tilespmem:s22+$0xFFFFFFE0] =	vst v8  }
0xe2: {  	v3 =	vld [tilespmem:s12+$0xFFFFFFF0];
	[tilespmem:s22+$0xFFFFFFF0] =	vst v9  }
0xe3: {  	v8 =	vld [tilespmem:s12+$0x30];
	[tilespmem:s22+$0x0] =	vst v4  }
0xe4: {  	v10 =	vld [tilespmem:s12+$0x10];
	[tilespmem:s22+$0x20] =	vst v5  }
0xe5: {  	v9 =	vld [tilespmem:s12+$0xFFFFFFC0];
	[tilespmem:s22+$0xFFFFFFD0] =	vst v6;
	s22 =	smov.u32 s12  }
0xe6: {  	v4 =	vld.idx.msk [tilespmem:v7+s16+$0x0], $0xffff  }
0xe7: {  	v12 =	vld [tilespmem:s12+$0xFFFFFFE0]  }
0xe8: {  	v5 =	vld [tilespmem:s12+$0x20]  }
.Ltmp2:
0xe9: {  	v6 =	vld [tilespmem:s12+$0xFFFFFFD0];
	(pc) =	sbr.rel @p1 .LBB2_7-.Ltmp2, $3  }
0xea: {  	v7 =	vld [tilespmem:s12+$0x0];
	_ =	sdelay $0x1  }
0xeb: {  	v9 =	vmul.f32 v9, v4;
	v11 =	vmul.f32 v8, v4  }
0xec: {  	v10 =	vmul.f32 v10, v4;
	v8 =	vmul.f32 v12, v4  }
0xed: {  	[tilespmem:s22+$0x30] =	vst v11  }
0xee: {  	[tilespmem:s22+$0xFFFFFFC0] =	vst v9  }
0xef: {  	v3 =	vmul.f32 v3, v4;
	s21 =	sadd.s32 $0x1, s21;
	[tilespmem:s22+$0x10] =	vst v10  }
0xf0: {  	v5 =	vmul.f32 v5, v4;
	[tilespmem:s22+$0xFFFFFFE0] =	vst v8;
	p1 =	sne.s32 s21, $0x7D  }
.Ltmp3:
0xf1: {  	v7 =	vmul.f32 v7, v4;
	[tilespmem:s22+$0xFFFFFFF0] =	vst v3;
	(pc) =	sbr.rel @p1 .LBB2_4-.Ltmp3, $4  }
0xf2: {  	v3 =	vmul.f32 v6, v4;
	[tilespmem:s22+$0x20] =	vst v5  }
0xf3: {  	[tilespmem:s22+$0x0] =	vst v7  }
0xf4: {  	[tilespmem:s22+$0xFFFFFFD0] =	vst v3  }
0xf5: {  	[spmem:s1] =	stream.indirect.scatter.add.f32 [tilespmem:s9], [sflag:$0x4], $0x80, s14, s30, $0xb8;
	[tilespmem:$0x1D240] =	vst v63  }
0xf6: {  	s12 =	simm.s32 $0x3  }
0xf7: {  	_ =	swait.ge [sflag:s12], $0x2800  }
0xf8: {  	[sflag:s12] =	ssyncset.done $0x0  }
0xf9: {  	[sflag:s12] =	ssyncadd.s32 $0xFFFFD800  }
0xfa: {  	_ =	swait.ge [sflag:s18], $0x2800  }
0xfb: {  	[sflag:s18] =	ssyncset.done $0x0  }
0xfc: {  	[sflag:s18] =	ssyncadd.s32 $0xFFFFD800  }
0xfd: {  	[bflag:$0x0] =	sbarrier.arrive $0xFFFF  }
0xfe: {  	s20 =	simm.s32 $0x0;
	s21 =	rddreg [dreg:$0x12]  }
.LBB2_10:
0xff: {  	s12 =	sshll.u32 s20, $0x4  }
0x100: {  	s12 =	sadd.s32 s10, s12  }
0x101: {  	s17 =	sshll.u32 s12, $0x7  }
0x102: {  	s17 =	sand.u32 $0x3FFFFF80, s17  }
0x103: {  	s17 =	sadd.s32 s17, s1  }
0x104: {  	[tilespmem:s0], [sflag:$0x5] =	stream.linear.gather [spmem:s17], $0x800, $0x38;
	[tilespmem:$0x1D240] =	vst v63  }
0x105: {  	s26 =	sadd.s32 $0x0, s21;
	_ =	swait.ge [sflag:s29], $0x800  }
0x106: {  	v3 =	vmov s26;
	[sflag:s29] =	ssyncset.done $0x0  }
0x107: {  	s22 =	simm.s32 $0x17A40;
	[sflag:s29] =	ssyncadd.s32 $0xFFFFF800  }
0x108: {  	v7 =	vld [tilespmem:s22+$0x30]  }
0x109: {  	v10 =	vld [tilespmem:s22+$0x10]  }
0x10a: {  	v8 =	vld [tilespmem:s22+$0xFFFFFFC0]  }
0x10b: {  	v4 =	vld.idx.msk [tilespmem:v3+s31+$0x0], $0xffff  }
0x10c: {  	v12 =	vld [tilespmem:s22+$0xFFFFFFE0]  }
0x10d: {  	v3 =	vld [tilespmem:s22+$0xFFFFFFF0]  }
0x10e: {  	v5 =	vld [tilespmem:s22+$0x20]  }
0x10f: {  	v6 =	vld [tilespmem:s22+$0xFFFFFFD0]  }
0x110: {  	v11 =	vmul.f32 v7, v4;
	v7 =	vld [tilespmem:s22+$0x0]  }
0x111: {  	v9 =	vmul.f32 v8, v4  }
0x112: {  	s24 =	simm.s32 $0x1;
	s26 =	simm.s32 $0x17A40;
	s23 =	sadd.s32 s11, s12;
	v8 =	vmul.f32 v12, v4;
	v10 =	vmul.f32 v10, v4  }
.LBB2_11:
0x113: {  	p1 =	sne.s32 s24, $0xF  }
0x114: {  	v6 =	vmul.f32 v6, v4;
	v5 =	vmul.f32 v5, v4;
	[tilespmem:s22+$0x30] =	vst v11;
	s26 =	sadd.s32 $0x80, s26;
	s12 =	smov.u32 s24;
	s24 =	sadd.s32 $0x1, s24  }
0x115: {  	[tilespmem:s22+$0xFFFFFFC0] =	vst v9;
	v9 =	vmul.f32 v3, v4;
	v4 =	vmul.f32 v7, v4  }
0x116: {  	s12 =	sadd.s32 s12, s21;
	[tilespmem:s22+$0x10] =	vst v10  }
0x117: {  	v7 =	vmov s12;
	[tilespmem:s22+$0xFFFFFFE0] =	vst v8  }
0x118: {  	v3 =	vld [tilespmem:s26+$0xFFFFFFF0];
	[tilespmem:s22+$0xFFFFFFF0] =	vst v9  }
0x119: {  	v8 =	vld [tilespmem:s26+$0x30];
	[tilespmem:s22+$0x0] =	vst v4  }
0x11a: {  	v10 =	vld [tilespmem:s26+$0x10];
	[tilespmem:s22+$0x20] =	vst v5  }
0x11b: {  	v9 =	vld [tilespmem:s26+$0xFFFFFFC0];
	[tilespmem:s22+$0xFFFFFFD0] =	vst v6;
	s22 =	smov.u32 s26  }
0x11c: {  	v4 =	vld.idx.msk [tilespmem:v7+s31+$0x0], $0xffff  }
0x11d: {  	v12 =	vld [tilespmem:s26+$0xFFFFFFE0]  }
0x11e: {  	v5 =	vld [tilespmem:s26+$0x20]  }
.Ltmp4:
0x11f: {  	v6 =	vld [tilespmem:s26+$0xFFFFFFD0];
	(pc) =	sbr.rel @p1 .LBB2_11-.Ltmp4, $3  }
0x120: {  	v7 =	vld [tilespmem:s26+$0x0];
	_ =	sdelay $0x1  }
0x121: {  	v9 =	vmul.f32 v9, v4;
	v11 =	vmul.f32 v8, v4  }
0x122: {  	v10 =	vmul.f32 v10, v4;
	v8 =	vmul.f32 v12, v4  }
0x123: {  	[tilespmem:s22+$0x30] =	vst v11  }
0x124: {  	[tilespmem:s22+$0xFFFFFFC0] =	vst v9  }
0x125: {  	v3 =	vmul.f32 v3, v4;
	[tilespmem:s22+$0x10] =	vst v10  }
0x126: {  	v5 =	vmul.f32 v5, v4;
	[tilespmem:s22+$0xFFFFFFE0] =	vst v8  }
0x127: {  	v7 =	vmul.f32 v7, v4;
	[tilespmem:s22+$0xFFFFFFF0] =	vst v3  }
0x128: {  	s20 =	sadd.s32 $0x1, s20;
	v3 =	vmul.f32 v6, v4;
	[tilespmem:s22+$0x20] =	vst v5  }
0x129: {  	s12 =	sshll.u32 s23, $0x4;
	p1 =	sne.s32 s20, $0xA;
	[tilespmem:s22+$0x0] =	vst v7  }
.Ltmp5:
0x12a: {  	s12 =	sadd.s32 s7, s12;
	[tilespmem:s22+$0xFFFFFFD0] =	vst v3;
	(pc) =	sbr.rel @p1 .LBB2_10-.Ltmp5, $4  }
0x12b: {  	[hbm4b:s12+s2] =	stream.linear.scatter [tilespmem:s0], [sflag:$0x5], $0x800, $0x38;
	[tilespmem:$0x1D240] =	vst v63  }
0x12c: {  	_ =	swait.ge [sflag:s29], $0x800  }
0x12d: {  	[sflag:s29] =	ssyncset.done $0x0  }
0x12e: {  	s21 =	sadd.s32 $0x10, s21;
	[sflag:s29] =	ssyncadd.s32 $0xFFFFF800  }
0x12f: {  	[bflag:$0x0] =	sbarrier.arrive $0xFFFF;
	s12 =	simm.s32 $0x0;
	s20 =	simm.s32 $0x200  }
.LBB2_14:
0x130: {  	p1 =	sne.s32 s20, $0x1E00;
	[tilespmem:s12+$0x17A70] =	vst v2  }
0x131: {  	[tilespmem:s12+$0x17A00] =	vst v2  }
0x132: {  	[tilespmem:s12+$0x17A10] =	vst v2  }
.Ltmp6:
0x133: {  	[tilespmem:s12+$0x17A20] =	vst v2;
	(pc) =	sbr.rel @p1 .LBB2_14-.Ltmp6, $4  }
0x134: {  	[tilespmem:s12+$0x17A30] =	vst v2  }
0x135: {  	[tilespmem:s12+$0x17A40] =	vst v2  }
0x136: {  	[tilespmem:s12+$0x17A50] =	vst v2  }
0x137: {  	[tilespmem:s12+$0x17A60] =	vst v2;
	s12 =	sshra.s32 s20, $0x2;
	s20 =	sadd.s32 $0x200, s20  }
0x138: {  	[tilespmem:s12+$0x17A70] =	vst v2  }
0x139: {  	[tilespmem:s12+$0x17A00] =	vst v2  }
0x13a: {  	[tilespmem:s12+$0x17A10] =	vst v2  }
0x13b: {  	[tilespmem:s12+$0x17A20] =	vst v2  }
0x13c: {  	[tilespmem:s12+$0x17A30] =	vst v2  }
0x13d: {  	[tilespmem:s12+$0x17A40] =	vst v2  }
0x13e: {  	[tilespmem:s12+$0x17A50] =	vst v2  }
0x13f: {  	[tilespmem:s12+$0x17A60] =	vst v2;
	s22 =	rddreg [dreg:$0x6]  }
0x140: {  	[spmem:s22] =	stream.linear.scatter [tilespmem:s0], [sflag:$0x5], $0x800, $0x38;
	[tilespmem:$0x1D240] =	vst v63  }
0x141: {  	_ =	swait.ge [sflag:s29], $0x800  }
0x142: {  	[sflag:s29] =	ssyncset.done $0x0  }
0x143: {  	s23 =	rddreg [dreg:$0xa];
	[sflag:s29] =	ssyncadd.s32 $0xFFFFF800  }
0x144: {  	[spmem:s23] =	stream.linear.scatter [tilespmem:s0], [sflag:$0x5], $0x800, $0x38;
	[tilespmem:$0x1D240] =	vst v63  }
0x145: {  	_ =	swait.ge [sflag:s29], $0x800  }
0x146: {  	[sflag:s29] =	ssyncset.done $0x0  }
0x147: {  	s24 =	rddreg [dreg:$0xb];
	[sflag:s29] =	ssyncadd.s32 $0xFFFFF800  }
0x148: {  	[spmem:s24] =	stream.linear.scatter [tilespmem:s0], [sflag:$0x5], $0x800, $0x38;
	[tilespmem:$0x1D240] =	vst v63  }
0x149: {  	_ =	swait.ge [sflag:s29], $0x800  }
0x14a: {  	[sflag:s29] =	ssyncset.done $0x0  }
0x14b: {  	s26 =	rddreg [dreg:$0xc];
	[sflag:s29] =	ssyncadd.s32 $0xFFFFF800  }
0x14c: {  	[spmem:s26] =	stream.linear.scatter [tilespmem:s0], [sflag:$0x5], $0x800, $0x38;
	[tilespmem:$0x1D240] =	vst v63  }
0x14d: {  	_ =	swait.ge [sflag:s29], $0x800  }
0x14e: {  	[sflag:s29] =	ssyncset.done $0x0  }
0x14f: {  	s17 =	rddreg [dreg:$0xd];
	[sflag:s29] =	ssyncadd.s32 $0xFFFFF800  }
0x150: {  	[spmem:s17] =	stream.linear.scatter [tilespmem:s0], [sflag:$0x5], $0x800, $0x38;
	[tilespmem:$0x1D240] =	vst v63  }
0x151: {  	_ =	swait.ge [sflag:s29], $0x800  }
0x152: {  	[sflag:s29] =	ssyncset.done $0x0  }
0x153: {  	s20 =	rddreg [dreg:$0xe];
	[sflag:s29] =	ssyncadd.s32 $0xFFFFF800  }
0x154: {  	[spmem:s20] =	stream.linear.scatter [tilespmem:s0], [sflag:$0x5], $0x800, $0x38;
	[tilespmem:$0x1D240] =	vst v63  }
0x155: {  	_ =	swait.ge [sflag:s29], $0x800  }
0x156: {  	[sflag:s29] =	ssyncset.done $0x0  }
0x157: {  	s21 =	rddreg [dreg:$0xf];
	[sflag:s29] =	ssyncadd.s32 $0xFFFFF800  }
0x158: {  	[spmem:s21] =	stream.linear.scatter [tilespmem:s0], [sflag:$0x5], $0x800, $0x38;
	[tilespmem:$0x1D240] =	vst v63  }
0x159: {  	_ =	swait.ge [sflag:s29], $0x800  }
0x15a: {  	[sflag:s29] =	ssyncset.done $0x0  }
0x15b: {  	s22 =	rddreg [dreg:$0x10];
	[sflag:s29] =	ssyncadd.s32 $0xFFFFF800  }
0x15c: {  	[spmem:s22] =	stream.linear.scatter [tilespmem:s0], [sflag:$0x5], $0x800, $0x38;
	[tilespmem:$0x1D240] =	vst v63  }
0x15d: {  	_ =	swait.ge [sflag:s29], $0x800  }
0x15e: {  	[sflag:s29] =	ssyncset.done $0x0  }
0x15f: {  	s23 =	rddreg [dreg:$0x11];
	[sflag:s29] =	ssyncadd.s32 $0xFFFFF800  }
0x160: {  	[spmem:s23] =	stream.linear.scatter [tilespmem:s0], [sflag:$0x5], $0x800, $0x38;
	[tilespmem:$0x1D240] =	vst v63  }
0x161: {  	_ =	swait.ge [sflag:s29], $0x800  }
0x162: {  	[sflag:s29] =	ssyncset.done $0x0  }
0x163: {  	s24 =	rddreg [dreg:$0x13];
	[sflag:s29] =	ssyncadd.s32 $0xFFFFF800  }
0x164: {  	[spmem:s24] =	stream.linear.scatter [tilespmem:s0], [sflag:$0x5], $0x800, $0x38;
	[tilespmem:$0x1D240] =	vst v63  }
0x165: {  	_ =	swait.ge [sflag:s29], $0x800  }
0x166: {  	[sflag:s29] =	ssyncset.done $0x0  }
0x167: {  	s12 =	simm.s32 @!p0 $0x17A00;
	s17 =	rddreg [dreg:$0x7];
	[sflag:s29] =	ssyncadd.s32 $0xFFFFF800  }
0x168: {  	[spmem:s17] =	stream.linear.scatter @!p0 [tilespmem:s12], [sflag:$0x5], $0x400, $0x38;
	[tilespmem:$0x1D240] =	vst v63  }
0x169: {  	s12 =	simm.s32 @!p0 $0x5  }
0x16a: {  	_ =	swait.ge @!p0 [sflag:s12], $0x400  }
0x16b: {  	[sflag:s12] =	ssyncset.done @!p0 $0x0  }
0x16c: {  	s20 =	simm.s32 $0x0;
	[sflag:s12] =	ssyncadd.s32 @!p0 $0xFFFFFC00  }
0x16d: {  	[tilespmem:s5], [sflag:$0x1] =	stream.indirect.gather [hbm4b:s4+s30], $0x80, s20, s30, $0xb8;
	[tilespmem:$0x1D240] =	vst v63  }
0x16e: {  	s26 =	rddreg [dreg:$0x8]  }
0x16f: {  	[tilespmem:s8], [sflag:$0x1] =	stream.linear.gather [hbm4b:s26+s20], $0x50, $0x38;
	[tilespmem:$0x1D240] =	vst v63  }
0x170: {  	s21 =	simm.s32 $0x0;
	[bflag:$0x0] =	sbarrier.arrive $0xFFFF  }
.LBB2_16:
0x171: {  	p1 =	seq.s32 s21, $0x0  }
0x172: {  	s17 =	sshllo.u32 s21, $0x1;
	s12 =	simm.s32 @!p1 $0x4  }
0x173: {  	s24 =	smul.u32 $0x50, s17;
	_ =	swait.ge @!p1 [sflag:s12], $0x2800  }
0x174: {  	s22 =	sshll.u32 s17, $0x9;
	[sflag:s12] =	ssyncset.done @!p1 $0x0  }
0x175: {  	s22 =	sshrl.u32 s22, $0x2;
	[sflag:s12] =	ssyncadd.s32 @!p1 $0xFFFFD800;
	s12 =	sadd.s32 s6, s24  }
0x176: {  	[tilespmem:s9], [sflag:$0x2] =	stream.indirect.gather [hbm4b:s4+s30], $0x80, s22, s30, $0xb8;
	[tilespmem:$0x1D240] =	vst v63  }
0x177: {  	s12 =	sshrl.u32 s12, $0x3  }
0x178: {  	s12 =	sadd.s32 s3, s12  }
0x179: {  	[tilespmem:s16], [sflag:$0x2] =	stream.linear.gather [hbm4b:s12+s20], $0x50, $0x38;
	[tilespmem:$0x1D240] =	vst v63  }
0x17a: {  	_ =	swait.ge [sflag:s28], $0x2800  }
0x17b: {  	[sflag:s28] =	ssyncset.done $0x0  }
0x17c: {  	[sflag:s28] =	ssyncadd.s32 $0xFFFFD800  }
0x17d: {  	_ =	swait.ge [sflag:s28], $0x50  }
0x17e: {  	s26 =	sshll.u32 s21, $0x8;
	[sflag:s28] =	ssyncset.done $0x0  }
0x17f: {  	s12 =	sand.u32 $0x3FFFFF00, s26;
	[sflag:s28] =	ssyncadd.s32 $0xFFFFFFB0  }
0x180: {  	v3 =	vld [tilespmem:s12+$0x8000];
	_ =	sdelay $0x4  }
0x181: {  	v3 =	vsub.s32 v3, v1  }
0x182: {  	v3 =	vmin.u32 v3, $0xA00  }
0x183: {  	[tilespmem:$0x10000] =	vst v3  }
0x184: {  	v3 =	vld [tilespmem:s12+$0x8010];
	_ =	sdelay $0x4  }
0x185: {  	v3 =	vsub.s32 v3, v1  }
0x186: {  	v3 =	vmin.u32 v3, $0xA00  }
0x187: {  	[tilespmem:$0x10010] =	vst v3  }
0x188: {  	v3 =	vld [tilespmem:s12+$0x8020];
	_ =	sdelay $0x4  }
0x189: {  	v3 =	vsub.s32 v3, v1  }
0x18a: {  	v3 =	vmin.u32 v3, $0xA00  }
0x18b: {  	[tilespmem:$0x10020] =	vst v3  }
0x18c: {  	v3 =	vld [tilespmem:s12+$0x8030];
	_ =	sdelay $0x4  }
0x18d: {  	v3 =	vsub.s32 v3, v1  }
0x18e: {  	v3 =	vmin.u32 v3, $0xA00  }
0x18f: {  	[tilespmem:$0x10030] =	vst v3  }
0x190: {  	v3 =	vld [tilespmem:s12+$0x8040];
	_ =	sdelay $0x4  }
0x191: {  	v3 =	vsub.s32 v3, v1  }
0x192: {  	v4 =	vmov s20;
	v3 =	vmin.u32 v3, $0xA00  }
0x193: {  	s23 =	simm.s32 $0x12A40;
	[tilespmem:$0x10040] =	vst v3  }
0x194: {  	v7 =	vld [tilespmem:s23+$0x30]  }
0x195: {  	v10 =	vld [tilespmem:s23+$0x10]  }
0x196: {  	v8 =	vld [tilespmem:s23+$0xFFFFFFC0]  }
0x197: {  	v4 =	vld.idx.msk [tilespmem:v4+s8+$0x0], $0xffff  }
0x198: {  	v12 =	vld [tilespmem:s23+$0xFFFFFFE0]  }
0x199: {  	v3 =	vld [tilespmem:s23+$0xFFFFFFF0]  }
0x19a: {  	v5 =	vld [tilespmem:s23+$0x20]  }
0x19b: {  	v6 =	vld [tilespmem:s23+$0xFFFFFFD0]  }
0x19c: {  	v11 =	vmul.f32 v7, v4;
	v7 =	vld [tilespmem:s23+$0x0]  }
0x19d: {  	v9 =	vmul.f32 v8, v4  }
0x19e: {  	s24 =	sshll.u32 s21, $0x1;
	s26 =	simm.s32 $0x1;
	s12 =	simm.s32 $0x12A40;
	v8 =	vmul.f32 v12, v4;
	v10 =	vmul.f32 v10, v4  }
.LBB2_17:
0x19f: {  	p1 =	sne.s32 s26, $0x4F  }
0x1a0: {  	v6 =	vmul.f32 v6, v4;
	v5 =	vmul.f32 v5, v4;
	[tilespmem:s23+$0x30] =	vst v11;
	s12 =	sadd.s32 $0x80, s12;
	s17 =	smov.u32 s26;
	s26 =	sadd.s32 $0x1, s26  }
0x1a1: {  	[tilespmem:s23+$0xFFFFFFC0] =	vst v9;
	v9 =	vmul.f32 v3, v4;
	v4 =	vmul.f32 v7, v4  }
0x1a2: {  	[tilespmem:s23+$0x10] =	vst v10  }
0x1a3: {  	v7 =	vmov s17;
	[tilespmem:s23+$0xFFFFFFE0] =	vst v8  }
0x1a4: {  	v3 =	vld [tilespmem:s12+$0xFFFFFFF0];
	[tilespmem:s23+$0xFFFFFFF0] =	vst v9  }
0x1a5: {  	v8 =	vld [tilespmem:s12+$0x30];
	[tilespmem:s23+$0x0] =	vst v4  }
0x1a6: {  	v10 =	vld [tilespmem:s12+$0x10];
	[tilespmem:s23+$0x20] =	vst v5  }
0x1a7: {  	v9 =	vld [tilespmem:s12+$0xFFFFFFC0];
	[tilespmem:s23+$0xFFFFFFD0] =	vst v6;
	s23 =	smov.u32 s12  }
0x1a8: {  	v4 =	vld.idx.msk [tilespmem:v7+s8+$0x0], $0xffff  }
0x1a9: {  	v12 =	vld [tilespmem:s12+$0xFFFFFFE0]  }
0x1aa: {  	v5 =	vld [tilespmem:s12+$0x20]  }
.Ltmp7:
0x1ab: {  	v6 =	vld [tilespmem:s12+$0xFFFFFFD0];
	(pc) =	sbr.rel @p1 .LBB2_17-.Ltmp7, $3  }
0x1ac: {  	v7 =	vld [tilespmem:s12+$0x0];
	_ =	sdelay $0x1  }
0x1ad: {  	v9 =	vmul.f32 v9, v4;
	v11 =	vmul.f32 v8, v4  }
0x1ae: {  	v10 =	vmul.f32 v10, v4;
	v8 =	vmul.f32 v12, v4  }
0x1af: {  	[tilespmem:s23+$0x30] =	vst v11  }
0x1b0: {  	[tilespmem:s23+$0xFFFFFFC0] =	vst v9  }
0x1b1: {  	v3 =	vmul.f32 v3, v4;
	[tilespmem:s23+$0x10] =	vst v10  }
0x1b2: {  	v5 =	vmul.f32 v5, v4;
	[tilespmem:s23+$0xFFFFFFE0] =	vst v8  }
0x1b3: {  	v7 =	vmul.f32 v7, v4;
	[tilespmem:s23+$0xFFFFFFF0] =	vst v3  }
0x1b4: {  	v3 =	vmul.f32 v6, v4;
	[tilespmem:s23+$0x20] =	vst v5  }
0x1b5: {  	p1 =	seq.s32 s21, $0x7C;
	[tilespmem:s23+$0x0] =	vst v7  }
0x1b6: {  	s12 =	simm.s32 @!p1 $0x3;
	[tilespmem:s23+$0xFFFFFFD0] =	vst v3  }
0x1b7: {  	[spmem:s1] =	stream.indirect.scatter.add.f32 [tilespmem:s5], [sflag:$0x3], $0x80, s25, s30, $0xb8;
	[tilespmem:$0x1D240] =	vst v63  }
0x1b8: {  	s17 =	sadd.s32 @!p1 $0x2, s24;
	s24 =	simm.s32 @!p1 $0x12A00;
	_ =	swait.ge @!p1 [sflag:s12], $0x2800  }
0x1b9: {  	s23 =	sshll.u32 @!p1 s17, $0x7;
	s17 =	smul.u32 @!p1 $0x50, s17;
	[sflag:s12] =	ssyncset.done @!p1 $0x0  }
0x1ba: {  	[sflag:s12] =	ssyncadd.s32 @!p1 $0xFFFFD800;
	s12 =	sand.u32 @!p1 $0x3FFFFF80, s23;
	s23 =	simm.s32 @!p1 $0x50  }
0x1bb: {  	[tilespmem:s24], [sflag:$0x1] =	stream.indirect.gather @!p1 [hbm4b:s4+s23], $0x80, s12, s23, $0xb8;
	[tilespmem:$0x1D240] =	vst v63  }
0x1bc: {  	s12 =	sadd.s32 @!p1 s6, s17  }
0x1bd: {  	s12 =	sshrl.u32 @!p1 s12, $0x3  }
0x1be: {  	s17 =	simm.s32 @!p1 $0x0;
	s23 =	simm.s32 @!p1 $0x10100;
	s12 =	sadd.s32 @!p1 s3, s12  }
0x1bf: {  	[tilespmem:s23], [sflag:$0x1] =	stream.linear.gather @!p1 [hbm4b:s12+s17], $0x50, $0x38;
	[tilespmem:$0x1D240] =	vst v63  }
0x1c0: {  	_ =	swait.ge [sflag:s13], $0x2800  }
0x1c1: {  	[sflag:s13] =	ssyncset.done $0x0  }
0x1c2: {  	[sflag:s13] =	ssyncadd.s32 $0xFFFFD800  }
0x1c3: {  	_ =	swait.ge [sflag:s13], $0x50  }
0x1c4: {  	[sflag:s13] =	ssyncset.done $0x0  }
0x1c5: {  	[sflag:s13] =	ssyncadd.s32 $0xFFFFFFB0  }
0x1c6: {  	v3 =	vld [tilespmem:s22+$0x8000];
	_ =	sdelay $0x4  }
0x1c7: {  	v3 =	vsub.s32 v3, v1  }
0x1c8: {  	v3 =	vmin.u32 v3, $0xA00  }
0x1c9: {  	[tilespmem:$0x10080] =	vst v3  }
0x1ca: {  	v3 =	vld [tilespmem:s22+$0x8010];
	_ =	sdelay $0x4  }
0x1cb: {  	v3 =	vsub.s32 v3, v1  }
0x1cc: {  	v3 =	vmin.u32 v3, $0xA00  }
0x1cd: {  	[tilespmem:$0x10090] =	vst v3  }
0x1ce: {  	v3 =	vld [tilespmem:s22+$0x8020];
	_ =	sdelay $0x4  }
0x1cf: {  	v3 =	vsub.s32 v3, v1  }
0x1d0: {  	v3 =	vmin.u32 v3, $0xA00  }
0x1d1: {  	[tilespmem:$0x100A0] =	vst v3  }
0x1d2: {  	v3 =	vld [tilespmem:s22+$0x8030];
	_ =	sdelay $0x4  }
0x1d3: {  	v3 =	vsub.s32 v3, v1  }
0x1d4: {  	v3 =	vmin.u32 v3, $0xA00  }
0x1d5: {  	[tilespmem:$0x100B0] =	vst v3  }
0x1d6: {  	v3 =	vld [tilespmem:s22+$0x8040];
	_ =	sdelay $0x4  }
0x1d7: {  	s26 =	simm.s32 $0x0;
	v3 =	vsub.s32 v3, v1  }
0x1d8: {  	v4 =	vmov s26;
	v3 =	vmin.u32 v3, $0xA00  }
0x1d9: {  	s22 =	simm.s32 $0x15240;
	[tilespmem:$0x100C0] =	vst v3  }
0x1da: {  	v7 =	vld [tilespmem:s22+$0x30]  }
0x1db: {  	v10 =	vld [tilespmem:s22+$0x10]  }
0x1dc: {  	v8 =	vld [tilespmem:s22+$0xFFFFFFC0]  }
0x1dd: {  	v4 =	vld.idx.msk [tilespmem:v4+s16+$0x0], $0xffff  }
0x1de: {  	v12 =	vld [tilespmem:s22+$0xFFFFFFE0]  }
0x1df: {  	v3 =	vld [tilespmem:s22+$0xFFFFFFF0]  }
0x1e0: {  	v5 =	vld [tilespmem:s22+$0x20]  }
0x1e1: {  	v6 =	vld [tilespmem:s22+$0xFFFFFFD0]  }
0x1e2: {  	v11 =	vmul.f32 v7, v4;
	v7 =	vld [tilespmem:s22+$0x0]  }
0x1e3: {  	v9 =	vmul.f32 v8, v4  }
0x1e4: {  	s23 =	simm.s32 $0x1;
	s12 =	simm.s32 $0x15240;
	v8 =	vmul.f32 v12, v4;
	v10 =	vmul.f32 v10, v4  }
.LBB2_19:
0x1e5: {  	p1 =	sne.s32 s23, $0x4F  }
0x1e6: {  	v6 =	vmul.f32 v6, v4;
	v5 =	vmul.f32 v5, v4;
	[tilespmem:s22+$0x30] =	vst v11;
	s12 =	sadd.s32 $0x80, s12;
	s17 =	smov.u32 s23;
	s23 =	sadd.s32 $0x1, s23  }
0x1e7: {  	[tilespmem:s22+$0xFFFFFFC0] =	vst v9;
	v9 =	vmul.f32 v3, v4;
	v4 =	vmul.f32 v7, v4  }
0x1e8: {  	[tilespmem:s22+$0x10] =	vst v10  }
0x1e9: {  	v7 =	vmov s17;
	[tilespmem:s22+$0xFFFFFFE0] =	vst v8  }
0x1ea: {  	v3 =	vld [tilespmem:s12+$0xFFFFFFF0];
	[tilespmem:s22+$0xFFFFFFF0] =	vst v9  }
0x1eb: {  	v8 =	vld [tilespmem:s12+$0x30];
	[tilespmem:s22+$0x0] =	vst v4  }
0x1ec: {  	v10 =	vld [tilespmem:s12+$0x10];
	[tilespmem:s22+$0x20] =	vst v5  }
0x1ed: {  	v9 =	vld [tilespmem:s12+$0xFFFFFFC0];
	[tilespmem:s22+$0xFFFFFFD0] =	vst v6;
	s22 =	smov.u32 s12  }
0x1ee: {  	v4 =	vld.idx.msk [tilespmem:v7+s16+$0x0], $0xffff  }
0x1ef: {  	v12 =	vld [tilespmem:s12+$0xFFFFFFE0]  }
0x1f0: {  	v5 =	vld [tilespmem:s12+$0x20]  }
.Ltmp8:
0x1f1: {  	v6 =	vld [tilespmem:s12+$0xFFFFFFD0];
	(pc) =	sbr.rel @p1 .LBB2_19-.Ltmp8, $3  }
0x1f2: {  	v7 =	vld [tilespmem:s12+$0x0];
	_ =	sdelay $0x1  }
0x1f3: {  	v9 =	vmul.f32 v9, v4;
	v11 =	vmul.f32 v8, v4  }
0x1f4: {  	v10 =	vmul.f32 v10, v4;
	v8 =	vmul.f32 v12, v4  }
0x1f5: {  	[tilespmem:s22+$0x30] =	vst v11  }
0x1f6: {  	[tilespmem:s22+$0xFFFFFFC0] =	vst v9  }
0x1f7: {  	v3 =	vmul.f32 v3, v4;
	s21 =	sadd.s32 $0x1, s21;
	[tilespmem:s22+$0x10] =	vst v10  }
0x1f8: {  	v5 =	vmul.f32 v5, v4;
	[tilespmem:s22+$0xFFFFFFE0] =	vst v8;
	p1 =	sne.s32 s21, $0x7D  }
.Ltmp9:
0x1f9: {  	v7 =	vmul.f32 v7, v4;
	[tilespmem:s22+$0xFFFFFFF0] =	vst v3;
	(pc) =	sbr.rel @p1 .LBB2_16-.Ltmp9, $4  }
0x1fa: {  	v3 =	vmul.f32 v6, v4;
	[tilespmem:s22+$0x20] =	vst v5  }
0x1fb: {  	[tilespmem:s22+$0x0] =	vst v7  }
0x1fc: {  	[tilespmem:s22+$0xFFFFFFD0] =	vst v3  }
0x1fd: {  	[spmem:s1] =	stream.indirect.scatter.add.f32 [tilespmem:s9], [sflag:$0x4], $0x80, s14, s30, $0xb8;
	[tilespmem:$0x1D240] =	vst v63  }
0x1fe: {  	s12 =	simm.s32 $0x3  }
0x1ff: {  	_ =	swait.ge [sflag:s12], $0x2800  }
0x200: {  	[sflag:s12] =	ssyncset.done $0x0  }
0x201: {  	[sflag:s12] =	ssyncadd.s32 $0xFFFFD800  }
0x202: {  	_ =	swait.ge [sflag:s18], $0x2800  }
0x203: {  	[sflag:s18] =	ssyncset.done $0x0  }
0x204: {  	[sflag:s18] =	ssyncadd.s32 $0xFFFFD800  }
0x205: {  	[bflag:$0x0] =	sbarrier.arrive $0xFFFF  }
0x206: {  	s20 =	simm.s32 $0x0;
	s21 =	rddreg [dreg:$0x14]  }
.LBB2_22:
0x207: {  	s12 =	sshll.u32 s20, $0x4  }
0x208: {  	s12 =	sadd.s32 s10, s12  }
0x209: {  	s17 =	sshll.u32 s12, $0x7  }
0x20a: {  	s17 =	sand.u32 $0x3FFFFF80, s17  }
0x20b: {  	s17 =	sadd.s32 s17, s1  }
0x20c: {  	[tilespmem:s0], [sflag:$0x5] =	stream.linear.gather [spmem:s17], $0x800, $0x38;
	[tilespmem:$0x1D240] =	vst v63  }
0x20d: {  	s26 =	sadd.s32 $0x0, s21;
	_ =	swait.ge [sflag:s29], $0x800  }
0x20e: {  	v3 =	vmov s26;
	[sflag:s29] =	ssyncset.done $0x0  }
0x20f: {  	s22 =	simm.s32 $0x17A40;
	[sflag:s29] =	ssyncadd.s32 $0xFFFFF800  }
0x210: {  	v7 =	vld [tilespmem:s22+$0x30]  }
0x211: {  	v10 =	vld [tilespmem:s22+$0x10]  }
0x212: {  	v8 =	vld [tilespmem:s22+$0xFFFFFFC0]  }
0x213: {  	v4 =	vld.idx.msk [tilespmem:v3+s31+$0x0], $0xffff  }
0x214: {  	v12 =	vld [tilespmem:s22+$0xFFFFFFE0]  }
0x215: {  	v3 =	vld [tilespmem:s22+$0xFFFFFFF0]  }
0x216: {  	v5 =	vld [tilespmem:s22+$0x20]  }
0x217: {  	v6 =	vld [tilespmem:s22+$0xFFFFFFD0]  }
0x218: {  	v11 =	vmul.f32 v7, v4;
	v7 =	vld [tilespmem:s22+$0x0]  }
0x219: {  	v9 =	vmul.f32 v8, v4  }
0x21a: {  	s24 =	simm.s32 $0x1;
	s26 =	simm.s32 $0x17A40;
	s23 =	sadd.s32 s15, s12;
	v8 =	vmul.f32 v12, v4;
	v10 =	vmul.f32 v10, v4  }
.LBB2_23:
0x21b: {  	p1 =	sne.s32 s24, $0xF  }
0x21c: {  	v6 =	vmul.f32 v6, v4;
	v5 =	vmul.f32 v5, v4;
	[tilespmem:s22+$0x30] =	vst v11;
	s26 =	sadd.s32 $0x80, s26;
	s12 =	smov.u32 s24;
	s24 =	sadd.s32 $0x1, s24  }
0x21d: {  	[tilespmem:s22+$0xFFFFFFC0] =	vst v9;
	v9 =	vmul.f32 v3, v4;
	v4 =	vmul.f32 v7, v4  }
0x21e: {  	s12 =	sadd.s32 s12, s21;
	[tilespmem:s22+$0x10] =	vst v10  }
0x21f: {  	v7 =	vmov s12;
	[tilespmem:s22+$0xFFFFFFE0] =	vst v8  }
0x220: {  	v3 =	vld [tilespmem:s26+$0xFFFFFFF0];
	[tilespmem:s22+$0xFFFFFFF0] =	vst v9  }
0x221: {  	v8 =	vld [tilespmem:s26+$0x30];
	[tilespmem:s22+$0x0] =	vst v4  }
0x222: {  	v10 =	vld [tilespmem:s26+$0x10];
	[tilespmem:s22+$0x20] =	vst v5  }
0x223: {  	v9 =	vld [tilespmem:s26+$0xFFFFFFC0];
	[tilespmem:s22+$0xFFFFFFD0] =	vst v6;
	s22 =	smov.u32 s26  }
0x224: {  	v4 =	vld.idx.msk [tilespmem:v7+s31+$0x0], $0xffff  }
0x225: {  	v12 =	vld [tilespmem:s26+$0xFFFFFFE0]  }
0x226: {  	v5 =	vld [tilespmem:s26+$0x20]  }
.Ltmp10:
0x227: {  	v6 =	vld [tilespmem:s26+$0xFFFFFFD0];
	(pc) =	sbr.rel @p1 .LBB2_23-.Ltmp10, $3  }
0x228: {  	v7 =	vld [tilespmem:s26+$0x0];
	_ =	sdelay $0x1  }
0x229: {  	v9 =	vmul.f32 v9, v4;
	v11 =	vmul.f32 v8, v4  }
0x22a: {  	v10 =	vmul.f32 v10, v4;
	v8 =	vmul.f32 v12, v4  }
0x22b: {  	[tilespmem:s22+$0x30] =	vst v11  }
0x22c: {  	[tilespmem:s22+$0xFFFFFFC0] =	vst v9  }
0x22d: {  	v3 =	vmul.f32 v3, v4;
	[tilespmem:s22+$0x10] =	vst v10  }
0x22e: {  	v5 =	vmul.f32 v5, v4;
	[tilespmem:s22+$0xFFFFFFE0] =	vst v8  }
0x22f: {  	v7 =	vmul.f32 v7, v4;
	[tilespmem:s22+$0xFFFFFFF0] =	vst v3  }
0x230: {  	s20 =	sadd.s32 $0x1, s20;
	v3 =	vmul.f32 v6, v4;
	[tilespmem:s22+$0x20] =	vst v5  }
0x231: {  	s12 =	sshll.u32 s23, $0x4;
	p1 =	sne.s32 s20, $0xA;
	[tilespmem:s22+$0x0] =	vst v7  }
.Ltmp11:
0x232: {  	s12 =	sadd.s32 s7, s12;
	[tilespmem:s22+$0xFFFFFFD0] =	vst v3;
	(pc) =	sbr.rel @p1 .LBB2_22-.Ltmp11, $4  }
0x233: {  	[hbm4b:s12+s2] =	stream.linear.scatter [tilespmem:s0], [sflag:$0x5], $0x800, $0x38;
	[tilespmem:$0x1D240] =	vst v63  }
0x234: {  	_ =	swait.ge [sflag:s29], $0x800  }
0x235: {  	[sflag:s29] =	ssyncset.done $0x0  }
0x236: {  	s21 =	sadd.s32 $0x10, s21;
	[sflag:s29] =	ssyncadd.s32 $0xFFFFF800  }
0x237: {  	s19 =	sadd.s32 $0x1, s19;
	s12 =	rddreg [dreg:$0x9]  }
0x238: {  	p1 =	sne.s32 s19, s12  }
.Ltmp12:
0x239: {  	_ = 	snop;
	(pc) =	sbr.rel @p1 .LBB2_1-.Ltmp12, $1  }
0x23a: {  	_ =	sdelay $0x3  }
0x23b: {  	_ =	sfence.sel $0x180000  }
0x23c: {  	[bflag:$0x0] =	sbarrier.arrive $0xFFFF  }
0x23d: {  	_ =	strace $0x9000004D  }
0x23e: {  	[bflag:$0x2] =	sbarrier.arrive $0xFFFF  }
0x23f: {  	s0 =	rddreg [dreg:$0x2]  }
0x240: {  	s0 =	sadd.s32 @!p0 $0x100000, s0  }
0x241: {  	[sflag:s0] =	ssyncadd.tile.s32 @!p0 $0x1;
	_ =	shalt  }
.Lfunc_end2:
_tile_overlayer_lowered:
.L_overlay_start_2:
0x242: {  	(tag) =	ssettag $0x2  }
0x243: {  	s0 =	rddreg [dreg:$0x0];
	s2 =	stileid.u32  }
0x244: {  	s1 =	rddreg [dreg:$0x1];
	p0 =	sne.s32 s2, $0x0  }
0x245: {  	s3 =	rddreg [dreg:$0x2];
	[bflag:$0x3] =	sbarrier.arrive $0xFFFF;
	s2 =	simm.s32 @!p0 $0x1C05  }
0x246: {  	[timem:s3], [sflag:s2] =	dma.local @!p0 [hbm:s0], s1  }
0x247: {  	s0 =	simm.s32 @!p0 $0x5  }
0x248: {  	_ =	swait.ge @!p0 [sflag:s0], s1  }
0x249: {  	s1 =	ssub.s32 @!p0 $0x0, s1;
	[sflag:s0] =	ssyncset.done @!p0 $0x0  }
0x24a: {  	[sflag:s0] =	ssyncadd.s32 @!p0 s1  }
0x24b: {  	[bflag:$0x3] =	sbarrier.arrive $0xFFFF  }
0x24c: {  	_ =	shalt  }

// kernel: kernel.9.cloned.1.call-start
scs
__scs_entry_jumppad:
0x0: {  	(pc) =	sbr.rel $0x88, $3  }
0x1: {  	(tag) =	ssettag $0x0;
	lr =	simm.s32 $0x1  }
0x2: {  	[smem:$0x3F94] =	sst lr;
	_ =	strace $0xD0000000  }
0x3: {  	_ = 	snop  }
0x4: {  	_ = 	snop  }
0x5: {  	_ = 	snop  }
0x6: {  	_ = 	snop  }
0x7: {  	_ = 	snop  }
__scs_overlays_trampoline_lowered:
0x8: {  	[smem:$0x3FA3] =	sst s0  }
0x9: {  	[smem:$0x3FA4] =	sst s1  }
0xa: {  	[smem:$0x3FA5] =	sst s2  }
0xb: {  	[smem:$0x3FA6] =	sst s3  }
0xc: {  	[smem:$0x3FA7] =	sst s4  }
0xd: {  	[smem:$0x3FA8] =	sst s5  }
0xe: {  	[smem:$0x3FA9] =	sst s6  }
0xf: {  	[smem:$0x3FAA] =	sst s7  }
0x10: {  	[smem:$0x3FAB] =	sst s8  }
0x11: {  	[smem:$0x3FAC] =	sst s9;
	s0 =	simm.s32 @!p0 $0x0  }
0x12: {  	s1 =	sld [smem:$0x3F92];
	s0 =	simm.s32 @p0 $0x1  }
0x13: {  	[smem:$0x3FAD] =	sst s0;
	s0 =	simm.s32 @!p1 $0x0  }
0x14: {  	s2 =	sld [smem:$0x3F91];
	s0 =	simm.s32 @p1 $0x1  }
0x15: {  	[smem:$0x3FAE] =	sst s0;
	s0 =	simm.s32 @!p2 $0x0  }
0x16: {  	s3 =	sld [smem:$0x3FDB];
	s0 =	simm.s32 @p2 $0x1  }
0x17: {  	s4 =	simm.s32 $0x1BF5;
	[smem:$0x3FB0] =	sst s0  }
0x18: {  	s0 =	sld [smem:$0x3F93];
	_ =	swait.ge [sflag:s4], $0x0  }
0x19: {  	s7 =	sld [smem:$0x3F94]  }
0x1a: {  	s8 =	sadd.s32 $0xFFFFE003, lr  }
0x1b: {  	s9 =	sadd.s32 $0xFFFFFEF7, lr;
	s5 =	simm.s32 $0xFFFFFFFF;
	p2 =	slt.u32 s8, $0xFFFFF086  }
0x1c: {  	p1 =	slt.u32 s9, $0xF7A;
	s5 =	simm.s32 @!p2 $0x0  }
0x1d: {  	s5 =	simm.s32 @p1 $0x1;
	p0 =	seq.s32 s7, s2  }
0x1e: {  	s7 =	smul.u32 @!p0 $0xF7A, s2;
	p2 =	seq.s32 @!p0 s5, $0x0  }
0x1f: {  	s9 =	smul.u32 $0xF7A, s1;
	s8 =	simm.s32 @!p0 $0x1BF5;
	p2 =	por !p2, p0  }
0x20: {  	[sflag:s8] =	ssyncset.s32 @!p0 $0xFFFFF086;
	s6 =	sadd.s32 @!p0 s3, s7;
	s7 =	simm.s32 @!p0 $0x108  }
0x21: {  	s3 =	sadd.s32 s3, s9;
	s6 =	sadd.s32 @!p0 $0x88, s6;
	s7 =	simm.s32 @p2 $0x1082  }
0x22: {  	[simem:s7], [sflag:s8] =	dma.local @!p0 [hbm:s6], $0xF7A  }
0x23: {  	s9 =	sor.u32 $0xD0000000, s2;
	s6 =	simm.s32 $0x108;
	_ =	swait.ge @!p0 [sflag:s8], $0x0  }
0x24: {  	s3 =	sadd.s32 $0x88, s3;
	s6 =	simm.s32 @!p1 $0x1082;
	[sflag:s4] =	ssyncset.s32 $0xFFFFF086  }
0x25: {  	[simem:s6], [sflag:s4] =	dma.local [hbm:s3], $0xF7A  }
0x26: {  	[smem:$0x3F94] =	sst s1;
	(tag) =	ssettag s2;
	_ =	strace s9  }
0x27: {  	s1 =	sld [smem:$0x3FA4]  }
0x28: {  	s2 =	sld [smem:$0x3FA5]  }
0x29: {  	s4 =	sld [smem:$0x3FA7]  }
0x2a: {  	p0 =	seq.s32 s5, $0x0;
	s5 =	sld [smem:$0x3FA8]  }
0x2b: {  	s6 =	sld [smem:$0x3FA9]  }
0x2c: {  	s7 =	sld [smem:$0x3FAA]  }
0x2d: {  	s3 =	simm.s32 $0x108;
	s8 =	sld [smem:$0x3FAB]  }
0x2e: {  	s3 =	simm.s32 @!p0 $0x1082;
	s9 =	sld [smem:$0x3FAC]  }
0x2f: {  	lr =	sadd.s32 s0, s3;
	s0 =	sld [smem:$0x3FA3]  }
0x30: {  	s3 =	sld [smem:$0x3FA6]  }
0x31: {  	[smem:$0x3FAF] =	sst s10  }
0x32: {  	s10 =	sld [smem:$0x3FAD];
	_ =	sdelay $0x3  }
0x33: {  	p0 =	seq.s32 s10, $0x1;
	s10 =	sld [smem:$0x3FAF];
	_ =	sdelay $0x3  }
0x34: {  	[smem:$0x3FAF] =	sst s10  }
0x35: {  	s10 =	sld [smem:$0x3FAE];
	_ =	sdelay $0x3  }
0x36: {  	p1 =	seq.s32 s10, $0x1;
	s10 =	sld [smem:$0x3FAF];
	_ =	sdelay $0x3  }
0x37: {  	[smem:$0x3FAF] =	sst s10  }
0x38: {  	s10 =	sld [smem:$0x3FB0]  }
0x39: {  	_ = 	snop;
	(pc) =	sbr.ind lr, $3  }
0x3a: {  	_ = 	snop  }
0x3b: {  	_ = 	snop  }
0x3c: {  	p2 =	seq.s32 s10, $0x1;
	s10 =	sld [smem:$0x3FAF]  }
0x3d: {  	_ =	shalt  }
0x3e: {  	_ =	shalt  }
0x3f: {  	_ =	shalt  }
0x40: {  	_ =	shalt  }
0x41: {  	_ =	shalt  }
0x42: {  	_ =	shalt  }
0x43: {  	_ =	shalt  }
0x44: {  	_ =	shalt  }
0x45: {  	_ =	shalt  }
0x46: {  	_ =	shalt  }
0x47: {  	_ =	shalt  }
0x48: {  	_ =	shalt  }
0x49: {  	_ =	shalt  }
0x4a: {  	_ =	shalt  }
0x4b: {  	_ =	shalt  }
0x4c: {  	_ =	shalt  }
0x4d: {  	_ =	shalt  }
0x4e: {  	_ =	shalt  }
0x4f: {  	_ =	shalt  }
0x50: {  	_ =	shalt  }
0x51: {  	_ =	shalt  }
0x52: {  	_ =	shalt  }
0x53: {  	_ =	shalt  }
0x54: {  	_ =	shalt  }
0x55: {  	_ =	shalt  }
0x56: {  	_ =	shalt  }
0x57: {  	_ =	shalt  }
0x58: {  	_ =	shalt  }
0x59: {  	_ =	shalt  }
0x5a: {  	_ =	shalt  }
0x5b: {  	_ =	shalt  }
0x5c: {  	_ =	shalt  }
0x5d: {  	_ =	shalt  }
0x5e: {  	_ =	shalt  }
0x5f: {  	_ =	shalt  }
0x60: {  	_ =	shalt  }
0x61: {  	_ =	shalt  }
0x62: {  	_ =	shalt  }
0x63: {  	_ =	shalt  }
0x64: {  	_ =	shalt  }
0x65: {  	_ =	shalt  }
0x66: {  	_ =	shalt  }
0x67: {  	_ =	shalt  }
0x68: {  	_ =	shalt  }
0x69: {  	_ =	shalt  }
0x6a: {  	_ =	shalt  }
0x6b: {  	_ =	shalt  }
0x6c: {  	_ =	shalt  }
0x6d: {  	_ =	shalt  }
0x6e: {  	_ =	shalt  }
0x6f: {  	_ =	shalt  }
0x70: {  	_ =	shalt  }
0x71: {  	_ =	shalt  }
0x72: {  	_ =	shalt  }
0x73: {  	_ =	shalt  }
0x74: {  	_ =	shalt  }
0x75: {  	_ =	shalt  }
0x76: {  	_ =	shalt  }
0x77: {  	_ =	shalt  }
0x78: {  	_ =	shalt  }
0x79: {  	_ =	shalt  }
0x7a: {  	_ =	shalt  }
0x7b: {  	_ =	shalt  }
0x7c: {  	_ =	shalt  }
0x7d: {  	_ =	shalt  }
0x7e: {  	_ =	shalt  }
0x7f: {  	_ =	shalt  }
0x80: {  	_ =	shalt  }
0x81: {  	_ =	shalt  }
0x82: {  	_ =	shalt  }
0x83: {  	_ =	shalt  }
0x84: {  	_ =	shalt  }
0x85: {  	_ =	shalt  }
0x86: {  	_ =	shalt  }
0x87: {  	_ =	shalt  }
.Lfunc_end0:
.L_simem_size_0:
called_computation_lowered:
.L_overlay_start_0:
0x88: {  	s2 =	sld [smem:$0x3FD9]  }
0x89: {  	s3 =	sld [smem:$0x3FFE];
	_ =	sdelay $0x1  }
0x8a: {  	s1 =	srdreg.scid  }
0x8b: {  	s0 =	sand.u32 $0x1, s1  }
0x8c: {  	s14 =	sshll.u32 s0, $0xA;
	s2 =	sadd.s32 s3, s2  }
0x8d: {  	s2 =	sadd.s32 s2, s14  }
0x8e: {  	[smem:$0x3FBB] =	sst s2  }
0x8f: {  	_ = 	snop  }
0x90: {  	s2 =	sld [smem:$0x3FD0];
	_ =	sdelay $0x2  }
0x91: {  	s15 =	simm.s32 $0xA;
	s4 =	simm.s32 $0x10  }
0x92: {  	[smem:s4], [sflag:s15] =	dma.local [hbm:s2], $0x1  }
0x93: {  	_ =	swait.eq [sflag:s15], $0x1  }
0x94: {  	[sflag:s15] =	ssyncset.done $0x0  }
0x95: {  	s16 =	sld [smem:$0x10];
	[sflag:s15] =	ssyncadd.s32 $0xFFFFFFFF  }
0x96: {  	s17 =	sld [smem:$0x11];
	(tm) =	ssettm $0x1  }
0x97: {  	s18 =	sld [smem:$0x3FFB];
	_ =	sdelay $0x3  }
0x98: {  	_ =	strace s18  }
0x99: {  	s4 =	sld [smem:$0x3FFC];
	_ =	sdelay $0x3  }
0x9a: {  	_ =	strace s4  }
0x9b: {  	s4 =	sld [smem:$0x3FFD];
	_ =	sdelay $0x3  }
0x9c: {  	_ =	strace s4  }
0x9d: {  	_ =	strace $0x8FFFFFFF  }
0x9e: {  	s19 =	sld [smem:$0x3FDB];
	_ =	sdelay $0x1  }
0x9f: {  	s5 =	simm.s32 $_scs_section_size  }
0xa0: {  	s6 =	simm.s32 $_size__tile_overlayer_lowered;
	s7 =	simm.s32 $_tile_overlayer_lowered  }
0xa1: {  	s22 =	simm.s32 $0x1BFF;
	s21 =	sshll.u32 s7, $0x1;
	s4 =	sadd.s32 s5, s19  }
0xa2: {  	s8 =	simm.s32 $0x0;
	s20 =	sshll.u32 s6, $0x1;
	s6 =	sadd.s32 s21, s4  }
0xa3: {  	[timem:s8], [sflag:s22] =	dma.local [hbm:s6], s20  }
0xa4: {  	_ =	swait.ge [sflag:s22], s20  }
0xa5: {  	s5 =	ssub.s32 $0x0, s20;
	[sflag:s22] =	ssyncset.done $0x0  }
0xa6: {  	[sflag:s22] =	ssyncadd.s32 s5;
	_ =	sdelay $0x1  }
0xa7: {  	s23 =	simm.s32 $0x1B8B  }
0xa8: {  	_ =	swait.ge [sflag:s23], $0x1  }
0xa9: {  	[sflag:s23] =	ssyncset.done $0x0  }
0xaa: {  	s25 =	simm.s32 $0x1B8E;
	s24 =	sld [smem:$0x3FFE];
	[sflag:s23] =	ssyncadd.s32 $0xFFFFFFFF  }
0xab: {  	s26 =	simm.s32 $execute0_lowered;
	[smem:$0x3FD2] =	sst s25  }
0xac: {  	s6 =	sshll.u32 s26, $0x1;
	_ =	strace $0x80000046;
	[dreg:$0x1] =	wrdreg $0xFFFFFFFF  }
0xad: {  	s28 =	simm.s32 $_size_execute0_lowered;
	s4 =	sadd.s32 s4, s6;
	[dreg:$0x0] =	wrdreg $0x0  }
0xae: {  	s6 =	sshll.u32 s28, $0x1;
	[dreg:$0x2] =	wrdreg s4  }
0xaf: {  	[dreg:$0x3] =	wrdreg s6  }
0xb0: {  	[dreg:$0x4] =	wrdreg $0xC0  }
0xb1: {  	_ =	task [dreg:s8], $0x5FFFF  }
0xb2: {  	[dreg:$0x1] =	wrdreg $0xFFFFFFFF  }
0xb3: {  	[dreg:$0x0] =	wrdreg $0x60  }
0xb4: {  	[dreg:$0x2] =	wrdreg s24  }
0xb5: {  	[dreg:$0x3] =	wrdreg s16  }
0xb6: {  	[dreg:$0x4] =	wrdreg s17  }
0xb7: {  	[dreg:$0x5] =	wrdreg $0x121000  }
0xb8: {  	[dreg:$0x6] =	wrdreg $0x9  }
0xb9: {  	_ =	task.clear_ibuf [dreg:s8], $0x7FFFF;
	_ =	strace $0x90000046  }
0xba: {  	s29 =	simm.s32 $0x9;
	_ =	strace $0x80000048  }
0xbb: {  	_ =	swait.ge [sflag:s29], $0x1  }
0xbc: {  	[sflag:s29] =	ssyncadd.s32 $0xFFFFFFFF  }
0xbd: {  	_ =	strace $0x90000048  }
0xbe: {  	_ =	sfence  }
0xbf: {  	s30 =	sld [smem:$0x0];
	_ =	sdelay $0x2  }
0xc0: {  	s31 =	sshll.u32 s1, $0xD;
	s1 =	sshrl.u32 s1, $0x2  }
0xc1: {  	s3 =	sand.u32 $0x4000, s31;
	s1 =	sadd.s32 s1, s30  }
0xc2: {  	s0 =	sor.u32 s3, s0;
	s1 =	sshll.u32 s1, $0x11  }
0xc3: {  	s0 =	sor.u32 s1, s0  }
0xc4: {  	s0 =	sadd.s32 $0x8F2B, s0  }
0xc5: {  	[sflag:s0] =	ssyncadd.remote.s32 $0x1  }
0xc6: {  	_ =	sfence.sel $0xFFFF  }
0xc7: {  	[dreg:$0x0] =	wrdreg $0xFFFFFFFF;
	(pc) =	sbr.abs _section_cstart, $3  }
0xc8: {  	[dreg:$0x1] =	wrdreg $0xFFFFFFFF  }
0xc9: {  	_ =	task.clear_ibuf [dreg:s8], $0x2FFFF;
	_ =	strace $0x9FFFFFFF  }
0xca: {  	(tm) =	ssettm $0x7FFFFFFF  }
0xcb: {  	_ =	shalt  }
tec
execute0_lowered:
.L_overlay_start_1:
0x0: {  	(tag) =	ssettag $0x1  }
0x1: {  	s7 =	rddreg [dreg:$0x0]  }
0x2: {  	s1 =	rddreg [dreg:$0x1]  }
0x3: {  	s12 =	rddreg [dreg:$0x2]  }
0x4: {  	s2 =	rddreg [dreg:$0x3]  }
0x5: {  	s3 =	srdreg.scid;
	s0 =	rddreg [dreg:$0x4]  }
0x6: {  	s4 =	simm.s32 $0x0;
	s16 =	simm.s32 $0x4F00;
	s17 =	simm.s32 $0xCF00  }
0x7: {  	s18 =	simm.s32 $0x11E00;
	s19 =	simm.s32 $0x11E80;
	s20 =	simm.s32 $0x50  }
0x8: {  	s21 =	simm.s32 $0xF680;
	s22 =	simm.s32 $0x0;
	s6 =	sand.u32 $0x1, s3  }
0x9: {  	s3 =	stileid.u32;
	[smem:$0x7FF] =	sst s4;
	s5 =	sshll.u32 s6, $0x4  }
0xa: {  	_ =	strace $0x80000047;
	s10 =	ssub.s32 $0x2, s6;
	s11 =	smul.u32 $0x270, s3  }
0xb: {  	s14 =	smul.u32 $0x2710, s6;
	s6 =	sadd.s32 $0x28200, s7;
	s5 =	sor.u32 s3, s5  }
0xc: {  	s13 =	sshrl.u32 s10, $0x1;
	s8 =	sshll.u32 s5, $0xB;
	s9 =	smul.u32 $0x4E2, s5  }
0xd: {  	s5 =	sadd.s32 $0x27C00, s7;
	s13 =	ssub.s32 s10, s13;
	s14 =	sadd.s32 s11, s14  }
0xe: {  	s10 =	sadd.s32 s11, s2;
	s8 =	sadd.s32 s8, s7;
	s14 =	sshrl.u32 s14, $0x3  }
0xf: {  	s13 =	smax.u32 s13, $0x1;
	s15 =	sadd.s32 s9, s7;
	s7 =	sadd.s32 $0x28400, s8  }
0x10: {  	s8 =	sadd.s32 $0x38400, s8;
	s12 =	sadd.s32 s12, s14;
	s14 =	simm.s32 $0x1  }
0x11: {  	v0 =	vimm.f32 $0.0e+00;
	s9 =	sadd.s32 $0x48400, s15;
	s11 =	sadd.s32 $0x52200, s15;
	s15 =	simm.s32 $0x2780  }
.LBB2_1:
0x12: {  	[tilespmem:s4], [sflag:$0x1] =	stream.linear.gather [hbm4b:s5+s4], $0x2780, $0x38;
	[tilespmem:$0x12378] =	vst v63  }
0x13: {  	_ =	swait.ge [sflag:s14], $0x2780  }
0x14: {  	[sflag:s14] =	ssyncset.done $0x0  }
0x15: {  	[sflag:s14] =	ssyncadd.s32 $0xFFFFD880  }
0x16: {  	[tilespmem:s15], [sflag:$0x1] =	stream.linear.gather [hbm4b:s1+s4], $0x2780, $0x38;
	[tilespmem:$0x12378] =	vst v63  }
0x17: {  	_ =	swait.ge [sflag:s14], $0x2780  }
0x18: {  	[sflag:s14] =	ssyncset.done $0x0  }
0x19: {  	[sflag:s14] =	ssyncadd.s32 $0xFFFFD880  }
0x1a: {  	[tilespmem:s16], [sflag:$0x1] =	stream.linear.gather [hbm4b:s7+s4], $0x3E80, $0x38;
	[tilespmem:$0x12378] =	vst v63  }
0x1b: {  	_ =	swait.ge [sflag:s14], $0x3E80  }
0x1c: {  	[sflag:s14] =	ssyncset.done $0x0  }
0x1d: {  	s23 =	simm.s32 $0x8F00;
	[sflag:s14] =	ssyncadd.s32 $0xFFFFC180  }
0x1e: {  	[tilespmem:s23], [sflag:$0x1] =	stream.linear.gather [hbm4b:s8+s4], $0x3E80, $0x38;
	[tilespmem:$0x12378] =	vst v63  }
0x1f: {  	_ =	swait.ge [sflag:s14], $0x3E80  }
0x20: {  	[sflag:s14] =	ssyncset.done $0x0  }
0x21: {  	[sflag:s14] =	ssyncadd.s32 $0xFFFFC180  }
0x22: {  	[tilespmem:s17], [sflag:$0x1] =	stream.linear.gather [hbm4b:s9+s4], $0x2710, $0x38;
	[tilespmem:$0x12378] =	vst v63  }
0x23: {  	_ =	swait.ge [sflag:s14], $0x2710  }
0x24: {  	[sflag:s14] =	ssyncset.done $0x0  }
0x25: {  	[sflag:s14] =	ssyncadd.s32 $0xFFFFD8F0  }
0x26: {  	[tilespmem:s18], [sflag:$0x1] =	stream.linear.gather [hbm4b:s6+s4], $0x80, $0x38;
	[tilespmem:$0x12378] =	vst v63  }
0x27: {  	_ =	swait.ge [sflag:s14], $0x80  }
0x28: {  	[sflag:s14] =	ssyncset.done $0x0  }
0x29: {  	[sflag:s14] =	ssyncadd.s32 $0xFFFFFF80  }
0x2a: {  	[tilespmem:$0x11E80] =	vst v0  }
0x2b: {  	[tilespmem:$0x11E90] =	vst v0  }
0x2c: {  	[tilespmem:$0x11EA0] =	vst v0  }
0x2d: {  	[tilespmem:$0x11EB0] =	vst v0  }
0x2e: {  	[tilespmem:$0x11EC0] =	vst v0  }
0x2f: {  	[tilespmem:$0x11ED0] =	vst v0  }
0x30: {  	[tilespmem:$0x11EE0] =	vst v0  }
0x31: {  	[tilespmem:$0x11EF0] =	vst v0  }
0x32: {  	[tilespmem:$0x11F00] =	vst v0  }
0x33: {  	[tilespmem:$0x11F10] =	vst v0  }
0x34: {  	[tilespmem:$0x11F20] =	vst v0  }
0x35: {  	[tilespmem:$0x11F30] =	vst v0  }
0x36: {  	[tilespmem:$0x11F40] =	vst v0  }
0x37: {  	[tilespmem:$0x11F50] =	vst v0  }
0x38: {  	[tilespmem:$0x11F60] =	vst v0  }
0x39: {  	[tilespmem:$0x11F70] =	vst v0  }
0x3a: {  	[tilespmem:$0x11F80] =	vst v0  }
0x3b: {  	[tilespmem:$0x11F90] =	vst v0  }
0x3c: {  	[tilespmem:$0x11FA0] =	vst v0  }
0x3d: {  	[tilespmem:$0x11FB0] =	vst v0  }
0x3e: {  	[tilespmem:$0x11FC0] =	vst v0  }
0x3f: {  	[tilespmem:$0x11FD0] =	vst v0  }
0x40: {  	[tilespmem:$0x11FE0] =	vst v0  }
0x41: {  	[tilespmem:$0x11FF0] =	vst v0  }
0x42: {  	[tilespmem:$0x12000] =	vst v0  }
0x43: {  	[tilespmem:$0x12010] =	vst v0  }
0x44: {  	[tilespmem:$0x12020] =	vst v0  }
0x45: {  	[tilespmem:$0x12030] =	vst v0  }
0x46: {  	[tilespmem:$0x12040] =	vst v0  }
0x47: {  	[tilespmem:$0x12050] =	vst v0  }
0x48: {  	[tilespmem:$0x12060] =	vst v0  }
0x49: {  	[tilespmem:$0x12070] =	vst v0  }
0x4a: {  	[tilespmem:$0x12080] =	vst v0  }
0x4b: {  	[tilespmem:$0x12090] =	vst v0  }
0x4c: {  	[tilespmem:$0x120A0] =	vst v0  }
0x4d: {  	[tilespmem:$0x120B0] =	vst v0  }
0x4e: {  	[tilespmem:$0x120C0] =	vst v0  }
0x4f: {  	[tilespmem:$0x120D0] =	vst v0  }
0x50: {  	[tilespmem:$0x120E0] =	vst v0  }
0x51: {  	[tilespmem:$0x120F0] =	vst v0  }
0x52: {  	[spmem:s10] =	stream.linear.scatter [tilespmem:s19], [sflag:$0x1], $0x280, $0x38;
	[tilespmem:$0x12378] =	vst v63  }
0x53: {  	_ =	swait.ge [sflag:s14], $0x280  }
0x54: {  	[sflag:s14] =	ssyncset.done $0x0  }
0x55: {  	[sflag:s14] =	ssyncadd.s32 $0xFFFFFD80  }
0x56: {  	[bflag:$0x0] =	sbarrier.arrive $0xFFFF  }
0x57: {  	s24 =	simm.s32 $0x4F20;
	s25 =	simm.s32 $0x0;
	v1 =	vld [tilespmem:$0x11E00]  }
.LBB2_2:
0x58: {  	v2 =	vld [tilespmem:s24+$0xFFFFFFE0]  }
0x59: {  	v3 =	vld [tilespmem:s23+$0x0];
	_ =	sdelay $0x4  }
0x5a: {  	s26 =	sshra.s32 s25, $0x2  }
0x5b: {  	v4 =	vld [tilespmem:s26+$0xCF00]  }
0x5c: {  	v2 =	vld.idx.msk [tilespmem:v2+s4+$0x0], $0xffff  }
0x5d: {  	v3 =	vld.idx.msk [tilespmem:v3+s15+$0x0], $0xffff;
	_ =	sdelay $0x4  }
0x5e: {  	v2 =	vadd.f32 v3, v2;
	v3 =	vmul.f32 v4, v1;
	_ =	sdelay $0x1  }
0x5f: {  	v2 =	vadd.f32 v3, v2;
	_ =	sdelay $0x1  }
0x60: {  	v3 =	vmul.f32 $2.000000030e-01, v2;
	_ =	sdelay $0x1  }
0x61: {  	v2 =	vmax.f32 v2, v3  }
0x62: {  	v2 =	vmul.f32 $1.442695020e+00, v2;
	_ =	sdelay $0x1  }
0x63: {  	(erf) = vpow2.f32 v2;
	_ =	sdelay $0x8  }
0x64: {  	v2 =	vpop (erf)  }
0x65: {  	[tilespmem:s26+$0xF680] =	vst v2  }
0x66: {  	v2 =	vld [tilespmem:s24+$0xFFFFFFF0]  }
0x67: {  	v3 =	vld [tilespmem:s23+$0x10];
	_ =	sdelay $0x5  }
0x68: {  	v60 =	vld [tilespmem:s26+$0xCF10]  }
0x69: {  	v2 =	vld.idx.msk [tilespmem:v2+s4+$0x0], $0xffff  }
0x6a: {  	v3 =	vld.idx.msk [tilespmem:v3+s15+$0x0], $0xffff;
	_ =	sdelay $0x4  }
0x6b: {  	v2 =	vadd.f32 v3, v2;
	v3 =	vmul.f32 v60, v1;
	_ =	sdelay $0x1  }
0x6c: {  	v2 =	vadd.f32 v3, v2;
	_ =	sdelay $0x1  }
0x6d: {  	v3 =	vmul.f32 $2.000000030e-01, v2;
	_ =	sdelay $0x1  }
0x6e: {  	v2 =	vmax.f32 v2, v3  }
0x6f: {  	v2 =	vmul.f32 $1.442695020e+00, v2;
	_ =	sdelay $0x1  }
0x70: {  	(erf) = vpow2.f32 v2;
	_ =	sdelay $0x8  }
0x71: {  	v2 =	vpop (erf)  }
0x72: {  	[tilespmem:s26+$0xF690] =	vst v2  }
0x73: {  	v2 =	vld [tilespmem:s24+$0x0]  }
0x74: {  	v3 =	vld [tilespmem:s23+$0x20];
	_ =	sdelay $0x5  }
0x75: {  	v61 =	vld [tilespmem:s26+$0xCF20]  }
0x76: {  	v2 =	vld.idx.msk [tilespmem:v2+s4+$0x0], $0xffff  }
0x77: {  	v3 =	vld.idx.msk [tilespmem:v3+s15+$0x0], $0xffff;
	_ =	sdelay $0x4  }
0x78: {  	v2 =	vadd.f32 v3, v2;
	v3 =	vmul.f32 v61, v1;
	_ =	sdelay $0x1  }
0x79: {  	v2 =	vadd.f32 v3, v2;
	_ =	sdelay $0x1  }
0x7a: {  	v3 =	vmul.f32 $2.000000030e-01, v2;
	_ =	sdelay $0x1  }
0x7b: {  	v2 =	vmax.f32 v2, v3  }
0x7c: {  	v2 =	vmul.f32 $1.442695020e+00, v2;
	_ =	sdelay $0x1  }
0x7d: {  	(erf) = vpow2.f32 v2;
	_ =	sdelay $0x8  }
0x7e: {  	v2 =	vpop (erf)  }
0x7f: {  	[tilespmem:s26+$0xF6A0] =	vst v2  }
0x80: {  	v2 =	vld [tilespmem:s24+$0x10]  }
0x81: {  	v3 =	vld [tilespmem:s23+$0x30];
	_ =	sdelay $0x5  }
0x82: {  	v62 =	vld [tilespmem:s26+$0xCF30]  }
0x83: {  	v2 =	vld.idx.msk [tilespmem:v2+s4+$0x0], $0xffff  }
0x84: {  	v3 =	vld.idx.msk [tilespmem:v3+s15+$0x0], $0xffff;
	_ =	sdelay $0x4  }
0x85: {  	v2 =	vadd.f32 v3, v2;
	v3 =	vmul.f32 v62, v1;
	_ =	sdelay $0x1  }
0x86: {  	v2 =	vadd.f32 v3, v2;
	_ =	sdelay $0x1  }
0x87: {  	v3 =	vmul.f32 $2.000000030e-01, v2;
	_ =	sdelay $0x1  }
0x88: {  	v2 =	vmax.f32 v2, v3  }
0x89: {  	v2 =	vmul.f32 $1.442695020e+00, v2;
	_ =	sdelay $0x1  }
0x8a: {  	(erf) = vpow2.f32 v2;
	_ =	sdelay $0x8  }
0x8b: {  	v2 =	vpop (erf)  }
0x8c: {  	[tilespmem:s26+$0xF6B0] =	vst v2  }
0x8d: {  	v2 =	vld [tilespmem:s24+$0x20]  }
0x8e: {  	v3 =	vld [tilespmem:s23+$0x40];
	_ =	sdelay $0x5  }
0x8f: {  	v63 =	vld [tilespmem:s26+$0xCF40]  }
0x90: {  	v2 =	vld.idx.msk [tilespmem:v2+s4+$0x0], $0xffff  }
0x91: {  	v3 =	vld.idx.msk [tilespmem:v3+s15+$0x0], $0xffff;
	_ =	sdelay $0x4  }
0x92: {  	v2 =	vadd.f32 v3, v2;
	v3 =	vmul.f32 v63, v1;
	_ =	sdelay $0x1  }
0x93: {  	v2 =	vadd.f32 v3, v2;
	_ =	sdelay $0x1  }
0x94: {  	v3 =	vmul.f32 $2.000000030e-01, v2;
	_ =	sdelay $0x1  }
0x95: {  	v2 =	vmax.f32 v2, v3  }
0x96: {  	v2 =	vmul.f32 $1.442695020e+00, v2;
	_ =	sdelay $0x1  }
0x97: {  	(erf) = vpow2.f32 v2;
	_ =	sdelay $0x8  }
0x98: {  	p0 =	sne.s32 s25, $0x9B00;
	v2 =	vpop (erf)  }
.Ltmp0:
0x99: {  	s28 =	sadd.s32 $0xF680, s26;
	[tilespmem:s26+$0xF6C0] =	vst v2;
	(pc) =	sbr.rel @p0 .LBB2_2-.Ltmp0, $4  }
0x9a: {  	[spmem:s2] =	stream.indirect.scatter.add.f32 [tilespmem:s28], [sflag:$0x1], $0x1, s23, s20, $0xb8;
	[tilespmem:$0x12378] =	vst v63  }
0x9b: {  	_ =	swait.ge [sflag:s14], $0x50  }
0x9c: {  	s25 =	sadd.s32 $0x140, s25;
	[sflag:s14] =	ssyncset.done $0x0  }
0x9d: {  	s24 =	sadd.s32 $0x80, s24;
	s23 =	sadd.s32 $0x80, s23;
	[sflag:s14] =	ssyncadd.s32 $0xFFFFFFB0  }
0x9e: {  	[bflag:$0x0] =	sbarrier.arrive $0xFFFF  }
0x9f: {  	[hbm4b:s11+s4] =	stream.linear.scatter [tilespmem:s21], [sflag:$0x1], $0x2710, $0x38;
	[tilespmem:$0x12378] =	vst v63  }
0xa0: {  	_ =	swait.ge [sflag:s14], $0x2710  }
0xa1: {  	[sflag:s14] =	ssyncset.done $0x0  }
0xa2: {  	[sflag:s14] =	ssyncadd.s32 $0xFFFFD8F0  }
0xa3: {  	[tilespmem:s19], [sflag:$0x1] =	stream.linear.gather [spmem:s10], $0x280, $0x38;
	[tilespmem:$0x12378] =	vst v63  }
0xa4: {  	s22 =	sadd.s32 $0x1, s22;
	_ =	swait.ge [sflag:s14], $0x280  }
0xa5: {  	p0 =	sne.s32 s22, s13;
	[sflag:s14] =	ssyncset.done $0x0  }
.Ltmp1:
0xa6: {  	[sflag:s14] =	ssyncadd.s32 $0xFFFFFD80;
	(pc) =	sbr.rel @p0 .LBB2_1-.Ltmp1, $4  }
0xa7: {  	[hbm4b:s12+s4] =	stream.linear.scatter [tilespmem:s19], [sflag:$0x1], $0x280, $0x38;
	[tilespmem:$0x12378] =	vst v63  }
0xa8: {  	_ =	swait.ge [sflag:s14], $0x280  }
0xa9: {  	[sflag:s14] =	ssyncset.done $0x0  }
0xaa: {  	[sflag:s14] =	ssyncadd.s32 $0xFFFFFD80  }
0xab: {  	_ =	sfence.sel $0x180000  }
0xac: {  	[bflag:$0x0] =	sbarrier.arrive $0xFFFF  }
0xad: {  	p0 =	sne.s32 s3, $0x0;
	_ =	strace $0x90000047  }
0xae: {  	s0 =	sadd.s32 @!p0 $0x100000, s0;
	[bflag:$0x2] =	sbarrier.arrive $0xFFFF  }
0xaf: {  	[sflag:s0] =	ssyncadd.tile.s32 @!p0 $0x1;
	_ =	shalt  }
.Lfunc_end2:
_tile_overlayer_lowered:
.L_overlay_start_2:
0xb0: {  	(tag) =	ssettag $0x2  }
0xb1: {  	s0 =	rddreg [dreg:$0x0];
	s2 =	stileid.u32  }
0xb2: {  	s1 =	rddreg [dreg:$0x1];
	p0 =	sne.s32 s2, $0x0  }
0xb3: {  	s3 =	rddreg [dreg:$0x2];
	[bflag:$0x3] =	sbarrier.arrive $0xFFFF;
	s2 =	simm.s32 @!p0 $0x1C01  }
0xb4: {  	[timem:s3], [sflag:s2] =	dma.local @!p0 [hbm:s0], s1  }
0xb5: {  	s0 =	simm.s32 @!p0 $0x1  }
0xb6: {  	_ =	swait.ge @!p0 [sflag:s0], s1  }
0xb7: {  	s1 =	ssub.s32 @!p0 $0x0, s1;
	[sflag:s0] =	ssyncset.done @!p0 $0x0  }
0xb8: {  	[sflag:s0] =	ssyncadd.s32 @!p0 s1  }
0xb9: {  	[bflag:$0x3] =	sbarrier.arrive $0xFFFF  }
0xba: {  	_ =	shalt  }

</sc_bundles>
